<compile_context>
chip_gen: v7x
topology: tpu7x:2x2x1
jax: 0.10.2.dev20260603
libtpu: 0.0.44.dev20260713+nightly
codegen_flags: <defaults>
</compile_context>

<pallas_src>
import functools

import jax
import jax.numpy as jnp
from jax import lax
from jax.experimental import pallas as pl
from jax.experimental.pallas import tpu as pltpu
from jax.experimental.pallas import tpu_sc as plsc

IN_DIM = 128
N_EDGES = 320000
NWORD = IN_DIM // 2

_info = plsc.get_sparse_core_info()
NC, NS, L = _info.num_cores, _info.num_subcores, _info.num_lanes
NW = NC * NS
EPW = N_EDGES // NW
CH = 80
NCHUNK = EPW // CH
RING = 3


def _sc_body(z_hbm, src_hbm, dst_hbm, rel_hbm, w_hbm, out_hbm,
             idx_s, idx_d, idx_r, s0, d0, s1, d1, s2, d2, w_vm,
             o0, o1, o2, sem0, sem1, sem2, osem0, osem1, osem2):
    wid = lax.axis_index("s") * NC + lax.axis_index("c")
    base = wid * EPW
    pltpu.sync_copy(src_hbm.at[wid], idx_s)
    pltpu.sync_copy(dst_hbm.at[wid], idx_d)
    pltpu.sync_copy(rel_hbm.at[wid], idx_r)
    pltpu.sync_copy(w_hbm, w_vm)

    bufs = ((s0, d0, o0, sem0, osem0),
            (s1, d1, o1, sem1, osem1),
            (s2, d2, o2, sem2, osem2))
    lane = lax.iota(jnp.int32, L)

    def fire(c, buf):
        s, d, _, sem, _ = buf
        pltpu.async_copy(z_hbm.at[idx_s.at[c]], s, sem)
        pltpu.async_copy(z_hbm.at[idx_d.at[c]], d, sem)

    def drain(c, buf):
        s, d, _, sem, _ = buf
        pltpu.make_async_copy(z_hbm.at[idx_s.at[c]], s, sem).wait()
        pltpu.make_async_copy(z_hbm.at[idx_d.at[c]], d, sem).wait()

    def out_wait(c, buf):
        _, _, o, _, osem = buf
        pltpu.make_async_copy(o, out_hbm.at[pl.ds(base + c * CH, CH)],
                              osem).wait()

    def compute(c, buf):
        s_rows, d_rows, o, _, osem = buf

        @pl.when(c >= RING)
        def _():
            out_wait(c - RING, buf)

        def group_body(g, carry2):
            e0 = g * L
            rows = e0 + lane
            rvec = idx_r[c, pl.ds(e0, L)]

            def word_body(jb, accs):
                a0, a1 = accs
                for u in range(16):
                    col = (lane + jb * 16 + u) & (NWORD - 1)
                    sw = plsc.bitcast(plsc.load_gather(s_rows, [rows, col]),
                                      jnp.bfloat16)
                    dw = plsc.bitcast(plsc.load_gather(d_rows, [rows, col]),
                                      jnp.bfloat16)
                    rw = plsc.bitcast(plsc.load_gather(w_vm, [rvec, col]),
                                      jnp.bfloat16)
                    p = sw * dw * rw
                    lo, hi = plsc.unpack(p, format=plsc.PackFormat.INTERLEAVED)
                    if u % 2 == 0:
                        a0 = a0 + lo + hi
                    else:
                        a1 = a1 + lo + hi
                return a0, a1

            z16 = jnp.zeros((L,), jnp.float32)
            va, vb = lax.fori_loop(0, NWORD // 16, word_body, (z16, z16))
            vec = va + vb
            o[pl.ds(e0, L)] = 1.0 / (1.0 + jnp.exp(-vec))
            return carry2

        lax.fori_loop(0, CH // L, group_body, 0)
        pltpu.async_copy(o, out_hbm.at[pl.ds(base + c * CH, CH)], osem)

    for i in range(RING - 1):
        fire(i, bufs[i])

    def trip_body(g, carry):
        for b in range(RING):
            c = RING * g + b
            drain(c, bufs[b])
            fire(jnp.minimum(c + RING - 1, NCHUNK - 1),
                 bufs[(b + RING - 1) % RING])
            compute(c, bufs[b])
        return carry

    lax.fori_loop(0, NCHUNK // RING, trip_body, 0)
    for b in range(NCHUNK % RING):
        c = NCHUNK - (NCHUNK % RING) + b
        drain(c, bufs[c % RING])
        fire(NCHUNK - 1, bufs[(c + RING - 1) % RING])
        compute(c, bufs[c % RING])
    for k in range(RING - 1):
        drain(NCHUNK - 1, bufs[(NCHUNK + k) % RING])
    for k in range(RING):
        c = NCHUNK - RING + k
        out_wait(c, bufs[c % RING])


@jax.jit
def _run(z, src, dst, rel, weight):
    mesh = plsc.VectorSubcoreMesh(core_axis_name="c", subcore_axis_name="s")
    f = functools.partial(
        pl.kernel,
        mesh=mesh,
        out_type=jax.ShapeDtypeStruct((N_EDGES,), jnp.float32),
        compiler_params=pltpu.CompilerParams(needs_layout_passes=False,
                                             use_tc_tiling_on_sc=False),
        scratch_types=[
            pltpu.VMEM((NCHUNK, CH), jnp.int32),
            pltpu.VMEM((NCHUNK, CH), jnp.int32),
            pltpu.VMEM((NCHUNK, CH), jnp.int32),
            pltpu.VMEM((CH, NWORD), jnp.int32),
            pltpu.VMEM((CH, NWORD), jnp.int32),
            pltpu.VMEM((CH, NWORD), jnp.int32),
            pltpu.VMEM((CH, NWORD), jnp.int32),
            pltpu.VMEM((CH, NWORD), jnp.int32),
            pltpu.VMEM((CH, NWORD), jnp.int32),
            pltpu.VMEM((964, NWORD), jnp.int32),
            pltpu.VMEM((CH,), jnp.float32),
            pltpu.VMEM((CH,), jnp.float32),
            pltpu.VMEM((CH,), jnp.float32),
            pltpu.SemaphoreType.DMA,
            pltpu.SemaphoreType.DMA,
            pltpu.SemaphoreType.DMA,
            pltpu.SemaphoreType.DMA,
            pltpu.SemaphoreType.DMA,
            pltpu.SemaphoreType.DMA,
        ],
    )(_sc_body)
    return f(z, src, dst, rel, weight)


def _pack_rows(t):
    return lax.bitcast_convert_type(
        t.astype(jnp.bfloat16).reshape(-1, NWORD, 2), jnp.int32)


def kernel(z, edge_index, edge_type, weight):
    src = jnp.asarray(edge_index[0], jnp.int32).reshape(NW, NCHUNK, CH)
    dst = jnp.asarray(edge_index[1], jnp.int32).reshape(NW, NCHUNK, CH)
    rel = jnp.asarray(edge_type, jnp.int32).reshape(NW, NCHUNK, CH)
    return _run(_pack_rows(z), src, dst, rel, _pack_rows(weight))

# --- scband reference (transcript-rebuilt; emitter-appended) ---
"""Pipeline reference for scband-multi-inner-product-decoder-14044543058209 (READ-ONLY COPY).

The authoritative reference and input builder live on the scoring server;
editing this copy changes nothing except your own understanding.
"""

import jax, jax.numpy as jnp
import numpy as np

IN_DIM = 128
NUM_ET = 964
N_NODES = 10000
N_EDGES = 320000


def setup_inputs(seed: int = 0) -> dict:
    key = jax.random.key(seed)
    k1, k2, k3, k4 = jax.random.split(key, 4)
    z = jax.random.normal(k1, (N_NODES, IN_DIM), dtype=jnp.float32)
    edge_index = jax.random.randint(k2, (2, N_EDGES), 0, N_NODES, dtype=jnp.int64)
    edge_type = jax.random.randint(k3, (N_EDGES,), 0, NUM_ET, dtype=jnp.int64)
    # learned parameter: DistMult relation (side-effect) embedding table,
    # initialized normal(std=1/sqrt(in_dim)) as in _reset_parameters
    weight = jax.random.normal(k4, (NUM_ET, IN_DIM), dtype=jnp.float32) * (1.0 / np.sqrt(IN_DIM))
    return {"z": z, "edge_index": edge_index, "edge_type": edge_type, "weight": weight}


def reference(z, edge_index, edge_type, weight):
    # DistMult score: sum_d z[src,d] * z[dst,d] * w[rel,d], then sigmoid
    src = jnp.take(z, edge_index[0], axis=0)
    dst = jnp.take(z, edge_index[1], axis=0)
    rel = jnp.take(weight, edge_type, axis=0)
    value = (src * dst * rel).sum(axis=1)
    return jax.nn.sigmoid(value)

if __name__ == "__main__":
    import jax
    _d = setup_inputs()
    print(jax.jit(kernel)(*tuple(_d.values())))

</pallas_src>

<mosaic_0001>
#map = affine_map<(d0, d1) -> (0, 0)>
#map1 = affine_map<(d0, d1) -> (0, 0, 0)>
#map2 = affine_map<(d0, d1) -> (0)>
module attributes {stable_mosaic.version = 14 : i64} {
  func.func @_sc_body(%arg0: i32, %arg1: i32, %arg2: memref<10000x64xi32, #tpu.memory_space<hbm>>, %arg3: memref<32x125x80xi32, #tpu.memory_space<hbm>>, %arg4: memref<32x125x80xi32, #tpu.memory_space<hbm>>, %arg5: memref<32x125x80xi32, #tpu.memory_space<hbm>>, %arg6: memref<964x64xi32, #tpu.memory_space<hbm>>, %arg7: memref<320000xf32, #tpu.memory_space<hbm>>, %arg8: memref<125x80xi32, #tpu.memory_space<vmem>>, %arg9: memref<125x80xi32, #tpu.memory_space<vmem>>, %arg10: memref<125x80xi32, #tpu.memory_space<vmem>>, %arg11: memref<80x64xi32, #tpu.memory_space<vmem>>, %arg12: memref<80x64xi32, #tpu.memory_space<vmem>>, %arg13: memref<80x64xi32, #tpu.memory_space<vmem>>, %arg14: memref<80x64xi32, #tpu.memory_space<vmem>>, %arg15: memref<80x64xi32, #tpu.memory_space<vmem>>, %arg16: memref<80x64xi32, #tpu.memory_space<vmem>>, %arg17: memref<964x64xi32, #tpu.memory_space<vmem>>, %arg18: memref<80xf32, #tpu.memory_space<vmem>>, %arg19: memref<80xf32, #tpu.memory_space<vmem>>, %arg20: memref<80xf32, #tpu.memory_space<vmem>>, %arg21: memref<!tpu.dma_semaphore, #tpu.memory_space<semaphore_mem>>, %arg22: memref<!tpu.dma_semaphore, #tpu.memory_space<semaphore_mem>>, %arg23: memref<!tpu.dma_semaphore, #tpu.memory_space<semaphore_mem>>, %arg24: memref<!tpu.dma_semaphore, #tpu.memory_space<semaphore_mem>>, %arg25: memref<!tpu.dma_semaphore, #tpu.memory_space<semaphore_mem>>, %arg26: memref<!tpu.dma_semaphore, #tpu.memory_space<semaphore_mem>>) attributes {dimension_semantics = [#tpu.dimension_semantics<core_parallel>, #tpu.dimension_semantics<subcore_parallel>], iteration_bounds = array<i64: 2, 16>, scalar_prefetch = 0 : i64, scratch_operands = 19 : i64, tpu.core_type = #tpu.core_type<sc_vector_subcore>, window_params = [{transform_indices = #map}, {transform_indices = #map1}, {transform_indices = #map1}, {transform_indices = #map1}, {transform_indices = #map}, {transform_indices = #map2}]} {
    %mul3A = arith.constant 2 : i32
    %mul3A_0 = arith.muli %arg1, %mul3A : i32
    %add3A = arith.addi %mul3A_0, %arg0 : i32
    %mul3A_1 = arith.constant 10000 : i32
    %mul3A_2 = arith.muli %add3A, %mul3A_1 : i32
    "tpu.region"() ({
      %run_scoped3A = tpu.sem_alloc : memref<!tpu.dma_semaphore, #tpu.memory_space<semaphore_mem>>
      %dma_start3A_158 = arith.constant 0 : i32
      %dma_start3A_159 = arith.constant 0 : i32
      %dma_start3A_160 = tpu.memref_slice %arg3[%add3A, %dma_start3A_158, %dma_start3A_159] : memref<32x125x80xi32, #tpu.memory_space<hbm>> -> memref<1x125x80xi32, #tpu.memory_space<hbm>>
      %dma_start3A_161 = tpu.memref_squeeze %dma_start3A_160 : memref<1x125x80xi32, #tpu.memory_space<hbm>> -> memref<125x80xi32, #tpu.memory_space<hbm>>
      %dma_start3A_162 = arith.constant 0 : i32
      %dma_start3A_163 = arith.constant 0 : i32
      %dma_start3A_164 = tpu.memref_slice %arg3[%add3A, %dma_start3A_162, %dma_start3A_163] : memref<32x125x80xi32, #tpu.memory_space<hbm>> -> memref<1x125x80xi32, #tpu.memory_space<hbm>>
      %dma_start3A_165 = tpu.memref_squeeze %dma_start3A_164 : memref<1x125x80xi32, #tpu.memory_space<hbm>> -> memref<125x80xi32, #tpu.memory_space<hbm>>
      tpu.enqueue_dma source(%dma_start3A_165 : memref<125x80xi32, #tpu.memory_space<hbm>>) target(%arg8 : memref<125x80xi32, #tpu.memory_space<vmem>>) target_semaphore(%run_scoped3A : memref<!tpu.dma_semaphore, #tpu.memory_space<semaphore_mem>>)
      %dma_wait3A_166 = arith.constant 0 : i32
      %dma_wait3A_167 = arith.constant 0 : i32
      %dma_wait3A_168 = tpu.memref_slice %arg3[%add3A, %dma_wait3A_166, %dma_wait3A_167] : memref<32x125x80xi32, #tpu.memory_space<hbm>> -> memref<1x125x80xi32, #tpu.memory_space<hbm>>
      %dma_wait3A_169 = tpu.memref_squeeze %dma_wait3A_168 : memref<1x125x80xi32, #tpu.memory_space<hbm>> -> memref<125x80xi32, #tpu.memory_space<hbm>>
      %dma_wait3A_170 = arith.constant 0 : i32
      %dma_wait3A_171 = arith.constant 0 : i32
      %dma_wait3A_172 = tpu.memref_slice %arg3[%add3A, %dma_wait3A_170, %dma_wait3A_171] : memref<32x125x80xi32, #tpu.memory_space<hbm>> -> memref<1x125x80xi32, #tpu.memory_space<hbm>>
      %dma_wait3A_173 = tpu.memref_squeeze %dma_wait3A_172 : memref<1x125x80xi32, #tpu.memory_space<hbm>> -> memref<125x80xi32, #tpu.memory_space<hbm>>
      tpu.wait_dma2 semaphore(%run_scoped3A : memref<!tpu.dma_semaphore, #tpu.memory_space<semaphore_mem>>) src(%dma_wait3A_173 : memref<125x80xi32, #tpu.memory_space<hbm>>) dst(%arg8 : memref<125x80xi32, #tpu.memory_space<vmem>>)
      tpu.yield
    }) : () -> ()
    "tpu.region"() ({
      %run_scoped3A = tpu.sem_alloc : memref<!tpu.dma_semaphore, #tpu.memory_space<semaphore_mem>>
      %dma_start3A_158 = arith.constant 0 : i32
      %dma_start3A_159 = arith.constant 0 : i32
      %dma_start3A_160 = tpu.memref_slice %arg4[%add3A, %dma_start3A_158, %dma_start3A_159] : memref<32x125x80xi32, #tpu.memory_space<hbm>> -> memref<1x125x80xi32, #tpu.memory_space<hbm>>
      %dma_start3A_161 = tpu.memref_squeeze %dma_start3A_160 : memref<1x125x80xi32, #tpu.memory_space<hbm>> -> memref<125x80xi32, #tpu.memory_space<hbm>>
      %dma_start3A_162 = arith.constant 0 : i32
      %dma_start3A_163 = arith.constant 0 : i32
      %dma_start3A_164 = tpu.memref_slice %arg4[%add3A, %dma_start3A_162, %dma_start3A_163] : memref<32x125x80xi32, #tpu.memory_space<hbm>> -> memref<1x125x80xi32, #tpu.memory_space<hbm>>
      %dma_start3A_165 = tpu.memref_squeeze %dma_start3A_164 : memref<1x125x80xi32, #tpu.memory_space<hbm>> -> memref<125x80xi32, #tpu.memory_space<hbm>>
      tpu.enqueue_dma source(%dma_start3A_165 : memref<125x80xi32, #tpu.memory_space<hbm>>) target(%arg9 : memref<125x80xi32, #tpu.memory_space<vmem>>) target_semaphore(%run_scoped3A : memref<!tpu.dma_semaphore, #tpu.memory_space<semaphore_mem>>)
      %dma_wait3A_166 = arith.constant 0 : i32
      %dma_wait3A_167 = arith.constant 0 : i32
      %dma_wait3A_168 = tpu.memref_slice %arg4[%add3A, %dma_wait3A_166, %dma_wait3A_167] : memref<32x125x80xi32, #tpu.memory_space<hbm>> -> memref<1x125x80xi32, #tpu.memory_space<hbm>>
      %dma_wait3A_169 = tpu.memref_squeeze %dma_wait3A_168 : memref<1x125x80xi32, #tpu.memory_space<hbm>> -> memref<125x80xi32, #tpu.memory_space<hbm>>
      %dma_wait3A_170 = arith.constant 0 : i32
      %dma_wait3A_171 = arith.constant 0 : i32
      %dma_wait3A_172 = tpu.memref_slice %arg4[%add3A, %dma_wait3A_170, %dma_wait3A_171] : memref<32x125x80xi32, #tpu.memory_space<hbm>> -> memref<1x125x80xi32, #tpu.memory_space<hbm>>
      %dma_wait3A_173 = tpu.memref_squeeze %dma_wait3A_172 : memref<1x125x80xi32, #tpu.memory_space<hbm>> -> memref<125x80xi32, #tpu.memory_space<hbm>>
      tpu.wait_dma2 semaphore(%run_scoped3A : memref<!tpu.dma_semaphore, #tpu.memory_space<semaphore_mem>>) src(%dma_wait3A_173 : memref<125x80xi32, #tpu.memory_space<hbm>>) dst(%arg9 : memref<125x80xi32, #tpu.memory_space<vmem>>)
      tpu.yield
    }) : () -> ()
    "tpu.region"() ({
      %run_scoped3A = tpu.sem_alloc : memref<!tpu.dma_semaphore, #tpu.memory_space<semaphore_mem>>
      %dma_start3A_158 = arith.constant 0 : i32
      %dma_start3A_159 = arith.constant 0 : i32
      %dma_start3A_160 = tpu.memref_slice %arg5[%add3A, %dma_start3A_158, %dma_start3A_159] : memref<32x125x80xi32, #tpu.memory_space<hbm>> -> memref<1x125x80xi32, #tpu.memory_space<hbm>>
      %dma_start3A_161 = tpu.memref_squeeze %dma_start3A_160 : memref<1x125x80xi32, #tpu.memory_space<hbm>> -> memref<125x80xi32, #tpu.memory_space<hbm>>
      %dma_start3A_162 = arith.constant 0 : i32
      %dma_start3A_163 = arith.constant 0 : i32
      %dma_start3A_164 = tpu.memref_slice %arg5[%add3A, %dma_start3A_162, %dma_start3A_163] : memref<32x125x80xi32, #tpu.memory_space<hbm>> -> memref<1x125x80xi32, #tpu.memory_space<hbm>>
      %dma_start3A_165 = tpu.memref_squeeze %dma_start3A_164 : memref<1x125x80xi32, #tpu.memory_space<hbm>> -> memref<125x80xi32, #tpu.memory_space<hbm>>
      tpu.enqueue_dma source(%dma_start3A_165 : memref<125x80xi32, #tpu.memory_space<hbm>>) target(%arg10 : memref<125x80xi32, #tpu.memory_space<vmem>>) target_semaphore(%run_scoped3A : memref<!tpu.dma_semaphore, #tpu.memory_space<semaphore_mem>>)
      %dma_wait3A_166 = arith.constant 0 : i32
      %dma_wait3A_167 = arith.constant 0 : i32
      %dma_wait3A_168 = tpu.memref_slice %arg5[%add3A, %dma_wait3A_166, %dma_wait3A_167] : memref<32x125x80xi32, #tpu.memory_space<hbm>> -> memref<1x125x80xi32, #tpu.memory_space<hbm>>
      %dma_wait3A_169 = tpu.memref_squeeze %dma_wait3A_168 : memref<1x125x80xi32, #tpu.memory_space<hbm>> -> memref<125x80xi32, #tpu.memory_space<hbm>>
      %dma_wait3A_170 = arith.constant 0 : i32
      %dma_wait3A_171 = arith.constant 0 : i32
      %dma_wait3A_172 = tpu.memref_slice %arg5[%add3A, %dma_wait3A_170, %dma_wait3A_171] : memref<32x125x80xi32, #tpu.memory_space<hbm>> -> memref<1x125x80xi32, #tpu.memory_space<hbm>>
      %dma_wait3A_173 = tpu.memref_squeeze %dma_wait3A_172 : memref<1x125x80xi32, #tpu.memory_space<hbm>> -> memref<125x80xi32, #tpu.memory_space<hbm>>
      tpu.wait_dma2 semaphore(%run_scoped3A : memref<!tpu.dma_semaphore, #tpu.memory_space<semaphore_mem>>) src(%dma_wait3A_173 : memref<125x80xi32, #tpu.memory_space<hbm>>) dst(%arg10 : memref<125x80xi32, #tpu.memory_space<vmem>>)
      tpu.yield
    }) : () -> ()
    "tpu.region"() ({
      %run_scoped3A = tpu.sem_alloc : memref<!tpu.dma_semaphore, #tpu.memory_space<semaphore_mem>>
      tpu.enqueue_dma source(%arg6 : memref<964x64xi32, #tpu.memory_space<hbm>>) target(%arg17 : memref<964x64xi32, #tpu.memory_space<vmem>>) target_semaphore(%run_scoped3A : memref<!tpu.dma_semaphore, #tpu.memory_space<semaphore_mem>>)
      tpu.wait_dma2 semaphore(%run_scoped3A : memref<!tpu.dma_semaphore, #tpu.memory_space<semaphore_mem>>) src(%arg6 : memref<964x64xi32, #tpu.memory_space<hbm>>) dst(%arg17 : memref<964x64xi32, #tpu.memory_space<vmem>>)
      tpu.yield
    }) : () -> ()
    %iota3A = tpu.iota {dimensions = array<i32: 0>} : vector<16xi32>
    %dma_start3A = arith.constant 0 : i32
    %dma_start3A_3 = arith.constant 0 : i32
    %dma_start3A_4 = tpu.memref_slice %arg8[%dma_start3A, %dma_start3A_3] : memref<125x80xi32, #tpu.memory_space<vmem>> -> memref<1x80xi32, #tpu.memory_space<vmem>>
    %dma_start3A_5 = tpu.memref_squeeze %dma_start3A_4 : memref<1x80xi32, #tpu.memory_space<vmem>> -> memref<80xi32, #tpu.memory_space<vmem>>
    %dma_start3A_6 = arith.constant 0 : i32
    %dma_start3A_7 = arith.constant 0 : i32
    %dma_start3A_8 = tpu.memref_slice %arg2[%dma_start3A_6, %dma_start3A_7] : memref<10000x64xi32, #tpu.memory_space<hbm>> -> memref<10000x64xi32, #tpu.memory_space<hbm>>
    tpu.enqueue_indirect_dma source(%dma_start3A_8 : memref<10000x64xi32, #tpu.memory_space<hbm>>) target(%arg11 : memref<80x64xi32, #tpu.memory_space<vmem>>) offsets(%dma_start3A_5 : memref<80xi32, #tpu.memory_space<vmem>>) semaphore(%arg21 : memref<!tpu.dma_semaphore, #tpu.memory_space<semaphore_mem>>)
    %dma_start3A_9 = arith.constant 0 : i32
    %dma_start3A_10 = arith.constant 0 : i32
    %dma_start3A_11 = tpu.memref_slice %arg9[%dma_start3A_9, %dma_start3A_10] : memref<125x80xi32, #tpu.memory_space<vmem>> -> memref<1x80xi32, #tpu.memory_space<vmem>>
    %dma_start3A_12 = tpu.memref_squeeze %dma_start3A_11 : memref<1x80xi32, #tpu.memory_space<vmem>> -> memref<80xi32, #tpu.memory_space<vmem>>
    %dma_start3A_13 = arith.constant 0 : i32
    %dma_start3A_14 = arith.constant 0 : i32
    %dma_start3A_15 = tpu.memref_slice %arg2[%dma_start3A_13, %dma_start3A_14] : memref<10000x64xi32, #tpu.memory_space<hbm>> -> memref<10000x64xi32, #tpu.memory_space<hbm>>
    tpu.enqueue_indirect_dma source(%dma_start3A_15 : memref<10000x64xi32, #tpu.memory_space<hbm>>) target(%arg12 : memref<80x64xi32, #tpu.memory_space<vmem>>) offsets(%dma_start3A_12 : memref<80xi32, #tpu.memory_space<vmem>>) semaphore(%arg21 : memref<!tpu.dma_semaphore, #tpu.memory_space<semaphore_mem>>)
    %dma_start3A_16 = arith.constant 1 : i32
    %dma_start3A_17 = arith.constant 0 : i32
    %dma_start3A_18 = tpu.memref_slice %arg8[%dma_start3A_16, %dma_start3A_17] : memref<125x80xi32, #tpu.memory_space<vmem>> -> memref<1x80xi32, #tpu.memory_space<vmem>>
    %dma_start3A_19 = tpu.memref_squeeze %dma_start3A_18 : memref<1x80xi32, #tpu.memory_space<vmem>> -> memref<80xi32, #tpu.memory_space<vmem>>
    %dma_start3A_20 = arith.constant 0 : i32
    %dma_start3A_21 = arith.constant 0 : i32
    %dma_start3A_22 = tpu.memref_slice %arg2[%dma_start3A_20, %dma_start3A_21] : memref<10000x64xi32, #tpu.memory_space<hbm>> -> memref<10000x64xi32, #tpu.memory_space<hbm>>
    tpu.enqueue_indirect_dma source(%dma_start3A_22 : memref<10000x64xi32, #tpu.memory_space<hbm>>) target(%arg13 : memref<80x64xi32, #tpu.memory_space<vmem>>) offsets(%dma_start3A_19 : memref<80xi32, #tpu.memory_space<vmem>>) semaphore(%arg22 : memref<!tpu.dma_semaphore, #tpu.memory_space<semaphore_mem>>)
    %dma_start3A_23 = arith.constant 1 : i32
    %dma_start3A_24 = arith.constant 0 : i32
    %dma_start3A_25 = tpu.memref_slice %arg9[%dma_start3A_23, %dma_start3A_24] : memref<125x80xi32, #tpu.memory_space<vmem>> -> memref<1x80xi32, #tpu.memory_space<vmem>>
    %dma_start3A_26 = tpu.memref_squeeze %dma_start3A_25 : memref<1x80xi32, #tpu.memory_space<vmem>> -> memref<80xi32, #tpu.memory_space<vmem>>
    %dma_start3A_27 = arith.constant 0 : i32
    %dma_start3A_28 = arith.constant 0 : i32
    %dma_start3A_29 = tpu.memref_slice %arg2[%dma_start3A_27, %dma_start3A_28] : memref<10000x64xi32, #tpu.memory_space<hbm>> -> memref<10000x64xi32, #tpu.memory_space<hbm>>
    tpu.enqueue_indirect_dma source(%dma_start3A_29 : memref<10000x64xi32, #tpu.memory_space<hbm>>) target(%arg14 : memref<80x64xi32, #tpu.memory_space<vmem>>) offsets(%dma_start3A_26 : memref<80xi32, #tpu.memory_space<vmem>>) semaphore(%arg22 : memref<!tpu.dma_semaphore, #tpu.memory_space<semaphore_mem>>)
    %scan3A = arith.constant 0 : i32
    %scan3A_30 = arith.constant 0 : i32
    %scan3A_31 = arith.constant 41 : i32
    %scan3A_32 = arith.addi %scan3A_30, %scan3A_31 : i32
    %scan3A_33 = arith.constant 1 : i32
    scf.for %scan3A_158 = %scan3A_30 to %scan3A_32 step %scan3A_33  : i32 {
      %mul3A_159 = arith.constant 3 : i32
      %mul3A_160 = arith.muli %mul3A_159, %scan3A_158 : i32
      %add3A_161 = arith.constant 0 : i32
      %add3A_162 = arith.addi %mul3A_160, %add3A_161 : i32
      %dma_wait3A_163 = arith.constant 0 : i32
      %dma_wait3A_164 = tpu.memref_slice %arg8[%add3A_162, %dma_wait3A_163] : memref<125x80xi32, #tpu.memory_space<vmem>> -> memref<1x80xi32, #tpu.memory_space<vmem>>
      %dma_wait3A_165 = tpu.memref_squeeze %dma_wait3A_164 : memref<1x80xi32, #tpu.memory_space<vmem>> -> memref<80xi32, #tpu.memory_space<vmem>>
      %dma_wait3A_166 = arith.constant 0 : i32
      %dma_wait3A_167 = arith.constant 0 : i32
      %dma_wait3A_168 = tpu.memref_slice %arg2[%dma_wait3A_166, %dma_wait3A_167] : memref<10000x64xi32, #tpu.memory_space<hbm>> -> memref<10000x64xi32, #tpu.memory_space<hbm>>
      tpu.wait_indirect_dma semaphore(%arg21 : memref<!tpu.dma_semaphore, #tpu.memory_space<semaphore_mem>>) src(%dma_wait3A_168 : memref<10000x64xi32, #tpu.memory_space<hbm>>) dst(%arg11 : memref<80x64xi32, #tpu.memory_space<vmem>>)
      %dma_wait3A_169 = arith.constant 0 : i32
      %dma_wait3A_170 = tpu.memref_slice %arg9[%add3A_162, %dma_wait3A_169] : memref<125x80xi32, #tpu.memory_space<vmem>> -> memref<1x80xi32, #tpu.memory_space<vmem>>
      %dma_wait3A_171 = tpu.memref_squeeze %dma_wait3A_170 : memref<1x80xi32, #tpu.memory_space<vmem>> -> memref<80xi32, #tpu.memory_space<vmem>>
      %dma_wait3A_172 = arith.constant 0 : i32
      %dma_wait3A_173 = arith.constant 0 : i32
      %dma_wait3A_174 = tpu.memref_slice %arg2[%dma_wait3A_172, %dma_wait3A_173] : memref<10000x64xi32, #tpu.memory_space<hbm>> -> memref<10000x64xi32, #tpu.memory_space<hbm>>
      tpu.wait_indirect_dma semaphore(%arg21 : memref<!tpu.dma_semaphore, #tpu.memory_space<semaphore_mem>>) src(%dma_wait3A_174 : memref<10000x64xi32, #tpu.memory_space<hbm>>) dst(%arg12 : memref<80x64xi32, #tpu.memory_space<vmem>>)
      %add3A_175 = arith.constant 3 : i32
      %add3A_176 = arith.addi %add3A_162, %add3A_175 : i32
      %sub3A = arith.constant 1 : i32
      %sub3A_177 = arith.subi %add3A_176, %sub3A : i32
      %min3A = arith.constant 124 : i32
      %min3A_178 = arith.minsi %sub3A_177, %min3A : i32
      %dma_start3A_179 = arith.constant 0 : i32
      %dma_start3A_180 = tpu.memref_slice %arg8[%min3A_178, %dma_start3A_179] : memref<125x80xi32, #tpu.memory_space<vmem>> -> memref<1x80xi32, #tpu.memory_space<vmem>>
      %dma_start3A_181 = tpu.memref_squeeze %dma_start3A_180 : memref<1x80xi32, #tpu.memory_space<vmem>> -> memref<80xi32, #tpu.memory_space<vmem>>
      %dma_start3A_182 = arith.constant 0 : i32
      %dma_start3A_183 = arith.constant 0 : i32
      %dma_start3A_184 = tpu.memref_slice %arg2[%dma_start3A_182, %dma_start3A_183] : memref<10000x64xi32, #tpu.memory_space<hbm>> -> memref<10000x64xi32, #tpu.memory_space<hbm>>
      tpu.enqueue_indirect_dma source(%dma_start3A_184 : memref<10000x64xi32, #tpu.memory_space<hbm>>) target(%arg15 : memref<80x64xi32, #tpu.memory_space<vmem>>) offsets(%dma_start3A_181 : memref<80xi32, #tpu.memory_space<vmem>>) semaphore(%arg23 : memref<!tpu.dma_semaphore, #tpu.memory_space<semaphore_mem>>)
      %dma_start3A_185 = arith.constant 0 : i32
      %dma_start3A_186 = tpu.memref_slice %arg9[%min3A_178, %dma_start3A_185] : memref<125x80xi32, #tpu.memory_space<vmem>> -> memref<1x80xi32, #tpu.memory_space<vmem>>
      %dma_start3A_187 = tpu.memref_squeeze %dma_start3A_186 : memref<1x80xi32, #tpu.memory_space<vmem>> -> memref<80xi32, #tpu.memory_space<vmem>>
      %dma_start3A_188 = arith.constant 0 : i32
      %dma_start3A_189 = arith.constant 0 : i32
      %dma_start3A_190 = tpu.memref_slice %arg2[%dma_start3A_188, %dma_start3A_189] : memref<10000x64xi32, #tpu.memory_space<hbm>> -> memref<10000x64xi32, #tpu.memory_space<hbm>>
      tpu.enqueue_indirect_dma source(%dma_start3A_190 : memref<10000x64xi32, #tpu.memory_space<hbm>>) target(%arg16 : memref<80x64xi32, #tpu.memory_space<vmem>>) offsets(%dma_start3A_187 : memref<80xi32, #tpu.memory_space<vmem>>) semaphore(%arg23 : memref<!tpu.dma_semaphore, #tpu.memory_space<semaphore_mem>>)
      %ge3A = arith.constant 3 : i32
      %ge3A_191 = arith.cmpi sge, %add3A_162, %ge3A : i32
      %convert_element_type3A = arith.extui %ge3A_191 : i1 to i32
      %cond3A = arith.constant 0 : i32
      %cond3A_192 = arith.cmpi ne, %convert_element_type3A, %cond3A : i32
      scf.if %cond3A_192 {
        %sub3A_304 = arith.constant 3 : i32
        %sub3A_305 = arith.subi %add3A_162, %sub3A_304 : i32
        %mul3A_306 = arith.constant 80 : i32
        %mul3A_307 = arith.muli %sub3A_305, %mul3A_306 : i32
        %add3A_308 = arith.addi %mul3A_2, %mul3A_307 : i32
        %dma_wait3A_309 = tpu.memref_slice %arg7[%add3A_308] : memref<320000xf32, #tpu.memory_space<hbm>> -> memref<80xf32, #tpu.memory_space<hbm>>
        %dma_wait3A_310 = tpu.memref_slice %arg7[%add3A_308] : memref<320000xf32, #tpu.memory_space<hbm>> -> memref<80xf32, #tpu.memory_space<hbm>>
        tpu.wait_dma2 semaphore(%arg24 : memref<!tpu.dma_semaphore, #tpu.memory_space<semaphore_mem>>) src(%arg18 : memref<80xf32, #tpu.memory_space<vmem>>) dst(%dma_wait3A_310 : memref<80xf32, #tpu.memory_space<hbm>>)
      } else {
      }
      %scan3A_193 = arith.constant 0 : i32
      %scan3A_194 = arith.constant 0 : i32
      %scan3A_195 = arith.constant 5 : i32
      %scan3A_196 = arith.addi %scan3A_194, %scan3A_195 : i32
      %scan3A_197 = arith.constant 1 : i32
      scf.for %scan3A_304 = %scan3A_194 to %scan3A_196 step %scan3A_197  : i32 {
        %mul3A_305 = arith.constant 16 : i32
        %mul3A_306 = arith.muli %scan3A_304, %mul3A_305 : i32
        %add3A_307 = vector.broadcast %mul3A_306 : i32 to vector<16xi32>
        %add3A_308 = arith.addi %add3A_307, %iota3A : vector<16xi32>
        %get3A = arith.index_cast %add3A_162 : i32 to index
        %get3A_309 = arith.index_cast %mul3A_306 : i32 to index
        %get3A_310 = tpu.vector_load %arg10[%get3A, %get3A_309] {strides = array<i32>} : memref<125x80xi32, #tpu.memory_space<vmem>>, vector<16xi32>,
        %broadcast_in_dim3A = arith.constant 0.000000e+00 : f32
        %broadcast_in_dim3A_311 = vector.broadcast %broadcast_in_dim3A : f32 to vector<16xf32>
        %scan3A_312 = arith.constant 0 : i32
        %scan3A_313 = arith.constant 4 : i32
        %scan3A_314 = arith.addi %scan3A_312, %scan3A_313 : i32
        %scan3A_315 = arith.constant 1 : i32
        %scan3A_316:2 = scf.for %scan3A_327 = %scan3A_312 to %scan3A_314 step %scan3A_315 iter_args(%scan3A_328 = %broadcast_in_dim3A_311, %scan3A_329 = %broadcast_in_dim3A_311) -> (vector<16xf32>, vector<16xf32>)  : i32 {
          %mul3A_330 = arith.constant 16 : i32
          %mul3A_331 = arith.muli %scan3A_327, %mul3A_330 : i32
          %add3A_332 = vector.broadcast %mul3A_331 : i32 to vector<16xi32>
          %add3A_333 = arith.addi %iota3A, %add3A_332 : vector<16xi32>
          %add3A_334 = arith.constant 0 : i32
          %add3A_335 = vector.broadcast %add3A_334 : i32 to vector<16xi32>
          %add3A_336 = arith.addi %add3A_333, %add3A_335 : vector<16xi32>
          %and3A = arith.constant 63 : i32
          %and3A_337 = vector.broadcast %and3A : i32 to vector<16xi32>
          %and3A_338 = arith.andi %add3A_336, %and3A_337 : vector<16xi32>
          %gather3A = tpu.vector_load_idx %arg11[%add3A_308, %and3A_338] : memref<80x64xi32, #tpu.memory_space<vmem>>[vector<16xi32>, vector<16xi32>], vector<16xi32>,
          %bitcast3A = vector.bitcast %gather3A : vector<16xi32> to vector<32xbf16>
          %gather3A_339 = tpu.vector_load_idx %arg12[%add3A_308, %and3A_338] : memref<80x64xi32, #tpu.memory_space<vmem>>[vector<16xi32>, vector<16xi32>], vector<16xi32>,
          %bitcast3A_340 = vector.bitcast %gather3A_339 : vector<16xi32> to vector<32xbf16>
          %gather3A_341 = tpu.vector_load_idx %arg17[%get3A_310, %and3A_338] : memref<964x64xi32, #tpu.memory_space<vmem>>[vector<16xi32>, vector<16xi32>], vector<16xi32>,
          %bitcast3A_342 = vector.bitcast %gather3A_341 : vector<16xi32> to vector<32xbf16>
          %mul3A_343 = arith.mulf %bitcast3A, %bitcast3A_340 : vector<32xbf16>
          %mul3A_344 = arith.mulf %mul3A_343, %bitcast3A_342 : vector<32xbf16>
          %unpack3A = tpu.unpack_subelements %mul3A_344, 0 {pack_format = #tpu.pack_format<interleaved>} : vector<32xbf16> -> vector<16xf32>
          %unpack3A_345 = tpu.unpack_subelements %mul3A_344, 1 {pack_format = #tpu.pack_format<interleaved>} : vector<32xbf16> -> vector<16xf32>
          %add3A_346 = arith.addf %scan3A_328, %unpack3A : vector<16xf32>
          %add3A_347 = arith.addf %add3A_346, %unpack3A_345 : vector<16xf32>
          %mul3A_348 = arith.constant 16 : i32
          %mul3A_349 = arith.muli %scan3A_327, %mul3A_348 : i32
          %add3A_350 = vector.broadcast %mul3A_349 : i32 to vector<16xi32>
          %add3A_351 = arith.addi %iota3A, %add3A_350 : vector<16xi32>
          %add3A_352 = arith.constant 1 : i32
          %add3A_353 = vector.broadcast %add3A_352 : i32 to vector<16xi32>
          %add3A_354 = arith.addi %add3A_351, %add3A_353 : vector<16xi32>
          %and3A_355 = arith.constant 63 : i32
          %and3A_356 = vector.broadcast %and3A_355 : i32 to vector<16xi32>
          %and3A_357 = arith.andi %add3A_354, %and3A_356 : vector<16xi32>
          %gather3A_358 = tpu.vector_load_idx %arg11[%add3A_308, %and3A_357] : memref<80x64xi32, #tpu.memory_space<vmem>>[vector<16xi32>, vector<16xi32>], vector<16xi32>,
          %bitcast3A_359 = vector.bitcast %gather3A_358 : vector<16xi32> to vector<32xbf16>
          %gather3A_360 = tpu.vector_load_idx %arg12[%add3A_308, %and3A_357] : memref<80x64xi32, #tpu.memory_space<vmem>>[vector<16xi32>, vector<16xi32>], vector<16xi32>,
          %bitcast3A_361 = vector.bitcast %gather3A_360 : vector<16xi32> to vector<32xbf16>
          %gather3A_362 = tpu.vector_load_idx %arg17[%get3A_310, %and3A_357] : memref<964x64xi32, #tpu.memory_space<vmem>>[vector<16xi32>, vector<16xi32>], vector<16xi32>,
          %bitcast3A_363 = vector.bitcast %gather3A_362 : vector<16xi32> to vector<32xbf16>
          %mul3A_364 = arith.mulf %bitcast3A_359, %bitcast3A_361 : vector<32xbf16>
          %mul3A_365 = arith.mulf %mul3A_364, %bitcast3A_363 : vector<32xbf16>
          %unpack3A_366 = tpu.unpack_subelements %mul3A_365, 0 {pack_format = #tpu.pack_format<interleaved>} : vector<32xbf16> -> vector<16xf32>
          %unpack3A_367 = tpu.unpack_subelements %mul3A_365, 1 {pack_format = #tpu.pack_format<interleaved>} : vector<32xbf16> -> vector<16xf32>
          %add3A_368 = arith.addf %scan3A_329, %unpack3A_366 : vector<16xf32>
          %add3A_369 = arith.addf %add3A_368, %unpack3A_367 : vector<16xf32>
          %mul3A_370 = arith.constant 16 : i32
          %mul3A_371 = arith.muli %scan3A_327, %mul3A_370 : i32
          %add3A_372 = vector.broadcast %mul3A_371 : i32 to vector<16xi32>
          %add3A_373 = arith.addi %iota3A, %add3A_372 : vector<16xi32>
          %add3A_374 = arith.constant 2 : i32
          %add3A_375 = vector.broadcast %add3A_374 : i32 to vector<16xi32>
          %add3A_376 = arith.addi %add3A_373, %add3A_375 : vector<16xi32>
          %and3A_377 = arith.constant 63 : i32
          %and3A_378 = vector.broadcast %and3A_377 : i32 to vector<16xi32>
          %and3A_379 = arith.andi %add3A_376, %and3A_378 : vector<16xi32>
          %gather3A_380 = tpu.vector_load_idx %arg11[%add3A_308, %and3A_379] : memref<80x64xi32, #tpu.memory_space<vmem>>[vector<16xi32>, vector<16xi32>], vector<16xi32>,
          %bitcast3A_381 = vector.bitcast %gather3A_380 : vector<16xi32> to vector<32xbf16>
          %gather3A_382 = tpu.vector_load_idx %arg12[%add3A_308, %and3A_379] : memref<80x64xi32, #tpu.memory_space<vmem>>[vector<16xi32>, vector<16xi32>], vector<16xi32>,
          %bitcast3A_383 = vector.bitcast %gather3A_382 : vector<16xi32> to vector<32xbf16>
          %gather3A_384 = tpu.vector_load_idx %arg17[%get3A_310, %and3A_379] : memref<964x64xi32, #tpu.memory_space<vmem>>[vector<16xi32>, vector<16xi32>], vector<16xi32>,
          %bitcast3A_385 = vector.bitcast %gather3A_384 : vector<16xi32> to vector<32xbf16>
          %mul3A_386 = arith.mulf %bitcast3A_381, %bitcast3A_383 : vector<32xbf16>
          %mul3A_387 = arith.mulf %mul3A_386, %bitcast3A_385 : vector<32xbf16>
          %unpack3A_388 = tpu.unpack_subelements %mul3A_387, 0 {pack_format = #tpu.pack_format<interleaved>} : vector<32xbf16> -> vector<16xf32>
          %unpack3A_389 = tpu.unpack_subelements %mul3A_387, 1 {pack_format = #tpu.pack_format<interleaved>} : vector<32xbf16> -> vector<16xf32>
          %add3A_390 = arith.addf %add3A_347, %unpack3A_388 : vector<16xf32>
          %add3A_391 = arith.addf %add3A_390, %unpack3A_389 : vector<16xf32>
          %mul3A_392 = arith.constant 16 : i32
          %mul3A_393 = arith.muli %scan3A_327, %mul3A_392 : i32
          %add3A_394 = vector.broadcast %mul3A_393 : i32 to vector<16xi32>
          %add3A_395 = arith.addi %iota3A, %add3A_394 : vector<16xi32>
          %add3A_396 = arith.constant 3 : i32
          %add3A_397 = vector.broadcast %add3A_396 : i32 to vector<16xi32>
          %add3A_398 = arith.addi %add3A_395, %add3A_397 : vector<16xi32>
          %and3A_399 = arith.constant 63 : i32
          %and3A_400 = vector.broadcast %and3A_399 : i32 to vector<16xi32>
          %and3A_401 = arith.andi %add3A_398, %and3A_400 : vector<16xi32>
          %gather3A_402 = tpu.vector_load_idx %arg11[%add3A_308, %and3A_401] : memref<80x64xi32, #tpu.memory_space<vmem>>[vector<16xi32>, vector<16xi32>], vector<16xi32>,
          %bitcast3A_403 = vector.bitcast %gather3A_402 : vector<16xi32> to vector<32xbf16>
          %gather3A_404 = tpu.vector_load_idx %arg12[%add3A_308, %and3A_401] : memref<80x64xi32, #tpu.memory_space<vmem>>[vector<16xi32>, vector<16xi32>], vector<16xi32>,
          %bitcast3A_405 = vector.bitcast %gather3A_404 : vector<16xi32> to vector<32xbf16>
          %gather3A_406 = tpu.vector_load_idx %arg17[%get3A_310, %and3A_401] : memref<964x64xi32, #tpu.memory_space<vmem>>[vector<16xi32>, vector<16xi32>], vector<16xi32>,
          %bitcast3A_407 = vector.bitcast %gather3A_406 : vector<16xi32> to vector<32xbf16>
          %mul3A_408 = arith.mulf %bitcast3A_403, %bitcast3A_405 : vector<32xbf16>
          %mul3A_409 = arith.mulf %mul3A_408, %bitcast3A_407 : vector<32xbf16>
          %unpack3A_410 = tpu.unpack_subelements %mul3A_409, 0 {pack_format = #tpu.pack_format<interleaved>} : vector<32xbf16> -> vector<16xf32>
          %unpack3A_411 = tpu.unpack_subelements %mul3A_409, 1 {pack_format = #tpu.pack_format<interleaved>} : vector<32xbf16> -> vector<16xf32>
          %add3A_412 = arith.addf %add3A_369, %unpack3A_410 : vector<16xf32>
          %add3A_413 = arith.addf %add3A_412, %unpack3A_411 : vector<16xf32>
          %mul3A_414 = arith.constant 16 : i32
          %mul3A_415 = arith.muli %scan3A_327, %mul3A_414 : i32
          %add3A_416 = vector.broadcast %mul3A_415 : i32 to vector<16xi32>
          %add3A_417 = arith.addi %iota3A, %add3A_416 : vector<16xi32>
          %add3A_418 = arith.constant 4 : i32
          %add3A_419 = vector.broadcast %add3A_418 : i32 to vector<16xi32>
          %add3A_420 = arith.addi %add3A_417, %add3A_419 : vector<16xi32>
          %and3A_421 = arith.constant 63 : i32
          %and3A_422 = vector.broadcast %and3A_421 : i32 to vector<16xi32>
          %and3A_423 = arith.andi %add3A_420, %and3A_422 : vector<16xi32>
          %gather3A_424 = tpu.vector_load_idx %arg11[%add3A_308, %and3A_423] : memref<80x64xi32, #tpu.memory_space<vmem>>[vector<16xi32>, vector<16xi32>], vector<16xi32>,
          %bitcast3A_425 = vector.bitcast %gather3A_424 : vector<16xi32> to vector<32xbf16>
          %gather3A_426 = tpu.vector_load_idx %arg12[%add3A_308, %and3A_423] : memref<80x64xi32, #tpu.memory_space<vmem>>[vector<16xi32>, vector<16xi32>], vector<16xi32>,
          %bitcast3A_427 = vector.bitcast %gather3A_426 : vector<16xi32> to vector<32xbf16>
          %gather3A_428 = tpu.vector_load_idx %arg17[%get3A_310, %and3A_423] : memref<964x64xi32, #tpu.memory_space<vmem>>[vector<16xi32>, vector<16xi32>], vector<16xi32>,
          %bitcast3A_429 = vector.bitcast %gather3A_428 : vector<16xi32> to vector<32xbf16>
          %mul3A_430 = arith.mulf %bitcast3A_425, %bitcast3A_427 : vector<32xbf16>
          %mul3A_431 = arith.mulf %mul3A_430, %bitcast3A_429 : vector<32xbf16>
          %unpack3A_432 = tpu.unpack_subelements %mul3A_431, 0 {pack_format = #tpu.pack_format<interleaved>} : vector<32xbf16> -> vector<16xf32>
          %unpack3A_433 = tpu.unpack_subelements %mul3A_431, 1 {pack_format = #tpu.pack_format<interleaved>} : vector<32xbf16> -> vector<16xf32>
          %add3A_434 = arith.addf %add3A_391, %unpack3A_432 : vector<16xf32>
          %add3A_435 = arith.addf %add3A_434, %unpack3A_433 : vector<16xf32>
          %mul3A_436 = arith.constant 16 : i32
          %mul3A_437 = arith.muli %scan3A_327, %mul3A_436 : i32
          %add3A_438 = vector.broadcast %mul3A_437 : i32 to vector<16xi32>
          %add3A_439 = arith.addi %iota3A, %add3A_438 : vector<16xi32>
          %add3A_440 = arith.constant 5 : i32
          %add3A_441 = vector.broadcast %add3A_440 : i32 to vector<16xi32>
          %add3A_442 = arith.addi %add3A_439, %add3A_441 : vector<16xi32>
          %and3A_443 = arith.constant 63 : i32
          %and3A_444 = vector.broadcast %and3A_443 : i32 to vector<16xi32>
          %and3A_445 = arith.andi %add3A_442, %and3A_444 : vector<16xi32>
          %gather3A_446 = tpu.vector_load_idx %arg11[%add3A_308, %and3A_445] : memref<80x64xi32, #tpu.memory_space<vmem>>[vector<16xi32>, vector<16xi32>], vector<16xi32>,
          %bitcast3A_447 = vector.bitcast %gather3A_446 : vector<16xi32> to vector<32xbf16>
          %gather3A_448 = tpu.vector_load_idx %arg12[%add3A_308, %and3A_445] : memref<80x64xi32, #tpu.memory_space<vmem>>[vector<16xi32>, vector<16xi32>], vector<16xi32>,
          %bitcast3A_449 = vector.bitcast %gather3A_448 : vector<16xi32> to vector<32xbf16>
          %gather3A_450 = tpu.vector_load_idx %arg17[%get3A_310, %and3A_445] : memref<964x64xi32, #tpu.memory_space<vmem>>[vector<16xi32>, vector<16xi32>], vector<16xi32>,
          %bitcast3A_451 = vector.bitcast %gather3A_450 : vector<16xi32> to vector<32xbf16>
          %mul3A_452 = arith.mulf %bitcast3A_447, %bitcast3A_449 : vector<32xbf16>
          %mul3A_453 = arith.mulf %mul3A_452, %bitcast3A_451 : vector<32xbf16>
          %unpack3A_454 = tpu.unpack_subelements %mul3A_453, 0 {pack_format = #tpu.pack_format<interleaved>} : vector<32xbf16> -> vector<16xf32>
          %unpack3A_455 = tpu.unpack_subelements %mul3A_453, 1 {pack_format = #tpu.pack_format<interleaved>} : vector<32xbf16> -> vector<16xf32>
          %add3A_456 = arith.addf %add3A_413, %unpack3A_454 : vector<16xf32>
          %add3A_457 = arith.addf %add3A_456, %unpack3A_455 : vector<16xf32>
          %mul3A_458 = arith.constant 16 : i32
          %mul3A_459 = arith.muli %scan3A_327, %mul3A_458 : i32
          %add3A_460 = vector.broadcast %mul3A_459 : i32 to vector<16xi32>
          %add3A_461 = arith.addi %iota3A, %add3A_460 : vector<16xi32>
          %add3A_462 = arith.constant 6 : i32
          %add3A_463 = vector.broadcast %add3A_462 : i32 to vector<16xi32>
          %add3A_464 = arith.addi %add3A_461, %add3A_463 : vector<16xi32>
          %and3A_465 = arith.constant 63 : i32
          %and3A_466 = vector.broadcast %and3A_465 : i32 to vector<16xi32>
          %and3A_467 = arith.andi %add3A_464, %and3A_466 : vector<16xi32>
          %gather3A_468 = tpu.vector_load_idx %arg11[%add3A_308, %and3A_467] : memref<80x64xi32, #tpu.memory_space<vmem>>[vector<16xi32>, vector<16xi32>], vector<16xi32>,
          %bitcast3A_469 = vector.bitcast %gather3A_468 : vector<16xi32> to vector<32xbf16>
          %gather3A_470 = tpu.vector_load_idx %arg12[%add3A_308, %and3A_467] : memref<80x64xi32, #tpu.memory_space<vmem>>[vector<16xi32>, vector<16xi32>], vector<16xi32>,
          %bitcast3A_471 = vector.bitcast %gather3A_470 : vector<16xi32> to vector<32xbf16>
          %gather3A_472 = tpu.vector_load_idx %arg17[%get3A_310, %and3A_467] : memref<964x64xi32, #tpu.memory_space<vmem>>[vector<16xi32>, vector<16xi32>], vector<16xi32>,
          %bitcast3A_473 = vector.bitcast %gather3A_472 : vector<16xi32> to vector<32xbf16>
          %mul3A_474 = arith.mulf %bitcast3A_469, %bitcast3A_471 : vector<32xbf16>
          %mul3A_475 = arith.mulf %mul3A_474, %bitcast3A_473 : vector<32xbf16>
          %unpack3A_476 = tpu.unpack_subelements %mul3A_475, 0 {pack_format = #tpu.pack_format<interleaved>} : vector<32xbf16> -> vector<16xf32>
          %unpack3A_477 = tpu.unpack_subelements %mul3A_475, 1 {pack_format = #tpu.pack_format<interleaved>} : vector<32xbf16> -> vector<16xf32>
          %add3A_478 = arith.addf %add3A_435, %unpack3A_476 : vector<16xf32>
          %add3A_479 = arith.addf %add3A_478, %unpack3A_477 : vector<16xf32>
          %mul3A_480 = arith.constant 16 : i32
          %mul3A_481 = arith.muli %scan3A_327, %mul3A_480 : i32
          %add3A_482 = vector.broadcast %mul3A_481 : i32 to vector<16xi32>
          %add3A_483 = arith.addi %iota3A, %add3A_482 : vector<16xi32>
          %add3A_484 = arith.constant 7 : i32
          %add3A_485 = vector.broadcast %add3A_484 : i32 to vector<16xi32>
          %add3A_486 = arith.addi %add3A_483, %add3A_485 : vector<16xi32>
          %and3A_487 = arith.constant 63 : i32
          %and3A_488 = vector.broadcast %and3A_487 : i32 to vector<16xi32>
          %and3A_489 = arith.andi %add3A_486, %and3A_488 : vector<16xi32>
          %gather3A_490 = tpu.vector_load_idx %arg11[%add3A_308, %and3A_489] : memref<80x64xi32, #tpu.memory_space<vmem>>[vector<16xi32>, vector<16xi32>], vector<16xi32>,
          %bitcast3A_491 = vector.bitcast %gather3A_490 : vector<16xi32> to vector<32xbf16>
          %gather3A_492 = tpu.vector_load_idx %arg12[%add3A_308, %and3A_489] : memref<80x64xi32, #tpu.memory_space<vmem>>[vector<16xi32>, vector<16xi32>], vector<16xi32>,
          %bitcast3A_493 = vector.bitcast %gather3A_492 : vector<16xi32> to vector<32xbf16>
          %gather3A_494 = tpu.vector_load_idx %arg17[%get3A_310, %and3A_489] : memref<964x64xi32, #tpu.memory_space<vmem>>[vector<16xi32>, vector<16xi32>], vector<16xi32>,
          %bitcast3A_495 = vector.bitcast %gather3A_494 : vector<16xi32> to vector<32xbf16>
          %mul3A_496 = arith.mulf %bitcast3A_491, %bitcast3A_493 : vector<32xbf16>
          %mul3A_497 = arith.mulf %mul3A_496, %bitcast3A_495 : vector<32xbf16>
          %unpack3A_498 = tpu.unpack_subelements %mul3A_497, 0 {pack_format = #tpu.pack_format<interleaved>} : vector<32xbf16> -> vector<16xf32>
          %unpack3A_499 = tpu.unpack_subelements %mul3A_497, 1 {pack_format = #tpu.pack_format<interleaved>} : vector<32xbf16> -> vector<16xf32>
          %add3A_500 = arith.addf %add3A_457, %unpack3A_498 : vector<16xf32>
          %add3A_501 = arith.addf %add3A_500, %unpack3A_499 : vector<16xf32>
          %mul3A_502 = arith.constant 16 : i32
          %mul3A_503 = arith.muli %scan3A_327, %mul3A_502 : i32
          %add3A_504 = vector.broadcast %mul3A_503 : i32 to vector<16xi32>
          %add3A_505 = arith.addi %iota3A, %add3A_504 : vector<16xi32>
          %add3A_506 = arith.constant 8 : i32
          %add3A_507 = vector.broadcast %add3A_506 : i32 to vector<16xi32>
          %add3A_508 = arith.addi %add3A_505, %add3A_507 : vector<16xi32>
          %and3A_509 = arith.constant 63 : i32
          %and3A_510 = vector.broadcast %and3A_509 : i32 to vector<16xi32>
          %and3A_511 = arith.andi %add3A_508, %and3A_510 : vector<16xi32>
          %gather3A_512 = tpu.vector_load_idx %arg11[%add3A_308, %and3A_511] : memref<80x64xi32, #tpu.memory_space<vmem>>[vector<16xi32>, vector<16xi32>], vector<16xi32>,
          %bitcast3A_513 = vector.bitcast %gather3A_512 : vector<16xi32> to vector<32xbf16>
          %gather3A_514 = tpu.vector_load_idx %arg12[%add3A_308, %and3A_511] : memref<80x64xi32, #tpu.memory_space<vmem>>[vector<16xi32>, vector<16xi32>], vector<16xi32>,
          %bitcast3A_515 = vector.bitcast %gather3A_514 : vector<16xi32> to vector<32xbf16>
          %gather3A_516 = tpu.vector_load_idx %arg17[%get3A_310, %and3A_511] : memref<964x64xi32, #tpu.memory_space<vmem>>[vector<16xi32>, vector<16xi32>], vector<16xi32>,
          %bitcast3A_517 = vector.bitcast %gather3A_516 : vector<16xi32> to vector<32xbf16>
          %mul3A_518 = arith.mulf %bitcast3A_513, %bitcast3A_515 : vector<32xbf16>
          %mul3A_519 = arith.mulf %mul3A_518, %bitcast3A_517 : vector<32xbf16>
          %unpack3A_520 = tpu.unpack_subelements %mul3A_519, 0 {pack_format = #tpu.pack_format<interleaved>} : vector<32xbf16> -> vector<16xf32>
          %unpack3A_521 = tpu.unpack_subelements %mul3A_519, 1 {pack_format = #tpu.pack_format<interleaved>} : vector<32xbf16> -> vector<16xf32>
          %add3A_522 = arith.addf %add3A_479, %unpack3A_520 : vector<16xf32>
          %add3A_523 = arith.addf %add3A_522, %unpack3A_521 : vector<16xf32>
          %mul3A_524 = arith.constant 16 : i32
          %mul3A_525 = arith.muli %scan3A_327, %mul3A_524 : i32
          %add3A_526 = vector.broadcast %mul3A_525 : i32 to vector<16xi32>
          %add3A_527 = arith.addi %iota3A, %add3A_526 : vector<16xi32>
          %add3A_528 = arith.constant 9 : i32
          %add3A_529 = vector.broadcast %add3A_528 : i32 to vector<16xi32>
          %add3A_530 = arith.addi %add3A_527, %add3A_529 : vector<16xi32>
          %and3A_531 = arith.constant 63 : i32
          %and3A_532 = vector.broadcast %and3A_531 : i32 to vector<16xi32>
          %and3A_533 = arith.andi %add3A_530, %and3A_532 : vector<16xi32>
          %gather3A_534 = tpu.vector_load_idx %arg11[%add3A_308, %and3A_533] : memref<80x64xi32, #tpu.memory_space<vmem>>[vector<16xi32>, vector<16xi32>], vector<16xi32>,
          %bitcast3A_535 = vector.bitcast %gather3A_534 : vector<16xi32> to vector<32xbf16>
          %gather3A_536 = tpu.vector_load_idx %arg12[%add3A_308, %and3A_533] : memref<80x64xi32, #tpu.memory_space<vmem>>[vector<16xi32>, vector<16xi32>], vector<16xi32>,
          %bitcast3A_537 = vector.bitcast %gather3A_536 : vector<16xi32> to vector<32xbf16>
          %gather3A_538 = tpu.vector_load_idx %arg17[%get3A_310, %and3A_533] : memref<964x64xi32, #tpu.memory_space<vmem>>[vector<16xi32>, vector<16xi32>], vector<16xi32>,
          %bitcast3A_539 = vector.bitcast %gather3A_538 : vector<16xi32> to vector<32xbf16>
          %mul3A_540 = arith.mulf %bitcast3A_535, %bitcast3A_537 : vector<32xbf16>
          %mul3A_541 = arith.mulf %mul3A_540, %bitcast3A_539 : vector<32xbf16>
          %unpack3A_542 = tpu.unpack_subelements %mul3A_541, 0 {pack_format = #tpu.pack_format<interleaved>} : vector<32xbf16> -> vector<16xf32>
          %unpack3A_543 = tpu.unpack_subelements %mul3A_541, 1 {pack_format = #tpu.pack_format<interleaved>} : vector<32xbf16> -> vector<16xf32>
          %add3A_544 = arith.addf %add3A_501, %unpack3A_542 : vector<16xf32>
          %add3A_545 = arith.addf %add3A_544, %unpack3A_543 : vector<16xf32>
          %mul3A_546 = arith.constant 16 : i32
          %mul3A_547 = arith.muli %scan3A_327, %mul3A_546 : i32
          %add3A_548 = vector.broadcast %mul3A_547 : i32 to vector<16xi32>
          %add3A_549 = arith.addi %iota3A, %add3A_548 : vector<16xi32>
          %add3A_550 = arith.constant 10 : i32
          %add3A_551 = vector.broadcast %add3A_550 : i32 to vector<16xi32>
          %add3A_552 = arith.addi %add3A_549, %add3A_551 : vector<16xi32>
          %and3A_553 = arith.constant 63 : i32
          %and3A_554 = vector.broadcast %and3A_553 : i32 to vector<16xi32>
          %and3A_555 = arith.andi %add3A_552, %and3A_554 : vector<16xi32>
          %gather3A_556 = tpu.vector_load_idx %arg11[%add3A_308, %and3A_555] : memref<80x64xi32, #tpu.memory_space<vmem>>[vector<16xi32>, vector<16xi32>], vector<16xi32>,
          %bitcast3A_557 = vector.bitcast %gather3A_556 : vector<16xi32> to vector<32xbf16>
          %gather3A_558 = tpu.vector_load_idx %arg12[%add3A_308, %and3A_555] : memref<80x64xi32, #tpu.memory_space<vmem>>[vector<16xi32>, vector<16xi32>], vector<16xi32>,
          %bitcast3A_559 = vector.bitcast %gather3A_558 : vector<16xi32> to vector<32xbf16>
          %gather3A_560 = tpu.vector_load_idx %arg17[%get3A_310, %and3A_555] : memref<964x64xi32, #tpu.memory_space<vmem>>[vector<16xi32>, vector<16xi32>], vector<16xi32>,
          %bitcast3A_561 = vector.bitcast %gather3A_560 : vector<16xi32> to vector<32xbf16>
          %mul3A_562 = arith.mulf %bitcast3A_557, %bitcast3A_559 : vector<32xbf16>
          %mul3A_563 = arith.mulf %mul3A_562, %bitcast3A_561 : vector<32xbf16>
          %unpack3A_564 = tpu.unpack_subelements %mul3A_563, 0 {pack_format = #tpu.pack_format<interleaved>} : vector<32xbf16> -> vector<16xf32>
          %unpack3A_565 = tpu.unpack_subelements %mul3A_563, 1 {pack_format = #tpu.pack_format<interleaved>} : vector<32xbf16> -> vector<16xf32>
          %add3A_566 = arith.addf %add3A_523, %unpack3A_564 : vector<16xf32>
          %add3A_567 = arith.addf %add3A_566, %unpack3A_565 : vector<16xf32>
          %mul3A_568 = arith.constant 16 : i32
          %mul3A_569 = arith.muli %scan3A_327, %mul3A_568 : i32
          %add3A_570 = vector.broadcast %mul3A_569 : i32 to vector<16xi32>
          %add3A_571 = arith.addi %iota3A, %add3A_570 : vector<16xi32>
          %add3A_572 = arith.constant 11 : i32
          %add3A_573 = vector.broadcast %add3A_572 : i32 to vector<16xi32>
          %add3A_574 = arith.addi %add3A_571, %add3A_573 : vector<16xi32>
          %and3A_575 = arith.constant 63 : i32
          %and3A_576 = vector.broadcast %and3A_575 : i32 to vector<16xi32>
          %and3A_577 = arith.andi %add3A_574, %and3A_576 : vector<16xi32>
          %gather3A_578 = tpu.vector_load_idx %arg11[%add3A_308, %and3A_577] : memref<80x64xi32, #tpu.memory_space<vmem>>[vector<16xi32>, vector<16xi32>], vector<16xi32>,
          %bitcast3A_579 = vector.bitcast %gather3A_578 : vector<16xi32> to vector<32xbf16>
          %gather3A_580 = tpu.vector_load_idx %arg12[%add3A_308, %and3A_577] : memref<80x64xi32, #tpu.memory_space<vmem>>[vector<16xi32>, vector<16xi32>], vector<16xi32>,
          %bitcast3A_581 = vector.bitcast %gather3A_580 : vector<16xi32> to vector<32xbf16>
          %gather3A_582 = tpu.vector_load_idx %arg17[%get3A_310, %and3A_577] : memref<964x64xi32, #tpu.memory_space<vmem>>[vector<16xi32>, vector<16xi32>], vector<16xi32>,
          %bitcast3A_583 = vector.bitcast %gather3A_582 : vector<16xi32> to vector<32xbf16>
          %mul3A_584 = arith.mulf %bitcast3A_579, %bitcast3A_581 : vector<32xbf16>
          %mul3A_585 = arith.mulf %mul3A_584, %bitcast3A_583 : vector<32xbf16>
          %unpack3A_586 = tpu.unpack_subelements %mul3A_585, 0 {pack_format = #tpu.pack_format<interleaved>} : vector<32xbf16> -> vector<16xf32>
          %unpack3A_587 = tpu.unpack_subelements %mul3A_585, 1 {pack_format = #tpu.pack_format<interleaved>} : vector<32xbf16> -> vector<16xf32>
          %add3A_588 = arith.addf %add3A_545, %unpack3A_586 : vector<16xf32>
          %add3A_589 = arith.addf %add3A_588, %unpack3A_587 : vector<16xf32>
          %mul3A_590 = arith.constant 16 : i32
          %mul3A_591 = arith.muli %scan3A_327, %mul3A_590 : i32
          %add3A_592 = vector.broadcast %mul3A_591 : i32 to vector<16xi32>
          %add3A_593 = arith.addi %iota3A, %add3A_592 : vector<16xi32>
          %add3A_594 = arith.constant 12 : i32
          %add3A_595 = vector.broadcast %add3A_594 : i32 to vector<16xi32>
          %add3A_596 = arith.addi %add3A_593, %add3A_595 : vector<16xi32>
          %and3A_597 = arith.constant 63 : i32
          %and3A_598 = vector.broadcast %and3A_597 : i32 to vector<16xi32>
          %and3A_599 = arith.andi %add3A_596, %and3A_598 : vector<16xi32>
          %gather3A_600 = tpu.vector_load_idx %arg11[%add3A_308, %and3A_599] : memref<80x64xi32, #tpu.memory_space<vmem>>[vector<16xi32>, vector<16xi32>], vector<16xi32>,
          %bitcast3A_601 = vector.bitcast %gather3A_600 : vector<16xi32> to vector<32xbf16>
          %gather3A_602 = tpu.vector_load_idx %arg12[%add3A_308, %and3A_599] : memref<80x64xi32, #tpu.memory_space<vmem>>[vector<16xi32>, vector<16xi32>], vector<16xi32>,
          %bitcast3A_603 = vector.bitcast %gather3A_602 : vector<16xi32> to vector<32xbf16>
          %gather3A_604 = tpu.vector_load_idx %arg17[%get3A_310, %and3A_599] : memref<964x64xi32, #tpu.memory_space<vmem>>[vector<16xi32>, vector<16xi32>], vector<16xi32>,
          %bitcast3A_605 = vector.bitcast %gather3A_604 : vector<16xi32> to vector<32xbf16>
          %mul3A_606 = arith.mulf %bitcast3A_601, %bitcast3A_603 : vector<32xbf16>
          %mul3A_607 = arith.mulf %mul3A_606, %bitcast3A_605 : vector<32xbf16>
          %unpack3A_608 = tpu.unpack_subelements %mul3A_607, 0 {pack_format = #tpu.pack_format<interleaved>} : vector<32xbf16> -> vector<16xf32>
          %unpack3A_609 = tpu.unpack_subelements %mul3A_607, 1 {pack_format = #tpu.pack_format<interleaved>} : vector<32xbf16> -> vector<16xf32>
          %add3A_610 = arith.addf %add3A_567, %unpack3A_608 : vector<16xf32>
          %add3A_611 = arith.addf %add3A_610, %unpack3A_609 : vector<16xf32>
          %mul3A_612 = arith.constant 16 : i32
          %mul3A_613 = arith.muli %scan3A_327, %mul3A_612 : i32
          %add3A_614 = vector.broadcast %mul3A_613 : i32 to vector<16xi32>
          %add3A_615 = arith.addi %iota3A, %add3A_614 : vector<16xi32>
          %add3A_616 = arith.constant 13 : i32
          %add3A_617 = vector.broadcast %add3A_616 : i32 to vector<16xi32>
          %add3A_618 = arith.addi %add3A_615, %add3A_617 : vector<16xi32>
          %and3A_619 = arith.constant 63 : i32
          %and3A_620 = vector.broadcast %and3A_619 : i32 to vector<16xi32>
          %and3A_621 = arith.andi %add3A_618, %and3A_620 : vector<16xi32>
          %gather3A_622 = tpu.vector_load_idx %arg11[%add3A_308, %and3A_621] : memref<80x64xi32, #tpu.memory_space<vmem>>[vector<16xi32>, vector<16xi32>], vector<16xi32>,
          %bitcast3A_623 = vector.bitcast %gather3A_622 : vector<16xi32> to vector<32xbf16>
          %gather3A_624 = tpu.vector_load_idx %arg12[%add3A_308, %and3A_621] : memref<80x64xi32, #tpu.memory_space<vmem>>[vector<16xi32>, vector<16xi32>], vector<16xi32>,
          %bitcast3A_625 = vector.bitcast %gather3A_624 : vector<16xi32> to vector<32xbf16>
          %gather3A_626 = tpu.vector_load_idx %arg17[%get3A_310, %and3A_621] : memref<964x64xi32, #tpu.memory_space<vmem>>[vector<16xi32>, vector<16xi32>], vector<16xi32>,
          %bitcast3A_627 = vector.bitcast %gather3A_626 : vector<16xi32> to vector<32xbf16>
          %mul3A_628 = arith.mulf %bitcast3A_623, %bitcast3A_625 : vector<32xbf16>
          %mul3A_629 = arith.mulf %mul3A_628, %bitcast3A_627 : vector<32xbf16>
          %unpack3A_630 = tpu.unpack_subelements %mul3A_629, 0 {pack_format = #tpu.pack_format<interleaved>} : vector<32xbf16> -> vector<16xf32>
          %unpack3A_631 = tpu.unpack_subelements %mul3A_629, 1 {pack_format = #tpu.pack_format<interleaved>} : vector<32xbf16> -> vector<16xf32>
          %add3A_632 = arith.addf %add3A_589, %unpack3A_630 : vector<16xf32>
          %add3A_633 = arith.addf %add3A_632, %unpack3A_631 : vector<16xf32>
          %mul3A_634 = arith.constant 16 : i32
          %mul3A_635 = arith.muli %scan3A_327, %mul3A_634 : i32
          %add3A_636 = vector.broadcast %mul3A_635 : i32 to vector<16xi32>
          %add3A_637 = arith.addi %iota3A, %add3A_636 : vector<16xi32>
          %add3A_638 = arith.constant 14 : i32
          %add3A_639 = vector.broadcast %add3A_638 : i32 to vector<16xi32>
          %add3A_640 = arith.addi %add3A_637, %add3A_639 : vector<16xi32>
          %and3A_641 = arith.constant 63 : i32
          %and3A_642 = vector.broadcast %and3A_641 : i32 to vector<16xi32>
          %and3A_643 = arith.andi %add3A_640, %and3A_642 : vector<16xi32>
          %gather3A_644 = tpu.vector_load_idx %arg11[%add3A_308, %and3A_643] : memref<80x64xi32, #tpu.memory_space<vmem>>[vector<16xi32>, vector<16xi32>], vector<16xi32>,
          %bitcast3A_645 = vector.bitcast %gather3A_644 : vector<16xi32> to vector<32xbf16>
          %gather3A_646 = tpu.vector_load_idx %arg12[%add3A_308, %and3A_643] : memref<80x64xi32, #tpu.memory_space<vmem>>[vector<16xi32>, vector<16xi32>], vector<16xi32>,
          %bitcast3A_647 = vector.bitcast %gather3A_646 : vector<16xi32> to vector<32xbf16>
          %gather3A_648 = tpu.vector_load_idx %arg17[%get3A_310, %and3A_643] : memref<964x64xi32, #tpu.memory_space<vmem>>[vector<16xi32>, vector<16xi32>], vector<16xi32>,
          %bitcast3A_649 = vector.bitcast %gather3A_648 : vector<16xi32> to vector<32xbf16>
          %mul3A_650 = arith.mulf %bitcast3A_645, %bitcast3A_647 : vector<32xbf16>
          %mul3A_651 = arith.mulf %mul3A_650, %bitcast3A_649 : vector<32xbf16>
          %unpack3A_652 = tpu.unpack_subelements %mul3A_651, 0 {pack_format = #tpu.pack_format<interleaved>} : vector<32xbf16> -> vector<16xf32>
          %unpack3A_653 = tpu.unpack_subelements %mul3A_651, 1 {pack_format = #tpu.pack_format<interleaved>} : vector<32xbf16> -> vector<16xf32>
          %add3A_654 = arith.addf %add3A_611, %unpack3A_652 : vector<16xf32>
          %add3A_655 = arith.addf %add3A_654, %unpack3A_653 : vector<16xf32>
          %mul3A_656 = arith.constant 16 : i32
          %mul3A_657 = arith.muli %scan3A_327, %mul3A_656 : i32
          %add3A_658 = vector.broadcast %mul3A_657 : i32 to vector<16xi32>
          %add3A_659 = arith.addi %iota3A, %add3A_658 : vector<16xi32>
          %add3A_660 = arith.constant 15 : i32
          %add3A_661 = vector.broadcast %add3A_660 : i32 to vector<16xi32>
          %add3A_662 = arith.addi %add3A_659, %add3A_661 : vector<16xi32>
          %and3A_663 = arith.constant 63 : i32
          %and3A_664 = vector.broadcast %and3A_663 : i32 to vector<16xi32>
          %and3A_665 = arith.andi %add3A_662, %and3A_664 : vector<16xi32>
          %gather3A_666 = tpu.vector_load_idx %arg11[%add3A_308, %and3A_665] : memref<80x64xi32, #tpu.memory_space<vmem>>[vector<16xi32>, vector<16xi32>], vector<16xi32>,
          %bitcast3A_667 = vector.bitcast %gather3A_666 : vector<16xi32> to vector<32xbf16>
          %gather3A_668 = tpu.vector_load_idx %arg12[%add3A_308, %and3A_665] : memref<80x64xi32, #tpu.memory_space<vmem>>[vector<16xi32>, vector<16xi32>], vector<16xi32>,
          %bitcast3A_669 = vector.bitcast %gather3A_668 : vector<16xi32> to vector<32xbf16>
          %gather3A_670 = tpu.vector_load_idx %arg17[%get3A_310, %and3A_665] : memref<964x64xi32, #tpu.memory_space<vmem>>[vector<16xi32>, vector<16xi32>], vector<16xi32>,
          %bitcast3A_671 = vector.bitcast %gather3A_670 : vector<16xi32> to vector<32xbf16>
          %mul3A_672 = arith.mulf %bitcast3A_667, %bitcast3A_669 : vector<32xbf16>
          %mul3A_673 = arith.mulf %mul3A_672, %bitcast3A_671 : vector<32xbf16>
          %unpack3A_674 = tpu.unpack_subelements %mul3A_673, 0 {pack_format = #tpu.pack_format<interleaved>} : vector<32xbf16> -> vector<16xf32>
          %unpack3A_675 = tpu.unpack_subelements %mul3A_673, 1 {pack_format = #tpu.pack_format<interleaved>} : vector<32xbf16> -> vector<16xf32>
          %add3A_676 = arith.addf %add3A_633, %unpack3A_674 : vector<16xf32>
          %add3A_677 = arith.addf %add3A_676, %unpack3A_675 : vector<16xf32>
          scf.yield %add3A_655, %add3A_677 : vector<16xf32>, vector<16xf32>
        }
        %scan3A_317 = arith.constant 4 : i32
        %add3A_318 = arith.addf %scan3A_316#0, %scan3A_316#1 : vector<16xf32>
        %neg3A = arith.constant 0.000000e+00 : f32
        %neg3A_319 = vector.broadcast %neg3A : f32 to vector<16xf32>
        %neg3A_320 = arith.subf %neg3A_319, %add3A_318 : vector<16xf32>
        %exp3A = math.exp %neg3A_320 : vector<16xf32>
        %add3A_321 = arith.constant 1.000000e+00 : f32
        %add3A_322 = vector.broadcast %add3A_321 : f32 to vector<16xf32>
        %add3A_323 = arith.addf %add3A_322, %exp3A : vector<16xf32>
        %div3A = arith.constant 1.000000e+00 : f32
        %div3A_324 = vector.broadcast %div3A : f32 to vector<16xf32>
        %div3A_325 = arith.divf %div3A_324, %add3A_323 : vector<16xf32>
        %swap3A = arith.index_cast %mul3A_306 : i32 to index
        %swap3A_326 = tpu.vector_load %arg18[%swap3A] {strides = array<i32>} : memref<80xf32, #tpu.memory_space<vmem>>, vector<16xf32>,
        tpu.vector_store %arg18[%swap3A], %div3A_325 {strides = array<i32>} : memref<80xf32, #tpu.memory_space<vmem>>, vector<16xf32>,
      }
      %scan3A_198 = arith.constant 5 : i32
      %mul3A_199 = arith.constant 80 : i32
      %mul3A_200 = arith.muli %add3A_162, %mul3A_199 : i32
      %add3A_201 = arith.addi %mul3A_2, %mul3A_200 : i32
      %dma_start3A_202 = tpu.memref_slice %arg7[%add3A_201] : memref<320000xf32, #tpu.memory_space<hbm>> -> memref<80xf32, #tpu.memory_space<hbm>>
      %dma_start3A_203 = tpu.memref_slice %arg7[%add3A_201] : memref<320000xf32, #tpu.memory_space<hbm>> -> memref<80xf32, #tpu.memory_space<hbm>>
      tpu.enqueue_dma source(%arg18 : memref<80xf32, #tpu.memory_space<vmem>>) target(%dma_start3A_203 : memref<80xf32, #tpu.memory_space<hbm>>) target_semaphore(%arg24 : memref<!tpu.dma_semaphore, #tpu.memory_space<semaphore_mem>>)
      %mul3A_204 = arith.constant 3 : i32
      %mul3A_205 = arith.muli %mul3A_204, %scan3A_158 : i32
      %add3A_206 = arith.constant 1 : i32
      %add3A_207 = arith.addi %mul3A_205, %add3A_206 : i32
      %dma_wait3A_208 = arith.constant 0 : i32
      %dma_wait3A_209 = tpu.memref_slice %arg8[%add3A_207, %dma_wait3A_208] : memref<125x80xi32, #tpu.memory_space<vmem>> -> memref<1x80xi32, #tpu.memory_space<vmem>>
      %dma_wait3A_210 = tpu.memref_squeeze %dma_wait3A_209 : memref<1x80xi32, #tpu.memory_space<vmem>> -> memref<80xi32, #tpu.memory_space<vmem>>
      %dma_wait3A_211 = arith.constant 0 : i32
      %dma_wait3A_212 = arith.constant 0 : i32
      %dma_wait3A_213 = tpu.memref_slice %arg2[%dma_wait3A_211, %dma_wait3A_212] : memref<10000x64xi32, #tpu.memory_space<hbm>> -> memref<10000x64xi32, #tpu.memory_space<hbm>>
      tpu.wait_indirect_dma semaphore(%arg22 : memref<!tpu.dma_semaphore, #tpu.memory_space<semaphore_mem>>) src(%dma_wait3A_213 : memref<10000x64xi32, #tpu.memory_space<hbm>>) dst(%arg13 : memref<80x64xi32, #tpu.memory_space<vmem>>)
      %dma_wait3A_214 = arith.constant 0 : i32
      %dma_wait3A_215 = tpu.memref_slice %arg9[%add3A_207, %dma_wait3A_214] : memref<125x80xi32, #tpu.memory_space<vmem>> -> memref<1x80xi32, #tpu.memory_space<vmem>>
      %dma_wait3A_216 = tpu.memref_squeeze %dma_wait3A_215 : memref<1x80xi32, #tpu.memory_space<vmem>> -> memref<80xi32, #tpu.memory_space<vmem>>
      %dma_wait3A_217 = arith.constant 0 : i32
      %dma_wait3A_218 = arith.constant 0 : i32
      %dma_wait3A_219 = tpu.memref_slice %arg2[%dma_wait3A_217, %dma_wait3A_218] : memref<10000x64xi32, #tpu.memory_space<hbm>> -> memref<10000x64xi32, #tpu.memory_space<hbm>>
      tpu.wait_indirect_dma semaphore(%arg22 : memref<!tpu.dma_semaphore, #tpu.memory_space<semaphore_mem>>) src(%dma_wait3A_219 : memref<10000x64xi32, #tpu.memory_space<hbm>>) dst(%arg14 : memref<80x64xi32, #tpu.memory_space<vmem>>)
      %add3A_220 = arith.constant 3 : i32
      %add3A_221 = arith.addi %add3A_207, %add3A_220 : i32
      %sub3A_222 = arith.constant 1 : i32
      %sub3A_223 = arith.subi %add3A_221, %sub3A_222 : i32
      %min3A_224 = arith.constant 124 : i32
      %min3A_225 = arith.minsi %sub3A_223, %min3A_224 : i32
      %dma_start3A_226 = arith.constant 0 : i32
      %dma_start3A_227 = tpu.memref_slice %arg8[%min3A_225, %dma_start3A_226] : memref<125x80xi32, #tpu.memory_space<vmem>> -> memref<1x80xi32, #tpu.memory_space<vmem>>
      %dma_start3A_228 = tpu.memref_squeeze %dma_start3A_227 : memref<1x80xi32, #tpu.memory_space<vmem>> -> memref<80xi32, #tpu.memory_space<vmem>>
      %dma_start3A_229 = arith.constant 0 : i32
      %dma_start3A_230 = arith.constant 0 : i32
      %dma_start3A_231 = tpu.memref_slice %arg2[%dma_start3A_229, %dma_start3A_230] : memref<10000x64xi32, #tpu.memory_space<hbm>> -> memref<10000x64xi32, #tpu.memory_space<hbm>>
      tpu.enqueue_indirect_dma source(%dma_start3A_231 : memref<10000x64xi32, #tpu.memory_space<hbm>>) target(%arg11 : memref<80x64xi32, #tpu.memory_space<vmem>>) offsets(%dma_start3A_228 : memref<80xi32, #tpu.memory_space<vmem>>) semaphore(%arg21 : memref<!tpu.dma_semaphore, #tpu.memory_space<semaphore_mem>>)
      %dma_start3A_232 = arith.constant 0 : i32
      %dma_start3A_233 = tpu.memref_slice %arg9[%min3A_225, %dma_start3A_232] : memref<125x80xi32, #tpu.memory_space<vmem>> -> memref<1x80xi32, #tpu.memory_space<vmem>>
      %dma_start3A_234 = tpu.memref_squeeze %dma_start3A_233 : memref<1x80xi32, #tpu.memory_space<vmem>> -> memref<80xi32, #tpu.memory_space<vmem>>
      %dma_start3A_235 = arith.constant 0 : i32
      %dma_start3A_236 = arith.constant 0 : i32
      %dma_start3A_237 = tpu.memref_slice %arg2[%dma_start3A_235, %dma_start3A_236] : memref<10000x64xi32, #tpu.memory_space<hbm>> -> memref<10000x64xi32, #tpu.memory_space<hbm>>
      tpu.enqueue_indirect_dma source(%dma_start3A_237 : memref<10000x64xi32, #tpu.memory_space<hbm>>) target(%arg12 : memref<80x64xi32, #tpu.memory_space<vmem>>) offsets(%dma_start3A_234 : memref<80xi32, #tpu.memory_space<vmem>>) semaphore(%arg21 : memref<!tpu.dma_semaphore, #tpu.memory_space<semaphore_mem>>)
      %ge3A_238 = arith.constant 3 : i32
      %ge3A_239 = arith.cmpi sge, %add3A_207, %ge3A_238 : i32
      %convert_element_type3A_240 = arith.extui %ge3A_239 : i1 to i32
      %cond3A_241 = arith.constant 0 : i32
      %cond3A_242 = arith.cmpi ne, %convert_element_type3A_240, %cond3A_241 : i32
      scf.if %cond3A_242 {
        %sub3A_304 = arith.constant 3 : i32
        %sub3A_305 = arith.subi %add3A_207, %sub3A_304 : i32
        %mul3A_306 = arith.constant 80 : i32
        %mul3A_307 = arith.muli %sub3A_305, %mul3A_306 : i32
        %add3A_308 = arith.addi %mul3A_2, %mul3A_307 : i32
        %dma_wait3A_309 = tpu.memref_slice %arg7[%add3A_308] : memref<320000xf32, #tpu.memory_space<hbm>> -> memref<80xf32, #tpu.memory_space<hbm>>
        %dma_wait3A_310 = tpu.memref_slice %arg7[%add3A_308] : memref<320000xf32, #tpu.memory_space<hbm>> -> memref<80xf32, #tpu.memory_space<hbm>>
        tpu.wait_dma2 semaphore(%arg25 : memref<!tpu.dma_semaphore, #tpu.memory_space<semaphore_mem>>) src(%arg19 : memref<80xf32, #tpu.memory_space<vmem>>) dst(%dma_wait3A_310 : memref<80xf32, #tpu.memory_space<hbm>>)
      } else {
      }
      %scan3A_243 = arith.constant 0 : i32
      %scan3A_244 = arith.constant 0 : i32
      %scan3A_245 = arith.constant 5 : i32
      %scan3A_246 = arith.addi %scan3A_244, %scan3A_245 : i32
      %scan3A_247 = arith.constant 1 : i32
      scf.for %scan3A_304 = %scan3A_244 to %scan3A_246 step %scan3A_247  : i32 {
        %mul3A_305 = arith.constant 16 : i32
        %mul3A_306 = arith.muli %scan3A_304, %mul3A_305 : i32
        %add3A_307 = vector.broadcast %mul3A_306 : i32 to vector<16xi32>
        %add3A_308 = arith.addi %add3A_307, %iota3A : vector<16xi32>
        %get3A = arith.index_cast %add3A_207 : i32 to index
        %get3A_309 = arith.index_cast %mul3A_306 : i32 to index
        %get3A_310 = tpu.vector_load %arg10[%get3A, %get3A_309] {strides = array<i32>} : memref<125x80xi32, #tpu.memory_space<vmem>>, vector<16xi32>,
        %broadcast_in_dim3A = arith.constant 0.000000e+00 : f32
        %broadcast_in_dim3A_311 = vector.broadcast %broadcast_in_dim3A : f32 to vector<16xf32>
        %scan3A_312 = arith.constant 0 : i32
        %scan3A_313 = arith.constant 4 : i32
        %scan3A_314 = arith.addi %scan3A_312, %scan3A_313 : i32
        %scan3A_315 = arith.constant 1 : i32
        %scan3A_316:2 = scf.for %scan3A_327 = %scan3A_312 to %scan3A_314 step %scan3A_315 iter_args(%scan3A_328 = %broadcast_in_dim3A_311, %scan3A_329 = %broadcast_in_dim3A_311) -> (vector<16xf32>, vector<16xf32>)  : i32 {
          %mul3A_330 = arith.constant 16 : i32
          %mul3A_331 = arith.muli %scan3A_327, %mul3A_330 : i32
          %add3A_332 = vector.broadcast %mul3A_331 : i32 to vector<16xi32>
          %add3A_333 = arith.addi %iota3A, %add3A_332 : vector<16xi32>
          %add3A_334 = arith.constant 0 : i32
          %add3A_335 = vector.broadcast %add3A_334 : i32 to vector<16xi32>
          %add3A_336 = arith.addi %add3A_333, %add3A_335 : vector<16xi32>
          %and3A = arith.constant 63 : i32
          %and3A_337 = vector.broadcast %and3A : i32 to vector<16xi32>
          %and3A_338 = arith.andi %add3A_336, %and3A_337 : vector<16xi32>
          %gather3A = tpu.vector_load_idx %arg13[%add3A_308, %and3A_338] : memref<80x64xi32, #tpu.memory_space<vmem>>[vector<16xi32>, vector<16xi32>], vector<16xi32>,
          %bitcast3A = vector.bitcast %gather3A : vector<16xi32> to vector<32xbf16>
          %gather3A_339 = tpu.vector_load_idx %arg14[%add3A_308, %and3A_338] : memref<80x64xi32, #tpu.memory_space<vmem>>[vector<16xi32>, vector<16xi32>], vector<16xi32>,
          %bitcast3A_340 = vector.bitcast %gather3A_339 : vector<16xi32> to vector<32xbf16>
          %gather3A_341 = tpu.vector_load_idx %arg17[%get3A_310, %and3A_338] : memref<964x64xi32, #tpu.memory_space<vmem>>[vector<16xi32>, vector<16xi32>], vector<16xi32>,
          %bitcast3A_342 = vector.bitcast %gather3A_341 : vector<16xi32> to vector<32xbf16>
          %mul3A_343 = arith.mulf %bitcast3A, %bitcast3A_340 : vector<32xbf16>
          %mul3A_344 = arith.mulf %mul3A_343, %bitcast3A_342 : vector<32xbf16>
          %unpack3A = tpu.unpack_subelements %mul3A_344, 0 {pack_format = #tpu.pack_format<interleaved>} : vector<32xbf16> -> vector<16xf32>
          %unpack3A_345 = tpu.unpack_subelements %mul3A_344, 1 {pack_format = #tpu.pack_format<interleaved>} : vector<32xbf16> -> vector<16xf32>
          %add3A_346 = arith.addf %scan3A_328, %unpack3A : vector<16xf32>
          %add3A_347 = arith.addf %add3A_346, %unpack3A_345 : vector<16xf32>
          %mul3A_348 = arith.constant 16 : i32
          %mul3A_349 = arith.muli %scan3A_327, %mul3A_348 : i32
          %add3A_350 = vector.broadcast %mul3A_349 : i32 to vector<16xi32>
          %add3A_351 = arith.addi %iota3A, %add3A_350 : vector<16xi32>
          %add3A_352 = arith.constant 1 : i32
          %add3A_353 = vector.broadcast %add3A_352 : i32 to vector<16xi32>
          %add3A_354 = arith.addi %add3A_351, %add3A_353 : vector<16xi32>
          %and3A_355 = arith.constant 63 : i32
          %and3A_356 = vector.broadcast %and3A_355 : i32 to vector<16xi32>
          %and3A_357 = arith.andi %add3A_354, %and3A_356 : vector<16xi32>
          %gather3A_358 = tpu.vector_load_idx %arg13[%add3A_308, %and3A_357] : memref<80x64xi32, #tpu.memory_space<vmem>>[vector<16xi32>, vector<16xi32>], vector<16xi32>,
          %bitcast3A_359 = vector.bitcast %gather3A_358 : vector<16xi32> to vector<32xbf16>
          %gather3A_360 = tpu.vector_load_idx %arg14[%add3A_308, %and3A_357] : memref<80x64xi32, #tpu.memory_space<vmem>>[vector<16xi32>, vector<16xi32>], vector<16xi32>,
          %bitcast3A_361 = vector.bitcast %gather3A_360 : vector<16xi32> to vector<32xbf16>
          %gather3A_362 = tpu.vector_load_idx %arg17[%get3A_310, %and3A_357] : memref<964x64xi32, #tpu.memory_space<vmem>>[vector<16xi32>, vector<16xi32>], vector<16xi32>,
          %bitcast3A_363 = vector.bitcast %gather3A_362 : vector<16xi32> to vector<32xbf16>
          %mul3A_364 = arith.mulf %bitcast3A_359, %bitcast3A_361 : vector<32xbf16>
          %mul3A_365 = arith.mulf %mul3A_364, %bitcast3A_363 : vector<32xbf16>
          %unpack3A_366 = tpu.unpack_subelements %mul3A_365, 0 {pack_format = #tpu.pack_format<interleaved>} : vector<32xbf16> -> vector<16xf32>
          %unpack3A_367 = tpu.unpack_subelements %mul3A_365, 1 {pack_format = #tpu.pack_format<interleaved>} : vector<32xbf16> -> vector<16xf32>
          %add3A_368 = arith.addf %scan3A_329, %unpack3A_366 : vector<16xf32>
          %add3A_369 = arith.addf %add3A_368, %unpack3A_367 : vector<16xf32>
          %mul3A_370 = arith.constant 16 : i32
          %mul3A_371 = arith.muli %scan3A_327, %mul3A_370 : i32
          %add3A_372 = vector.broadcast %mul3A_371 : i32 to vector<16xi32>
          %add3A_373 = arith.addi %iota3A, %add3A_372 : vector<16xi32>
          %add3A_374 = arith.constant 2 : i32
          %add3A_375 = vector.broadcast %add3A_374 : i32 to vector<16xi32>
          %add3A_376 = arith.addi %add3A_373, %add3A_375 : vector<16xi32>
          %and3A_377 = arith.constant 63 : i32
          %and3A_378 = vector.broadcast %and3A_377 : i32 to vector<16xi32>
          %and3A_379 = arith.andi %add3A_376, %and3A_378 : vector<16xi32>
          %gather3A_380 = tpu.vector_load_idx %arg13[%add3A_308, %and3A_379] : memref<80x64xi32, #tpu.memory_space<vmem>>[vector<16xi32>, vector<16xi32>], vector<16xi32>,
          %bitcast3A_381 = vector.bitcast %gather3A_380 : vector<16xi32> to vector<32xbf16>
          %gather3A_382 = tpu.vector_load_idx %arg14[%add3A_308, %and3A_379] : memref<80x64xi32, #tpu.memory_space<vmem>>[vector<16xi32>, vector<16xi32>], vector<16xi32>,
          %bitcast3A_383 = vector.bitcast %gather3A_382 : vector<16xi32> to vector<32xbf16>
          %gather3A_384 = tpu.vector_load_idx %arg17[%get3A_310, %and3A_379] : memref<964x64xi32, #tpu.memory_space<vmem>>[vector<16xi32>, vector<16xi32>], vector<16xi32>,
          %bitcast3A_385 = vector.bitcast %gather3A_384 : vector<16xi32> to vector<32xbf16>
          %mul3A_386 = arith.mulf %bitcast3A_381, %bitcast3A_383 : vector<32xbf16>
          %mul3A_387 = arith.mulf %mul3A_386, %bitcast3A_385 : vector<32xbf16>
          %unpack3A_388 = tpu.unpack_subelements %mul3A_387, 0 {pack_format = #tpu.pack_format<interleaved>} : vector<32xbf16> -> vector<16xf32>
          %unpack3A_389 = tpu.unpack_subelements %mul3A_387, 1 {pack_format = #tpu.pack_format<interleaved>} : vector<32xbf16> -> vector<16xf32>
          %add3A_390 = arith.addf %add3A_347, %unpack3A_388 : vector<16xf32>
          %add3A_391 = arith.addf %add3A_390, %unpack3A_389 : vector<16xf32>
          %mul3A_392 = arith.constant 16 : i32
          %mul3A_393 = arith.muli %scan3A_327, %mul3A_392 : i32
          %add3A_394 = vector.broadcast %mul3A_393 : i32 to vector<16xi32>
          %add3A_395 = arith.addi %iota3A, %add3A_394 : vector<16xi32>
          %add3A_396 = arith.constant 3 : i32
          %add3A_397 = vector.broadcast %add3A_396 : i32 to vector<16xi32>
          %add3A_398 = arith.addi %add3A_395, %add3A_397 : vector<16xi32>
          %and3A_399 = arith.constant 63 : i32
          %and3A_400 = vector.broadcast %and3A_399 : i32 to vector<16xi32>
          %and3A_401 = arith.andi %add3A_398, %and3A_400 : vector<16xi32>
          %gather3A_402 = tpu.vector_load_idx %arg13[%add3A_308, %and3A_401] : memref<80x64xi32, #tpu.memory_space<vmem>>[vector<16xi32>, vector<16xi32>], vector<16xi32>,
          %bitcast3A_403 = vector.bitcast %gather3A_402 : vector<16xi32> to vector<32xbf16>
          %gather3A_404 = tpu.vector_load_idx %arg14[%add3A_308, %and3A_401] : memref<80x64xi32, #tpu.memory_space<vmem>>[vector<16xi32>, vector<16xi32>], vector<16xi32>,
          %bitcast3A_405 = vector.bitcast %gather3A_404 : vector<16xi32> to vector<32xbf16>
          %gather3A_406 = tpu.vector_load_idx %arg17[%get3A_310, %and3A_401] : memref<964x64xi32, #tpu.memory_space<vmem>>[vector<16xi32>, vector<16xi32>], vector<16xi32>,
          %bitcast3A_407 = vector.bitcast %gather3A_406 : vector<16xi32> to vector<32xbf16>
          %mul3A_408 = arith.mulf %bitcast3A_403, %bitcast3A_405 : vector<32xbf16>
          %mul3A_409 = arith.mulf %mul3A_408, %bitcast3A_407 : vector<32xbf16>
          %unpack3A_410 = tpu.unpack_subelements %mul3A_409, 0 {pack_format = #tpu.pack_format<interleaved>} : vector<32xbf16> -> vector<16xf32>
          %unpack3A_411 = tpu.unpack_subelements %mul3A_409, 1 {pack_format = #tpu.pack_format<interleaved>} : vector<32xbf16> -> vector<16xf32>
          %add3A_412 = arith.addf %add3A_369, %unpack3A_410 : vector<16xf32>
          %add3A_413 = arith.addf %add3A_412, %unpack3A_411 : vector<16xf32>
          %mul3A_414 = arith.constant 16 : i32
          %mul3A_415 = arith.muli %scan3A_327, %mul3A_414 : i32
          %add3A_416 = vector.broadcast %mul3A_415 : i32 to vector<16xi32>
          %add3A_417 = arith.addi %iota3A, %add3A_416 : vector<16xi32>
          %add3A_418 = arith.constant 4 : i32
          %add3A_419 = vector.broadcast %add3A_418 : i32 to vector<16xi32>
          %add3A_420 = arith.addi %add3A_417, %add3A_419 : vector<16xi32>
          %and3A_421 = arith.constant 63 : i32
          %and3A_422 = vector.broadcast %and3A_421 : i32 to vector<16xi32>
          %and3A_423 = arith.andi %add3A_420, %and3A_422 : vector<16xi32>
          %gather3A_424 = tpu.vector_load_idx %arg13[%add3A_308, %and3A_423] : memref<80x64xi32, #tpu.memory_space<vmem>>[vector<16xi32>, vector<16xi32>], vector<16xi32>,
          %bitcast3A_425 = vector.bitcast %gather3A_424 : vector<16xi32> to vector<32xbf16>
          %gather3A_426 = tpu.vector_load_idx %arg14[%add3A_308, %and3A_423] : memref<80x64xi32, #tpu.memory_space<vmem>>[vector<16xi32>, vector<16xi32>], vector<16xi32>,
          %bitcast3A_427 = vector.bitcast %gather3A_426 : vector<16xi32> to vector<32xbf16>
          %gather3A_428 = tpu.vector_load_idx %arg17[%get3A_310, %and3A_423] : memref<964x64xi32, #tpu.memory_space<vmem>>[vector<16xi32>, vector<16xi32>], vector<16xi32>,
          %bitcast3A_429 = vector.bitcast %gather3A_428 : vector<16xi32> to vector<32xbf16>
          %mul3A_430 = arith.mulf %bitcast3A_425, %bitcast3A_427 : vector<32xbf16>
          %mul3A_431 = arith.mulf %mul3A_430, %bitcast3A_429 : vector<32xbf16>
          %unpack3A_432 = tpu.unpack_subelements %mul3A_431, 0 {pack_format = #tpu.pack_format<interleaved>} : vector<32xbf16> -> vector<16xf32>
          %unpack3A_433 = tpu.unpack_subelements %mul3A_431, 1 {pack_format = #tpu.pack_format<interleaved>} : vector<32xbf16> -> vector<16xf32>
          %add3A_434 = arith.addf %add3A_391, %unpack3A_432 : vector<16xf32>
          %add3A_435 = arith.addf %add3A_434, %unpack3A_433 : vector<16xf32>
          %mul3A_436 = arith.constant 16 : i32
          %mul3A_437 = arith.muli %scan3A_327, %mul3A_436 : i32
          %add3A_438 = vector.broadcast %mul3A_437 : i32 to vector<16xi32>
          %add3A_439 = arith.addi %iota3A, %add3A_438 : vector<16xi32>
          %add3A_440 = arith.constant 5 : i32
          %add3A_441 = vector.broadcast %add3A_440 : i32 to vector<16xi32>
          %add3A_442 = arith.addi %add3A_439, %add3A_441 : vector<16xi32>
          %and3A_443 = arith.constant 63 : i32
          %and3A_444 = vector.broadcast %and3A_443 : i32 to vector<16xi32>
          %and3A_445 = arith.andi %add3A_442, %and3A_444 : vector<16xi32>
          %gather3A_446 = tpu.vector_load_idx %arg13[%add3A_308, %and3A_445] : memref<80x64xi32, #tpu.memory_space<vmem>>[vector<16xi32>, vector<16xi32>], vector<16xi32>,
          %bitcast3A_447 = vector.bitcast %gather3A_446 : vector<16xi32> to vector<32xbf16>
          %gather3A_448 = tpu.vector_load_idx %arg14[%add3A_308, %and3A_445] : memref<80x64xi32, #tpu.memory_space<vmem>>[vector<16xi32>, vector<16xi32>], vector<16xi32>,
          %bitcast3A_449 = vector.bitcast %gather3A_448 : vector<16xi32> to vector<32xbf16>
          %gather3A_450 = tpu.vector_load_idx %arg17[%get3A_310, %and3A_445] : memref<964x64xi32, #tpu.memory_space<vmem>>[vector<16xi32>, vector<16xi32>], vector<16xi32>,
          %bitcast3A_451 = vector.bitcast %gather3A_450 : vector<16xi32> to vector<32xbf16>
          %mul3A_452 = arith.mulf %bitcast3A_447, %bitcast3A_449 : vector<32xbf16>
          %mul3A_453 = arith.mulf %mul3A_452, %bitcast3A_451 : vector<32xbf16>
          %unpack3A_454 = tpu.unpack_subelements %mul3A_453, 0 {pack_format = #tpu.pack_format<interleaved>} : vector<32xbf16> -> vector<16xf32>
          %unpack3A_455 = tpu.unpack_subelements %mul3A_453, 1 {pack_format = #tpu.pack_format<interleaved>} : vector<32xbf16> -> vector<16xf32>
          %add3A_456 = arith.addf %add3A_413, %unpack3A_454 : vector<16xf32>
          %add3A_457 = arith.addf %add3A_456, %unpack3A_455 : vector<16xf32>
          %mul3A_458 = arith.constant 16 : i32
          %mul3A_459 = arith.muli %scan3A_327, %mul3A_458 : i32
          %add3A_460 = vector.broadcast %mul3A_459 : i32 to vector<16xi32>
          %add3A_461 = arith.addi %iota3A, %add3A_460 : vector<16xi32>
          %add3A_462 = arith.constant 6 : i32
          %add3A_463 = vector.broadcast %add3A_462 : i32 to vector<16xi32>
          %add3A_464 = arith.addi %add3A_461, %add3A_463 : vector<16xi32>
          %and3A_465 = arith.constant 63 : i32
          %and3A_466 = vector.broadcast %and3A_465 : i32 to vector<16xi32>
          %and3A_467 = arith.andi %add3A_464, %and3A_466 : vector<16xi32>
          %gather3A_468 = tpu.vector_load_idx %arg13[%add3A_308, %and3A_467] : memref<80x64xi32, #tpu.memory_space<vmem>>[vector<16xi32>, vector<16xi32>], vector<16xi32>,
          %bitcast3A_469 = vector.bitcast %gather3A_468 : vector<16xi32> to vector<32xbf16>
          %gather3A_470 = tpu.vector_load_idx %arg14[%add3A_308, %and3A_467] : memref<80x64xi32, #tpu.memory_space<vmem>>[vector<16xi32>, vector<16xi32>], vector<16xi32>,
          %bitcast3A_471 = vector.bitcast %gather3A_470 : vector<16xi32> to vector<32xbf16>
          %gather3A_472 = tpu.vector_load_idx %arg17[%get3A_310, %and3A_467] : memref<964x64xi32, #tpu.memory_space<vmem>>[vector<16xi32>, vector<16xi32>], vector<16xi32>,
          %bitcast3A_473 = vector.bitcast %gather3A_472 : vector<16xi32> to vector<32xbf16>
          %mul3A_474 = arith.mulf %bitcast3A_469, %bitcast3A_471 : vector<32xbf16>
          %mul3A_475 = arith.mulf %mul3A_474, %bitcast3A_473 : vector<32xbf16>
          %unpack3A_476 = tpu.unpack_subelements %mul3A_475, 0 {pack_format = #tpu.pack_format<interleaved>} : vector<32xbf16> -> vector<16xf32>
          %unpack3A_477 = tpu.unpack_subelements %mul3A_475, 1 {pack_format = #tpu.pack_format<interleaved>} : vector<32xbf16> -> vector<16xf32>
          %add3A_478 = arith.addf %add3A_435, %unpack3A_476 : vector<16xf32>
          %add3A_479 = arith.addf %add3A_478, %unpack3A_477 : vector<16xf32>
          %mul3A_480 = arith.constant 16 : i32
          %mul3A_481 = arith.muli %scan3A_327, %mul3A_480 : i32
          %add3A_482 = vector.broadcast %mul3A_481 : i32 to vector<16xi32>
          %add3A_483 = arith.addi %iota3A, %add3A_482 : vector<16xi32>
          %add3A_484 = arith.constant 7 : i32
          %add3A_485 = vector.broadcast %add3A_484 : i32 to vector<16xi32>
          %add3A_486 = arith.addi %add3A_483, %add3A_485 : vector<16xi32>
          %and3A_487 = arith.constant 63 : i32
          %and3A_488 = vector.broadcast %and3A_487 : i32 to vector<16xi32>
          %and3A_489 = arith.andi %add3A_486, %and3A_488 : vector<16xi32>
          %gather3A_490 = tpu.vector_load_idx %arg13[%add3A_308, %and3A_489] : memref<80x64xi32, #tpu.memory_space<vmem>>[vector<16xi32>, vector<16xi32>], vector<16xi32>,
          %bitcast3A_491 = vector.bitcast %gather3A_490 : vector<16xi32> to vector<32xbf16>
          %gather3A_492 = tpu.vector_load_idx %arg14[%add3A_308, %and3A_489] : memref<80x64xi32, #tpu.memory_space<vmem>>[vector<16xi32>, vector<16xi32>], vector<16xi32>,
          %bitcast3A_493 = vector.bitcast %gather3A_492 : vector<16xi32> to vector<32xbf16>
          %gather3A_494 = tpu.vector_load_idx %arg17[%get3A_310, %and3A_489] : memref<964x64xi32, #tpu.memory_space<vmem>>[vector<16xi32>, vector<16xi32>], vector<16xi32>,
          %bitcast3A_495 = vector.bitcast %gather3A_494 : vector<16xi32> to vector<32xbf16>
          %mul3A_496 = arith.mulf %bitcast3A_491, %bitcast3A_493 : vector<32xbf16>
          %mul3A_497 = arith.mulf %mul3A_496, %bitcast3A_495 : vector<32xbf16>
          %unpack3A_498 = tpu.unpack_subelements %mul3A_497, 0 {pack_format = #tpu.pack_format<interleaved>} : vector<32xbf16> -> vector<16xf32>
          %unpack3A_499 = tpu.unpack_subelements %mul3A_497, 1 {pack_format = #tpu.pack_format<interleaved>} : vector<32xbf16> -> vector<16xf32>
          %add3A_500 = arith.addf %add3A_457, %unpack3A_498 : vector<16xf32>
          %add3A_501 = arith.addf %add3A_500, %unpack3A_499 : vector<16xf32>
          %mul3A_502 = arith.constant 16 : i32
          %mul3A_503 = arith.muli %scan3A_327, %mul3A_502 : i32
          %add3A_504 = vector.broadcast %mul3A_503 : i32 to vector<16xi32>
          %add3A_505 = arith.addi %iota3A, %add3A_504 : vector<16xi32>
          %add3A_506 = arith.constant 8 : i32
          %add3A_507 = vector.broadcast %add3A_506 : i32 to vector<16xi32>
          %add3A_508 = arith.addi %add3A_505, %add3A_507 : vector<16xi32>
          %and3A_509 = arith.constant 63 : i32
          %and3A_510 = vector.broadcast %and3A_509 : i32 to vector<16xi32>
          %and3A_511 = arith.andi %add3A_508, %and3A_510 : vector<16xi32>
          %gather3A_512 = tpu.vector_load_idx %arg13[%add3A_308, %and3A_511] : memref<80x64xi32, #tpu.memory_space<vmem>>[vector<16xi32>, vector<16xi32>], vector<16xi32>,
          %bitcast3A_513 = vector.bitcast %gather3A_512 : vector<16xi32> to vector<32xbf16>
          %gather3A_514 = tpu.vector_load_idx %arg14[%add3A_308, %and3A_511] : memref<80x64xi32, #tpu.memory_space<vmem>>[vector<16xi32>, vector<16xi32>], vector<16xi32>,
          %bitcast3A_515 = vector.bitcast %gather3A_514 : vector<16xi32> to vector<32xbf16>
          %gather3A_516 = tpu.vector_load_idx %arg17[%get3A_310, %and3A_511] : memref<964x64xi32, #tpu.memory_space<vmem>>[vector<16xi32>, vector<16xi32>], vector<16xi32>,
          %bitcast3A_517 = vector.bitcast %gather3A_516 : vector<16xi32> to vector<32xbf16>
          %mul3A_518 = arith.mulf %bitcast3A_513, %bitcast3A_515 : vector<32xbf16>
          %mul3A_519 = arith.mulf %mul3A_518, %bitcast3A_517 : vector<32xbf16>
          %unpack3A_520 = tpu.unpack_subelements %mul3A_519, 0 {pack_format = #tpu.pack_format<interleaved>} : vector<32xbf16> -> vector<16xf32>
          %unpack3A_521 = tpu.unpack_subelements %mul3A_519, 1 {pack_format = #tpu.pack_format<interleaved>} : vector<32xbf16> -> vector<16xf32>
          %add3A_522 = arith.addf %add3A_479, %unpack3A_520 : vector<16xf32>
          %add3A_523 = arith.addf %add3A_522, %unpack3A_521 : vector<16xf32>
          %mul3A_524 = arith.constant 16 : i32
          %mul3A_525 = arith.muli %scan3A_327, %mul3A_524 : i32
          %add3A_526 = vector.broadcast %mul3A_525 : i32 to vector<16xi32>
          %add3A_527 = arith.addi %iota3A, %add3A_526 : vector<16xi32>
          %add3A_528 = arith.constant 9 : i32
          %add3A_529 = vector.broadcast %add3A_528 : i32 to vector<16xi32>
          %add3A_530 = arith.addi %add3A_527, %add3A_529 : vector<16xi32>
          %and3A_531 = arith.constant 63 : i32
          %and3A_532 = vector.broadcast %and3A_531 : i32 to vector<16xi32>
          %and3A_533 = arith.andi %add3A_530, %and3A_532 : vector<16xi32>
          %gather3A_534 = tpu.vector_load_idx %arg13[%add3A_308, %and3A_533] : memref<80x64xi32, #tpu.memory_space<vmem>>[vector<16xi32>, vector<16xi32>], vector<16xi32>,
          %bitcast3A_535 = vector.bitcast %gather3A_534 : vector<16xi32> to vector<32xbf16>
          %gather3A_536 = tpu.vector_load_idx %arg14[%add3A_308, %and3A_533] : memref<80x64xi32, #tpu.memory_space<vmem>>[vector<16xi32>, vector<16xi32>], vector<16xi32>,
          %bitcast3A_537 = vector.bitcast %gather3A_536 : vector<16xi32> to vector<32xbf16>
          %gather3A_538 = tpu.vector_load_idx %arg17[%get3A_310, %and3A_533] : memref<964x64xi32, #tpu.memory_space<vmem>>[vector<16xi32>, vector<16xi32>], vector<16xi32>,
          %bitcast3A_539 = vector.bitcast %gather3A_538 : vector<16xi32> to vector<32xbf16>
          %mul3A_540 = arith.mulf %bitcast3A_535, %bitcast3A_537 : vector<32xbf16>
          %mul3A_541 = arith.mulf %mul3A_540, %bitcast3A_539 : vector<32xbf16>
          %unpack3A_542 = tpu.unpack_subelements %mul3A_541, 0 {pack_format = #tpu.pack_format<interleaved>} : vector<32xbf16> -> vector<16xf32>
          %unpack3A_543 = tpu.unpack_subelements %mul3A_541, 1 {pack_format = #tpu.pack_format<interleaved>} : vector<32xbf16> -> vector<16xf32>
          %add3A_544 = arith.addf %add3A_501, %unpack3A_542 : vector<16xf32>
          %add3A_545 = arith.addf %add3A_544, %unpack3A_543 : vector<16xf32>
          %mul3A_546 = arith.constant 16 : i32
          %mul3A_547 = arith.muli %scan3A_327, %mul3A_546 : i32
          %add3A_548 = vector.broadcast %mul3A_547 : i32 to vector<16xi32>
          %add3A_549 = arith.addi %iota3A, %add3A_548 : vector<16xi32>
          %add3A_550 = arith.constant 10 : i32
          %add3A_551 = vector.broadcast %add3A_550 : i32 to vector<16xi32>
          %add3A_552 = arith.addi %add3A_549, %add3A_551 : vector<16xi32>
          %and3A_553 = arith.constant 63 : i32
          %and3A_554 = vector.broadcast %and3A_553 : i32 to vector<16xi32>
          %and3A_555 = arith.andi %add3A_552, %and3A_554 : vector<16xi32>
          %gather3A_556 = tpu.vector_load_idx %arg13[%add3A_308, %and3A_555] : memref<80x64xi32, #tpu.memory_space<vmem>>[vector<16xi32>, vector<16xi32>], vector<16xi32>,
          %bitcast3A_557 = vector.bitcast %gather3A_556 : vector<16xi32> to vector<32xbf16>
          %gather3A_558 = tpu.vector_load_idx %arg14[%add3A_308, %and3A_555] : memref<80x64xi32, #tpu.memory_space<vmem>>[vector<16xi32>, vector<16xi32>], vector<16xi32>,
          %bitcast3A_559 = vector.bitcast %gather3A_558 : vector<16xi32> to vector<32xbf16>
          %gather3A_560 = tpu.vector_load_idx %arg17[%get3A_310, %and3A_555] : memref<964x64xi32, #tpu.memory_space<vmem>>[vector<16xi32>, vector<16xi32>], vector<16xi32>,
          %bitcast3A_561 = vector.bitcast %gather3A_560 : vector<16xi32> to vector<32xbf16>
          %mul3A_562 = arith.mulf %bitcast3A_557, %bitcast3A_559 : vector<32xbf16>
          %mul3A_563 = arith.mulf %mul3A_562, %bitcast3A_561 : vector<32xbf16>
          %unpack3A_564 = tpu.unpack_subelements %mul3A_563, 0 {pack_format = #tpu.pack_format<interleaved>} : vector<32xbf16> -> vector<16xf32>
          %unpack3A_565 = tpu.unpack_subelements %mul3A_563, 1 {pack_format = #tpu.pack_format<interleaved>} : vector<32xbf16> -> vector<16xf32>
          %add3A_566 = arith.addf %add3A_523, %unpack3A_564 : vector<16xf32>
          %add3A_567 = arith.addf %add3A_566, %unpack3A_565 : vector<16xf32>
          %mul3A_568 = arith.constant 16 : i32
          %mul3A_569 = arith.muli %scan3A_327, %mul3A_568 : i32
          %add3A_570 = vector.broadcast %mul3A_569 : i32 to vector<16xi32>
          %add3A_571 = arith.addi %iota3A, %add3A_570 : vector<16xi32>
          %add3A_572 = arith.constant 11 : i32
          %add3A_573 = vector.broadcast %add3A_572 : i32 to vector<16xi32>
          %add3A_574 = arith.addi %add3A_571, %add3A_573 : vector<16xi32>
          %and3A_575 = arith.constant 63 : i32
          %and3A_576 = vector.broadcast %and3A_575 : i32 to vector<16xi32>
          %and3A_577 = arith.andi %add3A_574, %and3A_576 : vector<16xi32>
          %gather3A_578 = tpu.vector_load_idx %arg13[%add3A_308, %and3A_577] : memref<80x64xi32, #tpu.memory_space<vmem>>[vector<16xi32>, vector<16xi32>], vector<16xi32>,
          %bitcast3A_579 = vector.bitcast %gather3A_578 : vector<16xi32> to vector<32xbf16>
          %gather3A_580 = tpu.vector_load_idx %arg14[%add3A_308, %and3A_577] : memref<80x64xi32, #tpu.memory_space<vmem>>[vector<16xi32>, vector<16xi32>], vector<16xi32>,
          %bitcast3A_581 = vector.bitcast %gather3A_580 : vector<16xi32> to vector<32xbf16>
          %gather3A_582 = tpu.vector_load_idx %arg17[%get3A_310, %and3A_577] : memref<964x64xi32, #tpu.memory_space<vmem>>[vector<16xi32>, vector<16xi32>], vector<16xi32>,
          %bitcast3A_583 = vector.bitcast %gather3A_582 : vector<16xi32> to vector<32xbf16>
          %mul3A_584 = arith.mulf %bitcast3A_579, %bitcast3A_581 : vector<32xbf16>
          %mul3A_585 = arith.mulf %mul3A_584, %bitcast3A_583 : vector<32xbf16>
          %unpack3A_586 = tpu.unpack_subelements %mul3A_585, 0 {pack_format = #tpu.pack_format<interleaved>} : vector<32xbf16> -> vector<16xf32>
          %unpack3A_587 = tpu.unpack_subelements %mul3A_585, 1 {pack_format = #tpu.pack_format<interleaved>} : vector<32xbf16> -> vector<16xf32>
          %add3A_588 = arith.addf %add3A_545, %unpack3A_586 : vector<16xf32>
          %add3A_589 = arith.addf %add3A_588, %unpack3A_587 : vector<16xf32>
          %mul3A_590 = arith.constant 16 : i32
          %mul3A_591 = arith.muli %scan3A_327, %mul3A_590 : i32
          %add3A_592 = vector.broadcast %mul3A_591 : i32 to vector<16xi32>
          %add3A_593 = arith.addi %iota3A, %add3A_592 : vector<16xi32>
          %add3A_594 = arith.constant 12 : i32
          %add3A_595 = vector.broadcast %add3A_594 : i32 to vector<16xi32>
          %add3A_596 = arith.addi %add3A_593, %add3A_595 : vector<16xi32>
          %and3A_597 = arith.constant 63 : i32
          %and3A_598 = vector.broadcast %and3A_597 : i32 to vector<16xi32>
          %and3A_599 = arith.andi %add3A_596, %and3A_598 : vector<16xi32>
          %gather3A_600 = tpu.vector_load_idx %arg13[%add3A_308, %and3A_599] : memref<80x64xi32, #tpu.memory_space<vmem>>[vector<16xi32>, vector<16xi32>], vector<16xi32>,
          %bitcast3A_601 = vector.bitcast %gather3A_600 : vector<16xi32> to vector<32xbf16>
          %gather3A_602 = tpu.vector_load_idx %arg14[%add3A_308, %and3A_599] : memref<80x64xi32, #tpu.memory_space<vmem>>[vector<16xi32>, vector<16xi32>], vector<16xi32>,
          %bitcast3A_603 = vector.bitcast %gather3A_602 : vector<16xi32> to vector<32xbf16>
          %gather3A_604 = tpu.vector_load_idx %arg17[%get3A_310, %and3A_599] : memref<964x64xi32, #tpu.memory_space<vmem>>[vector<16xi32>, vector<16xi32>], vector<16xi32>,
          %bitcast3A_605 = vector.bitcast %gather3A_604 : vector<16xi32> to vector<32xbf16>
          %mul3A_606 = arith.mulf %bitcast3A_601, %bitcast3A_603 : vector<32xbf16>
          %mul3A_607 = arith.mulf %mul3A_606, %bitcast3A_605 : vector<32xbf16>
          %unpack3A_608 = tpu.unpack_subelements %mul3A_607, 0 {pack_format = #tpu.pack_format<interleaved>} : vector<32xbf16> -> vector<16xf32>
          %unpack3A_609 = tpu.unpack_subelements %mul3A_607, 1 {pack_format = #tpu.pack_format<interleaved>} : vector<32xbf16> -> vector<16xf32>
          %add3A_610 = arith.addf %add3A_567, %unpack3A_608 : vector<16xf32>
          %add3A_611 = arith.addf %add3A_610, %unpack3A_609 : vector<16xf32>
          %mul3A_612 = arith.constant 16 : i32
          %mul3A_613 = arith.muli %scan3A_327, %mul3A_612 : i32
          %add3A_614 = vector.broadcast %mul3A_613 : i32 to vector<16xi32>
          %add3A_615 = arith.addi %iota3A, %add3A_614 : vector<16xi32>
          %add3A_616 = arith.constant 13 : i32
          %add3A_617 = vector.broadcast %add3A_616 : i32 to vector<16xi32>
          %add3A_618 = arith.addi %add3A_615, %add3A_617 : vector<16xi32>
          %and3A_619 = arith.constant 63 : i32
          %and3A_620 = vector.broadcast %and3A_619 : i32 to vector<16xi32>
          %and3A_621 = arith.andi %add3A_618, %and3A_620 : vector<16xi32>
          %gather3A_622 = tpu.vector_load_idx %arg13[%add3A_308, %and3A_621] : memref<80x64xi32, #tpu.memory_space<vmem>>[vector<16xi32>, vector<16xi32>], vector<16xi32>,
          %bitcast3A_623 = vector.bitcast %gather3A_622 : vector<16xi32> to vector<32xbf16>
          %gather3A_624 = tpu.vector_load_idx %arg14[%add3A_308, %and3A_621] : memref<80x64xi32, #tpu.memory_space<vmem>>[vector<16xi32>, vector<16xi32>], vector<16xi32>,
          %bitcast3A_625 = vector.bitcast %gather3A_624 : vector<16xi32> to vector<32xbf16>
          %gather3A_626 = tpu.vector_load_idx %arg17[%get3A_310, %and3A_621] : memref<964x64xi32, #tpu.memory_space<vmem>>[vector<16xi32>, vector<16xi32>], vector<16xi32>,
          %bitcast3A_627 = vector.bitcast %gather3A_626 : vector<16xi32> to vector<32xbf16>
          %mul3A_628 = arith.mulf %bitcast3A_623, %bitcast3A_625 : vector<32xbf16>
          %mul3A_629 = arith.mulf %mul3A_628, %bitcast3A_627 : vector<32xbf16>
          %unpack3A_630 = tpu.unpack_subelements %mul3A_629, 0 {pack_format = #tpu.pack_format<interleaved>} : vector<32xbf16> -> vector<16xf32>
          %unpack3A_631 = tpu.unpack_subelements %mul3A_629, 1 {pack_format = #tpu.pack_format<interleaved>} : vector<32xbf16> -> vector<16xf32>
          %add3A_632 = arith.addf %add3A_589, %unpack3A_630 : vector<16xf32>
          %add3A_633 = arith.addf %add3A_632, %unpack3A_631 : vector<16xf32>
          %mul3A_634 = arith.constant 16 : i32
          %mul3A_635 = arith.muli %scan3A_327, %mul3A_634 : i32
          %add3A_636 = vector.broadcast %mul3A_635 : i32 to vector<16xi32>
          %add3A_637 = arith.addi %iota3A, %add3A_636 : vector<16xi32>
          %add3A_638 = arith.constant 14 : i32
          %add3A_639 = vector.broadcast %add3A_638 : i32 to vector<16xi32>
          %add3A_640 = arith.addi %add3A_637, %add3A_639 : vector<16xi32>
          %and3A_641 = arith.constant 63 : i32
          %and3A_642 = vector.broadcast %and3A_641 : i32 to vector<16xi32>
          %and3A_643 = arith.andi %add3A_640, %and3A_642 : vector<16xi32>
          %gather3A_644 = tpu.vector_load_idx %arg13[%add3A_308, %and3A_643] : memref<80x64xi32, #tpu.memory_space<vmem>>[vector<16xi32>, vector<16xi32>], vector<16xi32>,
          %bitcast3A_645 = vector.bitcast %gather3A_644 : vector<16xi32> to vector<32xbf16>
          %gather3A_646 = tpu.vector_load_idx %arg14[%add3A_308, %and3A_643] : memref<80x64xi32, #tpu.memory_space<vmem>>[vector<16xi32>, vector<16xi32>], vector<16xi32>,
          %bitcast3A_647 = vector.bitcast %gather3A_646 : vector<16xi32> to vector<32xbf16>
          %gather3A_648 = tpu.vector_load_idx %arg17[%get3A_310, %and3A_643] : memref<964x64xi32, #tpu.memory_space<vmem>>[vector<16xi32>, vector<16xi32>], vector<16xi32>,
          %bitcast3A_649 = vector.bitcast %gather3A_648 : vector<16xi32> to vector<32xbf16>
          %mul3A_650 = arith.mulf %bitcast3A_645, %bitcast3A_647 : vector<32xbf16>
          %mul3A_651 = arith.mulf %mul3A_650, %bitcast3A_649 : vector<32xbf16>
          %unpack3A_652 = tpu.unpack_subelements %mul3A_651, 0 {pack_format = #tpu.pack_format<interleaved>} : vector<32xbf16> -> vector<16xf32>
          %unpack3A_653 = tpu.unpack_subelements %mul3A_651, 1 {pack_format = #tpu.pack_format<interleaved>} : vector<32xbf16> -> vector<16xf32>
          %add3A_654 = arith.addf %add3A_611, %unpack3A_652 : vector<16xf32>
          %add3A_655 = arith.addf %add3A_654, %unpack3A_653 : vector<16xf32>
          %mul3A_656 = arith.constant 16 : i32
          %mul3A_657 = arith.muli %scan3A_327, %mul3A_656 : i32
          %add3A_658 = vector.broadcast %mul3A_657 : i32 to vector<16xi32>
          %add3A_659 = arith.addi %iota3A, %add3A_658 : vector<16xi32>
          %add3A_660 = arith.constant 15 : i32
          %add3A_661 = vector.broadcast %add3A_660 : i32 to vector<16xi32>
          %add3A_662 = arith.addi %add3A_659, %add3A_661 : vector<16xi32>
          %and3A_663 = arith.constant 63 : i32
          %and3A_664 = vector.broadcast %and3A_663 : i32 to vector<16xi32>
          %and3A_665 = arith.andi %add3A_662, %and3A_664 : vector<16xi32>
          %gather3A_666 = tpu.vector_load_idx %arg13[%add3A_308, %and3A_665] : memref<80x64xi32, #tpu.memory_space<vmem>>[vector<16xi32>, vector<16xi32>], vector<16xi32>,
          %bitcast3A_667 = vector.bitcast %gather3A_666 : vector<16xi32> to vector<32xbf16>
          %gather3A_668 = tpu.vector_load_idx %arg14[%add3A_308, %and3A_665] : memref<80x64xi32, #tpu.memory_space<vmem>>[vector<16xi32>, vector<16xi32>], vector<16xi32>,
          %bitcast3A_669 = vector.bitcast %gather3A_668 : vector<16xi32> to vector<32xbf16>
          %gather3A_670 = tpu.vector_load_idx %arg17[%get3A_310, %and3A_665] : memref<964x64xi32, #tpu.memory_space<vmem>>[vector<16xi32>, vector<16xi32>], vector<16xi32>,
          %bitcast3A_671 = vector.bitcast %gather3A_670 : vector<16xi32> to vector<32xbf16>
          %mul3A_672 = arith.mulf %bitcast3A_667, %bitcast3A_669 : vector<32xbf16>
          %mul3A_673 = arith.mulf %mul3A_672, %bitcast3A_671 : vector<32xbf16>
          %unpack3A_674 = tpu.unpack_subelements %mul3A_673, 0 {pack_format = #tpu.pack_format<interleaved>} : vector<32xbf16> -> vector<16xf32>
          %unpack3A_675 = tpu.unpack_subelements %mul3A_673, 1 {pack_format = #tpu.pack_format<interleaved>} : vector<32xbf16> -> vector<16xf32>
          %add3A_676 = arith.addf %add3A_633, %unpack3A_674 : vector<16xf32>
          %add3A_677 = arith.addf %add3A_676, %unpack3A_675 : vector<16xf32>
          scf.yield %add3A_655, %add3A_677 : vector<16xf32>, vector<16xf32>
        }
        %scan3A_317 = arith.constant 4 : i32
        %add3A_318 = arith.addf %scan3A_316#0, %scan3A_316#1 : vector<16xf32>
        %neg3A = arith.constant 0.000000e+00 : f32
        %neg3A_319 = vector.broadcast %neg3A : f32 to vector<16xf32>
        %neg3A_320 = arith.subf %neg3A_319, %add3A_318 : vector<16xf32>
        %exp3A = math.exp %neg3A_320 : vector<16xf32>
        %add3A_321 = arith.constant 1.000000e+00 : f32
        %add3A_322 = vector.broadcast %add3A_321 : f32 to vector<16xf32>
        %add3A_323 = arith.addf %add3A_322, %exp3A : vector<16xf32>
        %div3A = arith.constant 1.000000e+00 : f32
        %div3A_324 = vector.broadcast %div3A : f32 to vector<16xf32>
        %div3A_325 = arith.divf %div3A_324, %add3A_323 : vector<16xf32>
        %swap3A = arith.index_cast %mul3A_306 : i32 to index
        %swap3A_326 = tpu.vector_load %arg19[%swap3A] {strides = array<i32>} : memref<80xf32, #tpu.memory_space<vmem>>, vector<16xf32>,
        tpu.vector_store %arg19[%swap3A], %div3A_325 {strides = array<i32>} : memref<80xf32, #tpu.memory_space<vmem>>, vector<16xf32>,
      }
      %scan3A_248 = arith.constant 5 : i32
      %mul3A_249 = arith.constant 80 : i32
      %mul3A_250 = arith.muli %add3A_207, %mul3A_249 : i32
      %add3A_251 = arith.addi %mul3A_2, %mul3A_250 : i32
      %dma_start3A_252 = tpu.memref_slice %arg7[%add3A_251] : memref<320000xf32, #tpu.memory_space<hbm>> -> memref<80xf32, #tpu.memory_space<hbm>>
      %dma_start3A_253 = tpu.memref_slice %arg7[%add3A_251] : memref<320000xf32, #tpu.memory_space<hbm>> -> memref<80xf32, #tpu.memory_space<hbm>>
      tpu.enqueue_dma source(%arg19 : memref<80xf32, #tpu.memory_space<vmem>>) target(%dma_start3A_253 : memref<80xf32, #tpu.memory_space<hbm>>) target_semaphore(%arg25 : memref<!tpu.dma_semaphore, #tpu.memory_space<semaphore_mem>>)
      %mul3A_254 = arith.constant 3 : i32
      %mul3A_255 = arith.muli %mul3A_254, %scan3A_158 : i32
      %add3A_256 = arith.constant 2 : i32
      %add3A_257 = arith.addi %mul3A_255, %add3A_256 : i32
      %dma_wait3A_258 = arith.constant 0 : i32
      %dma_wait3A_259 = tpu.memref_slice %arg8[%add3A_257, %dma_wait3A_258] : memref<125x80xi32, #tpu.memory_space<vmem>> -> memref<1x80xi32, #tpu.memory_space<vmem>>
      %dma_wait3A_260 = tpu.memref_squeeze %dma_wait3A_259 : memref<1x80xi32, #tpu.memory_space<vmem>> -> memref<80xi32, #tpu.memory_space<vmem>>
      %dma_wait3A_261 = arith.constant 0 : i32
      %dma_wait3A_262 = arith.constant 0 : i32
      %dma_wait3A_263 = tpu.memref_slice %arg2[%dma_wait3A_261, %dma_wait3A_262] : memref<10000x64xi32, #tpu.memory_space<hbm>> -> memref<10000x64xi32, #tpu.memory_space<hbm>>
      tpu.wait_indirect_dma semaphore(%arg23 : memref<!tpu.dma_semaphore, #tpu.memory_space<semaphore_mem>>) src(%dma_wait3A_263 : memref<10000x64xi32, #tpu.memory_space<hbm>>) dst(%arg15 : memref<80x64xi32, #tpu.memory_space<vmem>>)
      %dma_wait3A_264 = arith.constant 0 : i32
      %dma_wait3A_265 = tpu.memref_slice %arg9[%add3A_257, %dma_wait3A_264] : memref<125x80xi32, #tpu.memory_space<vmem>> -> memref<1x80xi32, #tpu.memory_space<vmem>>
      %dma_wait3A_266 = tpu.memref_squeeze %dma_wait3A_265 : memref<1x80xi32, #tpu.memory_space<vmem>> -> memref<80xi32, #tpu.memory_space<vmem>>
      %dma_wait3A_267 = arith.constant 0 : i32
      %dma_wait3A_268 = arith.constant 0 : i32
      %dma_wait3A_269 = tpu.memref_slice %arg2[%dma_wait3A_267, %dma_wait3A_268] : memref<10000x64xi32, #tpu.memory_space<hbm>> -> memref<10000x64xi32, #tpu.memory_space<hbm>>
      tpu.wait_indirect_dma semaphore(%arg23 : memref<!tpu.dma_semaphore, #tpu.memory_space<semaphore_mem>>) src(%dma_wait3A_269 : memref<10000x64xi32, #tpu.memory_space<hbm>>) dst(%arg16 : memref<80x64xi32, #tpu.memory_space<vmem>>)
      %add3A_270 = arith.constant 3 : i32
      %add3A_271 = arith.addi %add3A_257, %add3A_270 : i32
      %sub3A_272 = arith.constant 1 : i32
      %sub3A_273 = arith.subi %add3A_271, %sub3A_272 : i32
      %min3A_274 = arith.constant 124 : i32
      %min3A_275 = arith.minsi %sub3A_273, %min3A_274 : i32
      %dma_start3A_276 = arith.constant 0 : i32
      %dma_start3A_277 = tpu.memref_slice %arg8[%min3A_275, %dma_start3A_276] : memref<125x80xi32, #tpu.memory_space<vmem>> -> memref<1x80xi32, #tpu.memory_space<vmem>>
      %dma_start3A_278 = tpu.memref_squeeze %dma_start3A_277 : memref<1x80xi32, #tpu.memory_space<vmem>> -> memref<80xi32, #tpu.memory_space<vmem>>
      %dma_start3A_279 = arith.constant 0 : i32
      %dma_start3A_280 = arith.constant 0 : i32
      %dma_start3A_281 = tpu.memref_slice %arg2[%dma_start3A_279, %dma_start3A_280] : memref<10000x64xi32, #tpu.memory_space<hbm>> -> memref<10000x64xi32, #tpu.memory_space<hbm>>
      tpu.enqueue_indirect_dma source(%dma_start3A_281 : memref<10000x64xi32, #tpu.memory_space<hbm>>) target(%arg13 : memref<80x64xi32, #tpu.memory_space<vmem>>) offsets(%dma_start3A_278 : memref<80xi32, #tpu.memory_space<vmem>>) semaphore(%arg22 : memref<!tpu.dma_semaphore, #tpu.memory_space<semaphore_mem>>)
      %dma_start3A_282 = arith.constant 0 : i32
      %dma_start3A_283 = tpu.memref_slice %arg9[%min3A_275, %dma_start3A_282] : memref<125x80xi32, #tpu.memory_space<vmem>> -> memref<1x80xi32, #tpu.memory_space<vmem>>
      %dma_start3A_284 = tpu.memref_squeeze %dma_start3A_283 : memref<1x80xi32, #tpu.memory_space<vmem>> -> memref<80xi32, #tpu.memory_space<vmem>>
      %dma_start3A_285 = arith.constant 0 : i32
      %dma_start3A_286 = arith.constant 0 : i32
      %dma_start3A_287 = tpu.memref_slice %arg2[%dma_start3A_285, %dma_start3A_286] : memref<10000x64xi32, #tpu.memory_space<hbm>> -> memref<10000x64xi32, #tpu.memory_space<hbm>>
      tpu.enqueue_indirect_dma source(%dma_start3A_287 : memref<10000x64xi32, #tpu.memory_space<hbm>>) target(%arg14 : memref<80x64xi32, #tpu.memory_space<vmem>>) offsets(%dma_start3A_284 : memref<80xi32, #tpu.memory_space<vmem>>) semaphore(%arg22 : memref<!tpu.dma_semaphore, #tpu.memory_space<semaphore_mem>>)
      %ge3A_288 = arith.constant 3 : i32
      %ge3A_289 = arith.cmpi sge, %add3A_257, %ge3A_288 : i32
      %convert_element_type3A_290 = arith.extui %ge3A_289 : i1 to i32
      %cond3A_291 = arith.constant 0 : i32
      %cond3A_292 = arith.cmpi ne, %convert_element_type3A_290, %cond3A_291 : i32
      scf.if %cond3A_292 {
        %sub3A_304 = arith.constant 3 : i32
        %sub3A_305 = arith.subi %add3A_257, %sub3A_304 : i32
        %mul3A_306 = arith.constant 80 : i32
        %mul3A_307 = arith.muli %sub3A_305, %mul3A_306 : i32
        %add3A_308 = arith.addi %mul3A_2, %mul3A_307 : i32
        %dma_wait3A_309 = tpu.memref_slice %arg7[%add3A_308] : memref<320000xf32, #tpu.memory_space<hbm>> -> memref<80xf32, #tpu.memory_space<hbm>>
        %dma_wait3A_310 = tpu.memref_slice %arg7[%add3A_308] : memref<320000xf32, #tpu.memory_space<hbm>> -> memref<80xf32, #tpu.memory_space<hbm>>
        tpu.wait_dma2 semaphore(%arg26 : memref<!tpu.dma_semaphore, #tpu.memory_space<semaphore_mem>>) src(%arg20 : memref<80xf32, #tpu.memory_space<vmem>>) dst(%dma_wait3A_310 : memref<80xf32, #tpu.memory_space<hbm>>)
      } else {
      }
      %scan3A_293 = arith.constant 0 : i32
      %scan3A_294 = arith.constant 0 : i32
      %scan3A_295 = arith.constant 5 : i32
      %scan3A_296 = arith.addi %scan3A_294, %scan3A_295 : i32
      %scan3A_297 = arith.constant 1 : i32
      scf.for %scan3A_304 = %scan3A_294 to %scan3A_296 step %scan3A_297  : i32 {
        %mul3A_305 = arith.constant 16 : i32
        %mul3A_306 = arith.muli %scan3A_304, %mul3A_305 : i32
        %add3A_307 = vector.broadcast %mul3A_306 : i32 to vector<16xi32>
        %add3A_308 = arith.addi %add3A_307, %iota3A : vector<16xi32>
        %get3A = arith.index_cast %add3A_257 : i32 to index
        %get3A_309 = arith.index_cast %mul3A_306 : i32 to index
        %get3A_310 = tpu.vector_load %arg10[%get3A, %get3A_309] {strides = array<i32>} : memref<125x80xi32, #tpu.memory_space<vmem>>, vector<16xi32>,
        %broadcast_in_dim3A = arith.constant 0.000000e+00 : f32
        %broadcast_in_dim3A_311 = vector.broadcast %broadcast_in_dim3A : f32 to vector<16xf32>
        %scan3A_312 = arith.constant 0 : i32
        %scan3A_313 = arith.constant 4 : i32
        %scan3A_314 = arith.addi %scan3A_312, %scan3A_313 : i32
        %scan3A_315 = arith.constant 1 : i32
        %scan3A_316:2 = scf.for %scan3A_327 = %scan3A_312 to %scan3A_314 step %scan3A_315 iter_args(%scan3A_328 = %broadcast_in_dim3A_311, %scan3A_329 = %broadcast_in_dim3A_311) -> (vector<16xf32>, vector<16xf32>)  : i32 {
          %mul3A_330 = arith.constant 16 : i32
          %mul3A_331 = arith.muli %scan3A_327, %mul3A_330 : i32
          %add3A_332 = vector.broadcast %mul3A_331 : i32 to vector<16xi32>
          %add3A_333 = arith.addi %iota3A, %add3A_332 : vector<16xi32>
          %add3A_334 = arith.constant 0 : i32
          %add3A_335 = vector.broadcast %add3A_334 : i32 to vector<16xi32>
          %add3A_336 = arith.addi %add3A_333, %add3A_335 : vector<16xi32>
          %and3A = arith.constant 63 : i32
          %and3A_337 = vector.broadcast %and3A : i32 to vector<16xi32>
          %and3A_338 = arith.andi %add3A_336, %and3A_337 : vector<16xi32>
          %gather3A = tpu.vector_load_idx %arg15[%add3A_308, %and3A_338] : memref<80x64xi32, #tpu.memory_space<vmem>>[vector<16xi32>, vector<16xi32>], vector<16xi32>,
          %bitcast3A = vector.bitcast %gather3A : vector<16xi32> to vector<32xbf16>
          %gather3A_339 = tpu.vector_load_idx %arg16[%add3A_308, %and3A_338] : memref<80x64xi32, #tpu.memory_space<vmem>>[vector<16xi32>, vector<16xi32>], vector<16xi32>,
          %bitcast3A_340 = vector.bitcast %gather3A_339 : vector<16xi32> to vector<32xbf16>
          %gather3A_341 = tpu.vector_load_idx %arg17[%get3A_310, %and3A_338] : memref<964x64xi32, #tpu.memory_space<vmem>>[vector<16xi32>, vector<16xi32>], vector<16xi32>,
          %bitcast3A_342 = vector.bitcast %gather3A_341 : vector<16xi32> to vector<32xbf16>
          %mul3A_343 = arith.mulf %bitcast3A, %bitcast3A_340 : vector<32xbf16>
          %mul3A_344 = arith.mulf %mul3A_343, %bitcast3A_342 : vector<32xbf16>
          %unpack3A = tpu.unpack_subelements %mul3A_344, 0 {pack_format = #tpu.pack_format<interleaved>} : vector<32xbf16> -> vector<16xf32>
          %unpack3A_345 = tpu.unpack_subelements %mul3A_344, 1 {pack_format = #tpu.pack_format<interleaved>} : vector<32xbf16> -> vector<16xf32>
          %add3A_346 = arith.addf %scan3A_328, %unpack3A : vector<16xf32>
          %add3A_347 = arith.addf %add3A_346, %unpack3A_345 : vector<16xf32>
          %mul3A_348 = arith.constant 16 : i32
          %mul3A_349 = arith.muli %scan3A_327, %mul3A_348 : i32
          %add3A_350 = vector.broadcast %mul3A_349 : i32 to vector<16xi32>
          %add3A_351 = arith.addi %iota3A, %add3A_350 : vector<16xi32>
          %add3A_352 = arith.constant 1 : i32
          %add3A_353 = vector.broadcast %add3A_352 : i32 to vector<16xi32>
          %add3A_354 = arith.addi %add3A_351, %add3A_353 : vector<16xi32>
          %and3A_355 = arith.constant 63 : i32
          %and3A_356 = vector.broadcast %and3A_355 : i32 to vector<16xi32>
          %and3A_357 = arith.andi %add3A_354, %and3A_356 : vector<16xi32>
          %gather3A_358 = tpu.vector_load_idx %arg15[%add3A_308, %and3A_357] : memref<80x64xi32, #tpu.memory_space<vmem>>[vector<16xi32>, vector<16xi32>], vector<16xi32>,
          %bitcast3A_359 = vector.bitcast %gather3A_358 : vector<16xi32> to vector<32xbf16>
          %gather3A_360 = tpu.vector_load_idx %arg16[%add3A_308, %and3A_357] : memref<80x64xi32, #tpu.memory_space<vmem>>[vector<16xi32>, vector<16xi32>], vector<16xi32>,
          %bitcast3A_361 = vector.bitcast %gather3A_360 : vector<16xi32> to vector<32xbf16>
          %gather3A_362 = tpu.vector_load_idx %arg17[%get3A_310, %and3A_357] : memref<964x64xi32, #tpu.memory_space<vmem>>[vector<16xi32>, vector<16xi32>], vector<16xi32>,
          %bitcast3A_363 = vector.bitcast %gather3A_362 : vector<16xi32> to vector<32xbf16>
          %mul3A_364 = arith.mulf %bitcast3A_359, %bitcast3A_361 : vector<32xbf16>
          %mul3A_365 = arith.mulf %mul3A_364, %bitcast3A_363 : vector<32xbf16>
          %unpack3A_366 = tpu.unpack_subelements %mul3A_365, 0 {pack_format = #tpu.pack_format<interleaved>} : vector<32xbf16> -> vector<16xf32>
          %unpack3A_367 = tpu.unpack_subelements %mul3A_365, 1 {pack_format = #tpu.pack_format<interleaved>} : vector<32xbf16> -> vector<16xf32>
          %add3A_368 = arith.addf %scan3A_329, %unpack3A_366 : vector<16xf32>
          %add3A_369 = arith.addf %add3A_368, %unpack3A_367 : vector<16xf32>
          %mul3A_370 = arith.constant 16 : i32
          %mul3A_371 = arith.muli %scan3A_327, %mul3A_370 : i32
          %add3A_372 = vector.broadcast %mul3A_371 : i32 to vector<16xi32>
          %add3A_373 = arith.addi %iota3A, %add3A_372 : vector<16xi32>
          %add3A_374 = arith.constant 2 : i32
          %add3A_375 = vector.broadcast %add3A_374 : i32 to vector<16xi32>
          %add3A_376 = arith.addi %add3A_373, %add3A_375 : vector<16xi32>
          %and3A_377 = arith.constant 63 : i32
          %and3A_378 = vector.broadcast %and3A_377 : i32 to vector<16xi32>
          %and3A_379 = arith.andi %add3A_376, %and3A_378 : vector<16xi32>
          %gather3A_380 = tpu.vector_load_idx %arg15[%add3A_308, %and3A_379] : memref<80x64xi32, #tpu.memory_space<vmem>>[vector<16xi32>, vector<16xi32>], vector<16xi32>,
          %bitcast3A_381 = vector.bitcast %gather3A_380 : vector<16xi32> to vector<32xbf16>
          %gather3A_382 = tpu.vector_load_idx %arg16[%add3A_308, %and3A_379] : memref<80x64xi32, #tpu.memory_space<vmem>>[vector<16xi32>, vector<16xi32>], vector<16xi32>,
          %bitcast3A_383 = vector.bitcast %gather3A_382 : vector<16xi32> to vector<32xbf16>
          %gather3A_384 = tpu.vector_load_idx %arg17[%get3A_310, %and3A_379] : memref<964x64xi32, #tpu.memory_space<vmem>>[vector<16xi32>, vector<16xi32>], vector<16xi32>,
          %bitcast3A_385 = vector.bitcast %gather3A_384 : vector<16xi32> to vector<32xbf16>
          %mul3A_386 = arith.mulf %bitcast3A_381, %bitcast3A_383 : vector<32xbf16>
          %mul3A_387 = arith.mulf %mul3A_386, %bitcast3A_385 : vector<32xbf16>
          %unpack3A_388 = tpu.unpack_subelements %mul3A_387, 0 {pack_format = #tpu.pack_format<interleaved>} : vector<32xbf16> -> vector<16xf32>
          %unpack3A_389 = tpu.unpack_subelements %mul3A_387, 1 {pack_format = #tpu.pack_format<interleaved>} : vector<32xbf16> -> vector<16xf32>
          %add3A_390 = arith.addf %add3A_347, %unpack3A_388 : vector<16xf32>
          %add3A_391 = arith.addf %add3A_390, %unpack3A_389 : vector<16xf32>
          %mul3A_392 = arith.constant 16 : i32
          %mul3A_393 = arith.muli %scan3A_327, %mul3A_392 : i32
          %add3A_394 = vector.broadcast %mul3A_393 : i32 to vector<16xi32>
          %add3A_395 = arith.addi %iota3A, %add3A_394 : vector<16xi32>
          %add3A_396 = arith.constant 3 : i32
          %add3A_397 = vector.broadcast %add3A_396 : i32 to vector<16xi32>
          %add3A_398 = arith.addi %add3A_395, %add3A_397 : vector<16xi32>
          %and3A_399 = arith.constant 63 : i32
          %and3A_400 = vector.broadcast %and3A_399 : i32 to vector<16xi32>
          %and3A_401 = arith.andi %add3A_398, %and3A_400 : vector<16xi32>
          %gather3A_402 = tpu.vector_load_idx %arg15[%add3A_308, %and3A_401] : memref<80x64xi32, #tpu.memory_space<vmem>>[vector<16xi32>, vector<16xi32>], vector<16xi32>,
          %bitcast3A_403 = vector.bitcast %gather3A_402 : vector<16xi32> to vector<32xbf16>
          %gather3A_404 = tpu.vector_load_idx %arg16[%add3A_308, %and3A_401] : memref<80x64xi32, #tpu.memory_space<vmem>>[vector<16xi32>, vector<16xi32>], vector<16xi32>,
          %bitcast3A_405 = vector.bitcast %gather3A_404 : vector<16xi32> to vector<32xbf16>
          %gather3A_406 = tpu.vector_load_idx %arg17[%get3A_310, %and3A_401] : memref<964x64xi32, #tpu.memory_space<vmem>>[vector<16xi32>, vector<16xi32>], vector<16xi32>,
          %bitcast3A_407 = vector.bitcast %gather3A_406 : vector<16xi32> to vector<32xbf16>
          %mul3A_408 = arith.mulf %bitcast3A_403, %bitcast3A_405 : vector<32xbf16>
          %mul3A_409 = arith.mulf %mul3A_408, %bitcast3A_407 : vector<32xbf16>
          %unpack3A_410 = tpu.unpack_subelements %mul3A_409, 0 {pack_format = #tpu.pack_format<interleaved>} : vector<32xbf16> -> vector<16xf32>
          %unpack3A_411 = tpu.unpack_subelements %mul3A_409, 1 {pack_format = #tpu.pack_format<interleaved>} : vector<32xbf16> -> vector<16xf32>
          %add3A_412 = arith.addf %add3A_369, %unpack3A_410 : vector<16xf32>
          %add3A_413 = arith.addf %add3A_412, %unpack3A_411 : vector<16xf32>
          %mul3A_414 = arith.constant 16 : i32
          %mul3A_415 = arith.muli %scan3A_327, %mul3A_414 : i32
          %add3A_416 = vector.broadcast %mul3A_415 : i32 to vector<16xi32>
          %add3A_417 = arith.addi %iota3A, %add3A_416 : vector<16xi32>
          %add3A_418 = arith.constant 4 : i32
          %add3A_419 = vector.broadcast %add3A_418 : i32 to vector<16xi32>
          %add3A_420 = arith.addi %add3A_417, %add3A_419 : vector<16xi32>
          %and3A_421 = arith.constant 63 : i32
          %and3A_422 = vector.broadcast %and3A_421 : i32 to vector<16xi32>
          %and3A_423 = arith.andi %add3A_420, %and3A_422 : vector<16xi32>
          %gather3A_424 = tpu.vector_load_idx %arg15[%add3A_308, %and3A_423] : memref<80x64xi32, #tpu.memory_space<vmem>>[vector<16xi32>, vector<16xi32>], vector<16xi32>,
          %bitcast3A_425 = vector.bitcast %gather3A_424 : vector<16xi32> to vector<32xbf16>
          %gather3A_426 = tpu.vector_load_idx %arg16[%add3A_308, %and3A_423] : memref<80x64xi32, #tpu.memory_space<vmem>>[vector<16xi32>, vector<16xi32>], vector<16xi32>,
          %bitcast3A_427 = vector.bitcast %gather3A_426 : vector<16xi32> to vector<32xbf16>
          %gather3A_428 = tpu.vector_load_idx %arg17[%get3A_310, %and3A_423] : memref<964x64xi32, #tpu.memory_space<vmem>>[vector<16xi32>, vector<16xi32>], vector<16xi32>,
          %bitcast3A_429 = vector.bitcast %gather3A_428 : vector<16xi32> to vector<32xbf16>
          %mul3A_430 = arith.mulf %bitcast3A_425, %bitcast3A_427 : vector<32xbf16>
          %mul3A_431 = arith.mulf %mul3A_430, %bitcast3A_429 : vector<32xbf16>
          %unpack3A_432 = tpu.unpack_subelements %mul3A_431, 0 {pack_format = #tpu.pack_format<interleaved>} : vector<32xbf16> -> vector<16xf32>
          %unpack3A_433 = tpu.unpack_subelements %mul3A_431, 1 {pack_format = #tpu.pack_format<interleaved>} : vector<32xbf16> -> vector<16xf32>
          %add3A_434 = arith.addf %add3A_391, %unpack3A_432 : vector<16xf32>
          %add3A_435 = arith.addf %add3A_434, %unpack3A_433 : vector<16xf32>
          %mul3A_436 = arith.constant 16 : i32
          %mul3A_437 = arith.muli %scan3A_327, %mul3A_436 : i32
          %add3A_438 = vector.broadcast %mul3A_437 : i32 to vector<16xi32>
          %add3A_439 = arith.addi %iota3A, %add3A_438 : vector<16xi32>
          %add3A_440 = arith.constant 5 : i32
          %add3A_441 = vector.broadcast %add3A_440 : i32 to vector<16xi32>
          %add3A_442 = arith.addi %add3A_439, %add3A_441 : vector<16xi32>
          %and3A_443 = arith.constant 63 : i32
          %and3A_444 = vector.broadcast %and3A_443 : i32 to vector<16xi32>
          %and3A_445 = arith.andi %add3A_442, %and3A_444 : vector<16xi32>
          %gather3A_446 = tpu.vector_load_idx %arg15[%add3A_308, %and3A_445] : memref<80x64xi32, #tpu.memory_space<vmem>>[vector<16xi32>, vector<16xi32>], vector<16xi32>,
          %bitcast3A_447 = vector.bitcast %gather3A_446 : vector<16xi32> to vector<32xbf16>
          %gather3A_448 = tpu.vector_load_idx %arg16[%add3A_308, %and3A_445] : memref<80x64xi32, #tpu.memory_space<vmem>>[vector<16xi32>, vector<16xi32>], vector<16xi32>,
          %bitcast3A_449 = vector.bitcast %gather3A_448 : vector<16xi32> to vector<32xbf16>
          %gather3A_450 = tpu.vector_load_idx %arg17[%get3A_310, %and3A_445] : memref<964x64xi32, #tpu.memory_space<vmem>>[vector<16xi32>, vector<16xi32>], vector<16xi32>,
          %bitcast3A_451 = vector.bitcast %gather3A_450 : vector<16xi32> to vector<32xbf16>
          %mul3A_452 = arith.mulf %bitcast3A_447, %bitcast3A_449 : vector<32xbf16>
          %mul3A_453 = arith.mulf %mul3A_452, %bitcast3A_451 : vector<32xbf16>
          %unpack3A_454 = tpu.unpack_subelements %mul3A_453, 0 {pack_format = #tpu.pack_format<interleaved>} : vector<32xbf16> -> vector<16xf32>
          %unpack3A_455 = tpu.unpack_subelements %mul3A_453, 1 {pack_format = #tpu.pack_format<interleaved>} : vector<32xbf16> -> vector<16xf32>
          %add3A_456 = arith.addf %add3A_413, %unpack3A_454 : vector<16xf32>
          %add3A_457 = arith.addf %add3A_456, %unpack3A_455 : vector<16xf32>
          %mul3A_458 = arith.constant 16 : i32
          %mul3A_459 = arith.muli %scan3A_327, %mul3A_458 : i32
          %add3A_460 = vector.broadcast %mul3A_459 : i32 to vector<16xi32>
          %add3A_461 = arith.addi %iota3A, %add3A_460 : vector<16xi32>
          %add3A_462 = arith.constant 6 : i32
          %add3A_463 = vector.broadcast %add3A_462 : i32 to vector<16xi32>
          %add3A_464 = arith.addi %add3A_461, %add3A_463 : vector<16xi32>
          %and3A_465 = arith.constant 63 : i32
          %and3A_466 = vector.broadcast %and3A_465 : i32 to vector<16xi32>
          %and3A_467 = arith.andi %add3A_464, %and3A_466 : vector<16xi32>
          %gather3A_468 = tpu.vector_load_idx %arg15[%add3A_308, %and3A_467] : memref<80x64xi32, #tpu.memory_space<vmem>>[vector<16xi32>, vector<16xi32>], vector<16xi32>,
          %bitcast3A_469 = vector.bitcast %gather3A_468 : vector<16xi32> to vector<32xbf16>
          %gather3A_470 = tpu.vector_load_idx %arg16[%add3A_308, %and3A_467] : memref<80x64xi32, #tpu.memory_space<vmem>>[vector<16xi32>, vector<16xi32>], vector<16xi32>,
          %bitcast3A_471 = vector.bitcast %gather3A_470 : vector<16xi32> to vector<32xbf16>
          %gather3A_472 = tpu.vector_load_idx %arg17[%get3A_310, %and3A_467] : memref<964x64xi32, #tpu.memory_space<vmem>>[vector<16xi32>, vector<16xi32>], vector<16xi32>,
          %bitcast3A_473 = vector.bitcast %gather3A_472 : vector<16xi32> to vector<32xbf16>
          %mul3A_474 = arith.mulf %bitcast3A_469, %bitcast3A_471 : vector<32xbf16>
          %mul3A_475 = arith.mulf %mul3A_474, %bitcast3A_473 : vector<32xbf16>
          %unpack3A_476 = tpu.unpack_subelements %mul3A_475, 0 {pack_format = #tpu.pack_format<interleaved>} : vector<32xbf16> -> vector<16xf32>
          %unpack3A_477 = tpu.unpack_subelements %mul3A_475, 1 {pack_format = #tpu.pack_format<interleaved>} : vector<32xbf16> -> vector<16xf32>
          %add3A_478 = arith.addf %add3A_435, %unpack3A_476 : vector<16xf32>
          %add3A_479 = arith.addf %add3A_478, %unpack3A_477 : vector<16xf32>
          %mul3A_480 = arith.constant 16 : i32
          %mul3A_481 = arith.muli %scan3A_327, %mul3A_480 : i32
          %add3A_482 = vector.broadcast %mul3A_481 : i32 to vector<16xi32>
          %add3A_483 = arith.addi %iota3A, %add3A_482 : vector<16xi32>
          %add3A_484 = arith.constant 7 : i32
          %add3A_485 = vector.broadcast %add3A_484 : i32 to vector<16xi32>
          %add3A_486 = arith.addi %add3A_483, %add3A_485 : vector<16xi32>
          %and3A_487 = arith.constant 63 : i32
          %and3A_488 = vector.broadcast %and3A_487 : i32 to vector<16xi32>
          %and3A_489 = arith.andi %add3A_486, %and3A_488 : vector<16xi32>
          %gather3A_490 = tpu.vector_load_idx %arg15[%add3A_308, %and3A_489] : memref<80x64xi32, #tpu.memory_space<vmem>>[vector<16xi32>, vector<16xi32>], vector<16xi32>,
          %bitcast3A_491 = vector.bitcast %gather3A_490 : vector<16xi32> to vector<32xbf16>
          %gather3A_492 = tpu.vector_load_idx %arg16[%add3A_308, %and3A_489] : memref<80x64xi32, #tpu.memory_space<vmem>>[vector<16xi32>, vector<16xi32>], vector<16xi32>,
          %bitcast3A_493 = vector.bitcast %gather3A_492 : vector<16xi32> to vector<32xbf16>
          %gather3A_494 = tpu.vector_load_idx %arg17[%get3A_310, %and3A_489] : memref<964x64xi32, #tpu.memory_space<vmem>>[vector<16xi32>, vector<16xi32>], vector<16xi32>,
          %bitcast3A_495 = vector.bitcast %gather3A_494 : vector<16xi32> to vector<32xbf16>
          %mul3A_496 = arith.mulf %bitcast3A_491, %bitcast3A_493 : vector<32xbf16>
          %mul3A_497 = arith.mulf %mul3A_496, %bitcast3A_495 : vector<32xbf16>
          %unpack3A_498 = tpu.unpack_subelements %mul3A_497, 0 {pack_format = #tpu.pack_format<interleaved>} : vector<32xbf16> -> vector<16xf32>
          %unpack3A_499 = tpu.unpack_subelements %mul3A_497, 1 {pack_format = #tpu.pack_format<interleaved>} : vector<32xbf16> -> vector<16xf32>
          %add3A_500 = arith.addf %add3A_457, %unpack3A_498 : vector<16xf32>
          %add3A_501 = arith.addf %add3A_500, %unpack3A_499 : vector<16xf32>
          %mul3A_502 = arith.constant 16 : i32
          %mul3A_503 = arith.muli %scan3A_327, %mul3A_502 : i32
          %add3A_504 = vector.broadcast %mul3A_503 : i32 to vector<16xi32>
          %add3A_505 = arith.addi %iota3A, %add3A_504 : vector<16xi32>
          %add3A_506 = arith.constant 8 : i32
          %add3A_507 = vector.broadcast %add3A_506 : i32 to vector<16xi32>
          %add3A_508 = arith.addi %add3A_505, %add3A_507 : vector<16xi32>
          %and3A_509 = arith.constant 63 : i32
          %and3A_510 = vector.broadcast %and3A_509 : i32 to vector<16xi32>
          %and3A_511 = arith.andi %add3A_508, %and3A_510 : vector<16xi32>
          %gather3A_512 = tpu.vector_load_idx %arg15[%add3A_308, %and3A_511] : memref<80x64xi32, #tpu.memory_space<vmem>>[vector<16xi32>, vector<16xi32>], vector<16xi32>,
          %bitcast3A_513 = vector.bitcast %gather3A_512 : vector<16xi32> to vector<32xbf16>
          %gather3A_514 = tpu.vector_load_idx %arg16[%add3A_308, %and3A_511] : memref<80x64xi32, #tpu.memory_space<vmem>>[vector<16xi32>, vector<16xi32>], vector<16xi32>,
          %bitcast3A_515 = vector.bitcast %gather3A_514 : vector<16xi32> to vector<32xbf16>
          %gather3A_516 = tpu.vector_load_idx %arg17[%get3A_310, %and3A_511] : memref<964x64xi32, #tpu.memory_space<vmem>>[vector<16xi32>, vector<16xi32>], vector<16xi32>,
          %bitcast3A_517 = vector.bitcast %gather3A_516 : vector<16xi32> to vector<32xbf16>
          %mul3A_518 = arith.mulf %bitcast3A_513, %bitcast3A_515 : vector<32xbf16>
          %mul3A_519 = arith.mulf %mul3A_518, %bitcast3A_517 : vector<32xbf16>
          %unpack3A_520 = tpu.unpack_subelements %mul3A_519, 0 {pack_format = #tpu.pack_format<interleaved>} : vector<32xbf16> -> vector<16xf32>
          %unpack3A_521 = tpu.unpack_subelements %mul3A_519, 1 {pack_format = #tpu.pack_format<interleaved>} : vector<32xbf16> -> vector<16xf32>
          %add3A_522 = arith.addf %add3A_479, %unpack3A_520 : vector<16xf32>
          %add3A_523 = arith.addf %add3A_522, %unpack3A_521 : vector<16xf32>
          %mul3A_524 = arith.constant 16 : i32
          %mul3A_525 = arith.muli %scan3A_327, %mul3A_524 : i32
          %add3A_526 = vector.broadcast %mul3A_525 : i32 to vector<16xi32>
          %add3A_527 = arith.addi %iota3A, %add3A_526 : vector<16xi32>
          %add3A_528 = arith.constant 9 : i32
          %add3A_529 = vector.broadcast %add3A_528 : i32 to vector<16xi32>
          %add3A_530 = arith.addi %add3A_527, %add3A_529 : vector<16xi32>
          %and3A_531 = arith.constant 63 : i32
          %and3A_532 = vector.broadcast %and3A_531 : i32 to vector<16xi32>
          %and3A_533 = arith.andi %add3A_530, %and3A_532 : vector<16xi32>
          %gather3A_534 = tpu.vector_load_idx %arg15[%add3A_308, %and3A_533] : memref<80x64xi32, #tpu.memory_space<vmem>>[vector<16xi32>, vector<16xi32>], vector<16xi32>,
          %bitcast3A_535 = vector.bitcast %gather3A_534 : vector<16xi32> to vector<32xbf16>
          %gather3A_536 = tpu.vector_load_idx %arg16[%add3A_308, %and3A_533] : memref<80x64xi32, #tpu.memory_space<vmem>>[vector<16xi32>, vector<16xi32>], vector<16xi32>,
          %bitcast3A_537 = vector.bitcast %gather3A_536 : vector<16xi32> to vector<32xbf16>
          %gather3A_538 = tpu.vector_load_idx %arg17[%get3A_310, %and3A_533] : memref<964x64xi32, #tpu.memory_space<vmem>>[vector<16xi32>, vector<16xi32>], vector<16xi32>,
          %bitcast3A_539 = vector.bitcast %gather3A_538 : vector<16xi32> to vector<32xbf16>
          %mul3A_540 = arith.mulf %bitcast3A_535, %bitcast3A_537 : vector<32xbf16>
          %mul3A_541 = arith.mulf %mul3A_540, %bitcast3A_539 : vector<32xbf16>
          %unpack3A_542 = tpu.unpack_subelements %mul3A_541, 0 {pack_format = #tpu.pack_format<interleaved>} : vector<32xbf16> -> vector<16xf32>
          %unpack3A_543 = tpu.unpack_subelements %mul3A_541, 1 {pack_format = #tpu.pack_format<interleaved>} : vector<32xbf16> -> vector<16xf32>
          %add3A_544 = arith.addf %add3A_501, %unpack3A_542 : vector<16xf32>
          %add3A_545 = arith.addf %add3A_544, %unpack3A_543 : vector<16xf32>
          %mul3A_546 = arith.constant 16 : i32
          %mul3A_547 = arith.muli %scan3A_327, %mul3A_546 : i32
          %add3A_548 = vector.broadcast %mul3A_547 : i32 to vector<16xi32>
          %add3A_549 = arith.addi %iota3A, %add3A_548 : vector<16xi32>
          %add3A_550 = arith.constant 10 : i32
          %add3A_551 = vector.broadcast %add3A_550 : i32 to vector<16xi32>
          %add3A_552 = arith.addi %add3A_549, %add3A_551 : vector<16xi32>
          %and3A_553 = arith.constant 63 : i32
          %and3A_554 = vector.broadcast %and3A_553 : i32 to vector<16xi32>
          %and3A_555 = arith.andi %add3A_552, %and3A_554 : vector<16xi32>
          %gather3A_556 = tpu.vector_load_idx %arg15[%add3A_308, %and3A_555] : memref<80x64xi32, #tpu.memory_space<vmem>>[vector<16xi32>, vector<16xi32>], vector<16xi32>,
          %bitcast3A_557 = vector.bitcast %gather3A_556 : vector<16xi32> to vector<32xbf16>
          %gather3A_558 = tpu.vector_load_idx %arg16[%add3A_308, %and3A_555] : memref<80x64xi32, #tpu.memory_space<vmem>>[vector<16xi32>, vector<16xi32>], vector<16xi32>,
          %bitcast3A_559 = vector.bitcast %gather3A_558 : vector<16xi32> to vector<32xbf16>
          %gather3A_560 = tpu.vector_load_idx %arg17[%get3A_310, %and3A_555] : memref<964x64xi32, #tpu.memory_space<vmem>>[vector<16xi32>, vector<16xi32>], vector<16xi32>,
          %bitcast3A_561 = vector.bitcast %gather3A_560 : vector<16xi32> to vector<32xbf16>
          %mul3A_562 = arith.mulf %bitcast3A_557, %bitcast3A_559 : vector<32xbf16>
          %mul3A_563 = arith.mulf %mul3A_562, %bitcast3A_561 : vector<32xbf16>
          %unpack3A_564 = tpu.unpack_subelements %mul3A_563, 0 {pack_format = #tpu.pack_format<interleaved>} : vector<32xbf16> -> vector<16xf32>
          %unpack3A_565 = tpu.unpack_subelements %mul3A_563, 1 {pack_format = #tpu.pack_format<interleaved>} : vector<32xbf16> -> vector<16xf32>
          %add3A_566 = arith.addf %add3A_523, %unpack3A_564 : vector<16xf32>
          %add3A_567 = arith.addf %add3A_566, %unpack3A_565 : vector<16xf32>
          %mul3A_568 = arith.constant 16 : i32
          %mul3A_569 = arith.muli %scan3A_327, %mul3A_568 : i32
          %add3A_570 = vector.broadcast %mul3A_569 : i32 to vector<16xi32>
          %add3A_571 = arith.addi %iota3A, %add3A_570 : vector<16xi32>
          %add3A_572 = arith.constant 11 : i32
          %add3A_573 = vector.broadcast %add3A_572 : i32 to vector<16xi32>
          %add3A_574 = arith.addi %add3A_571, %add3A_573 : vector<16xi32>
          %and3A_575 = arith.constant 63 : i32
          %and3A_576 = vector.broadcast %and3A_575 : i32 to vector<16xi32>
          %and3A_577 = arith.andi %add3A_574, %and3A_576 : vector<16xi32>
          %gather3A_578 = tpu.vector_load_idx %arg15[%add3A_308, %and3A_577] : memref<80x64xi32, #tpu.memory_space<vmem>>[vector<16xi32>, vector<16xi32>], vector<16xi32>,
          %bitcast3A_579 = vector.bitcast %gather3A_578 : vector<16xi32> to vector<32xbf16>
          %gather3A_580 = tpu.vector_load_idx %arg16[%add3A_308, %and3A_577] : memref<80x64xi32, #tpu.memory_space<vmem>>[vector<16xi32>, vector<16xi32>], vector<16xi32>,
          %bitcast3A_581 = vector.bitcast %gather3A_580 : vector<16xi32> to vector<32xbf16>
          %gather3A_582 = tpu.vector_load_idx %arg17[%get3A_310, %and3A_577] : memref<964x64xi32, #tpu.memory_space<vmem>>[vector<16xi32>, vector<16xi32>], vector<16xi32>,
          %bitcast3A_583 = vector.bitcast %gather3A_582 : vector<16xi32> to vector<32xbf16>
          %mul3A_584 = arith.mulf %bitcast3A_579, %bitcast3A_581 : vector<32xbf16>
          %mul3A_585 = arith.mulf %mul3A_584, %bitcast3A_583 : vector<32xbf16>
          %unpack3A_586 = tpu.unpack_subelements %mul3A_585, 0 {pack_format = #tpu.pack_format<interleaved>} : vector<32xbf16> -> vector<16xf32>
          %unpack3A_587 = tpu.unpack_subelements %mul3A_585, 1 {pack_format = #tpu.pack_format<interleaved>} : vector<32xbf16> -> vector<16xf32>
          %add3A_588 = arith.addf %add3A_545, %unpack3A_586 : vector<16xf32>
          %add3A_589 = arith.addf %add3A_588, %unpack3A_587 : vector<16xf32>
          %mul3A_590 = arith.constant 16 : i32
          %mul3A_591 = arith.muli %scan3A_327, %mul3A_590 : i32
          %add3A_592 = vector.broadcast %mul3A_591 : i32 to vector<16xi32>
          %add3A_593 = arith.addi %iota3A, %add3A_592 : vector<16xi32>
          %add3A_594 = arith.constant 12 : i32
          %add3A_595 = vector.broadcast %add3A_594 : i32 to vector<16xi32>
          %add3A_596 = arith.addi %add3A_593, %add3A_595 : vector<16xi32>
          %and3A_597 = arith.constant 63 : i32
          %and3A_598 = vector.broadcast %and3A_597 : i32 to vector<16xi32>
          %and3A_599 = arith.andi %add3A_596, %and3A_598 : vector<16xi32>
          %gather3A_600 = tpu.vector_load_idx %arg15[%add3A_308, %and3A_599] : memref<80x64xi32, #tpu.memory_space<vmem>>[vector<16xi32>, vector<16xi32>], vector<16xi32>,
          %bitcast3A_601 = vector.bitcast %gather3A_600 : vector<16xi32> to vector<32xbf16>
          %gather3A_602 = tpu.vector_load_idx %arg16[%add3A_308, %and3A_599] : memref<80x64xi32, #tpu.memory_space<vmem>>[vector<16xi32>, vector<16xi32>], vector<16xi32>,
          %bitcast3A_603 = vector.bitcast %gather3A_602 : vector<16xi32> to vector<32xbf16>
          %gather3A_604 = tpu.vector_load_idx %arg17[%get3A_310, %and3A_599] : memref<964x64xi32, #tpu.memory_space<vmem>>[vector<16xi32>, vector<16xi32>], vector<16xi32>,
          %bitcast3A_605 = vector.bitcast %gather3A_604 : vector<16xi32> to vector<32xbf16>
          %mul3A_606 = arith.mulf %bitcast3A_601, %bitcast3A_603 : vector<32xbf16>
          %mul3A_607 = arith.mulf %mul3A_606, %bitcast3A_605 : vector<32xbf16>
          %unpack3A_608 = tpu.unpack_subelements %mul3A_607, 0 {pack_format = #tpu.pack_format<interleaved>} : vector<32xbf16> -> vector<16xf32>
          %unpack3A_609 = tpu.unpack_subelements %mul3A_607, 1 {pack_format = #tpu.pack_format<interleaved>} : vector<32xbf16> -> vector<16xf32>
          %add3A_610 = arith.addf %add3A_567, %unpack3A_608 : vector<16xf32>
          %add3A_611 = arith.addf %add3A_610, %unpack3A_609 : vector<16xf32>
          %mul3A_612 = arith.constant 16 : i32
          %mul3A_613 = arith.muli %scan3A_327, %mul3A_612 : i32
          %add3A_614 = vector.broadcast %mul3A_613 : i32 to vector<16xi32>
          %add3A_615 = arith.addi %iota3A, %add3A_614 : vector<16xi32>
          %add3A_616 = arith.constant 13 : i32
          %add3A_617 = vector.broadcast %add3A_616 : i32 to vector<16xi32>
          %add3A_618 = arith.addi %add3A_615, %add3A_617 : vector<16xi32>
          %and3A_619 = arith.constant 63 : i32
          %and3A_620 = vector.broadcast %and3A_619 : i32 to vector<16xi32>
          %and3A_621 = arith.andi %add3A_618, %and3A_620 : vector<16xi32>
          %gather3A_622 = tpu.vector_load_idx %arg15[%add3A_308, %and3A_621] : memref<80x64xi32, #tpu.memory_space<vmem>>[vector<16xi32>, vector<16xi32>], vector<16xi32>,
          %bitcast3A_623 = vector.bitcast %gather3A_622 : vector<16xi32> to vector<32xbf16>
          %gather3A_624 = tpu.vector_load_idx %arg16[%add3A_308, %and3A_621] : memref<80x64xi32, #tpu.memory_space<vmem>>[vector<16xi32>, vector<16xi32>], vector<16xi32>,
          %bitcast3A_625 = vector.bitcast %gather3A_624 : vector<16xi32> to vector<32xbf16>
          %gather3A_626 = tpu.vector_load_idx %arg17[%get3A_310, %and3A_621] : memref<964x64xi32, #tpu.memory_space<vmem>>[vector<16xi32>, vector<16xi32>], vector<16xi32>,
          %bitcast3A_627 = vector.bitcast %gather3A_626 : vector<16xi32> to vector<32xbf16>
          %mul3A_628 = arith.mulf %bitcast3A_623, %bitcast3A_625 : vector<32xbf16>
          %mul3A_629 = arith.mulf %mul3A_628, %bitcast3A_627 : vector<32xbf16>
          %unpack3A_630 = tpu.unpack_subelements %mul3A_629, 0 {pack_format = #tpu.pack_format<interleaved>} : vector<32xbf16> -> vector<16xf32>
          %unpack3A_631 = tpu.unpack_subelements %mul3A_629, 1 {pack_format = #tpu.pack_format<interleaved>} : vector<32xbf16> -> vector<16xf32>
          %add3A_632 = arith.addf %add3A_589, %unpack3A_630 : vector<16xf32>
          %add3A_633 = arith.addf %add3A_632, %unpack3A_631 : vector<16xf32>
          %mul3A_634 = arith.constant 16 : i32
          %mul3A_635 = arith.muli %scan3A_327, %mul3A_634 : i32
          %add3A_636 = vector.broadcast %mul3A_635 : i32 to vector<16xi32>
          %add3A_637 = arith.addi %iota3A, %add3A_636 : vector<16xi32>
          %add3A_638 = arith.constant 14 : i32
          %add3A_639 = vector.broadcast %add3A_638 : i32 to vector<16xi32>
          %add3A_640 = arith.addi %add3A_637, %add3A_639 : vector<16xi32>
          %and3A_641 = arith.constant 63 : i32
          %and3A_642 = vector.broadcast %and3A_641 : i32 to vector<16xi32>
          %and3A_643 = arith.andi %add3A_640, %and3A_642 : vector<16xi32>
          %gather3A_644 = tpu.vector_load_idx %arg15[%add3A_308, %and3A_643] : memref<80x64xi32, #tpu.memory_space<vmem>>[vector<16xi32>, vector<16xi32>], vector<16xi32>,
          %bitcast3A_645 = vector.bitcast %gather3A_644 : vector<16xi32> to vector<32xbf16>
          %gather3A_646 = tpu.vector_load_idx %arg16[%add3A_308, %and3A_643] : memref<80x64xi32, #tpu.memory_space<vmem>>[vector<16xi32>, vector<16xi32>], vector<16xi32>,
          %bitcast3A_647 = vector.bitcast %gather3A_646 : vector<16xi32> to vector<32xbf16>
          %gather3A_648 = tpu.vector_load_idx %arg17[%get3A_310, %and3A_643] : memref<964x64xi32, #tpu.memory_space<vmem>>[vector<16xi32>, vector<16xi32>], vector<16xi32>,
          %bitcast3A_649 = vector.bitcast %gather3A_648 : vector<16xi32> to vector<32xbf16>
          %mul3A_650 = arith.mulf %bitcast3A_645, %bitcast3A_647 : vector<32xbf16>
          %mul3A_651 = arith.mulf %mul3A_650, %bitcast3A_649 : vector<32xbf16>
          %unpack3A_652 = tpu.unpack_subelements %mul3A_651, 0 {pack_format = #tpu.pack_format<interleaved>} : vector<32xbf16> -> vector<16xf32>
          %unpack3A_653 = tpu.unpack_subelements %mul3A_651, 1 {pack_format = #tpu.pack_format<interleaved>} : vector<32xbf16> -> vector<16xf32>
          %add3A_654 = arith.addf %add3A_611, %unpack3A_652 : vector<16xf32>
          %add3A_655 = arith.addf %add3A_654, %unpack3A_653 : vector<16xf32>
          %mul3A_656 = arith.constant 16 : i32
          %mul3A_657 = arith.muli %scan3A_327, %mul3A_656 : i32
          %add3A_658 = vector.broadcast %mul3A_657 : i32 to vector<16xi32>
          %add3A_659 = arith.addi %iota3A, %add3A_658 : vector<16xi32>
          %add3A_660 = arith.constant 15 : i32
          %add3A_661 = vector.broadcast %add3A_660 : i32 to vector<16xi32>
          %add3A_662 = arith.addi %add3A_659, %add3A_661 : vector<16xi32>
          %and3A_663 = arith.constant 63 : i32
          %and3A_664 = vector.broadcast %and3A_663 : i32 to vector<16xi32>
          %and3A_665 = arith.andi %add3A_662, %and3A_664 : vector<16xi32>
          %gather3A_666 = tpu.vector_load_idx %arg15[%add3A_308, %and3A_665] : memref<80x64xi32, #tpu.memory_space<vmem>>[vector<16xi32>, vector<16xi32>], vector<16xi32>,
          %bitcast3A_667 = vector.bitcast %gather3A_666 : vector<16xi32> to vector<32xbf16>
          %gather3A_668 = tpu.vector_load_idx %arg16[%add3A_308, %and3A_665] : memref<80x64xi32, #tpu.memory_space<vmem>>[vector<16xi32>, vector<16xi32>], vector<16xi32>,
          %bitcast3A_669 = vector.bitcast %gather3A_668 : vector<16xi32> to vector<32xbf16>
          %gather3A_670 = tpu.vector_load_idx %arg17[%get3A_310, %and3A_665] : memref<964x64xi32, #tpu.memory_space<vmem>>[vector<16xi32>, vector<16xi32>], vector<16xi32>,
          %bitcast3A_671 = vector.bitcast %gather3A_670 : vector<16xi32> to vector<32xbf16>
          %mul3A_672 = arith.mulf %bitcast3A_667, %bitcast3A_669 : vector<32xbf16>
          %mul3A_673 = arith.mulf %mul3A_672, %bitcast3A_671 : vector<32xbf16>
          %unpack3A_674 = tpu.unpack_subelements %mul3A_673, 0 {pack_format = #tpu.pack_format<interleaved>} : vector<32xbf16> -> vector<16xf32>
          %unpack3A_675 = tpu.unpack_subelements %mul3A_673, 1 {pack_format = #tpu.pack_format<interleaved>} : vector<32xbf16> -> vector<16xf32>
          %add3A_676 = arith.addf %add3A_633, %unpack3A_674 : vector<16xf32>
          %add3A_677 = arith.addf %add3A_676, %unpack3A_675 : vector<16xf32>
          scf.yield %add3A_655, %add3A_677 : vector<16xf32>, vector<16xf32>
        }
        %scan3A_317 = arith.constant 4 : i32
        %add3A_318 = arith.addf %scan3A_316#0, %scan3A_316#1 : vector<16xf32>
        %neg3A = arith.constant 0.000000e+00 : f32
        %neg3A_319 = vector.broadcast %neg3A : f32 to vector<16xf32>
        %neg3A_320 = arith.subf %neg3A_319, %add3A_318 : vector<16xf32>
        %exp3A = math.exp %neg3A_320 : vector<16xf32>
        %add3A_321 = arith.constant 1.000000e+00 : f32
        %add3A_322 = vector.broadcast %add3A_321 : f32 to vector<16xf32>
        %add3A_323 = arith.addf %add3A_322, %exp3A : vector<16xf32>
        %div3A = arith.constant 1.000000e+00 : f32
        %div3A_324 = vector.broadcast %div3A : f32 to vector<16xf32>
        %div3A_325 = arith.divf %div3A_324, %add3A_323 : vector<16xf32>
        %swap3A = arith.index_cast %mul3A_306 : i32 to index
        %swap3A_326 = tpu.vector_load %arg20[%swap3A] {strides = array<i32>} : memref<80xf32, #tpu.memory_space<vmem>>, vector<16xf32>,
        tpu.vector_store %arg20[%swap3A], %div3A_325 {strides = array<i32>} : memref<80xf32, #tpu.memory_space<vmem>>, vector<16xf32>,
      }
      %scan3A_298 = arith.constant 5 : i32
      %mul3A_299 = arith.constant 80 : i32
      %mul3A_300 = arith.muli %add3A_257, %mul3A_299 : i32
      %add3A_301 = arith.addi %mul3A_2, %mul3A_300 : i32
      %dma_start3A_302 = tpu.memref_slice %arg7[%add3A_301] : memref<320000xf32, #tpu.memory_space<hbm>> -> memref<80xf32, #tpu.memory_space<hbm>>
      %dma_start3A_303 = tpu.memref_slice %arg7[%add3A_301] : memref<320000xf32, #tpu.memory_space<hbm>> -> memref<80xf32, #tpu.memory_space<hbm>>
      tpu.enqueue_dma source(%arg20 : memref<80xf32, #tpu.memory_space<vmem>>) target(%dma_start3A_303 : memref<80xf32, #tpu.memory_space<hbm>>) target_semaphore(%arg26 : memref<!tpu.dma_semaphore, #tpu.memory_space<semaphore_mem>>)
    }
    %scan3A_34 = arith.constant 41 : i32
    %dma_wait3A = arith.constant 123 : i32
    %dma_wait3A_35 = arith.constant 0 : i32
    %dma_wait3A_36 = tpu.memref_slice %arg8[%dma_wait3A, %dma_wait3A_35] : memref<125x80xi32, #tpu.memory_space<vmem>> -> memref<1x80xi32, #tpu.memory_space<vmem>>
    %dma_wait3A_37 = tpu.memref_squeeze %dma_wait3A_36 : memref<1x80xi32, #tpu.memory_space<vmem>> -> memref<80xi32, #tpu.memory_space<vmem>>
    %dma_wait3A_38 = arith.constant 0 : i32
    %dma_wait3A_39 = arith.constant 0 : i32
    %dma_wait3A_40 = tpu.memref_slice %arg2[%dma_wait3A_38, %dma_wait3A_39] : memref<10000x64xi32, #tpu.memory_space<hbm>> -> memref<10000x64xi32, #tpu.memory_space<hbm>>
    tpu.wait_indirect_dma semaphore(%arg21 : memref<!tpu.dma_semaphore, #tpu.memory_space<semaphore_mem>>) src(%dma_wait3A_40 : memref<10000x64xi32, #tpu.memory_space<hbm>>) dst(%arg11 : memref<80x64xi32, #tpu.memory_space<vmem>>)
    %dma_wait3A_41 = arith.constant 123 : i32
    %dma_wait3A_42 = arith.constant 0 : i32
    %dma_wait3A_43 = tpu.memref_slice %arg9[%dma_wait3A_41, %dma_wait3A_42] : memref<125x80xi32, #tpu.memory_space<vmem>> -> memref<1x80xi32, #tpu.memory_space<vmem>>
    %dma_wait3A_44 = tpu.memref_squeeze %dma_wait3A_43 : memref<1x80xi32, #tpu.memory_space<vmem>> -> memref<80xi32, #tpu.memory_space<vmem>>
    %dma_wait3A_45 = arith.constant 0 : i32
    %dma_wait3A_46 = arith.constant 0 : i32
    %dma_wait3A_47 = tpu.memref_slice %arg2[%dma_wait3A_45, %dma_wait3A_46] : memref<10000x64xi32, #tpu.memory_space<hbm>> -> memref<10000x64xi32, #tpu.memory_space<hbm>>
    tpu.wait_indirect_dma semaphore(%arg21 : memref<!tpu.dma_semaphore, #tpu.memory_space<semaphore_mem>>) src(%dma_wait3A_47 : memref<10000x64xi32, #tpu.memory_space<hbm>>) dst(%arg12 : memref<80x64xi32, #tpu.memory_space<vmem>>)
    %dma_start3A_48 = arith.constant 124 : i32
    %dma_start3A_49 = arith.constant 0 : i32
    %dma_start3A_50 = tpu.memref_slice %arg8[%dma_start3A_48, %dma_start3A_49] : memref<125x80xi32, #tpu.memory_space<vmem>> -> memref<1x80xi32, #tpu.memory_space<vmem>>
    %dma_start3A_51 = tpu.memref_squeeze %dma_start3A_50 : memref<1x80xi32, #tpu.memory_space<vmem>> -> memref<80xi32, #tpu.memory_space<vmem>>
    %dma_start3A_52 = arith.constant 0 : i32
    %dma_start3A_53 = arith.constant 0 : i32
    %dma_start3A_54 = tpu.memref_slice %arg2[%dma_start3A_52, %dma_start3A_53] : memref<10000x64xi32, #tpu.memory_space<hbm>> -> memref<10000x64xi32, #tpu.memory_space<hbm>>
    tpu.enqueue_indirect_dma source(%dma_start3A_54 : memref<10000x64xi32, #tpu.memory_space<hbm>>) target(%arg15 : memref<80x64xi32, #tpu.memory_space<vmem>>) offsets(%dma_start3A_51 : memref<80xi32, #tpu.memory_space<vmem>>) semaphore(%arg23 : memref<!tpu.dma_semaphore, #tpu.memory_space<semaphore_mem>>)
    %dma_start3A_55 = arith.constant 124 : i32
    %dma_start3A_56 = arith.constant 0 : i32
    %dma_start3A_57 = tpu.memref_slice %arg9[%dma_start3A_55, %dma_start3A_56] : memref<125x80xi32, #tpu.memory_space<vmem>> -> memref<1x80xi32, #tpu.memory_space<vmem>>
    %dma_start3A_58 = tpu.memref_squeeze %dma_start3A_57 : memref<1x80xi32, #tpu.memory_space<vmem>> -> memref<80xi32, #tpu.memory_space<vmem>>
    %dma_start3A_59 = arith.constant 0 : i32
    %dma_start3A_60 = arith.constant 0 : i32
    %dma_start3A_61 = tpu.memref_slice %arg2[%dma_start3A_59, %dma_start3A_60] : memref<10000x64xi32, #tpu.memory_space<hbm>> -> memref<10000x64xi32, #tpu.memory_space<hbm>>
    tpu.enqueue_indirect_dma source(%dma_start3A_61 : memref<10000x64xi32, #tpu.memory_space<hbm>>) target(%arg16 : memref<80x64xi32, #tpu.memory_space<vmem>>) offsets(%dma_start3A_58 : memref<80xi32, #tpu.memory_space<vmem>>) semaphore(%arg23 : memref<!tpu.dma_semaphore, #tpu.memory_space<semaphore_mem>>)
    %add3A_62 = arith.constant 9600 : i32
    %add3A_63 = arith.addi %mul3A_2, %add3A_62 : i32
    %dma_wait3A_64 = tpu.memref_slice %arg7[%add3A_63] : memref<320000xf32, #tpu.memory_space<hbm>> -> memref<80xf32, #tpu.memory_space<hbm>>
    %dma_wait3A_65 = tpu.memref_slice %arg7[%add3A_63] : memref<320000xf32, #tpu.memory_space<hbm>> -> memref<80xf32, #tpu.memory_space<hbm>>
    tpu.wait_dma2 semaphore(%arg24 : memref<!tpu.dma_semaphore, #tpu.memory_space<semaphore_mem>>) src(%arg18 : memref<80xf32, #tpu.memory_space<vmem>>) dst(%dma_wait3A_65 : memref<80xf32, #tpu.memory_space<hbm>>)
    %scan3A_66 = arith.constant 0 : i32
    %scan3A_67 = arith.constant 0 : i32
    %scan3A_68 = arith.constant 5 : i32
    %scan3A_69 = arith.addi %scan3A_67, %scan3A_68 : i32
    %scan3A_70 = arith.constant 1 : i32
    scf.for %scan3A_158 = %scan3A_67 to %scan3A_69 step %scan3A_70  : i32 {
      %mul3A_159 = arith.constant 16 : i32
      %mul3A_160 = arith.muli %scan3A_158, %mul3A_159 : i32
      %add3A_161 = vector.broadcast %mul3A_160 : i32 to vector<16xi32>
      %add3A_162 = arith.addi %add3A_161, %iota3A : vector<16xi32>
      %get3A = arith.constant 123 : i32
      %get3A_163 = arith.index_cast %get3A : i32 to index
      %get3A_164 = arith.index_cast %mul3A_160 : i32 to index
      %get3A_165 = tpu.vector_load %arg10[%get3A_163, %get3A_164] {strides = array<i32>} : memref<125x80xi32, #tpu.memory_space<vmem>>, vector<16xi32>,
      %broadcast_in_dim3A = arith.constant 0.000000e+00 : f32
      %broadcast_in_dim3A_166 = vector.broadcast %broadcast_in_dim3A : f32 to vector<16xf32>
      %scan3A_167 = arith.constant 0 : i32
      %scan3A_168 = arith.constant 4 : i32
      %scan3A_169 = arith.addi %scan3A_167, %scan3A_168 : i32
      %scan3A_170 = arith.constant 1 : i32
      %scan3A_171:2 = scf.for %scan3A_182 = %scan3A_167 to %scan3A_169 step %scan3A_170 iter_args(%scan3A_183 = %broadcast_in_dim3A_166, %scan3A_184 = %broadcast_in_dim3A_166) -> (vector<16xf32>, vector<16xf32>)  : i32 {
        %mul3A_185 = arith.constant 16 : i32
        %mul3A_186 = arith.muli %scan3A_182, %mul3A_185 : i32
        %add3A_187 = vector.broadcast %mul3A_186 : i32 to vector<16xi32>
        %add3A_188 = arith.addi %iota3A, %add3A_187 : vector<16xi32>
        %add3A_189 = arith.constant 0 : i32
        %add3A_190 = vector.broadcast %add3A_189 : i32 to vector<16xi32>
        %add3A_191 = arith.addi %add3A_188, %add3A_190 : vector<16xi32>
        %and3A = arith.constant 63 : i32
        %and3A_192 = vector.broadcast %and3A : i32 to vector<16xi32>
        %and3A_193 = arith.andi %add3A_191, %and3A_192 : vector<16xi32>
        %gather3A = tpu.vector_load_idx %arg11[%add3A_162, %and3A_193] : memref<80x64xi32, #tpu.memory_space<vmem>>[vector<16xi32>, vector<16xi32>], vector<16xi32>,
        %bitcast3A = vector.bitcast %gather3A : vector<16xi32> to vector<32xbf16>
        %gather3A_194 = tpu.vector_load_idx %arg12[%add3A_162, %and3A_193] : memref<80x64xi32, #tpu.memory_space<vmem>>[vector<16xi32>, vector<16xi32>], vector<16xi32>,
        %bitcast3A_195 = vector.bitcast %gather3A_194 : vector<16xi32> to vector<32xbf16>
        %gather3A_196 = tpu.vector_load_idx %arg17[%get3A_165, %and3A_193] : memref<964x64xi32, #tpu.memory_space<vmem>>[vector<16xi32>, vector<16xi32>], vector<16xi32>,
        %bitcast3A_197 = vector.bitcast %gather3A_196 : vector<16xi32> to vector<32xbf16>
        %mul3A_198 = arith.mulf %bitcast3A, %bitcast3A_195 : vector<32xbf16>
        %mul3A_199 = arith.mulf %mul3A_198, %bitcast3A_197 : vector<32xbf16>
        %unpack3A = tpu.unpack_subelements %mul3A_199, 0 {pack_format = #tpu.pack_format<interleaved>} : vector<32xbf16> -> vector<16xf32>
        %unpack3A_200 = tpu.unpack_subelements %mul3A_199, 1 {pack_format = #tpu.pack_format<interleaved>} : vector<32xbf16> -> vector<16xf32>
        %add3A_201 = arith.addf %scan3A_183, %unpack3A : vector<16xf32>
        %add3A_202 = arith.addf %add3A_201, %unpack3A_200 : vector<16xf32>
        %mul3A_203 = arith.constant 16 : i32
        %mul3A_204 = arith.muli %scan3A_182, %mul3A_203 : i32
        %add3A_205 = vector.broadcast %mul3A_204 : i32 to vector<16xi32>
        %add3A_206 = arith.addi %iota3A, %add3A_205 : vector<16xi32>
        %add3A_207 = arith.constant 1 : i32
        %add3A_208 = vector.broadcast %add3A_207 : i32 to vector<16xi32>
        %add3A_209 = arith.addi %add3A_206, %add3A_208 : vector<16xi32>
        %and3A_210 = arith.constant 63 : i32
        %and3A_211 = vector.broadcast %and3A_210 : i32 to vector<16xi32>
        %and3A_212 = arith.andi %add3A_209, %and3A_211 : vector<16xi32>
        %gather3A_213 = tpu.vector_load_idx %arg11[%add3A_162, %and3A_212] : memref<80x64xi32, #tpu.memory_space<vmem>>[vector<16xi32>, vector<16xi32>], vector<16xi32>,
        %bitcast3A_214 = vector.bitcast %gather3A_213 : vector<16xi32> to vector<32xbf16>
        %gather3A_215 = tpu.vector_load_idx %arg12[%add3A_162, %and3A_212] : memref<80x64xi32, #tpu.memory_space<vmem>>[vector<16xi32>, vector<16xi32>], vector<16xi32>,
        %bitcast3A_216 = vector.bitcast %gather3A_215 : vector<16xi32> to vector<32xbf16>
        %gather3A_217 = tpu.vector_load_idx %arg17[%get3A_165, %and3A_212] : memref<964x64xi32, #tpu.memory_space<vmem>>[vector<16xi32>, vector<16xi32>], vector<16xi32>,
        %bitcast3A_218 = vector.bitcast %gather3A_217 : vector<16xi32> to vector<32xbf16>
        %mul3A_219 = arith.mulf %bitcast3A_214, %bitcast3A_216 : vector<32xbf16>
        %mul3A_220 = arith.mulf %mul3A_219, %bitcast3A_218 : vector<32xbf16>
        %unpack3A_221 = tpu.unpack_subelements %mul3A_220, 0 {pack_format = #tpu.pack_format<interleaved>} : vector<32xbf16> -> vector<16xf32>
        %unpack3A_222 = tpu.unpack_subelements %mul3A_220, 1 {pack_format = #tpu.pack_format<interleaved>} : vector<32xbf16> -> vector<16xf32>
        %add3A_223 = arith.addf %scan3A_184, %unpack3A_221 : vector<16xf32>
        %add3A_224 = arith.addf %add3A_223, %unpack3A_222 : vector<16xf32>
        %mul3A_225 = arith.constant 16 : i32
        %mul3A_226 = arith.muli %scan3A_182, %mul3A_225 : i32
        %add3A_227 = vector.broadcast %mul3A_226 : i32 to vector<16xi32>
        %add3A_228 = arith.addi %iota3A, %add3A_227 : vector<16xi32>
        %add3A_229 = arith.constant 2 : i32
        %add3A_230 = vector.broadcast %add3A_229 : i32 to vector<16xi32>
        %add3A_231 = arith.addi %add3A_228, %add3A_230 : vector<16xi32>
        %and3A_232 = arith.constant 63 : i32
        %and3A_233 = vector.broadcast %and3A_232 : i32 to vector<16xi32>
        %and3A_234 = arith.andi %add3A_231, %and3A_233 : vector<16xi32>
        %gather3A_235 = tpu.vector_load_idx %arg11[%add3A_162, %and3A_234] : memref<80x64xi32, #tpu.memory_space<vmem>>[vector<16xi32>, vector<16xi32>], vector<16xi32>,
        %bitcast3A_236 = vector.bitcast %gather3A_235 : vector<16xi32> to vector<32xbf16>
        %gather3A_237 = tpu.vector_load_idx %arg12[%add3A_162, %and3A_234] : memref<80x64xi32, #tpu.memory_space<vmem>>[vector<16xi32>, vector<16xi32>], vector<16xi32>,
        %bitcast3A_238 = vector.bitcast %gather3A_237 : vector<16xi32> to vector<32xbf16>
        %gather3A_239 = tpu.vector_load_idx %arg17[%get3A_165, %and3A_234] : memref<964x64xi32, #tpu.memory_space<vmem>>[vector<16xi32>, vector<16xi32>], vector<16xi32>,
        %bitcast3A_240 = vector.bitcast %gather3A_239 : vector<16xi32> to vector<32xbf16>
        %mul3A_241 = arith.mulf %bitcast3A_236, %bitcast3A_238 : vector<32xbf16>
        %mul3A_242 = arith.mulf %mul3A_241, %bitcast3A_240 : vector<32xbf16>
        %unpack3A_243 = tpu.unpack_subelements %mul3A_242, 0 {pack_format = #tpu.pack_format<interleaved>} : vector<32xbf16> -> vector<16xf32>
        %unpack3A_244 = tpu.unpack_subelements %mul3A_242, 1 {pack_format = #tpu.pack_format<interleaved>} : vector<32xbf16> -> vector<16xf32>
        %add3A_245 = arith.addf %add3A_202, %unpack3A_243 : vector<16xf32>
        %add3A_246 = arith.addf %add3A_245, %unpack3A_244 : vector<16xf32>
        %mul3A_247 = arith.constant 16 : i32
        %mul3A_248 = arith.muli %scan3A_182, %mul3A_247 : i32
        %add3A_249 = vector.broadcast %mul3A_248 : i32 to vector<16xi32>
        %add3A_250 = arith.addi %iota3A, %add3A_249 : vector<16xi32>
        %add3A_251 = arith.constant 3 : i32
        %add3A_252 = vector.broadcast %add3A_251 : i32 to vector<16xi32>
        %add3A_253 = arith.addi %add3A_250, %add3A_252 : vector<16xi32>
        %and3A_254 = arith.constant 63 : i32
        %and3A_255 = vector.broadcast %and3A_254 : i32 to vector<16xi32>
        %and3A_256 = arith.andi %add3A_253, %and3A_255 : vector<16xi32>
        %gather3A_257 = tpu.vector_load_idx %arg11[%add3A_162, %and3A_256] : memref<80x64xi32, #tpu.memory_space<vmem>>[vector<16xi32>, vector<16xi32>], vector<16xi32>,
        %bitcast3A_258 = vector.bitcast %gather3A_257 : vector<16xi32> to vector<32xbf16>
        %gather3A_259 = tpu.vector_load_idx %arg12[%add3A_162, %and3A_256] : memref<80x64xi32, #tpu.memory_space<vmem>>[vector<16xi32>, vector<16xi32>], vector<16xi32>,
        %bitcast3A_260 = vector.bitcast %gather3A_259 : vector<16xi32> to vector<32xbf16>
        %gather3A_261 = tpu.vector_load_idx %arg17[%get3A_165, %and3A_256] : memref<964x64xi32, #tpu.memory_space<vmem>>[vector<16xi32>, vector<16xi32>], vector<16xi32>,
        %bitcast3A_262 = vector.bitcast %gather3A_261 : vector<16xi32> to vector<32xbf16>
        %mul3A_263 = arith.mulf %bitcast3A_258, %bitcast3A_260 : vector<32xbf16>
        %mul3A_264 = arith.mulf %mul3A_263, %bitcast3A_262 : vector<32xbf16>
        %unpack3A_265 = tpu.unpack_subelements %mul3A_264, 0 {pack_format = #tpu.pack_format<interleaved>} : vector<32xbf16> -> vector<16xf32>
        %unpack3A_266 = tpu.unpack_subelements %mul3A_264, 1 {pack_format = #tpu.pack_format<interleaved>} : vector<32xbf16> -> vector<16xf32>
        %add3A_267 = arith.addf %add3A_224, %unpack3A_265 : vector<16xf32>
        %add3A_268 = arith.addf %add3A_267, %unpack3A_266 : vector<16xf32>
        %mul3A_269 = arith.constant 16 : i32
        %mul3A_270 = arith.muli %scan3A_182, %mul3A_269 : i32
        %add3A_271 = vector.broadcast %mul3A_270 : i32 to vector<16xi32>
        %add3A_272 = arith.addi %iota3A, %add3A_271 : vector<16xi32>
        %add3A_273 = arith.constant 4 : i32
        %add3A_274 = vector.broadcast %add3A_273 : i32 to vector<16xi32>
        %add3A_275 = arith.addi %add3A_272, %add3A_274 : vector<16xi32>
        %and3A_276 = arith.constant 63 : i32
        %and3A_277 = vector.broadcast %and3A_276 : i32 to vector<16xi32>
        %and3A_278 = arith.andi %add3A_275, %and3A_277 : vector<16xi32>
        %gather3A_279 = tpu.vector_load_idx %arg11[%add3A_162, %and3A_278] : memref<80x64xi32, #tpu.memory_space<vmem>>[vector<16xi32>, vector<16xi32>], vector<16xi32>,
        %bitcast3A_280 = vector.bitcast %gather3A_279 : vector<16xi32> to vector<32xbf16>
        %gather3A_281 = tpu.vector_load_idx %arg12[%add3A_162, %and3A_278] : memref<80x64xi32, #tpu.memory_space<vmem>>[vector<16xi32>, vector<16xi32>], vector<16xi32>,
        %bitcast3A_282 = vector.bitcast %gather3A_281 : vector<16xi32> to vector<32xbf16>
        %gather3A_283 = tpu.vector_load_idx %arg17[%get3A_165, %and3A_278] : memref<964x64xi32, #tpu.memory_space<vmem>>[vector<16xi32>, vector<16xi32>], vector<16xi32>,
        %bitcast3A_284 = vector.bitcast %gather3A_283 : vector<16xi32> to vector<32xbf16>
        %mul3A_285 = arith.mulf %bitcast3A_280, %bitcast3A_282 : vector<32xbf16>
        %mul3A_286 = arith.mulf %mul3A_285, %bitcast3A_284 : vector<32xbf16>
        %unpack3A_287 = tpu.unpack_subelements %mul3A_286, 0 {pack_format = #tpu.pack_format<interleaved>} : vector<32xbf16> -> vector<16xf32>
        %unpack3A_288 = tpu.unpack_subelements %mul3A_286, 1 {pack_format = #tpu.pack_format<interleaved>} : vector<32xbf16> -> vector<16xf32>
        %add3A_289 = arith.addf %add3A_246, %unpack3A_287 : vector<16xf32>
        %add3A_290 = arith.addf %add3A_289, %unpack3A_288 : vector<16xf32>
        %mul3A_291 = arith.constant 16 : i32
        %mul3A_292 = arith.muli %scan3A_182, %mul3A_291 : i32
        %add3A_293 = vector.broadcast %mul3A_292 : i32 to vector<16xi32>
        %add3A_294 = arith.addi %iota3A, %add3A_293 : vector<16xi32>
        %add3A_295 = arith.constant 5 : i32
        %add3A_296 = vector.broadcast %add3A_295 : i32 to vector<16xi32>
        %add3A_297 = arith.addi %add3A_294, %add3A_296 : vector<16xi32>
        %and3A_298 = arith.constant 63 : i32
        %and3A_299 = vector.broadcast %and3A_298 : i32 to vector<16xi32>
        %and3A_300 = arith.andi %add3A_297, %and3A_299 : vector<16xi32>
        %gather3A_301 = tpu.vector_load_idx %arg11[%add3A_162, %and3A_300] : memref<80x64xi32, #tpu.memory_space<vmem>>[vector<16xi32>, vector<16xi32>], vector<16xi32>,
        %bitcast3A_302 = vector.bitcast %gather3A_301 : vector<16xi32> to vector<32xbf16>
        %gather3A_303 = tpu.vector_load_idx %arg12[%add3A_162, %and3A_300] : memref<80x64xi32, #tpu.memory_space<vmem>>[vector<16xi32>, vector<16xi32>], vector<16xi32>,
        %bitcast3A_304 = vector.bitcast %gather3A_303 : vector<16xi32> to vector<32xbf16>
        %gather3A_305 = tpu.vector_load_idx %arg17[%get3A_165, %and3A_300] : memref<964x64xi32, #tpu.memory_space<vmem>>[vector<16xi32>, vector<16xi32>], vector<16xi32>,
        %bitcast3A_306 = vector.bitcast %gather3A_305 : vector<16xi32> to vector<32xbf16>
        %mul3A_307 = arith.mulf %bitcast3A_302, %bitcast3A_304 : vector<32xbf16>
        %mul3A_308 = arith.mulf %mul3A_307, %bitcast3A_306 : vector<32xbf16>
        %unpack3A_309 = tpu.unpack_subelements %mul3A_308, 0 {pack_format = #tpu.pack_format<interleaved>} : vector<32xbf16> -> vector<16xf32>
        %unpack3A_310 = tpu.unpack_subelements %mul3A_308, 1 {pack_format = #tpu.pack_format<interleaved>} : vector<32xbf16> -> vector<16xf32>
        %add3A_311 = arith.addf %add3A_268, %unpack3A_309 : vector<16xf32>
        %add3A_312 = arith.addf %add3A_311, %unpack3A_310 : vector<16xf32>
        %mul3A_313 = arith.constant 16 : i32
        %mul3A_314 = arith.muli %scan3A_182, %mul3A_313 : i32
        %add3A_315 = vector.broadcast %mul3A_314 : i32 to vector<16xi32>
        %add3A_316 = arith.addi %iota3A, %add3A_315 : vector<16xi32>
        %add3A_317 = arith.constant 6 : i32
        %add3A_318 = vector.broadcast %add3A_317 : i32 to vector<16xi32>
        %add3A_319 = arith.addi %add3A_316, %add3A_318 : vector<16xi32>
        %and3A_320 = arith.constant 63 : i32
        %and3A_321 = vector.broadcast %and3A_320 : i32 to vector<16xi32>
        %and3A_322 = arith.andi %add3A_319, %and3A_321 : vector<16xi32>
        %gather3A_323 = tpu.vector_load_idx %arg11[%add3A_162, %and3A_322] : memref<80x64xi32, #tpu.memory_space<vmem>>[vector<16xi32>, vector<16xi32>], vector<16xi32>,
        %bitcast3A_324 = vector.bitcast %gather3A_323 : vector<16xi32> to vector<32xbf16>
        %gather3A_325 = tpu.vector_load_idx %arg12[%add3A_162, %and3A_322] : memref<80x64xi32, #tpu.memory_space<vmem>>[vector<16xi32>, vector<16xi32>], vector<16xi32>,
        %bitcast3A_326 = vector.bitcast %gather3A_325 : vector<16xi32> to vector<32xbf16>
        %gather3A_327 = tpu.vector_load_idx %arg17[%get3A_165, %and3A_322] : memref<964x64xi32, #tpu.memory_space<vmem>>[vector<16xi32>, vector<16xi32>], vector<16xi32>,
        %bitcast3A_328 = vector.bitcast %gather3A_327 : vector<16xi32> to vector<32xbf16>
        %mul3A_329 = arith.mulf %bitcast3A_324, %bitcast3A_326 : vector<32xbf16>
        %mul3A_330 = arith.mulf %mul3A_329, %bitcast3A_328 : vector<32xbf16>
        %unpack3A_331 = tpu.unpack_subelements %mul3A_330, 0 {pack_format = #tpu.pack_format<interleaved>} : vector<32xbf16> -> vector<16xf32>
        %unpack3A_332 = tpu.unpack_subelements %mul3A_330, 1 {pack_format = #tpu.pack_format<interleaved>} : vector<32xbf16> -> vector<16xf32>
        %add3A_333 = arith.addf %add3A_290, %unpack3A_331 : vector<16xf32>
        %add3A_334 = arith.addf %add3A_333, %unpack3A_332 : vector<16xf32>
        %mul3A_335 = arith.constant 16 : i32
        %mul3A_336 = arith.muli %scan3A_182, %mul3A_335 : i32
        %add3A_337 = vector.broadcast %mul3A_336 : i32 to vector<16xi32>
        %add3A_338 = arith.addi %iota3A, %add3A_337 : vector<16xi32>
        %add3A_339 = arith.constant 7 : i32
        %add3A_340 = vector.broadcast %add3A_339 : i32 to vector<16xi32>
        %add3A_341 = arith.addi %add3A_338, %add3A_340 : vector<16xi32>
        %and3A_342 = arith.constant 63 : i32
        %and3A_343 = vector.broadcast %and3A_342 : i32 to vector<16xi32>
        %and3A_344 = arith.andi %add3A_341, %and3A_343 : vector<16xi32>
        %gather3A_345 = tpu.vector_load_idx %arg11[%add3A_162, %and3A_344] : memref<80x64xi32, #tpu.memory_space<vmem>>[vector<16xi32>, vector<16xi32>], vector<16xi32>,
        %bitcast3A_346 = vector.bitcast %gather3A_345 : vector<16xi32> to vector<32xbf16>
        %gather3A_347 = tpu.vector_load_idx %arg12[%add3A_162, %and3A_344] : memref<80x64xi32, #tpu.memory_space<vmem>>[vector<16xi32>, vector<16xi32>], vector<16xi32>,
        %bitcast3A_348 = vector.bitcast %gather3A_347 : vector<16xi32> to vector<32xbf16>
        %gather3A_349 = tpu.vector_load_idx %arg17[%get3A_165, %and3A_344] : memref<964x64xi32, #tpu.memory_space<vmem>>[vector<16xi32>, vector<16xi32>], vector<16xi32>,
        %bitcast3A_350 = vector.bitcast %gather3A_349 : vector<16xi32> to vector<32xbf16>
        %mul3A_351 = arith.mulf %bitcast3A_346, %bitcast3A_348 : vector<32xbf16>
        %mul3A_352 = arith.mulf %mul3A_351, %bitcast3A_350 : vector<32xbf16>
        %unpack3A_353 = tpu.unpack_subelements %mul3A_352, 0 {pack_format = #tpu.pack_format<interleaved>} : vector<32xbf16> -> vector<16xf32>
        %unpack3A_354 = tpu.unpack_subelements %mul3A_352, 1 {pack_format = #tpu.pack_format<interleaved>} : vector<32xbf16> -> vector<16xf32>
        %add3A_355 = arith.addf %add3A_312, %unpack3A_353 : vector<16xf32>
        %add3A_356 = arith.addf %add3A_355, %unpack3A_354 : vector<16xf32>
        %mul3A_357 = arith.constant 16 : i32
        %mul3A_358 = arith.muli %scan3A_182, %mul3A_357 : i32
        %add3A_359 = vector.broadcast %mul3A_358 : i32 to vector<16xi32>
        %add3A_360 = arith.addi %iota3A, %add3A_359 : vector<16xi32>
        %add3A_361 = arith.constant 8 : i32
        %add3A_362 = vector.broadcast %add3A_361 : i32 to vector<16xi32>
        %add3A_363 = arith.addi %add3A_360, %add3A_362 : vector<16xi32>
        %and3A_364 = arith.constant 63 : i32
        %and3A_365 = vector.broadcast %and3A_364 : i32 to vector<16xi32>
        %and3A_366 = arith.andi %add3A_363, %and3A_365 : vector<16xi32>
        %gather3A_367 = tpu.vector_load_idx %arg11[%add3A_162, %and3A_366] : memref<80x64xi32, #tpu.memory_space<vmem>>[vector<16xi32>, vector<16xi32>], vector<16xi32>,
        %bitcast3A_368 = vector.bitcast %gather3A_367 : vector<16xi32> to vector<32xbf16>
        %gather3A_369 = tpu.vector_load_idx %arg12[%add3A_162, %and3A_366] : memref<80x64xi32, #tpu.memory_space<vmem>>[vector<16xi32>, vector<16xi32>], vector<16xi32>,
        %bitcast3A_370 = vector.bitcast %gather3A_369 : vector<16xi32> to vector<32xbf16>
        %gather3A_371 = tpu.vector_load_idx %arg17[%get3A_165, %and3A_366] : memref<964x64xi32, #tpu.memory_space<vmem>>[vector<16xi32>, vector<16xi32>], vector<16xi32>,
        %bitcast3A_372 = vector.bitcast %gather3A_371 : vector<16xi32> to vector<32xbf16>
        %mul3A_373 = arith.mulf %bitcast3A_368, %bitcast3A_370 : vector<32xbf16>
        %mul3A_374 = arith.mulf %mul3A_373, %bitcast3A_372 : vector<32xbf16>
        %unpack3A_375 = tpu.unpack_subelements %mul3A_374, 0 {pack_format = #tpu.pack_format<interleaved>} : vector<32xbf16> -> vector<16xf32>
        %unpack3A_376 = tpu.unpack_subelements %mul3A_374, 1 {pack_format = #tpu.pack_format<interleaved>} : vector<32xbf16> -> vector<16xf32>
        %add3A_377 = arith.addf %add3A_334, %unpack3A_375 : vector<16xf32>
        %add3A_378 = arith.addf %add3A_377, %unpack3A_376 : vector<16xf32>
        %mul3A_379 = arith.constant 16 : i32
        %mul3A_380 = arith.muli %scan3A_182, %mul3A_379 : i32
        %add3A_381 = vector.broadcast %mul3A_380 : i32 to vector<16xi32>
        %add3A_382 = arith.addi %iota3A, %add3A_381 : vector<16xi32>
        %add3A_383 = arith.constant 9 : i32
        %add3A_384 = vector.broadcast %add3A_383 : i32 to vector<16xi32>
        %add3A_385 = arith.addi %add3A_382, %add3A_384 : vector<16xi32>
        %and3A_386 = arith.constant 63 : i32
        %and3A_387 = vector.broadcast %and3A_386 : i32 to vector<16xi32>
        %and3A_388 = arith.andi %add3A_385, %and3A_387 : vector<16xi32>
        %gather3A_389 = tpu.vector_load_idx %arg11[%add3A_162, %and3A_388] : memref<80x64xi32, #tpu.memory_space<vmem>>[vector<16xi32>, vector<16xi32>], vector<16xi32>,
        %bitcast3A_390 = vector.bitcast %gather3A_389 : vector<16xi32> to vector<32xbf16>
        %gather3A_391 = tpu.vector_load_idx %arg12[%add3A_162, %and3A_388] : memref<80x64xi32, #tpu.memory_space<vmem>>[vector<16xi32>, vector<16xi32>], vector<16xi32>,
        %bitcast3A_392 = vector.bitcast %gather3A_391 : vector<16xi32> to vector<32xbf16>
        %gather3A_393 = tpu.vector_load_idx %arg17[%get3A_165, %and3A_388] : memref<964x64xi32, #tpu.memory_space<vmem>>[vector<16xi32>, vector<16xi32>], vector<16xi32>,
        %bitcast3A_394 = vector.bitcast %gather3A_393 : vector<16xi32> to vector<32xbf16>
        %mul3A_395 = arith.mulf %bitcast3A_390, %bitcast3A_392 : vector<32xbf16>
        %mul3A_396 = arith.mulf %mul3A_395, %bitcast3A_394 : vector<32xbf16>
        %unpack3A_397 = tpu.unpack_subelements %mul3A_396, 0 {pack_format = #tpu.pack_format<interleaved>} : vector<32xbf16> -> vector<16xf32>
        %unpack3A_398 = tpu.unpack_subelements %mul3A_396, 1 {pack_format = #tpu.pack_format<interleaved>} : vector<32xbf16> -> vector<16xf32>
        %add3A_399 = arith.addf %add3A_356, %unpack3A_397 : vector<16xf32>
        %add3A_400 = arith.addf %add3A_399, %unpack3A_398 : vector<16xf32>
        %mul3A_401 = arith.constant 16 : i32
        %mul3A_402 = arith.muli %scan3A_182, %mul3A_401 : i32
        %add3A_403 = vector.broadcast %mul3A_402 : i32 to vector<16xi32>
        %add3A_404 = arith.addi %iota3A, %add3A_403 : vector<16xi32>
        %add3A_405 = arith.constant 10 : i32
        %add3A_406 = vector.broadcast %add3A_405 : i32 to vector<16xi32>
        %add3A_407 = arith.addi %add3A_404, %add3A_406 : vector<16xi32>
        %and3A_408 = arith.constant 63 : i32
        %and3A_409 = vector.broadcast %and3A_408 : i32 to vector<16xi32>
        %and3A_410 = arith.andi %add3A_407, %and3A_409 : vector<16xi32>
        %gather3A_411 = tpu.vector_load_idx %arg11[%add3A_162, %and3A_410] : memref<80x64xi32, #tpu.memory_space<vmem>>[vector<16xi32>, vector<16xi32>], vector<16xi32>,
        %bitcast3A_412 = vector.bitcast %gather3A_411 : vector<16xi32> to vector<32xbf16>
        %gather3A_413 = tpu.vector_load_idx %arg12[%add3A_162, %and3A_410] : memref<80x64xi32, #tpu.memory_space<vmem>>[vector<16xi32>, vector<16xi32>], vector<16xi32>,
        %bitcast3A_414 = vector.bitcast %gather3A_413 : vector<16xi32> to vector<32xbf16>
        %gather3A_415 = tpu.vector_load_idx %arg17[%get3A_165, %and3A_410] : memref<964x64xi32, #tpu.memory_space<vmem>>[vector<16xi32>, vector<16xi32>], vector<16xi32>,
        %bitcast3A_416 = vector.bitcast %gather3A_415 : vector<16xi32> to vector<32xbf16>
        %mul3A_417 = arith.mulf %bitcast3A_412, %bitcast3A_414 : vector<32xbf16>
        %mul3A_418 = arith.mulf %mul3A_417, %bitcast3A_416 : vector<32xbf16>
        %unpack3A_419 = tpu.unpack_subelements %mul3A_418, 0 {pack_format = #tpu.pack_format<interleaved>} : vector<32xbf16> -> vector<16xf32>
        %unpack3A_420 = tpu.unpack_subelements %mul3A_418, 1 {pack_format = #tpu.pack_format<interleaved>} : vector<32xbf16> -> vector<16xf32>
        %add3A_421 = arith.addf %add3A_378, %unpack3A_419 : vector<16xf32>
        %add3A_422 = arith.addf %add3A_421, %unpack3A_420 : vector<16xf32>
        %mul3A_423 = arith.constant 16 : i32
        %mul3A_424 = arith.muli %scan3A_182, %mul3A_423 : i32
        %add3A_425 = vector.broadcast %mul3A_424 : i32 to vector<16xi32>
        %add3A_426 = arith.addi %iota3A, %add3A_425 : vector<16xi32>
        %add3A_427 = arith.constant 11 : i32
        %add3A_428 = vector.broadcast %add3A_427 : i32 to vector<16xi32>
        %add3A_429 = arith.addi %add3A_426, %add3A_428 : vector<16xi32>
        %and3A_430 = arith.constant 63 : i32
        %and3A_431 = vector.broadcast %and3A_430 : i32 to vector<16xi32>
        %and3A_432 = arith.andi %add3A_429, %and3A_431 : vector<16xi32>
        %gather3A_433 = tpu.vector_load_idx %arg11[%add3A_162, %and3A_432] : memref<80x64xi32, #tpu.memory_space<vmem>>[vector<16xi32>, vector<16xi32>], vector<16xi32>,
        %bitcast3A_434 = vector.bitcast %gather3A_433 : vector<16xi32> to vector<32xbf16>
        %gather3A_435 = tpu.vector_load_idx %arg12[%add3A_162, %and3A_432] : memref<80x64xi32, #tpu.memory_space<vmem>>[vector<16xi32>, vector<16xi32>], vector<16xi32>,
        %bitcast3A_436 = vector.bitcast %gather3A_435 : vector<16xi32> to vector<32xbf16>
        %gather3A_437 = tpu.vector_load_idx %arg17[%get3A_165, %and3A_432] : memref<964x64xi32, #tpu.memory_space<vmem>>[vector<16xi32>, vector<16xi32>], vector<16xi32>,
        %bitcast3A_438 = vector.bitcast %gather3A_437 : vector<16xi32> to vector<32xbf16>
        %mul3A_439 = arith.mulf %bitcast3A_434, %bitcast3A_436 : vector<32xbf16>
        %mul3A_440 = arith.mulf %mul3A_439, %bitcast3A_438 : vector<32xbf16>
        %unpack3A_441 = tpu.unpack_subelements %mul3A_440, 0 {pack_format = #tpu.pack_format<interleaved>} : vector<32xbf16> -> vector<16xf32>
        %unpack3A_442 = tpu.unpack_subelements %mul3A_440, 1 {pack_format = #tpu.pack_format<interleaved>} : vector<32xbf16> -> vector<16xf32>
        %add3A_443 = arith.addf %add3A_400, %unpack3A_441 : vector<16xf32>
        %add3A_444 = arith.addf %add3A_443, %unpack3A_442 : vector<16xf32>
        %mul3A_445 = arith.constant 16 : i32
        %mul3A_446 = arith.muli %scan3A_182, %mul3A_445 : i32
        %add3A_447 = vector.broadcast %mul3A_446 : i32 to vector<16xi32>
        %add3A_448 = arith.addi %iota3A, %add3A_447 : vector<16xi32>
        %add3A_449 = arith.constant 12 : i32
        %add3A_450 = vector.broadcast %add3A_449 : i32 to vector<16xi32>
        %add3A_451 = arith.addi %add3A_448, %add3A_450 : vector<16xi32>
        %and3A_452 = arith.constant 63 : i32
        %and3A_453 = vector.broadcast %and3A_452 : i32 to vector<16xi32>
        %and3A_454 = arith.andi %add3A_451, %and3A_453 : vector<16xi32>
        %gather3A_455 = tpu.vector_load_idx %arg11[%add3A_162, %and3A_454] : memref<80x64xi32, #tpu.memory_space<vmem>>[vector<16xi32>, vector<16xi32>], vector<16xi32>,
        %bitcast3A_456 = vector.bitcast %gather3A_455 : vector<16xi32> to vector<32xbf16>
        %gather3A_457 = tpu.vector_load_idx %arg12[%add3A_162, %and3A_454] : memref<80x64xi32, #tpu.memory_space<vmem>>[vector<16xi32>, vector<16xi32>], vector<16xi32>,
        %bitcast3A_458 = vector.bitcast %gather3A_457 : vector<16xi32> to vector<32xbf16>
        %gather3A_459 = tpu.vector_load_idx %arg17[%get3A_165, %and3A_454] : memref<964x64xi32, #tpu.memory_space<vmem>>[vector<16xi32>, vector<16xi32>], vector<16xi32>,
        %bitcast3A_460 = vector.bitcast %gather3A_459 : vector<16xi32> to vector<32xbf16>
        %mul3A_461 = arith.mulf %bitcast3A_456, %bitcast3A_458 : vector<32xbf16>
        %mul3A_462 = arith.mulf %mul3A_461, %bitcast3A_460 : vector<32xbf16>
        %unpack3A_463 = tpu.unpack_subelements %mul3A_462, 0 {pack_format = #tpu.pack_format<interleaved>} : vector<32xbf16> -> vector<16xf32>
        %unpack3A_464 = tpu.unpack_subelements %mul3A_462, 1 {pack_format = #tpu.pack_format<interleaved>} : vector<32xbf16> -> vector<16xf32>
        %add3A_465 = arith.addf %add3A_422, %unpack3A_463 : vector<16xf32>
        %add3A_466 = arith.addf %add3A_465, %unpack3A_464 : vector<16xf32>
        %mul3A_467 = arith.constant 16 : i32
        %mul3A_468 = arith.muli %scan3A_182, %mul3A_467 : i32
        %add3A_469 = vector.broadcast %mul3A_468 : i32 to vector<16xi32>
        %add3A_470 = arith.addi %iota3A, %add3A_469 : vector<16xi32>
        %add3A_471 = arith.constant 13 : i32
        %add3A_472 = vector.broadcast %add3A_471 : i32 to vector<16xi32>
        %add3A_473 = arith.addi %add3A_470, %add3A_472 : vector<16xi32>
        %and3A_474 = arith.constant 63 : i32
        %and3A_475 = vector.broadcast %and3A_474 : i32 to vector<16xi32>
        %and3A_476 = arith.andi %add3A_473, %and3A_475 : vector<16xi32>
        %gather3A_477 = tpu.vector_load_idx %arg11[%add3A_162, %and3A_476] : memref<80x64xi32, #tpu.memory_space<vmem>>[vector<16xi32>, vector<16xi32>], vector<16xi32>,
        %bitcast3A_478 = vector.bitcast %gather3A_477 : vector<16xi32> to vector<32xbf16>
        %gather3A_479 = tpu.vector_load_idx %arg12[%add3A_162, %and3A_476] : memref<80x64xi32, #tpu.memory_space<vmem>>[vector<16xi32>, vector<16xi32>], vector<16xi32>,
        %bitcast3A_480 = vector.bitcast %gather3A_479 : vector<16xi32> to vector<32xbf16>
        %gather3A_481 = tpu.vector_load_idx %arg17[%get3A_165, %and3A_476] : memref<964x64xi32, #tpu.memory_space<vmem>>[vector<16xi32>, vector<16xi32>], vector<16xi32>,
        %bitcast3A_482 = vector.bitcast %gather3A_481 : vector<16xi32> to vector<32xbf16>
        %mul3A_483 = arith.mulf %bitcast3A_478, %bitcast3A_480 : vector<32xbf16>
        %mul3A_484 = arith.mulf %mul3A_483, %bitcast3A_482 : vector<32xbf16>
        %unpack3A_485 = tpu.unpack_subelements %mul3A_484, 0 {pack_format = #tpu.pack_format<interleaved>} : vector<32xbf16> -> vector<16xf32>
        %unpack3A_486 = tpu.unpack_subelements %mul3A_484, 1 {pack_format = #tpu.pack_format<interleaved>} : vector<32xbf16> -> vector<16xf32>
        %add3A_487 = arith.addf %add3A_444, %unpack3A_485 : vector<16xf32>
        %add3A_488 = arith.addf %add3A_487, %unpack3A_486 : vector<16xf32>
        %mul3A_489 = arith.constant 16 : i32
        %mul3A_490 = arith.muli %scan3A_182, %mul3A_489 : i32
        %add3A_491 = vector.broadcast %mul3A_490 : i32 to vector<16xi32>
        %add3A_492 = arith.addi %iota3A, %add3A_491 : vector<16xi32>
        %add3A_493 = arith.constant 14 : i32
        %add3A_494 = vector.broadcast %add3A_493 : i32 to vector<16xi32>
        %add3A_495 = arith.addi %add3A_492, %add3A_494 : vector<16xi32>
        %and3A_496 = arith.constant 63 : i32
        %and3A_497 = vector.broadcast %and3A_496 : i32 to vector<16xi32>
        %and3A_498 = arith.andi %add3A_495, %and3A_497 : vector<16xi32>
        %gather3A_499 = tpu.vector_load_idx %arg11[%add3A_162, %and3A_498] : memref<80x64xi32, #tpu.memory_space<vmem>>[vector<16xi32>, vector<16xi32>], vector<16xi32>,
        %bitcast3A_500 = vector.bitcast %gather3A_499 : vector<16xi32> to vector<32xbf16>
        %gather3A_501 = tpu.vector_load_idx %arg12[%add3A_162, %and3A_498] : memref<80x64xi32, #tpu.memory_space<vmem>>[vector<16xi32>, vector<16xi32>], vector<16xi32>,
        %bitcast3A_502 = vector.bitcast %gather3A_501 : vector<16xi32> to vector<32xbf16>
        %gather3A_503 = tpu.vector_load_idx %arg17[%get3A_165, %and3A_498] : memref<964x64xi32, #tpu.memory_space<vmem>>[vector<16xi32>, vector<16xi32>], vector<16xi32>,
        %bitcast3A_504 = vector.bitcast %gather3A_503 : vector<16xi32> to vector<32xbf16>
        %mul3A_505 = arith.mulf %bitcast3A_500, %bitcast3A_502 : vector<32xbf16>
        %mul3A_506 = arith.mulf %mul3A_505, %bitcast3A_504 : vector<32xbf16>
        %unpack3A_507 = tpu.unpack_subelements %mul3A_506, 0 {pack_format = #tpu.pack_format<interleaved>} : vector<32xbf16> -> vector<16xf32>
        %unpack3A_508 = tpu.unpack_subelements %mul3A_506, 1 {pack_format = #tpu.pack_format<interleaved>} : vector<32xbf16> -> vector<16xf32>
        %add3A_509 = arith.addf %add3A_466, %unpack3A_507 : vector<16xf32>
        %add3A_510 = arith.addf %add3A_509, %unpack3A_508 : vector<16xf32>
        %mul3A_511 = arith.constant 16 : i32
        %mul3A_512 = arith.muli %scan3A_182, %mul3A_511 : i32
        %add3A_513 = vector.broadcast %mul3A_512 : i32 to vector<16xi32>
        %add3A_514 = arith.addi %iota3A, %add3A_513 : vector<16xi32>
        %add3A_515 = arith.constant 15 : i32
        %add3A_516 = vector.broadcast %add3A_515 : i32 to vector<16xi32>
        %add3A_517 = arith.addi %add3A_514, %add3A_516 : vector<16xi32>
        %and3A_518 = arith.constant 63 : i32
        %and3A_519 = vector.broadcast %and3A_518 : i32 to vector<16xi32>
        %and3A_520 = arith.andi %add3A_517, %and3A_519 : vector<16xi32>
        %gather3A_521 = tpu.vector_load_idx %arg11[%add3A_162, %and3A_520] : memref<80x64xi32, #tpu.memory_space<vmem>>[vector<16xi32>, vector<16xi32>], vector<16xi32>,
        %bitcast3A_522 = vector.bitcast %gather3A_521 : vector<16xi32> to vector<32xbf16>
        %gather3A_523 = tpu.vector_load_idx %arg12[%add3A_162, %and3A_520] : memref<80x64xi32, #tpu.memory_space<vmem>>[vector<16xi32>, vector<16xi32>], vector<16xi32>,
        %bitcast3A_524 = vector.bitcast %gather3A_523 : vector<16xi32> to vector<32xbf16>
        %gather3A_525 = tpu.vector_load_idx %arg17[%get3A_165, %and3A_520] : memref<964x64xi32, #tpu.memory_space<vmem>>[vector<16xi32>, vector<16xi32>], vector<16xi32>,
        %bitcast3A_526 = vector.bitcast %gather3A_525 : vector<16xi32> to vector<32xbf16>
        %mul3A_527 = arith.mulf %bitcast3A_522, %bitcast3A_524 : vector<32xbf16>
        %mul3A_528 = arith.mulf %mul3A_527, %bitcast3A_526 : vector<32xbf16>
        %unpack3A_529 = tpu.unpack_subelements %mul3A_528, 0 {pack_format = #tpu.pack_format<interleaved>} : vector<32xbf16> -> vector<16xf32>
        %unpack3A_530 = tpu.unpack_subelements %mul3A_528, 1 {pack_format = #tpu.pack_format<interleaved>} : vector<32xbf16> -> vector<16xf32>
        %add3A_531 = arith.addf %add3A_488, %unpack3A_529 : vector<16xf32>
        %add3A_532 = arith.addf %add3A_531, %unpack3A_530 : vector<16xf32>
        scf.yield %add3A_510, %add3A_532 : vector<16xf32>, vector<16xf32>
      }
      %scan3A_172 = arith.constant 4 : i32
      %add3A_173 = arith.addf %scan3A_171#0, %scan3A_171#1 : vector<16xf32>
      %neg3A = arith.constant 0.000000e+00 : f32
      %neg3A_174 = vector.broadcast %neg3A : f32 to vector<16xf32>
      %neg3A_175 = arith.subf %neg3A_174, %add3A_173 : vector<16xf32>
      %exp3A = math.exp %neg3A_175 : vector<16xf32>
      %add3A_176 = arith.constant 1.000000e+00 : f32
      %add3A_177 = vector.broadcast %add3A_176 : f32 to vector<16xf32>
      %add3A_178 = arith.addf %add3A_177, %exp3A : vector<16xf32>
      %div3A = arith.constant 1.000000e+00 : f32
      %div3A_179 = vector.broadcast %div3A : f32 to vector<16xf32>
      %div3A_180 = arith.divf %div3A_179, %add3A_178 : vector<16xf32>
      %swap3A = arith.index_cast %mul3A_160 : i32 to index
      %swap3A_181 = tpu.vector_load %arg18[%swap3A] {strides = array<i32>} : memref<80xf32, #tpu.memory_space<vmem>>, vector<16xf32>,
      tpu.vector_store %arg18[%swap3A], %div3A_180 {strides = array<i32>} : memref<80xf32, #tpu.memory_space<vmem>>, vector<16xf32>,
    }
    %scan3A_71 = arith.constant 5 : i32
    %add3A_72 = arith.constant 9840 : i32
    %add3A_73 = arith.addi %mul3A_2, %add3A_72 : i32
    %dma_start3A_74 = tpu.memref_slice %arg7[%add3A_73] : memref<320000xf32, #tpu.memory_space<hbm>> -> memref<80xf32, #tpu.memory_space<hbm>>
    %dma_start3A_75 = tpu.memref_slice %arg7[%add3A_73] : memref<320000xf32, #tpu.memory_space<hbm>> -> memref<80xf32, #tpu.memory_space<hbm>>
    tpu.enqueue_dma source(%arg18 : memref<80xf32, #tpu.memory_space<vmem>>) target(%dma_start3A_75 : memref<80xf32, #tpu.memory_space<hbm>>) target_semaphore(%arg24 : memref<!tpu.dma_semaphore, #tpu.memory_space<semaphore_mem>>)
    %dma_wait3A_76 = arith.constant 124 : i32
    %dma_wait3A_77 = arith.constant 0 : i32
    %dma_wait3A_78 = tpu.memref_slice %arg8[%dma_wait3A_76, %dma_wait3A_77] : memref<125x80xi32, #tpu.memory_space<vmem>> -> memref<1x80xi32, #tpu.memory_space<vmem>>
    %dma_wait3A_79 = tpu.memref_squeeze %dma_wait3A_78 : memref<1x80xi32, #tpu.memory_space<vmem>> -> memref<80xi32, #tpu.memory_space<vmem>>
    %dma_wait3A_80 = arith.constant 0 : i32
    %dma_wait3A_81 = arith.constant 0 : i32
    %dma_wait3A_82 = tpu.memref_slice %arg2[%dma_wait3A_80, %dma_wait3A_81] : memref<10000x64xi32, #tpu.memory_space<hbm>> -> memref<10000x64xi32, #tpu.memory_space<hbm>>
    tpu.wait_indirect_dma semaphore(%arg22 : memref<!tpu.dma_semaphore, #tpu.memory_space<semaphore_mem>>) src(%dma_wait3A_82 : memref<10000x64xi32, #tpu.memory_space<hbm>>) dst(%arg13 : memref<80x64xi32, #tpu.memory_space<vmem>>)
    %dma_wait3A_83 = arith.constant 124 : i32
    %dma_wait3A_84 = arith.constant 0 : i32
    %dma_wait3A_85 = tpu.memref_slice %arg9[%dma_wait3A_83, %dma_wait3A_84] : memref<125x80xi32, #tpu.memory_space<vmem>> -> memref<1x80xi32, #tpu.memory_space<vmem>>
    %dma_wait3A_86 = tpu.memref_squeeze %dma_wait3A_85 : memref<1x80xi32, #tpu.memory_space<vmem>> -> memref<80xi32, #tpu.memory_space<vmem>>
    %dma_wait3A_87 = arith.constant 0 : i32
    %dma_wait3A_88 = arith.constant 0 : i32
    %dma_wait3A_89 = tpu.memref_slice %arg2[%dma_wait3A_87, %dma_wait3A_88] : memref<10000x64xi32, #tpu.memory_space<hbm>> -> memref<10000x64xi32, #tpu.memory_space<hbm>>
    tpu.wait_indirect_dma semaphore(%arg22 : memref<!tpu.dma_semaphore, #tpu.memory_space<semaphore_mem>>) src(%dma_wait3A_89 : memref<10000x64xi32, #tpu.memory_space<hbm>>) dst(%arg14 : memref<80x64xi32, #tpu.memory_space<vmem>>)
    %dma_start3A_90 = arith.constant 124 : i32
    %dma_start3A_91 = arith.constant 0 : i32
    %dma_start3A_92 = tpu.memref_slice %arg8[%dma_start3A_90, %dma_start3A_91] : memref<125x80xi32, #tpu.memory_space<vmem>> -> memref<1x80xi32, #tpu.memory_space<vmem>>
    %dma_start3A_93 = tpu.memref_squeeze %dma_start3A_92 : memref<1x80xi32, #tpu.memory_space<vmem>> -> memref<80xi32, #tpu.memory_space<vmem>>
    %dma_start3A_94 = arith.constant 0 : i32
    %dma_start3A_95 = arith.constant 0 : i32
    %dma_start3A_96 = tpu.memref_slice %arg2[%dma_start3A_94, %dma_start3A_95] : memref<10000x64xi32, #tpu.memory_space<hbm>> -> memref<10000x64xi32, #tpu.memory_space<hbm>>
    tpu.enqueue_indirect_dma source(%dma_start3A_96 : memref<10000x64xi32, #tpu.memory_space<hbm>>) target(%arg11 : memref<80x64xi32, #tpu.memory_space<vmem>>) offsets(%dma_start3A_93 : memref<80xi32, #tpu.memory_space<vmem>>) semaphore(%arg21 : memref<!tpu.dma_semaphore, #tpu.memory_space<semaphore_mem>>)
    %dma_start3A_97 = arith.constant 124 : i32
    %dma_start3A_98 = arith.constant 0 : i32
    %dma_start3A_99 = tpu.memref_slice %arg9[%dma_start3A_97, %dma_start3A_98] : memref<125x80xi32, #tpu.memory_space<vmem>> -> memref<1x80xi32, #tpu.memory_space<vmem>>
    %dma_start3A_100 = tpu.memref_squeeze %dma_start3A_99 : memref<1x80xi32, #tpu.memory_space<vmem>> -> memref<80xi32, #tpu.memory_space<vmem>>
    %dma_start3A_101 = arith.constant 0 : i32
    %dma_start3A_102 = arith.constant 0 : i32
    %dma_start3A_103 = tpu.memref_slice %arg2[%dma_start3A_101, %dma_start3A_102] : memref<10000x64xi32, #tpu.memory_space<hbm>> -> memref<10000x64xi32, #tpu.memory_space<hbm>>
    tpu.enqueue_indirect_dma source(%dma_start3A_103 : memref<10000x64xi32, #tpu.memory_space<hbm>>) target(%arg12 : memref<80x64xi32, #tpu.memory_space<vmem>>) offsets(%dma_start3A_100 : memref<80xi32, #tpu.memory_space<vmem>>) semaphore(%arg21 : memref<!tpu.dma_semaphore, #tpu.memory_space<semaphore_mem>>)
    %add3A_104 = arith.constant 9680 : i32
    %add3A_105 = arith.addi %mul3A_2, %add3A_104 : i32
    %dma_wait3A_106 = tpu.memref_slice %arg7[%add3A_105] : memref<320000xf32, #tpu.memory_space<hbm>> -> memref<80xf32, #tpu.memory_space<hbm>>
    %dma_wait3A_107 = tpu.memref_slice %arg7[%add3A_105] : memref<320000xf32, #tpu.memory_space<hbm>> -> memref<80xf32, #tpu.memory_space<hbm>>
    tpu.wait_dma2 semaphore(%arg25 : memref<!tpu.dma_semaphore, #tpu.memory_space<semaphore_mem>>) src(%arg19 : memref<80xf32, #tpu.memory_space<vmem>>) dst(%dma_wait3A_107 : memref<80xf32, #tpu.memory_space<hbm>>)
    %scan3A_108 = arith.constant 0 : i32
    %scan3A_109 = arith.constant 0 : i32
    %scan3A_110 = arith.constant 5 : i32
    %scan3A_111 = arith.addi %scan3A_109, %scan3A_110 : i32
    %scan3A_112 = arith.constant 1 : i32
    scf.for %scan3A_158 = %scan3A_109 to %scan3A_111 step %scan3A_112  : i32 {
      %mul3A_159 = arith.constant 16 : i32
      %mul3A_160 = arith.muli %scan3A_158, %mul3A_159 : i32
      %add3A_161 = vector.broadcast %mul3A_160 : i32 to vector<16xi32>
      %add3A_162 = arith.addi %add3A_161, %iota3A : vector<16xi32>
      %get3A = arith.constant 124 : i32
      %get3A_163 = arith.index_cast %get3A : i32 to index
      %get3A_164 = arith.index_cast %mul3A_160 : i32 to index
      %get3A_165 = tpu.vector_load %arg10[%get3A_163, %get3A_164] {strides = array<i32>} : memref<125x80xi32, #tpu.memory_space<vmem>>, vector<16xi32>,
      %broadcast_in_dim3A = arith.constant 0.000000e+00 : f32
      %broadcast_in_dim3A_166 = vector.broadcast %broadcast_in_dim3A : f32 to vector<16xf32>
      %scan3A_167 = arith.constant 0 : i32
      %scan3A_168 = arith.constant 4 : i32
      %scan3A_169 = arith.addi %scan3A_167, %scan3A_168 : i32
      %scan3A_170 = arith.constant 1 : i32
      %scan3A_171:2 = scf.for %scan3A_182 = %scan3A_167 to %scan3A_169 step %scan3A_170 iter_args(%scan3A_183 = %broadcast_in_dim3A_166, %scan3A_184 = %broadcast_in_dim3A_166) -> (vector<16xf32>, vector<16xf32>)  : i32 {
        %mul3A_185 = arith.constant 16 : i32
        %mul3A_186 = arith.muli %scan3A_182, %mul3A_185 : i32
        %add3A_187 = vector.broadcast %mul3A_186 : i32 to vector<16xi32>
        %add3A_188 = arith.addi %iota3A, %add3A_187 : vector<16xi32>
        %add3A_189 = arith.constant 0 : i32
        %add3A_190 = vector.broadcast %add3A_189 : i32 to vector<16xi32>
        %add3A_191 = arith.addi %add3A_188, %add3A_190 : vector<16xi32>
        %and3A = arith.constant 63 : i32
        %and3A_192 = vector.broadcast %and3A : i32 to vector<16xi32>
        %and3A_193 = arith.andi %add3A_191, %and3A_192 : vector<16xi32>
        %gather3A = tpu.vector_load_idx %arg13[%add3A_162, %and3A_193] : memref<80x64xi32, #tpu.memory_space<vmem>>[vector<16xi32>, vector<16xi32>], vector<16xi32>,
        %bitcast3A = vector.bitcast %gather3A : vector<16xi32> to vector<32xbf16>
        %gather3A_194 = tpu.vector_load_idx %arg14[%add3A_162, %and3A_193] : memref<80x64xi32, #tpu.memory_space<vmem>>[vector<16xi32>, vector<16xi32>], vector<16xi32>,
        %bitcast3A_195 = vector.bitcast %gather3A_194 : vector<16xi32> to vector<32xbf16>
        %gather3A_196 = tpu.vector_load_idx %arg17[%get3A_165, %and3A_193] : memref<964x64xi32, #tpu.memory_space<vmem>>[vector<16xi32>, vector<16xi32>], vector<16xi32>,
        %bitcast3A_197 = vector.bitcast %gather3A_196 : vector<16xi32> to vector<32xbf16>
        %mul3A_198 = arith.mulf %bitcast3A, %bitcast3A_195 : vector<32xbf16>
        %mul3A_199 = arith.mulf %mul3A_198, %bitcast3A_197 : vector<32xbf16>
        %unpack3A = tpu.unpack_subelements %mul3A_199, 0 {pack_format = #tpu.pack_format<interleaved>} : vector<32xbf16> -> vector<16xf32>
        %unpack3A_200 = tpu.unpack_subelements %mul3A_199, 1 {pack_format = #tpu.pack_format<interleaved>} : vector<32xbf16> -> vector<16xf32>
        %add3A_201 = arith.addf %scan3A_183, %unpack3A : vector<16xf32>
        %add3A_202 = arith.addf %add3A_201, %unpack3A_200 : vector<16xf32>
        %mul3A_203 = arith.constant 16 : i32
        %mul3A_204 = arith.muli %scan3A_182, %mul3A_203 : i32
        %add3A_205 = vector.broadcast %mul3A_204 : i32 to vector<16xi32>
        %add3A_206 = arith.addi %iota3A, %add3A_205 : vector<16xi32>
        %add3A_207 = arith.constant 1 : i32
        %add3A_208 = vector.broadcast %add3A_207 : i32 to vector<16xi32>
        %add3A_209 = arith.addi %add3A_206, %add3A_208 : vector<16xi32>
        %and3A_210 = arith.constant 63 : i32
        %and3A_211 = vector.broadcast %and3A_210 : i32 to vector<16xi32>
        %and3A_212 = arith.andi %add3A_209, %and3A_211 : vector<16xi32>
        %gather3A_213 = tpu.vector_load_idx %arg13[%add3A_162, %and3A_212] : memref<80x64xi32, #tpu.memory_space<vmem>>[vector<16xi32>, vector<16xi32>], vector<16xi32>,
        %bitcast3A_214 = vector.bitcast %gather3A_213 : vector<16xi32> to vector<32xbf16>
        %gather3A_215 = tpu.vector_load_idx %arg14[%add3A_162, %and3A_212] : memref<80x64xi32, #tpu.memory_space<vmem>>[vector<16xi32>, vector<16xi32>], vector<16xi32>,
        %bitcast3A_216 = vector.bitcast %gather3A_215 : vector<16xi32> to vector<32xbf16>
        %gather3A_217 = tpu.vector_load_idx %arg17[%get3A_165, %and3A_212] : memref<964x64xi32, #tpu.memory_space<vmem>>[vector<16xi32>, vector<16xi32>], vector<16xi32>,
        %bitcast3A_218 = vector.bitcast %gather3A_217 : vector<16xi32> to vector<32xbf16>
        %mul3A_219 = arith.mulf %bitcast3A_214, %bitcast3A_216 : vector<32xbf16>
        %mul3A_220 = arith.mulf %mul3A_219, %bitcast3A_218 : vector<32xbf16>
        %unpack3A_221 = tpu.unpack_subelements %mul3A_220, 0 {pack_format = #tpu.pack_format<interleaved>} : vector<32xbf16> -> vector<16xf32>
        %unpack3A_222 = tpu.unpack_subelements %mul3A_220, 1 {pack_format = #tpu.pack_format<interleaved>} : vector<32xbf16> -> vector<16xf32>
        %add3A_223 = arith.addf %scan3A_184, %unpack3A_221 : vector<16xf32>
        %add3A_224 = arith.addf %add3A_223, %unpack3A_222 : vector<16xf32>
        %mul3A_225 = arith.constant 16 : i32
        %mul3A_226 = arith.muli %scan3A_182, %mul3A_225 : i32
        %add3A_227 = vector.broadcast %mul3A_226 : i32 to vector<16xi32>
        %add3A_228 = arith.addi %iota3A, %add3A_227 : vector<16xi32>
        %add3A_229 = arith.constant 2 : i32
        %add3A_230 = vector.broadcast %add3A_229 : i32 to vector<16xi32>
        %add3A_231 = arith.addi %add3A_228, %add3A_230 : vector<16xi32>
        %and3A_232 = arith.constant 63 : i32
        %and3A_233 = vector.broadcast %and3A_232 : i32 to vector<16xi32>
        %and3A_234 = arith.andi %add3A_231, %and3A_233 : vector<16xi32>
        %gather3A_235 = tpu.vector_load_idx %arg13[%add3A_162, %and3A_234] : memref<80x64xi32, #tpu.memory_space<vmem>>[vector<16xi32>, vector<16xi32>], vector<16xi32>,
        %bitcast3A_236 = vector.bitcast %gather3A_235 : vector<16xi32> to vector<32xbf16>
        %gather3A_237 = tpu.vector_load_idx %arg14[%add3A_162, %and3A_234] : memref<80x64xi32, #tpu.memory_space<vmem>>[vector<16xi32>, vector<16xi32>], vector<16xi32>,
        %bitcast3A_238 = vector.bitcast %gather3A_237 : vector<16xi32> to vector<32xbf16>
        %gather3A_239 = tpu.vector_load_idx %arg17[%get3A_165, %and3A_234] : memref<964x64xi32, #tpu.memory_space<vmem>>[vector<16xi32>, vector<16xi32>], vector<16xi32>,
        %bitcast3A_240 = vector.bitcast %gather3A_239 : vector<16xi32> to vector<32xbf16>
        %mul3A_241 = arith.mulf %bitcast3A_236, %bitcast3A_238 : vector<32xbf16>
        %mul3A_242 = arith.mulf %mul3A_241, %bitcast3A_240 : vector<32xbf16>
        %unpack3A_243 = tpu.unpack_subelements %mul3A_242, 0 {pack_format = #tpu.pack_format<interleaved>} : vector<32xbf16> -> vector<16xf32>
        %unpack3A_244 = tpu.unpack_subelements %mul3A_242, 1 {pack_format = #tpu.pack_format<interleaved>} : vector<32xbf16> -> vector<16xf32>
        %add3A_245 = arith.addf %add3A_202, %unpack3A_243 : vector<16xf32>
        %add3A_246 = arith.addf %add3A_245, %unpack3A_244 : vector<16xf32>
        %mul3A_247 = arith.constant 16 : i32
        %mul3A_248 = arith.muli %scan3A_182, %mul3A_247 : i32
        %add3A_249 = vector.broadcast %mul3A_248 : i32 to vector<16xi32>
        %add3A_250 = arith.addi %iota3A, %add3A_249 : vector<16xi32>
        %add3A_251 = arith.constant 3 : i32
        %add3A_252 = vector.broadcast %add3A_251 : i32 to vector<16xi32>
        %add3A_253 = arith.addi %add3A_250, %add3A_252 : vector<16xi32>
        %and3A_254 = arith.constant 63 : i32
        %and3A_255 = vector.broadcast %and3A_254 : i32 to vector<16xi32>
        %and3A_256 = arith.andi %add3A_253, %and3A_255 : vector<16xi32>
        %gather3A_257 = tpu.vector_load_idx %arg13[%add3A_162, %and3A_256] : memref<80x64xi32, #tpu.memory_space<vmem>>[vector<16xi32>, vector<16xi32>], vector<16xi32>,
        %bitcast3A_258 = vector.bitcast %gather3A_257 : vector<16xi32> to vector<32xbf16>
        %gather3A_259 = tpu.vector_load_idx %arg14[%add3A_162, %and3A_256] : memref<80x64xi32, #tpu.memory_space<vmem>>[vector<16xi32>, vector<16xi32>], vector<16xi32>,
        %bitcast3A_260 = vector.bitcast %gather3A_259 : vector<16xi32> to vector<32xbf16>
        %gather3A_261 = tpu.vector_load_idx %arg17[%get3A_165, %and3A_256] : memref<964x64xi32, #tpu.memory_space<vmem>>[vector<16xi32>, vector<16xi32>], vector<16xi32>,
        %bitcast3A_262 = vector.bitcast %gather3A_261 : vector<16xi32> to vector<32xbf16>
        %mul3A_263 = arith.mulf %bitcast3A_258, %bitcast3A_260 : vector<32xbf16>
        %mul3A_264 = arith.mulf %mul3A_263, %bitcast3A_262 : vector<32xbf16>
        %unpack3A_265 = tpu.unpack_subelements %mul3A_264, 0 {pack_format = #tpu.pack_format<interleaved>} : vector<32xbf16> -> vector<16xf32>
        %unpack3A_266 = tpu.unpack_subelements %mul3A_264, 1 {pack_format = #tpu.pack_format<interleaved>} : vector<32xbf16> -> vector<16xf32>
        %add3A_267 = arith.addf %add3A_224, %unpack3A_265 : vector<16xf32>
        %add3A_268 = arith.addf %add3A_267, %unpack3A_266 : vector<16xf32>
        %mul3A_269 = arith.constant 16 : i32
        %mul3A_270 = arith.muli %scan3A_182, %mul3A_269 : i32
        %add3A_271 = vector.broadcast %mul3A_270 : i32 to vector<16xi32>
        %add3A_272 = arith.addi %iota3A, %add3A_271 : vector<16xi32>
        %add3A_273 = arith.constant 4 : i32
        %add3A_274 = vector.broadcast %add3A_273 : i32 to vector<16xi32>
        %add3A_275 = arith.addi %add3A_272, %add3A_274 : vector<16xi32>
        %and3A_276 = arith.constant 63 : i32
        %and3A_277 = vector.broadcast %and3A_276 : i32 to vector<16xi32>
        %and3A_278 = arith.andi %add3A_275, %and3A_277 : vector<16xi32>
        %gather3A_279 = tpu.vector_load_idx %arg13[%add3A_162, %and3A_278] : memref<80x64xi32, #tpu.memory_space<vmem>>[vector<16xi32>, vector<16xi32>], vector<16xi32>,
        %bitcast3A_280 = vector.bitcast %gather3A_279 : vector<16xi32> to vector<32xbf16>
        %gather3A_281 = tpu.vector_load_idx %arg14[%add3A_162, %and3A_278] : memref<80x64xi32, #tpu.memory_space<vmem>>[vector<16xi32>, vector<16xi32>], vector<16xi32>,
        %bitcast3A_282 = vector.bitcast %gather3A_281 : vector<16xi32> to vector<32xbf16>
        %gather3A_283 = tpu.vector_load_idx %arg17[%get3A_165, %and3A_278] : memref<964x64xi32, #tpu.memory_space<vmem>>[vector<16xi32>, vector<16xi32>], vector<16xi32>,
        %bitcast3A_284 = vector.bitcast %gather3A_283 : vector<16xi32> to vector<32xbf16>
        %mul3A_285 = arith.mulf %bitcast3A_280, %bitcast3A_282 : vector<32xbf16>
        %mul3A_286 = arith.mulf %mul3A_285, %bitcast3A_284 : vector<32xbf16>
        %unpack3A_287 = tpu.unpack_subelements %mul3A_286, 0 {pack_format = #tpu.pack_format<interleaved>} : vector<32xbf16> -> vector<16xf32>
        %unpack3A_288 = tpu.unpack_subelements %mul3A_286, 1 {pack_format = #tpu.pack_format<interleaved>} : vector<32xbf16> -> vector<16xf32>
        %add3A_289 = arith.addf %add3A_246, %unpack3A_287 : vector<16xf32>
        %add3A_290 = arith.addf %add3A_289, %unpack3A_288 : vector<16xf32>
        %mul3A_291 = arith.constant 16 : i32
        %mul3A_292 = arith.muli %scan3A_182, %mul3A_291 : i32
        %add3A_293 = vector.broadcast %mul3A_292 : i32 to vector<16xi32>
        %add3A_294 = arith.addi %iota3A, %add3A_293 : vector<16xi32>
        %add3A_295 = arith.constant 5 : i32
        %add3A_296 = vector.broadcast %add3A_295 : i32 to vector<16xi32>
        %add3A_297 = arith.addi %add3A_294, %add3A_296 : vector<16xi32>
        %and3A_298 = arith.constant 63 : i32
        %and3A_299 = vector.broadcast %and3A_298 : i32 to vector<16xi32>
        %and3A_300 = arith.andi %add3A_297, %and3A_299 : vector<16xi32>
        %gather3A_301 = tpu.vector_load_idx %arg13[%add3A_162, %and3A_300] : memref<80x64xi32, #tpu.memory_space<vmem>>[vector<16xi32>, vector<16xi32>], vector<16xi32>,
        %bitcast3A_302 = vector.bitcast %gather3A_301 : vector<16xi32> to vector<32xbf16>
        %gather3A_303 = tpu.vector_load_idx %arg14[%add3A_162, %and3A_300] : memref<80x64xi32, #tpu.memory_space<vmem>>[vector<16xi32>, vector<16xi32>], vector<16xi32>,
        %bitcast3A_304 = vector.bitcast %gather3A_303 : vector<16xi32> to vector<32xbf16>
        %gather3A_305 = tpu.vector_load_idx %arg17[%get3A_165, %and3A_300] : memref<964x64xi32, #tpu.memory_space<vmem>>[vector<16xi32>, vector<16xi32>], vector<16xi32>,
        %bitcast3A_306 = vector.bitcast %gather3A_305 : vector<16xi32> to vector<32xbf16>
        %mul3A_307 = arith.mulf %bitcast3A_302, %bitcast3A_304 : vector<32xbf16>
        %mul3A_308 = arith.mulf %mul3A_307, %bitcast3A_306 : vector<32xbf16>
        %unpack3A_309 = tpu.unpack_subelements %mul3A_308, 0 {pack_format = #tpu.pack_format<interleaved>} : vector<32xbf16> -> vector<16xf32>
        %unpack3A_310 = tpu.unpack_subelements %mul3A_308, 1 {pack_format = #tpu.pack_format<interleaved>} : vector<32xbf16> -> vector<16xf32>
        %add3A_311 = arith.addf %add3A_268, %unpack3A_309 : vector<16xf32>
        %add3A_312 = arith.addf %add3A_311, %unpack3A_310 : vector<16xf32>
        %mul3A_313 = arith.constant 16 : i32
        %mul3A_314 = arith.muli %scan3A_182, %mul3A_313 : i32
        %add3A_315 = vector.broadcast %mul3A_314 : i32 to vector<16xi32>
        %add3A_316 = arith.addi %iota3A, %add3A_315 : vector<16xi32>
        %add3A_317 = arith.constant 6 : i32
        %add3A_318 = vector.broadcast %add3A_317 : i32 to vector<16xi32>
        %add3A_319 = arith.addi %add3A_316, %add3A_318 : vector<16xi32>
        %and3A_320 = arith.constant 63 : i32
        %and3A_321 = vector.broadcast %and3A_320 : i32 to vector<16xi32>
        %and3A_322 = arith.andi %add3A_319, %and3A_321 : vector<16xi32>
        %gather3A_323 = tpu.vector_load_idx %arg13[%add3A_162, %and3A_322] : memref<80x64xi32, #tpu.memory_space<vmem>>[vector<16xi32>, vector<16xi32>], vector<16xi32>,
        %bitcast3A_324 = vector.bitcast %gather3A_323 : vector<16xi32> to vector<32xbf16>
        %gather3A_325 = tpu.vector_load_idx %arg14[%add3A_162, %and3A_322] : memref<80x64xi32, #tpu.memory_space<vmem>>[vector<16xi32>, vector<16xi32>], vector<16xi32>,
        %bitcast3A_326 = vector.bitcast %gather3A_325 : vector<16xi32> to vector<32xbf16>
        %gather3A_327 = tpu.vector_load_idx %arg17[%get3A_165, %and3A_322] : memref<964x64xi32, #tpu.memory_space<vmem>>[vector<16xi32>, vector<16xi32>], vector<16xi32>,
        %bitcast3A_328 = vector.bitcast %gather3A_327 : vector<16xi32> to vector<32xbf16>
        %mul3A_329 = arith.mulf %bitcast3A_324, %bitcast3A_326 : vector<32xbf16>
        %mul3A_330 = arith.mulf %mul3A_329, %bitcast3A_328 : vector<32xbf16>
        %unpack3A_331 = tpu.unpack_subelements %mul3A_330, 0 {pack_format = #tpu.pack_format<interleaved>} : vector<32xbf16> -> vector<16xf32>
        %unpack3A_332 = tpu.unpack_subelements %mul3A_330, 1 {pack_format = #tpu.pack_format<interleaved>} : vector<32xbf16> -> vector<16xf32>
        %add3A_333 = arith.addf %add3A_290, %unpack3A_331 : vector<16xf32>
        %add3A_334 = arith.addf %add3A_333, %unpack3A_332 : vector<16xf32>
        %mul3A_335 = arith.constant 16 : i32
        %mul3A_336 = arith.muli %scan3A_182, %mul3A_335 : i32
        %add3A_337 = vector.broadcast %mul3A_336 : i32 to vector<16xi32>
        %add3A_338 = arith.addi %iota3A, %add3A_337 : vector<16xi32>
        %add3A_339 = arith.constant 7 : i32
        %add3A_340 = vector.broadcast %add3A_339 : i32 to vector<16xi32>
        %add3A_341 = arith.addi %add3A_338, %add3A_340 : vector<16xi32>
        %and3A_342 = arith.constant 63 : i32
        %and3A_343 = vector.broadcast %and3A_342 : i32 to vector<16xi32>
        %and3A_344 = arith.andi %add3A_341, %and3A_343 : vector<16xi32>
        %gather3A_345 = tpu.vector_load_idx %arg13[%add3A_162, %and3A_344] : memref<80x64xi32, #tpu.memory_space<vmem>>[vector<16xi32>, vector<16xi32>], vector<16xi32>,
        %bitcast3A_346 = vector.bitcast %gather3A_345 : vector<16xi32> to vector<32xbf16>
        %gather3A_347 = tpu.vector_load_idx %arg14[%add3A_162, %and3A_344] : memref<80x64xi32, #tpu.memory_space<vmem>>[vector<16xi32>, vector<16xi32>], vector<16xi32>,
        %bitcast3A_348 = vector.bitcast %gather3A_347 : vector<16xi32> to vector<32xbf16>
        %gather3A_349 = tpu.vector_load_idx %arg17[%get3A_165, %and3A_344] : memref<964x64xi32, #tpu.memory_space<vmem>>[vector<16xi32>, vector<16xi32>], vector<16xi32>,
        %bitcast3A_350 = vector.bitcast %gather3A_349 : vector<16xi32> to vector<32xbf16>
        %mul3A_351 = arith.mulf %bitcast3A_346, %bitcast3A_348 : vector<32xbf16>
        %mul3A_352 = arith.mulf %mul3A_351, %bitcast3A_350 : vector<32xbf16>
        %unpack3A_353 = tpu.unpack_subelements %mul3A_352, 0 {pack_format = #tpu.pack_format<interleaved>} : vector<32xbf16> -> vector<16xf32>
        %unpack3A_354 = tpu.unpack_subelements %mul3A_352, 1 {pack_format = #tpu.pack_format<interleaved>} : vector<32xbf16> -> vector<16xf32>
        %add3A_355 = arith.addf %add3A_312, %unpack3A_353 : vector<16xf32>
        %add3A_356 = arith.addf %add3A_355, %unpack3A_354 : vector<16xf32>
        %mul3A_357 = arith.constant 16 : i32
        %mul3A_358 = arith.muli %scan3A_182, %mul3A_357 : i32
        %add3A_359 = vector.broadcast %mul3A_358 : i32 to vector<16xi32>
        %add3A_360 = arith.addi %iota3A, %add3A_359 : vector<16xi32>
        %add3A_361 = arith.constant 8 : i32
        %add3A_362 = vector.broadcast %add3A_361 : i32 to vector<16xi32>
        %add3A_363 = arith.addi %add3A_360, %add3A_362 : vector<16xi32>
        %and3A_364 = arith.constant 63 : i32
        %and3A_365 = vector.broadcast %and3A_364 : i32 to vector<16xi32>
        %and3A_366 = arith.andi %add3A_363, %and3A_365 : vector<16xi32>
        %gather3A_367 = tpu.vector_load_idx %arg13[%add3A_162, %and3A_366] : memref<80x64xi32, #tpu.memory_space<vmem>>[vector<16xi32>, vector<16xi32>], vector<16xi32>,
        %bitcast3A_368 = vector.bitcast %gather3A_367 : vector<16xi32> to vector<32xbf16>
        %gather3A_369 = tpu.vector_load_idx %arg14[%add3A_162, %and3A_366] : memref<80x64xi32, #tpu.memory_space<vmem>>[vector<16xi32>, vector<16xi32>], vector<16xi32>,
        %bitcast3A_370 = vector.bitcast %gather3A_369 : vector<16xi32> to vector<32xbf16>
        %gather3A_371 = tpu.vector_load_idx %arg17[%get3A_165, %and3A_366] : memref<964x64xi32, #tpu.memory_space<vmem>>[vector<16xi32>, vector<16xi32>], vector<16xi32>,
        %bitcast3A_372 = vector.bitcast %gather3A_371 : vector<16xi32> to vector<32xbf16>
        %mul3A_373 = arith.mulf %bitcast3A_368, %bitcast3A_370 : vector<32xbf16>
        %mul3A_374 = arith.mulf %mul3A_373, %bitcast3A_372 : vector<32xbf16>
        %unpack3A_375 = tpu.unpack_subelements %mul3A_374, 0 {pack_format = #tpu.pack_format<interleaved>} : vector<32xbf16> -> vector<16xf32>
        %unpack3A_376 = tpu.unpack_subelements %mul3A_374, 1 {pack_format = #tpu.pack_format<interleaved>} : vector<32xbf16> -> vector<16xf32>
        %add3A_377 = arith.addf %add3A_334, %unpack3A_375 : vector<16xf32>
        %add3A_378 = arith.addf %add3A_377, %unpack3A_376 : vector<16xf32>
        %mul3A_379 = arith.constant 16 : i32
        %mul3A_380 = arith.muli %scan3A_182, %mul3A_379 : i32
        %add3A_381 = vector.broadcast %mul3A_380 : i32 to vector<16xi32>
        %add3A_382 = arith.addi %iota3A, %add3A_381 : vector<16xi32>
        %add3A_383 = arith.constant 9 : i32
        %add3A_384 = vector.broadcast %add3A_383 : i32 to vector<16xi32>
        %add3A_385 = arith.addi %add3A_382, %add3A_384 : vector<16xi32>
        %and3A_386 = arith.constant 63 : i32
        %and3A_387 = vector.broadcast %and3A_386 : i32 to vector<16xi32>
        %and3A_388 = arith.andi %add3A_385, %and3A_387 : vector<16xi32>
        %gather3A_389 = tpu.vector_load_idx %arg13[%add3A_162, %and3A_388] : memref<80x64xi32, #tpu.memory_space<vmem>>[vector<16xi32>, vector<16xi32>], vector<16xi32>,
        %bitcast3A_390 = vector.bitcast %gather3A_389 : vector<16xi32> to vector<32xbf16>
        %gather3A_391 = tpu.vector_load_idx %arg14[%add3A_162, %and3A_388] : memref<80x64xi32, #tpu.memory_space<vmem>>[vector<16xi32>, vector<16xi32>], vector<16xi32>,
        %bitcast3A_392 = vector.bitcast %gather3A_391 : vector<16xi32> to vector<32xbf16>
        %gather3A_393 = tpu.vector_load_idx %arg17[%get3A_165, %and3A_388] : memref<964x64xi32, #tpu.memory_space<vmem>>[vector<16xi32>, vector<16xi32>], vector<16xi32>,
        %bitcast3A_394 = vector.bitcast %gather3A_393 : vector<16xi32> to vector<32xbf16>
        %mul3A_395 = arith.mulf %bitcast3A_390, %bitcast3A_392 : vector<32xbf16>
        %mul3A_396 = arith.mulf %mul3A_395, %bitcast3A_394 : vector<32xbf16>
        %unpack3A_397 = tpu.unpack_subelements %mul3A_396, 0 {pack_format = #tpu.pack_format<interleaved>} : vector<32xbf16> -> vector<16xf32>
        %unpack3A_398 = tpu.unpack_subelements %mul3A_396, 1 {pack_format = #tpu.pack_format<interleaved>} : vector<32xbf16> -> vector<16xf32>
        %add3A_399 = arith.addf %add3A_356, %unpack3A_397 : vector<16xf32>
        %add3A_400 = arith.addf %add3A_399, %unpack3A_398 : vector<16xf32>
        %mul3A_401 = arith.constant 16 : i32
        %mul3A_402 = arith.muli %scan3A_182, %mul3A_401 : i32
        %add3A_403 = vector.broadcast %mul3A_402 : i32 to vector<16xi32>
        %add3A_404 = arith.addi %iota3A, %add3A_403 : vector<16xi32>
        %add3A_405 = arith.constant 10 : i32
        %add3A_406 = vector.broadcast %add3A_405 : i32 to vector<16xi32>
        %add3A_407 = arith.addi %add3A_404, %add3A_406 : vector<16xi32>
        %and3A_408 = arith.constant 63 : i32
        %and3A_409 = vector.broadcast %and3A_408 : i32 to vector<16xi32>
        %and3A_410 = arith.andi %add3A_407, %and3A_409 : vector<16xi32>
        %gather3A_411 = tpu.vector_load_idx %arg13[%add3A_162, %and3A_410] : memref<80x64xi32, #tpu.memory_space<vmem>>[vector<16xi32>, vector<16xi32>], vector<16xi32>,
        %bitcast3A_412 = vector.bitcast %gather3A_411 : vector<16xi32> to vector<32xbf16>
        %gather3A_413 = tpu.vector_load_idx %arg14[%add3A_162, %and3A_410] : memref<80x64xi32, #tpu.memory_space<vmem>>[vector<16xi32>, vector<16xi32>], vector<16xi32>,
        %bitcast3A_414 = vector.bitcast %gather3A_413 : vector<16xi32> to vector<32xbf16>
        %gather3A_415 = tpu.vector_load_idx %arg17[%get3A_165, %and3A_410] : memref<964x64xi32, #tpu.memory_space<vmem>>[vector<16xi32>, vector<16xi32>], vector<16xi32>,
        %bitcast3A_416 = vector.bitcast %gather3A_415 : vector<16xi32> to vector<32xbf16>
        %mul3A_417 = arith.mulf %bitcast3A_412, %bitcast3A_414 : vector<32xbf16>
        %mul3A_418 = arith.mulf %mul3A_417, %bitcast3A_416 : vector<32xbf16>
        %unpack3A_419 = tpu.unpack_subelements %mul3A_418, 0 {pack_format = #tpu.pack_format<interleaved>} : vector<32xbf16> -> vector<16xf32>
        %unpack3A_420 = tpu.unpack_subelements %mul3A_418, 1 {pack_format = #tpu.pack_format<interleaved>} : vector<32xbf16> -> vector<16xf32>
        %add3A_421 = arith.addf %add3A_378, %unpack3A_419 : vector<16xf32>
        %add3A_422 = arith.addf %add3A_421, %unpack3A_420 : vector<16xf32>
        %mul3A_423 = arith.constant 16 : i32
        %mul3A_424 = arith.muli %scan3A_182, %mul3A_423 : i32
        %add3A_425 = vector.broadcast %mul3A_424 : i32 to vector<16xi32>
        %add3A_426 = arith.addi %iota3A, %add3A_425 : vector<16xi32>
        %add3A_427 = arith.constant 11 : i32
        %add3A_428 = vector.broadcast %add3A_427 : i32 to vector<16xi32>
        %add3A_429 = arith.addi %add3A_426, %add3A_428 : vector<16xi32>
        %and3A_430 = arith.constant 63 : i32
        %and3A_431 = vector.broadcast %and3A_430 : i32 to vector<16xi32>
        %and3A_432 = arith.andi %add3A_429, %and3A_431 : vector<16xi32>
        %gather3A_433 = tpu.vector_load_idx %arg13[%add3A_162, %and3A_432] : memref<80x64xi32, #tpu.memory_space<vmem>>[vector<16xi32>, vector<16xi32>], vector<16xi32>,
        %bitcast3A_434 = vector.bitcast %gather3A_433 : vector<16xi32> to vector<32xbf16>
        %gather3A_435 = tpu.vector_load_idx %arg14[%add3A_162, %and3A_432] : memref<80x64xi32, #tpu.memory_space<vmem>>[vector<16xi32>, vector<16xi32>], vector<16xi32>,
        %bitcast3A_436 = vector.bitcast %gather3A_435 : vector<16xi32> to vector<32xbf16>
        %gather3A_437 = tpu.vector_load_idx %arg17[%get3A_165, %and3A_432] : memref<964x64xi32, #tpu.memory_space<vmem>>[vector<16xi32>, vector<16xi32>], vector<16xi32>,
        %bitcast3A_438 = vector.bitcast %gather3A_437 : vector<16xi32> to vector<32xbf16>
        %mul3A_439 = arith.mulf %bitcast3A_434, %bitcast3A_436 : vector<32xbf16>
        %mul3A_440 = arith.mulf %mul3A_439, %bitcast3A_438 : vector<32xbf16>
        %unpack3A_441 = tpu.unpack_subelements %mul3A_440, 0 {pack_format = #tpu.pack_format<interleaved>} : vector<32xbf16> -> vector<16xf32>
        %unpack3A_442 = tpu.unpack_subelements %mul3A_440, 1 {pack_format = #tpu.pack_format<interleaved>} : vector<32xbf16> -> vector<16xf32>
        %add3A_443 = arith.addf %add3A_400, %unpack3A_441 : vector<16xf32>
        %add3A_444 = arith.addf %add3A_443, %unpack3A_442 : vector<16xf32>
        %mul3A_445 = arith.constant 16 : i32
        %mul3A_446 = arith.muli %scan3A_182, %mul3A_445 : i32
        %add3A_447 = vector.broadcast %mul3A_446 : i32 to vector<16xi32>
        %add3A_448 = arith.addi %iota3A, %add3A_447 : vector<16xi32>
        %add3A_449 = arith.constant 12 : i32
        %add3A_450 = vector.broadcast %add3A_449 : i32 to vector<16xi32>
        %add3A_451 = arith.addi %add3A_448, %add3A_450 : vector<16xi32>
        %and3A_452 = arith.constant 63 : i32
        %and3A_453 = vector.broadcast %and3A_452 : i32 to vector<16xi32>
        %and3A_454 = arith.andi %add3A_451, %and3A_453 : vector<16xi32>
        %gather3A_455 = tpu.vector_load_idx %arg13[%add3A_162, %and3A_454] : memref<80x64xi32, #tpu.memory_space<vmem>>[vector<16xi32>, vector<16xi32>], vector<16xi32>,
        %bitcast3A_456 = vector.bitcast %gather3A_455 : vector<16xi32> to vector<32xbf16>
        %gather3A_457 = tpu.vector_load_idx %arg14[%add3A_162, %and3A_454] : memref<80x64xi32, #tpu.memory_space<vmem>>[vector<16xi32>, vector<16xi32>], vector<16xi32>,
        %bitcast3A_458 = vector.bitcast %gather3A_457 : vector<16xi32> to vector<32xbf16>
        %gather3A_459 = tpu.vector_load_idx %arg17[%get3A_165, %and3A_454] : memref<964x64xi32, #tpu.memory_space<vmem>>[vector<16xi32>, vector<16xi32>], vector<16xi32>,
        %bitcast3A_460 = vector.bitcast %gather3A_459 : vector<16xi32> to vector<32xbf16>
        %mul3A_461 = arith.mulf %bitcast3A_456, %bitcast3A_458 : vector<32xbf16>
        %mul3A_462 = arith.mulf %mul3A_461, %bitcast3A_460 : vector<32xbf16>
        %unpack3A_463 = tpu.unpack_subelements %mul3A_462, 0 {pack_format = #tpu.pack_format<interleaved>} : vector<32xbf16> -> vector<16xf32>
        %unpack3A_464 = tpu.unpack_subelements %mul3A_462, 1 {pack_format = #tpu.pack_format<interleaved>} : vector<32xbf16> -> vector<16xf32>
        %add3A_465 = arith.addf %add3A_422, %unpack3A_463 : vector<16xf32>
        %add3A_466 = arith.addf %add3A_465, %unpack3A_464 : vector<16xf32>
        %mul3A_467 = arith.constant 16 : i32
        %mul3A_468 = arith.muli %scan3A_182, %mul3A_467 : i32
        %add3A_469 = vector.broadcast %mul3A_468 : i32 to vector<16xi32>
        %add3A_470 = arith.addi %iota3A, %add3A_469 : vector<16xi32>
        %add3A_471 = arith.constant 13 : i32
        %add3A_472 = vector.broadcast %add3A_471 : i32 to vector<16xi32>
        %add3A_473 = arith.addi %add3A_470, %add3A_472 : vector<16xi32>
        %and3A_474 = arith.constant 63 : i32
        %and3A_475 = vector.broadcast %and3A_474 : i32 to vector<16xi32>
        %and3A_476 = arith.andi %add3A_473, %and3A_475 : vector<16xi32>
        %gather3A_477 = tpu.vector_load_idx %arg13[%add3A_162, %and3A_476] : memref<80x64xi32, #tpu.memory_space<vmem>>[vector<16xi32>, vector<16xi32>], vector<16xi32>,
        %bitcast3A_478 = vector.bitcast %gather3A_477 : vector<16xi32> to vector<32xbf16>
        %gather3A_479 = tpu.vector_load_idx %arg14[%add3A_162, %and3A_476] : memref<80x64xi32, #tpu.memory_space<vmem>>[vector<16xi32>, vector<16xi32>], vector<16xi32>,
        %bitcast3A_480 = vector.bitcast %gather3A_479 : vector<16xi32> to vector<32xbf16>
        %gather3A_481 = tpu.vector_load_idx %arg17[%get3A_165, %and3A_476] : memref<964x64xi32, #tpu.memory_space<vmem>>[vector<16xi32>, vector<16xi32>], vector<16xi32>,
        %bitcast3A_482 = vector.bitcast %gather3A_481 : vector<16xi32> to vector<32xbf16>
        %mul3A_483 = arith.mulf %bitcast3A_478, %bitcast3A_480 : vector<32xbf16>
        %mul3A_484 = arith.mulf %mul3A_483, %bitcast3A_482 : vector<32xbf16>
        %unpack3A_485 = tpu.unpack_subelements %mul3A_484, 0 {pack_format = #tpu.pack_format<interleaved>} : vector<32xbf16> -> vector<16xf32>
        %unpack3A_486 = tpu.unpack_subelements %mul3A_484, 1 {pack_format = #tpu.pack_format<interleaved>} : vector<32xbf16> -> vector<16xf32>
        %add3A_487 = arith.addf %add3A_444, %unpack3A_485 : vector<16xf32>
        %add3A_488 = arith.addf %add3A_487, %unpack3A_486 : vector<16xf32>
        %mul3A_489 = arith.constant 16 : i32
        %mul3A_490 = arith.muli %scan3A_182, %mul3A_489 : i32
        %add3A_491 = vector.broadcast %mul3A_490 : i32 to vector<16xi32>
        %add3A_492 = arith.addi %iota3A, %add3A_491 : vector<16xi32>
        %add3A_493 = arith.constant 14 : i32
        %add3A_494 = vector.broadcast %add3A_493 : i32 to vector<16xi32>
        %add3A_495 = arith.addi %add3A_492, %add3A_494 : vector<16xi32>
        %and3A_496 = arith.constant 63 : i32
        %and3A_497 = vector.broadcast %and3A_496 : i32 to vector<16xi32>
        %and3A_498 = arith.andi %add3A_495, %and3A_497 : vector<16xi32>
        %gather3A_499 = tpu.vector_load_idx %arg13[%add3A_162, %and3A_498] : memref<80x64xi32, #tpu.memory_space<vmem>>[vector<16xi32>, vector<16xi32>], vector<16xi32>,
        %bitcast3A_500 = vector.bitcast %gather3A_499 : vector<16xi32> to vector<32xbf16>
        %gather3A_501 = tpu.vector_load_idx %arg14[%add3A_162, %and3A_498] : memref<80x64xi32, #tpu.memory_space<vmem>>[vector<16xi32>, vector<16xi32>], vector<16xi32>,
        %bitcast3A_502 = vector.bitcast %gather3A_501 : vector<16xi32> to vector<32xbf16>
        %gather3A_503 = tpu.vector_load_idx %arg17[%get3A_165, %and3A_498] : memref<964x64xi32, #tpu.memory_space<vmem>>[vector<16xi32>, vector<16xi32>], vector<16xi32>,
        %bitcast3A_504 = vector.bitcast %gather3A_503 : vector<16xi32> to vector<32xbf16>
        %mul3A_505 = arith.mulf %bitcast3A_500, %bitcast3A_502 : vector<32xbf16>
        %mul3A_506 = arith.mulf %mul3A_505, %bitcast3A_504 : vector<32xbf16>
        %unpack3A_507 = tpu.unpack_subelements %mul3A_506, 0 {pack_format = #tpu.pack_format<interleaved>} : vector<32xbf16> -> vector<16xf32>
        %unpack3A_508 = tpu.unpack_subelements %mul3A_506, 1 {pack_format = #tpu.pack_format<interleaved>} : vector<32xbf16> -> vector<16xf32>
        %add3A_509 = arith.addf %add3A_466, %unpack3A_507 : vector<16xf32>
        %add3A_510 = arith.addf %add3A_509, %unpack3A_508 : vector<16xf32>
        %mul3A_511 = arith.constant 16 : i32
        %mul3A_512 = arith.muli %scan3A_182, %mul3A_511 : i32
        %add3A_513 = vector.broadcast %mul3A_512 : i32 to vector<16xi32>
        %add3A_514 = arith.addi %iota3A, %add3A_513 : vector<16xi32>
        %add3A_515 = arith.constant 15 : i32
        %add3A_516 = vector.broadcast %add3A_515 : i32 to vector<16xi32>
        %add3A_517 = arith.addi %add3A_514, %add3A_516 : vector<16xi32>
        %and3A_518 = arith.constant 63 : i32
        %and3A_519 = vector.broadcast %and3A_518 : i32 to vector<16xi32>
        %and3A_520 = arith.andi %add3A_517, %and3A_519 : vector<16xi32>
        %gather3A_521 = tpu.vector_load_idx %arg13[%add3A_162, %and3A_520] : memref<80x64xi32, #tpu.memory_space<vmem>>[vector<16xi32>, vector<16xi32>], vector<16xi32>,
        %bitcast3A_522 = vector.bitcast %gather3A_521 : vector<16xi32> to vector<32xbf16>
        %gather3A_523 = tpu.vector_load_idx %arg14[%add3A_162, %and3A_520] : memref<80x64xi32, #tpu.memory_space<vmem>>[vector<16xi32>, vector<16xi32>], vector<16xi32>,
        %bitcast3A_524 = vector.bitcast %gather3A_523 : vector<16xi32> to vector<32xbf16>
        %gather3A_525 = tpu.vector_load_idx %arg17[%get3A_165, %and3A_520] : memref<964x64xi32, #tpu.memory_space<vmem>>[vector<16xi32>, vector<16xi32>], vector<16xi32>,
        %bitcast3A_526 = vector.bitcast %gather3A_525 : vector<16xi32> to vector<32xbf16>
        %mul3A_527 = arith.mulf %bitcast3A_522, %bitcast3A_524 : vector<32xbf16>
        %mul3A_528 = arith.mulf %mul3A_527, %bitcast3A_526 : vector<32xbf16>
        %unpack3A_529 = tpu.unpack_subelements %mul3A_528, 0 {pack_format = #tpu.pack_format<interleaved>} : vector<32xbf16> -> vector<16xf32>
        %unpack3A_530 = tpu.unpack_subelements %mul3A_528, 1 {pack_format = #tpu.pack_format<interleaved>} : vector<32xbf16> -> vector<16xf32>
        %add3A_531 = arith.addf %add3A_488, %unpack3A_529 : vector<16xf32>
        %add3A_532 = arith.addf %add3A_531, %unpack3A_530 : vector<16xf32>
        scf.yield %add3A_510, %add3A_532 : vector<16xf32>, vector<16xf32>
      }
      %scan3A_172 = arith.constant 4 : i32
      %add3A_173 = arith.addf %scan3A_171#0, %scan3A_171#1 : vector<16xf32>
      %neg3A = arith.constant 0.000000e+00 : f32
      %neg3A_174 = vector.broadcast %neg3A : f32 to vector<16xf32>
      %neg3A_175 = arith.subf %neg3A_174, %add3A_173 : vector<16xf32>
      %exp3A = math.exp %neg3A_175 : vector<16xf32>
      %add3A_176 = arith.constant 1.000000e+00 : f32
      %add3A_177 = vector.broadcast %add3A_176 : f32 to vector<16xf32>
      %add3A_178 = arith.addf %add3A_177, %exp3A : vector<16xf32>
      %div3A = arith.constant 1.000000e+00 : f32
      %div3A_179 = vector.broadcast %div3A : f32 to vector<16xf32>
      %div3A_180 = arith.divf %div3A_179, %add3A_178 : vector<16xf32>
      %swap3A = arith.index_cast %mul3A_160 : i32 to index
      %swap3A_181 = tpu.vector_load %arg19[%swap3A] {strides = array<i32>} : memref<80xf32, #tpu.memory_space<vmem>>, vector<16xf32>,
      tpu.vector_store %arg19[%swap3A], %div3A_180 {strides = array<i32>} : memref<80xf32, #tpu.memory_space<vmem>>, vector<16xf32>,
    }
    %scan3A_113 = arith.constant 5 : i32
    %add3A_114 = arith.constant 9920 : i32
    %add3A_115 = arith.addi %mul3A_2, %add3A_114 : i32
    %dma_start3A_116 = tpu.memref_slice %arg7[%add3A_115] : memref<320000xf32, #tpu.memory_space<hbm>> -> memref<80xf32, #tpu.memory_space<hbm>>
    %dma_start3A_117 = tpu.memref_slice %arg7[%add3A_115] : memref<320000xf32, #tpu.memory_space<hbm>> -> memref<80xf32, #tpu.memory_space<hbm>>
    tpu.enqueue_dma source(%arg19 : memref<80xf32, #tpu.memory_space<vmem>>) target(%dma_start3A_117 : memref<80xf32, #tpu.memory_space<hbm>>) target_semaphore(%arg25 : memref<!tpu.dma_semaphore, #tpu.memory_space<semaphore_mem>>)
    %dma_wait3A_118 = arith.constant 124 : i32
    %dma_wait3A_119 = arith.constant 0 : i32
    %dma_wait3A_120 = tpu.memref_slice %arg8[%dma_wait3A_118, %dma_wait3A_119] : memref<125x80xi32, #tpu.memory_space<vmem>> -> memref<1x80xi32, #tpu.memory_space<vmem>>
    %dma_wait3A_121 = tpu.memref_squeeze %dma_wait3A_120 : memref<1x80xi32, #tpu.memory_space<vmem>> -> memref<80xi32, #tpu.memory_space<vmem>>
    %dma_wait3A_122 = arith.constant 0 : i32
    %dma_wait3A_123 = arith.constant 0 : i32
    %dma_wait3A_124 = tpu.memref_slice %arg2[%dma_wait3A_122, %dma_wait3A_123] : memref<10000x64xi32, #tpu.memory_space<hbm>> -> memref<10000x64xi32, #tpu.memory_space<hbm>>
    tpu.wait_indirect_dma semaphore(%arg23 : memref<!tpu.dma_semaphore, #tpu.memory_space<semaphore_mem>>) src(%dma_wait3A_124 : memref<10000x64xi32, #tpu.memory_space<hbm>>) dst(%arg15 : memref<80x64xi32, #tpu.memory_space<vmem>>)
    %dma_wait3A_125 = arith.constant 124 : i32
    %dma_wait3A_126 = arith.constant 0 : i32
    %dma_wait3A_127 = tpu.memref_slice %arg9[%dma_wait3A_125, %dma_wait3A_126] : memref<125x80xi32, #tpu.memory_space<vmem>> -> memref<1x80xi32, #tpu.memory_space<vmem>>
    %dma_wait3A_128 = tpu.memref_squeeze %dma_wait3A_127 : memref<1x80xi32, #tpu.memory_space<vmem>> -> memref<80xi32, #tpu.memory_space<vmem>>
    %dma_wait3A_129 = arith.constant 0 : i32
    %dma_wait3A_130 = arith.constant 0 : i32
    %dma_wait3A_131 = tpu.memref_slice %arg2[%dma_wait3A_129, %dma_wait3A_130] : memref<10000x64xi32, #tpu.memory_space<hbm>> -> memref<10000x64xi32, #tpu.memory_space<hbm>>
    tpu.wait_indirect_dma semaphore(%arg23 : memref<!tpu.dma_semaphore, #tpu.memory_space<semaphore_mem>>) src(%dma_wait3A_131 : memref<10000x64xi32, #tpu.memory_space<hbm>>) dst(%arg16 : memref<80x64xi32, #tpu.memory_space<vmem>>)
    %dma_wait3A_132 = arith.constant 124 : i32
    %dma_wait3A_133 = arith.constant 0 : i32
    %dma_wait3A_134 = tpu.memref_slice %arg8[%dma_wait3A_132, %dma_wait3A_133] : memref<125x80xi32, #tpu.memory_space<vmem>> -> memref<1x80xi32, #tpu.memory_space<vmem>>
    %dma_wait3A_135 = tpu.memref_squeeze %dma_wait3A_134 : memref<1x80xi32, #tpu.memory_space<vmem>> -> memref<80xi32, #tpu.memory_space<vmem>>
    %dma_wait3A_136 = arith.constant 0 : i32
    %dma_wait3A_137 = arith.constant 0 : i32
    %dma_wait3A_138 = tpu.memref_slice %arg2[%dma_wait3A_136, %dma_wait3A_137] : memref<10000x64xi32, #tpu.memory_space<hbm>> -> memref<10000x64xi32, #tpu.memory_space<hbm>>
    tpu.wait_indirect_dma semaphore(%arg21 : memref<!tpu.dma_semaphore, #tpu.memory_space<semaphore_mem>>) src(%dma_wait3A_138 : memref<10000x64xi32, #tpu.memory_space<hbm>>) dst(%arg11 : memref<80x64xi32, #tpu.memory_space<vmem>>)
    %dma_wait3A_139 = arith.constant 124 : i32
    %dma_wait3A_140 = arith.constant 0 : i32
    %dma_wait3A_141 = tpu.memref_slice %arg9[%dma_wait3A_139, %dma_wait3A_140] : memref<125x80xi32, #tpu.memory_space<vmem>> -> memref<1x80xi32, #tpu.memory_space<vmem>>
    %dma_wait3A_142 = tpu.memref_squeeze %dma_wait3A_141 : memref<1x80xi32, #tpu.memory_space<vmem>> -> memref<80xi32, #tpu.memory_space<vmem>>
    %dma_wait3A_143 = arith.constant 0 : i32
    %dma_wait3A_144 = arith.constant 0 : i32
    %dma_wait3A_145 = tpu.memref_slice %arg2[%dma_wait3A_143, %dma_wait3A_144] : memref<10000x64xi32, #tpu.memory_space<hbm>> -> memref<10000x64xi32, #tpu.memory_space<hbm>>
    tpu.wait_indirect_dma semaphore(%arg21 : memref<!tpu.dma_semaphore, #tpu.memory_space<semaphore_mem>>) src(%dma_wait3A_145 : memref<10000x64xi32, #tpu.memory_space<hbm>>) dst(%arg12 : memref<80x64xi32, #tpu.memory_space<vmem>>)
    %add3A_146 = arith.constant 9760 : i32
    %add3A_147 = arith.addi %mul3A_2, %add3A_146 : i32
    %dma_wait3A_148 = tpu.memref_slice %arg7[%add3A_147] : memref<320000xf32, #tpu.memory_space<hbm>> -> memref<80xf32, #tpu.memory_space<hbm>>
    %dma_wait3A_149 = tpu.memref_slice %arg7[%add3A_147] : memref<320000xf32, #tpu.memory_space<hbm>> -> memref<80xf32, #tpu.memory_space<hbm>>
    tpu.wait_dma2 semaphore(%arg26 : memref<!tpu.dma_semaphore, #tpu.memory_space<semaphore_mem>>) src(%arg20 : memref<80xf32, #tpu.memory_space<vmem>>) dst(%dma_wait3A_149 : memref<80xf32, #tpu.memory_space<hbm>>)
    %add3A_150 = arith.constant 9840 : i32
    %add3A_151 = arith.addi %mul3A_2, %add3A_150 : i32
    %dma_wait3A_152 = tpu.memref_slice %arg7[%add3A_151] : memref<320000xf32, #tpu.memory_space<hbm>> -> memref<80xf32, #tpu.memory_space<hbm>>
    %dma_wait3A_153 = tpu.memref_slice %arg7[%add3A_151] : memref<320000xf32, #tpu.memory_space<hbm>> -> memref<80xf32, #tpu.memory_space<hbm>>
    tpu.wait_dma2 semaphore(%arg24 : memref<!tpu.dma_semaphore, #tpu.memory_space<semaphore_mem>>) src(%arg18 : memref<80xf32, #tpu.memory_space<vmem>>) dst(%dma_wait3A_153 : memref<80xf32, #tpu.memory_space<hbm>>)
    %add3A_154 = arith.constant 9920 : i32
    %add3A_155 = arith.addi %mul3A_2, %add3A_154 : i32
    %dma_wait3A_156 = tpu.memref_slice %arg7[%add3A_155] : memref<320000xf32, #tpu.memory_space<hbm>> -> memref<80xf32, #tpu.memory_space<hbm>>
    %dma_wait3A_157 = tpu.memref_slice %arg7[%add3A_155] : memref<320000xf32, #tpu.memory_space<hbm>> -> memref<80xf32, #tpu.memory_space<hbm>>
    tpu.wait_dma2 semaphore(%arg25 : memref<!tpu.dma_semaphore, #tpu.memory_space<semaphore_mem>>) src(%arg19 : memref<80xf32, #tpu.memory_space<vmem>>) dst(%dma_wait3A_157 : memref<80xf32, #tpu.memory_space<hbm>>)
    return
  }
}

</mosaic_0001>

<sc_bundles>
// kernel: _run.3.cloned.1.call-start
scs
__scs_entry_jumppad:
0x0: {  	(pc) =	sbr.rel $0x88, $3  }
0x1: {  	(tag) =	ssettag $0x0;
	lr =	simm.s32 $0x1  }
0x2: {  	[smem:$0x3F9C] =	sst lr;
	_ =	strace $0xD0000000  }
0x3: {  	_ = 	snop  }
0x4: {  	_ = 	snop  }
0x5: {  	_ = 	snop  }
0x6: {  	_ = 	snop  }
0x7: {  	_ = 	snop  }
__scs_overlays_trampoline_lowered:
0x8: {  	[smem:$0x3FAB] =	sst s0  }
0x9: {  	[smem:$0x3FAC] =	sst s1  }
0xa: {  	[smem:$0x3FAD] =	sst s2  }
0xb: {  	[smem:$0x3FAE] =	sst s3  }
0xc: {  	[smem:$0x3FAF] =	sst s4  }
0xd: {  	[smem:$0x3FB0] =	sst s5  }
0xe: {  	[smem:$0x3FB1] =	sst s6  }
0xf: {  	[smem:$0x3FB2] =	sst s7  }
0x10: {  	[smem:$0x3FB3] =	sst s8  }
0x11: {  	[smem:$0x3FB4] =	sst s9;
	s0 =	simm.s32 @!p0 $0x0  }
0x12: {  	s1 =	sld [smem:$0x3F9A];
	s0 =	simm.s32 @p0 $0x1  }
0x13: {  	[smem:$0x3FB5] =	sst s0;
	s0 =	simm.s32 @!p1 $0x0  }
0x14: {  	s2 =	sld [smem:$0x3F99];
	s0 =	simm.s32 @p1 $0x1  }
0x15: {  	[smem:$0x3FB6] =	sst s0;
	s0 =	simm.s32 @!p2 $0x0  }
0x16: {  	s3 =	sld [smem:$0x3FDB];
	s0 =	simm.s32 @p2 $0x1  }
0x17: {  	s4 =	simm.s32 $0x1BF5;
	[smem:$0x3FB8] =	sst s0  }
0x18: {  	s0 =	sld [smem:$0x3F9B];
	_ =	swait.ge [sflag:s4], $0x0  }
0x19: {  	s7 =	sld [smem:$0x3F9C]  }
0x1a: {  	s8 =	sadd.s32 $0xFFFFE003, lr  }
0x1b: {  	s9 =	sadd.s32 $0xFFFFFEF7, lr;
	s5 =	simm.s32 $0xFFFFFFFF;
	p2 =	slt.u32 s8, $0xFFFFF086  }
0x1c: {  	p1 =	slt.u32 s9, $0xF7A;
	s5 =	simm.s32 @!p2 $0x0  }
0x1d: {  	s5 =	simm.s32 @p1 $0x1;
	p0 =	seq.s32 s7, s2  }
0x1e: {  	s7 =	smul.u32 @!p0 $0xF7A, s2;
	p2 =	seq.s32 @!p0 s5, $0x0  }
0x1f: {  	s9 =	smul.u32 $0xF7A, s1;
	s8 =	simm.s32 @!p0 $0x1BF5;
	p2 =	por !p2, p0  }
0x20: {  	[sflag:s8] =	ssyncset.s32 @!p0 $0xFFFFF086;
	s6 =	sadd.s32 @!p0 s3, s7;
	s7 =	simm.s32 @!p0 $0x108  }
0x21: {  	s3 =	sadd.s32 s3, s9;
	s6 =	sadd.s32 @!p0 $0x88, s6;
	s7 =	simm.s32 @p2 $0x1082  }
0x22: {  	[simem:s7], [sflag:s8] =	dma.local @!p0 [hbm:s6], $0xF7A  }
0x23: {  	s9 =	sor.u32 $0xD0000000, s2;
	s6 =	simm.s32 $0x108;
	_ =	swait.ge @!p0 [sflag:s8], $0x0  }
0x24: {  	s3 =	sadd.s32 $0x88, s3;
	s6 =	simm.s32 @!p1 $0x1082;
	[sflag:s4] =	ssyncset.s32 $0xFFFFF086  }
0x25: {  	[simem:s6], [sflag:s4] =	dma.local [hbm:s3], $0xF7A  }
0x26: {  	[smem:$0x3F9C] =	sst s1;
	(tag) =	ssettag s2;
	_ =	strace s9  }
0x27: {  	s1 =	sld [smem:$0x3FAC]  }
0x28: {  	s2 =	sld [smem:$0x3FAD]  }
0x29: {  	s4 =	sld [smem:$0x3FAF]  }
0x2a: {  	p0 =	seq.s32 s5, $0x0;
	s5 =	sld [smem:$0x3FB0]  }
0x2b: {  	s6 =	sld [smem:$0x3FB1]  }
0x2c: {  	s7 =	sld [smem:$0x3FB2]  }
0x2d: {  	s3 =	simm.s32 $0x108;
	s8 =	sld [smem:$0x3FB3]  }
0x2e: {  	s3 =	simm.s32 @!p0 $0x1082;
	s9 =	sld [smem:$0x3FB4]  }
0x2f: {  	lr =	sadd.s32 s0, s3;
	s0 =	sld [smem:$0x3FAB]  }
0x30: {  	s3 =	sld [smem:$0x3FAE]  }
0x31: {  	[smem:$0x3FB7] =	sst s10  }
0x32: {  	s10 =	sld [smem:$0x3FB5];
	_ =	sdelay $0x3  }
0x33: {  	p0 =	seq.s32 s10, $0x1;
	s10 =	sld [smem:$0x3FB7];
	_ =	sdelay $0x3  }
0x34: {  	[smem:$0x3FB7] =	sst s10  }
0x35: {  	s10 =	sld [smem:$0x3FB6];
	_ =	sdelay $0x3  }
0x36: {  	p1 =	seq.s32 s10, $0x1;
	s10 =	sld [smem:$0x3FB7];
	_ =	sdelay $0x3  }
0x37: {  	[smem:$0x3FB7] =	sst s10  }
0x38: {  	s10 =	sld [smem:$0x3FB8]  }
0x39: {  	_ = 	snop;
	(pc) =	sbr.ind lr, $3  }
0x3a: {  	_ = 	snop  }
0x3b: {  	_ = 	snop  }
0x3c: {  	p2 =	seq.s32 s10, $0x1;
	s10 =	sld [smem:$0x3FB7]  }
0x3d: {  	_ =	shalt  }
0x3e: {  	_ =	shalt  }
0x3f: {  	_ =	shalt  }
0x40: {  	_ =	shalt  }
0x41: {  	_ =	shalt  }
0x42: {  	_ =	shalt  }
0x43: {  	_ =	shalt  }
0x44: {  	_ =	shalt  }
0x45: {  	_ =	shalt  }
0x46: {  	_ =	shalt  }
0x47: {  	_ =	shalt  }
0x48: {  	_ =	shalt  }
0x49: {  	_ =	shalt  }
0x4a: {  	_ =	shalt  }
0x4b: {  	_ =	shalt  }
0x4c: {  	_ =	shalt  }
0x4d: {  	_ =	shalt  }
0x4e: {  	_ =	shalt  }
0x4f: {  	_ =	shalt  }
0x50: {  	_ =	shalt  }
0x51: {  	_ =	shalt  }
0x52: {  	_ =	shalt  }
0x53: {  	_ =	shalt  }
0x54: {  	_ =	shalt  }
0x55: {  	_ =	shalt  }
0x56: {  	_ =	shalt  }
0x57: {  	_ =	shalt  }
0x58: {  	_ =	shalt  }
0x59: {  	_ =	shalt  }
0x5a: {  	_ =	shalt  }
0x5b: {  	_ =	shalt  }
0x5c: {  	_ =	shalt  }
0x5d: {  	_ =	shalt  }
0x5e: {  	_ =	shalt  }
0x5f: {  	_ =	shalt  }
0x60: {  	_ =	shalt  }
0x61: {  	_ =	shalt  }
0x62: {  	_ =	shalt  }
0x63: {  	_ =	shalt  }
0x64: {  	_ =	shalt  }
0x65: {  	_ =	shalt  }
0x66: {  	_ =	shalt  }
0x67: {  	_ =	shalt  }
0x68: {  	_ =	shalt  }
0x69: {  	_ =	shalt  }
0x6a: {  	_ =	shalt  }
0x6b: {  	_ =	shalt  }
0x6c: {  	_ =	shalt  }
0x6d: {  	_ =	shalt  }
0x6e: {  	_ =	shalt  }
0x6f: {  	_ =	shalt  }
0x70: {  	_ =	shalt  }
0x71: {  	_ =	shalt  }
0x72: {  	_ =	shalt  }
0x73: {  	_ =	shalt  }
0x74: {  	_ =	shalt  }
0x75: {  	_ =	shalt  }
0x76: {  	_ =	shalt  }
0x77: {  	_ =	shalt  }
0x78: {  	_ =	shalt  }
0x79: {  	_ =	shalt  }
0x7a: {  	_ =	shalt  }
0x7b: {  	_ =	shalt  }
0x7c: {  	_ =	shalt  }
0x7d: {  	_ =	shalt  }
0x7e: {  	_ =	shalt  }
0x7f: {  	_ =	shalt  }
0x80: {  	_ =	shalt  }
0x81: {  	_ =	shalt  }
0x82: {  	_ =	shalt  }
0x83: {  	_ =	shalt  }
0x84: {  	_ =	shalt  }
0x85: {  	_ =	shalt  }
0x86: {  	_ =	shalt  }
0x87: {  	_ =	shalt  }
.Lfunc_end0:
.L_simem_size_0:
called_computation_lowered:
.L_overlay_start_0:
0x88: {  	s2 =	sld [smem:$0x3FD9]  }
0x89: {  	s3 =	sld [smem:$0x3FFE];
	_ =	sdelay $0x1  }
0x8a: {  	s1 =	srdreg.scid  }
0x8b: {  	s0 =	sand.u32 $0x1, s1  }
0x8c: {  	s17 =	sshll.u32 s0, $0xA;
	s2 =	sadd.s32 s3, s2  }
0x8d: {  	s2 =	sadd.s32 s2, s17  }
0x8e: {  	[smem:$0x3FC3] =	sst s2  }
0x8f: {  	_ = 	snop  }
0x90: {  	s2 =	sld [smem:$0x3FD0];
	(tm) =	ssettm $0x1  }
0x91: {  	s18 =	sld [smem:$0x3FFB];
	_ =	sdelay $0x3  }
0x92: {  	_ =	strace s18  }
0x93: {  	s3 =	sld [smem:$0x3FFC];
	_ =	sdelay $0x3  }
0x94: {  	_ =	strace s3  }
0x95: {  	s3 =	sld [smem:$0x3FFD];
	_ =	sdelay $0x3  }
0x96: {  	_ =	strace s3  }
0x97: {  	_ =	strace $0x8FFFFFFF  }
0x98: {  	s19 =	sld [smem:$0x3FDB];
	_ =	sdelay $0x1  }
0x99: {  	s4 =	simm.s32 $_scs_section_size  }
0x9a: {  	s5 =	simm.s32 $_size__tile_overlayer_lowered;
	s6 =	simm.s32 $_tile_overlayer_lowered  }
0x9b: {  	s22 =	simm.s32 $0x1BFF;
	s21 =	sshll.u32 s6, $0x1;
	s3 =	sadd.s32 s4, s19  }
0x9c: {  	s7 =	simm.s32 $0x0;
	s20 =	sshll.u32 s5, $0x1;
	s5 =	sadd.s32 s21, s3  }
0x9d: {  	[timem:s7], [sflag:s22] =	dma.local [hbm:s5], s20  }
0x9e: {  	_ =	swait.ge [sflag:s22], s20  }
0x9f: {  	s4 =	ssub.s32 $0x0, s20;
	[sflag:s22] =	ssyncset.done $0x0  }
0xa0: {  	[sflag:s22] =	ssyncadd.s32 s4;
	_ =	sdelay $0x1  }
0xa1: {  	s23 =	simm.s32 $0x1B8B  }
0xa2: {  	_ =	swait.ge [sflag:s23], $0x1  }
0xa3: {  	[sflag:s23] =	ssyncset.done $0x0  }
0xa4: {  	s25 =	simm.s32 $0x1B8E;
	s24 =	sld [smem:$0x3FFE];
	[sflag:s23] =	ssyncadd.s32 $0xFFFFFFFF  }
0xa5: {  	s26 =	simm.s32 $execute0_lowered;
	[smem:$0x3FD2] =	sst s25  }
0xa6: {  	s5 =	sshll.u32 s26, $0x1;
	_ =	strace $0x80000046;
	[dreg:$0x1] =	wrdreg $0xFFFFFFFF  }
0xa7: {  	s28 =	simm.s32 $_size_execute0_lowered;
	s3 =	sadd.s32 s3, s5;
	[dreg:$0x0] =	wrdreg $0x0  }
0xa8: {  	s5 =	sshll.u32 s28, $0x1;
	[dreg:$0x2] =	wrdreg s3  }
0xa9: {  	[dreg:$0x3] =	wrdreg s5  }
0xaa: {  	[dreg:$0x4] =	wrdreg $0xC0  }
0xab: {  	_ =	task [dreg:s7], $0x5FFFF  }
0xac: {  	[dreg:$0x1] =	wrdreg $0xFFFFFFFF  }
0xad: {  	[dreg:$0x0] =	wrdreg $0x60  }
0xae: {  	[dreg:$0x2] =	wrdreg s24  }
0xaf: {  	[dreg:$0x3] =	wrdreg s2  }
0xb0: {  	[dreg:$0x4] =	wrdreg $0x9  }
0xb1: {  	_ =	task.clear_ibuf [dreg:s7], $0x5FFFF;
	_ =	strace $0x90000046  }
0xb2: {  	s29 =	simm.s32 $0x9;
	_ =	strace $0x80000048  }
0xb3: {  	_ =	swait.ge [sflag:s29], $0x1  }
0xb4: {  	[sflag:s29] =	ssyncadd.s32 $0xFFFFFFFF  }
0xb5: {  	_ =	strace $0x90000048  }
0xb6: {  	_ =	sfence  }
0xb7: {  	s30 =	sld [smem:$0x0];
	_ =	sdelay $0x2  }
0xb8: {  	s31 =	sshll.u32 s1, $0xD;
	s1 =	sshrl.u32 s1, $0x2  }
0xb9: {  	s3 =	sand.u32 $0x4000, s31;
	s1 =	sadd.s32 s1, s30  }
0xba: {  	s0 =	sor.u32 s3, s0;
	s1 =	sshll.u32 s1, $0x11  }
0xbb: {  	s0 =	sor.u32 s1, s0  }
0xbc: {  	s0 =	sadd.s32 $0x8F2B, s0  }
0xbd: {  	[sflag:s0] =	ssyncadd.remote.s32 $0x1  }
0xbe: {  	_ =	sfence.sel $0xFFFF  }
0xbf: {  	[dreg:$0x0] =	wrdreg $0xFFFFFFFF;
	(pc) =	sbr.abs _section_cstart, $3  }
0xc0: {  	[dreg:$0x1] =	wrdreg $0xFFFFFFFF  }
0xc1: {  	_ =	task.clear_ibuf [dreg:s7], $0x2FFFF;
	_ =	strace $0x9FFFFFFF  }
0xc2: {  	(tm) =	ssettm $0x7FFFFFFF  }
0xc3: {  	_ =	shalt  }
tec
execute0_lowered:
.L_overlay_start_1:
0x0: {  	(tag) =	ssettag $0x1  }
0x1: {  	s0 =	srdreg.scid;
	s2 =	stileid.u32  }
0x2: {  	v9 =	vlaneseq.u32;
	s0 =	sand.u32 $0x1, s0;
	s3 =	sshll.u32 s2, $0x1  }
0x3: {  	s1 =	rddreg [dreg:$0x0];
	v1 =	vmul.u32 $0x40, v9;
	s4 =	sor.u32 s0, s3;
	s3 =	simm.s32 $0x0  }
0x4: {  	[smem:$0x7FF] =	sst s3  }
0x5: {  	s2 =	rddreg [dreg:$0x1];
	v56 =	vand.u32 $0x7, v9;
	_ =	strace $0x80000047;
	[tilespmem:$0x1FEB0] =	vst v1  }
0x6: {  	v57 =	vadd.s32 $0x4, v9;
	[tilespmem:$0x1FF30] =	vst v56  }
0x7: {  	v58 =	vadd.s32 $0x6, v9;
	[tilespmem:$0x1FF40] =	vst v57  }
0x8: {  	v59 =	vadd.s32 $0x8, v9;
	[tilespmem:$0x1FF50] =	vst v58  }
0x9: {  	v60 =	vadd.s32 $0xA, v9;
	[tilespmem:$0x1FF60] =	vst v59  }
0xa: {  	v61 =	vadd.s32 $0xC, v9;
	[tilespmem:$0x1FF70] =	vst v60  }
0xb: {  	v62 =	vadd.s32 $0xD, v9;
	[tilespmem:$0x1FF80] =	vst v61  }
0xc: {  	v63 =	vadd.s32 $0xE, v9;
	[tilespmem:$0x1FF90] =	vst v62  }
0xd: {  	v0 =	vimm.s32 $0x7654321;
	s13 =	simm.s32 $0x7;
	s16 =	simm.s32 $0xED30;
	v17 =	vadd.s32 $0xF, v9;
	[tilespmem:$0x1FFA0] =	vst v63  }
0xe: {  	v3 =	vimm.s32 $0x32107654;
	s17 =	simm.s32 $0x50;
	s18 =	simm.s32 $0x7530;
	v14 =	vadd.s32 $0x3, v9;
	s0 =	ssub.s32 $0x2, s0;
	[tilespmem:$0x1FFB0] =	vst v17  }
0xf: {  	v51 =	vimm.s32 $0x43210765;
	s19 =	simm.s32 $0x8930;
	v0 =	vunpack.c.l.s4.s8 v0;
	v24 =	vadd.s32 $0x2, v9;
	s4 =	smul.u32 $0x2710, s4;
	s8 =	sshrl.u32 s0, $0x1;
	[tilespmem:$0x1FFC0] =	vst v14  }
0x10: {  	v7 =	vimm.s32 $0x65432107;
	s20 =	simm.s32 $0x9D30;
	s22 =	simm.s32 $0xB130;
	v5 =	vunpack.c.l.s4.s8 v3;
	v11 =	vadd.s32 $0x1, v9;
	s0 =	ssub.s32 s0, s8;
	[tilespmem:$0x1FFD0] =	vst v24  }
0x11: {  	s5 =	sadd.s32 $0xC00, s1;
	v6 =	vunpack.c.l.s4.s8 v51;
	v20 =	vadd.s32 $0x5, v9;
	v0 =	vunpack.c.0.s8.s32 v0;
	[tilespmem:$0x1FFE0] =	vst v11;
	s6 =	sshrl.u32 s4, $0x3;
	s0 =	smax.u32 s0, $0x1  }
0x12: {  	v49 =	vimm.s32 $0x10765432;
	v8 =	vunpack.c.l.s4.s8 v7;
	v53 =	vunpack.c.0.s8.s32 v5;
	[tilespmem:$0x1FFF0] =	vst v20;
	s7 =	sadd.s32 s6, s1;
	s1 =	sadd.s32 $0x32000, s1;
	[dreg:$0x9] =	wrdreg s0  }
0x13: {  	v50 =	vimm.s32 $0x21076543;
	s28 =	simm.s32 $0x2;
	v54 =	vunpack.c.0.s8.s32 v6;
	[tilespmem:$0x1FEC0] =	vst v0;
	v0 =	vunpack.c.l.s4.s8 v49;
	[dreg:$0x3] =	wrdreg s1;
	s23 =	sadd.s32 $0x28200, s7  }
0x14: {  	v4 =	vimm.s32 $0x54321076;
	s29 =	simm.s32 $0x1DE80;
	v55 =	vunpack.c.0.s8.s32 v8;
	v1 =	vunpack.c.l.s4.s8 v50;
	[tilespmem:$0x1FEF0] =	vst v53;
	s24 =	sadd.s32 $0x1E400, s7;
	[dreg:$0x4] =	wrdreg s23  }
0x15: {  	v52 =	vunpack.c.l.s4.s8 v4;
	[tilespmem:$0x1FF00] =	vst v54;
	s26 =	sadd.s32 s2, s6;
	s25 =	sadd.s32 $0x14600, s7;
	v0 =	vunpack.c.0.s8.s32 v0;
	[dreg:$0x5] =	wrdreg s24  }
0x16: {  	s30 =	simm.s32 $0x3;
	[tilespmem:$0x1FF20] =	vst v55;
	v1 =	vunpack.c.0.s8.s32 v1;
	s6 =	sadd.s32 $0x4CE, s26;
	[dreg:$0x6] =	wrdreg s25  }
0x17: {  	s31 =	simm.s32 $0x1DED0;
	s1 =	sadd.s32 $0x4D8, s26;
	[dreg:$0x7] =	wrdreg s6;
	[tilespmem:$0x1FED0] =	vst v0;
	v0 =	vunpack.c.0.s8.s32 v52  }
0x18: {  	s26 =	simm.s32 $0x1DE30;
	[dreg:$0x8] =	wrdreg s1;
	[tilespmem:$0x1FEE0] =	vst v1;
	s23 =	simm.s32 $0x1  }
0x19: {  	v16 =	vadd.s32 $0x7, v9;
	v18 =	vadd.s32 $0x9, v9;
	v59 =	vadd.s32 $0xB, v9;
	s24 =	simm.s32 $0xC530;
	s25 =	simm.s32 $0xD930;
	s6 =	simm.s32 $0x0;
	[tilespmem:$0x1FF10] =	vst v0  }
.LBB2_1:
0x1a: {  	s0 =	rddreg [dreg:$0x4]  }
0x1b: {  	[tilespmem:s3], [sflag:$0x7] =	stream.linear.gather [hbm4b:s0+s3], $0x2710, $0x38;
	[tilespmem:$0x1DF20] =	vst v63  }
0x1c: {  	_ =	swait.ge [sflag:s13], $0x2710  }
0x1d: {  	[sflag:s13] =	ssyncset.done $0x0  }
0x1e: {  	s1 =	simm.s32 $0x2710;
	s12 =	rddreg [dreg:$0x5];
	[sflag:s13] =	ssyncadd.s32 $0xFFFFD8F0  }
0x1f: {  	[tilespmem:s1], [sflag:$0x7] =	stream.linear.gather [hbm4b:s12+s3], $0x2710, $0x38;
	[tilespmem:$0x1DF20] =	vst v63  }
0x20: {  	_ =	swait.ge [sflag:s13], $0x2710  }
0x21: {  	[sflag:s13] =	ssyncset.done $0x0  }
0x22: {  	s7 =	simm.s32 $0x4E20;
	s14 =	rddreg [dreg:$0x6];
	[sflag:s13] =	ssyncadd.s32 $0xFFFFD8F0  }
0x23: {  	[tilespmem:s7], [sflag:$0x7] =	stream.linear.gather [hbm4b:s14+s3], $0x2710, $0x38;
	[tilespmem:$0x1DF20] =	vst v63  }
0x24: {  	_ =	swait.ge [sflag:s13], $0x2710  }
0x25: {  	[sflag:s13] =	ssyncset.done $0x0  }
0x26: {  	s15 =	rddreg [dreg:$0x3];
	[sflag:s13] =	ssyncadd.s32 $0xFFFFD8F0  }
0x27: {  	[tilespmem:s16], [sflag:$0x7] =	stream.linear.gather [hbm4b:s15+s3], $0xF100, $0x38;
	[tilespmem:$0x1DF20] =	vst v63  }
0x28: {  	_ =	swait.ge [sflag:s13], $0xF100  }
0x29: {  	[sflag:s13] =	ssyncset.done $0x0  }
0x2a: {  	[sflag:s13] =	ssyncadd.s32 $0xFFFF0F00  }
0x2b: {  	[tilespmem:s18], [sflag:$0x1] =	stream.indirect.gather [hbm4b:s5+s17], $0x40, s3, s17, $0xb8;
	[tilespmem:$0x1DF20] =	vst v63  }
0x2c: {  	_ = 	snop  }
0x2d: {  	[tilespmem:s19], [sflag:$0x1] =	stream.indirect.gather [hbm4b:s5+s17], $0x40, s1, s17, $0xb8;
	[tilespmem:$0x1DF20] =	vst v63  }
0x2e: {  	_ = 	snop  }
0x2f: {  	[tilespmem:s20], [sflag:$0x2] =	stream.indirect.gather [hbm4b:s5+s17], $0x40, s17, s17, $0xb8;
	[tilespmem:$0x1DF20] =	vst v63  }
0x30: {  	s21 =	simm.s32 $0x2760;
	s7 =	simm.s32 $0x0  }
0x31: {  	[tilespmem:s22], [sflag:$0x2] =	stream.indirect.gather [hbm4b:s5+s17], $0x40, s21, s17, $0xb8;
	[tilespmem:$0x1DF20] =	vst v63  }
.LBB2_2:
0x32: {  	_ =	swait.ge [sflag:s23], $0x1400  }
0x33: {  	s11 =	smul.u32 $0x3, s7;
	[sflag:s23] =	ssyncset.done $0x0  }
0x34: {  	[sflag:s23] =	ssyncadd.s32 $0xFFFFEC00  }
0x35: {  	s9 =	sadd.s32 $0x2, s11;
	_ =	swait.ge [sflag:s23], $0x1400  }
0x36: {  	s8 =	smul.u32 $0x50, s9;
	[sflag:s23] =	ssyncset.done $0x0  }
0x37: {  	p0 =	seq.s32 s7, $0x0;
	[sflag:s23] =	ssyncadd.s32 $0xFFFFEC00  }
0x38: {  	[tilespmem:s24], [sflag:$0x3] =	stream.indirect.gather [hbm4b:s5+s17], $0x40, s8, s17, $0xb8;
	[tilespmem:$0x1DF20] =	vst v63  }
0x39: {  	s1 =	simm.s32 @!p0 $0x4;
	s0 =	sadd.s32 $0x2710, s8  }
0x3a: {  	[tilespmem:s25], [sflag:$0x3] =	stream.indirect.gather [hbm4b:s5+s17], $0x40, s0, s17, $0xb8;
	[tilespmem:$0x1DF20] =	vst v63  }
0x3b: {  	_ =	swait.ge @!p0 [sflag:s1], $0x50  }
0x3c: {  	s21 =	smul.u32 $0x3C0, s7;
	v15 =	vld [tilespmem:$0x1FF40]  }
0x3d: {  	v19 =	vld [tilespmem:$0x1FF50]  }
0x3e: {  	s0 =	sshra.s32 s21, $0x2;
	v22 =	vld [tilespmem:$0x1FF60]  }
0x3f: {  	s0 =	sadd.s32 $0x4E20, s0;
	v21 =	vld [tilespmem:$0x1FF70]  }
0x40: {  	[sflag:s1] =	ssyncset.done @!p0 $0x0;
	v0 =	vmov s0;
	v23 =	vld [tilespmem:$0x1FF80]  }
0x41: {  	s10 =	simm.s32 $0x0;
	s12 =	simm.s32 $0x0;
	v12 =	vld [tilespmem:$0x1FFA0];
	[sflag:s1] =	ssyncadd.s32 @!p0 $0xFFFFFFB0;
	[tilespmem:$0x1FEA0] =	vst v0  }
.LBB2_3:
0x42: {  	v0 =	vld [tilespmem:$0x1FEA0];
	_ =	sdelay $0x3  }
0x43: {  	v2 =	vld [tilespmem:$0x1FEB0];
	_ =	sdelay $0x1  }
0x44: {  	s1 =	sshll.u32 s12, $0x4  }
0x45: {  	v1 =	vmov s1  }
0x46: {  	v1 =	vshll.u32 v1, $0x6;
	v0 =	vld.idx.msk [tilespmem:v0+s1+$0x0 ss:$0x1], $0xffff  }
0x47: {  	v1 =	vor.u32 v2, v1;
	v2 =	vld [tilespmem:$0x1FEC0];
	_ =	sdelay $0x3  }
0x48: {  	v0 =	vshll.u32 v0, $0x6  }
0x49: {  	v27 =	vor.u32 v2, v1;
	v32 =	vor.u32 v2, v0;
	v2 =	vld [tilespmem:$0x1FED0];
	_ =	sdelay $0x4  }
0x4a: {  	v34 =	vor.u32 v2, v0;
	v35 =	vor.u32 v2, v1;
	v2 =	vld [tilespmem:$0x1FEE0];
	_ =	sdelay $0x4  }
0x4b: {  	v25 =	vadd.s32 s10, v11;
	v37 =	vor.u32 v2, v1;
	v38 =	vor.u32 v2, v0;
	v2 =	vld [tilespmem:$0x1FEF0]  }
0x4c: {  	v25 =	vand.u32 $0x38, v25  }
0x4d: {  	v26 =	vor.u32 v25, v27  }
0x4e: {  	v31 =	vor.u32 v9, v0  }
0x4f: {  	v30 =	vadd.s32 s10, v24;
	v36 =	vadd.s32 s10, v14;
	v28 =	vor.u32 s10, v31  }
0x50: {  	v48 =	vand.u32 $0x38, v36;
	v39 =	vor.u32 v2, v1;
	v36 =	vor.u32 v2, v0;
	v2 =	vld [tilespmem:$0x1FF10]  }
0x51: {  	v3 =	vld [tilespmem:$0x1FF00];
	v30 =	vand.u32 $0x38, v30  }
0x52: {  	v45 =	vld.idx.msk [tilespmem:v26+s18+$0x0], $0xffff;
	v33 =	vor.u32 v30, v34  }
0x53: {  	v50 =	vld.idx.msk [tilespmem:v26+s19+$0x0], $0xffff;
	v30 =	vor.u32 v30, v35  }
0x54: {  	v26 =	vadd.s32 s10, v20;
	v47 =	vld.idx.msk [tilespmem:v28+s16+$0x0], $0xffff  }
0x55: {  	v52 =	vand.u32 $0x38, v26;
	v28 =	vor.u32 v2, v1;
	v26 =	vor.u32 v2, v0;
	v2 =	vld [tilespmem:$0x1FF20];
	_ =	sdelay $0x1  }
0x56: {  	v29 =	vor.u32 v9, v1;
	v51 =	vld.idx.msk [tilespmem:v33+s16+$0x0], $0xffff  }
0x57: {  	v44 =	vor.u32 s10, v29;
	v53 =	vld.idx.msk [tilespmem:v30+s19+$0x0], $0xffff  }
0x58: {  	v41 =	vor.u32 v3, v1;
	v25 =	vor.u32 v25, v32;
	v55 =	vld.idx.msk [tilespmem:v30+s18+$0x0], $0xffff  }
0x59: {  	v54 =	vor.u32 v52, v41;
	v33 =	vor.u32 v2, v1;
	v30 =	vor.u32 v2, v0;
	v2 =	vld [tilespmem:$0x1FF30];
	_ =	sdelay $0x1  }
0x5a: {  	v49 =	vor.u32 v48, v37  }
0x5b: {  	v46 =	vld.idx.msk [tilespmem:v44+s19+$0x0], $0xffff  }
0x5c: {  	v40 =	vor.u32 v3, v0;
	v25 =	vld.idx.msk [tilespmem:v25+s16+$0x0], $0xffff  }
0x5d: {  	v7 =	vld.idx.msk [tilespmem:v54+s18+$0x0], $0xffff;
	v48 =	vor.u32 v48, v38;
	v42 =	vor.u32 v2, v1;
	v1 =	vadd.s32 s10, v15  }
0x5e: {  	v5 =	vor.u32 v52, v40;
	v54 =	vld.idx.msk [tilespmem:v54+s19+$0x0], $0xffff;
	v1 =	vand.u32 $0x38, v1  }
0x5f: {  	v6 =	vld.idx.msk [tilespmem:v49+s18+$0x0], $0xffff;
	v57 =	vor.u32 v1, v39  }
0x60: {  	v56 =	vadd.s32 s10, v18;
	v58 =	vadd.s32 s10, v16;
	v45 =	vmul.bf16 v50, v45;
	v49 =	vld.idx.msk [tilespmem:v49+s19+$0x0], $0xffff  }
0x61: {  	v56 =	vand.u32 $0x38, v56;
	v63 =	vand.u32 $0x38, v58;
	v43 =	vor.u32 v2, v0;
	v0 =	vld.idx.msk [tilespmem:v44+s18+$0x0], $0xffff  }
0x62: {  	v25 =	vmul.bf16 v25, v45;
	v53 =	vmul.bf16 v53, v55;
	v48 =	vld.idx.msk [tilespmem:v48+s16+$0x0], $0xffff;
	v1 =	vor.u32 v1, v36  }
0x63: {  	v62 =	vor.u32 v56, v27;
	v45 =	vmul.bf16 v54, v7;
	v54 =	vor.u32 v63, v33;
	v44 =	vld.idx.msk [tilespmem:v5+s16+$0x0], $0xffff  }
0x64: {  	v52 =	vimm.f32 $0.0e+00;
	v61 =	vunpack.i.l.bf16.f32 v25;
	v51 =	vmul.bf16 v51, v53;
	v53 =	vld.idx.msk [tilespmem:v57+s18+$0x0], $0xffff  }
0x65: {  	v60 =	vadd.s32 s10, v19;
	v4 =	vor.u32 v56, v32;
	v61 =	vadd.f32 v61, v52;
	v50 =	vld.idx.msk [tilespmem:v57+s19+$0x0], $0xffff  }
0x66: {  	v25 =	vunpack.i.u.bf16.f32 v25;
	v55 =	vadd.s32 s10, v21;
	v0 =	vmul.bf16 v46, v0  }
0x67: {  	v25 =	vadd.f32 v61, v25;
	v49 =	vmul.bf16 v49, v6;
	v6 =	vadd.s32 s10, v22;
	v1 =	vld.idx.msk [tilespmem:v1+s16+$0x0], $0xffff  }
0x68: {  	v7 =	vand.u32 $0x38, v6;
	v6 =	vld.idx.msk [tilespmem:v54+s18+$0x0], $0xffff;
	v0 =	vmul.bf16 v47, v0;
	v47 =	vor.u32 v63, v30  }
0x69: {  	v61 =	vand.u32 $0x38, v55;
	v58 =	vmul.bf16 v48, v49;
	v5 =	vand.u32 $0x38, v60;
	v46 =	vld.idx.msk [tilespmem:v62+s19+$0x0], $0xffff  }
0x6a: {  	v60 =	vor.u32 v5, v28;
	v45 =	vmul.bf16 v44, v45;
	v44 =	vld.idx.msk [tilespmem:v4+s16+$0x0], $0xffff;
	v48 =	vmul.bf16 v50, v53  }
0x6b: {  	v13 =	vmovc v20;
	v63 =	vor.u32 v5, v26;
	v57 =	vor.u32 v7, v43;
	v5 =	vld.idx.msk [tilespmem:v54+s19+$0x0], $0xffff;
	v56 =	vunpack.i.l.bf16.f32 v0  }
0x6c: {  	v20 =	vmovc v16;
	v49 =	vunpack.i.l.bf16.f32 v58;
	v54 =	vld.idx.msk [tilespmem:v62+s18+$0x0], $0xffff;
	v55 =	vmul.bf16 v1, v48;
	v1 =	vadd.f32 v56, v52  }
0x6d: {  	v16 =	vmovc v18;
	v18 =	vmovc v59;
	v59 =	vadd.s32 s10, v59;
	v25 =	vadd.f32 v49, v25;
	v0 =	vunpack.i.u.bf16.f32 v0;
	v4 =	vld.idx.msk [tilespmem:v47+s16+$0x0], $0xffff  }
0x6e: {  	v58 =	vunpack.i.u.bf16.f32 v58;
	v2 =	vor.u32 v7, v42;
	v1 =	vadd.f32 v1, v0;
	v0 =	vld [tilespmem:$0x1FF90]  }
0x6f: {  	v25 =	vadd.f32 v25, v58;
	v7 =	vand.u32 $0x38, v59;
	v50 =	vld.idx.msk [tilespmem:v60+s19+$0x0], $0xffff  }
0x70: {  	v3 =	vunpack.i.l.bf16.f32 v45;
	v49 =	vor.u32 v7, v37;
	v47 =	vld.idx.msk [tilespmem:v57+s16+$0x0], $0xffff;
	v52 =	vor.u32 v61, v34  }
0x71: {  	v25 =	vadd.f32 v3, v25;
	v3 =	vadd.s32 s10, v23;
	v53 =	vunpack.i.u.bf16.f32 v45;
	v57 =	vld.idx.msk [tilespmem:v60+s18+$0x0], $0xffff  }
0x72: {  	v60 =	vunpack.i.l.bf16.f32 v51;
	v5 =	vmul.bf16 v5, v6;
	v58 =	vld.idx.msk [tilespmem:v63+s16+$0x0], $0xffff;
	v63 =	vand.u32 $0x38, v3  }
0x73: {  	v48 =	vor.u32 v61, v35;
	v61 =	vunpack.i.u.bf16.f32 v51;
	v51 =	vld.idx.msk [tilespmem:v2+s18+$0x0], $0xffff;
	v0 =	vadd.s32 s10, v0  }
0x74: {  	v56 =	vor.u32 v7, v38;
	v1 =	vadd.f32 v60, v1;
	v60 =	vld.idx.msk [tilespmem:v2+s19+$0x0], $0xffff;
	v0 =	vand.u32 $0x38, v0  }
0x75: {  	s14 =	simm.s32 $0x10;
	s0 =	simm.s32 $0x0;
	v59 =	vunpack.i.l.bf16.f32 v55;
	v62 =	vmul.bf16 v4, v5;
	v45 =	vld.idx.msk [tilespmem:v52+s16+$0x0], $0xffff;
	v52 =	vor.u32 v0, v41  }
.LBB2_4:
0x76: {  	v4 =	vor.u32 v63, v39;
	v0 =	vor.u32 v0, v40  }
0x77: {  	v5 =	vunpack.i.u.bf16.f32 v55;
	v55 =	vor.u32 v63, v36;
	v1 =	vadd.f32 v1, v61  }
0x78: {  	v3 =	vld.idx.msk [tilespmem:v49+s18+$0x0], $0xffff;
	v2 =	vadd.f32 v25, v53;
	v25 =	vunpack.i.l.bf16.f32 v62;
	v61 =	vunpack.i.u.bf16.f32 v62  }
0x79: {  	s15 =	smov.u32 s14;
	v49 =	vld.idx.msk [tilespmem:v49+s19+$0x0], $0xffff;
	v62 =	vadd.s32 s0, v17;
	v50 =	vmul.bf16 v50, v57;
	v1 =	vadd.f32 v59, v1  }
0x7a: {  	v53 =	vld.idx.msk [tilespmem:v56+s16+$0x0], $0xffff;
	v2 =	vadd.f32 v25, v2;
	v46 =	vmul.bf16 v46, v54;
	v54 =	vadd.s32 s0, v12;
	s0 =	smov.u32 s15  }
0x7b: {  	v25 =	vld.idx.msk [tilespmem:v48+s18+$0x0], $0xffff;
	v50 =	vmul.bf16 v58, v50;
	v63 =	vadd.s32 s0, v11;
	v1 =	vadd.f32 v1, v5  }
0x7c: {  	v57 =	vld.idx.msk [tilespmem:v52+s19+$0x0], $0xffff;
	v5 =	vmul.bf16 v60, v51;
	v58 =	vand.u32 $0x38, v62;
	v2 =	vadd.f32 v2, v61  }
0x7d: {  	v48 =	vld.idx.msk [tilespmem:v48+s19+$0x0], $0xffff;
	v56 =	vor.u32 s0, v29;
	v62 =	vor.u32 s0, v31;
	v54 =	vand.u32 $0x38, v54  }
0x7e: {  	v52 =	vld.idx.msk [tilespmem:v52+s18+$0x0], $0xffff;
	v9 =	vadd.s32 s0, v14;
	v3 =	vmul.bf16 v49, v3;
	v7 =	vand.u32 $0x38, v63  }
0x7f: {  	v55 =	vld.idx.msk [tilespmem:v55+s16+$0x0], $0xffff;
	v44 =	vmul.bf16 v44, v46;
	v61 =	vor.u32 v58, v30;
	v63 =	vadd.s32 s0, v24  }
0x80: {  	v46 =	vld.idx.msk [tilespmem:v4+s18+$0x0], $0xffff;
	v9 =	vand.u32 $0x38, v9;
	v6 =	vunpack.i.u.bf16.f32 v50;
	v50 =	vunpack.i.l.bf16.f32 v50  }
0x81: {  	v4 =	vld.idx.msk [tilespmem:v4+s19+$0x0], $0xffff;
	v59 =	vor.u32 v7, v27;
	v51 =	vor.u32 v7, v32;
	v1 =	vadd.f32 v50, v1  }
0x82: {  	v0 =	vld.idx.msk [tilespmem:v0+s16+$0x0], $0xffff;
	v63 =	vand.u32 $0x38, v63;
	v5 =	vmul.bf16 v47, v5;
	v47 =	vor.u32 v58, v33  }
0x83: {  	v3 =	vmul.bf16 v53, v3;
	v60 =	vunpack.i.u.bf16.f32 v44;
	v1 =	vadd.f32 v1, v6;
	v6 =	vld.idx.msk [tilespmem:v56+s18+$0x0], $0xffff  }
0x84: {  	v58 =	vor.u32 v63, v35;
	v63 =	vor.u32 v63, v34;
	v44 =	vunpack.i.l.bf16.f32 v44;
	v49 =	vld.idx.msk [tilespmem:v61+s16+$0x0], $0xffff  }
0x85: {  	v25 =	vmul.bf16 v48, v25;
	v48 =	vmul.bf16 v57, v52;
	v52 =	vor.u32 v9, v37;
	v61 =	vld.idx.msk [tilespmem:v56+s19+$0x0], $0xffff  }
0x86: {  	v9 =	vor.u32 v9, v38;
	v57 =	vor.u32 v54, v28;
	v4 =	vmul.bf16 v4, v46;
	v46 =	vld.idx.msk [tilespmem:v62+s16+$0x0], $0xffff  }
0x87: {  	v8 =	vunpack.i.u.bf16.f32 v5;
	v5 =	vunpack.i.l.bf16.f32 v5;
	v2 =	vadd.f32 v44, v2;
	v7 =	vld.idx.msk [tilespmem:v59+s18+$0x0], $0xffff  }
0x88: {  	v53 =	vunpack.i.l.bf16.f32 v3;
	v3 =	vunpack.i.u.bf16.f32 v3;
	v0 =	vmul.bf16 v0, v48;
	v10 =	vld.idx.msk [tilespmem:v47+s19+$0x0], $0xffff  }
0x89: {  	v25 =	vmul.bf16 v45, v25;
	v48 =	vor.u32 v54, v26;
	v2 =	vadd.f32 v2, v60;
	v44 =	vld.idx.msk [tilespmem:v47+s18+$0x0], $0xffff  }
0x8a: {  	v62 =	vadd.s32 s0, v15;
	v56 =	vadd.s32 s0, v20;
	v45 =	vld.idx.msk [tilespmem:v51+s16+$0x0], $0xffff;
	v47 =	vunpack.i.l.bf16.f32 v0  }
0x8b: {  	v50 =	vld.idx.msk [tilespmem:v59+s19+$0x0], $0xffff;
	v51 =	vunpack.i.l.bf16.f32 v25;
	v0 =	vunpack.i.u.bf16.f32 v0;
	v1 =	vadd.f32 v5, v1  }
0x8c: {  	v59 =	vadd.s32 s0, v13;
	v25 =	vunpack.i.u.bf16.f32 v25;
	v4 =	vmul.bf16 v55, v4;
	v54 =	vld.idx.msk [tilespmem:v63+s16+$0x0], $0xffff  }
0x8d: {  	v60 =	vld.idx.msk [tilespmem:v57+s19+$0x0], $0xffff;
	v59 =	vand.u32 $0x38, v59;
	v2 =	vadd.f32 v53, v2;
	v1 =	vadd.f32 v1, v8  }
0x8e: {  	v53 =	vld.idx.msk [tilespmem:v57+s18+$0x0], $0xffff;
	v63 =	vor.u32 v59, v41;
	v59 =	vor.u32 v59, v40;
	v55 =	vunpack.i.l.bf16.f32 v4  }
0x8f: {  	v57 =	vld.idx.msk [tilespmem:v58+s19+$0x0], $0xffff;
	v4 =	vunpack.i.u.bf16.f32 v4;
	v2 =	vadd.f32 v2, v3;
	v1 =	vadd.f32 v51, v1  }
0x90: {  	v6 =	vmul.bf16 v61, v6;
	v10 =	vmul.bf16 v10, v44;
	v44 =	vld.idx.msk [tilespmem:v58+s18+$0x0], $0xffff;
	v58 =	vand.u32 $0x38, v62  }
0x91: {  	v62 =	vadd.s32 s0, v16;
	v7 =	vmul.bf16 v50, v7;
	v50 =	vadd.s32 s0, v19  }
0x92: {  	v5 =	vld.idx.msk [tilespmem:v52+s19+$0x0], $0xffff;
	v2 =	vadd.f32 v47, v2;
	v61 =	vor.u32 v58, v39;
	v6 =	vmul.bf16 v46, v6  }
0x93: {  	v48 =	vld.idx.msk [tilespmem:v48+s16+$0x0], $0xffff;
	v1 =	vadd.f32 v1, v25;
	v25 =	vand.u32 $0x38, v62;
	v46 =	vand.u32 $0x38, v50  }
0x94: {  	v3 =	vmul.bf16 v49, v10;
	v10 =	vld.idx.msk [tilespmem:v52+s18+$0x0], $0xffff;
	v49 =	vadd.s32 s0, v18;
	v7 =	vmul.bf16 v45, v7  }
0x95: {  	v45 =	vor.u32 v58, v36;
	v8 =	vld.idx.msk [tilespmem:v63+s18+$0x0], $0xffff;
	v0 =	vadd.f32 v2, v0;
	v2 =	vmul.bf16 v60, v53  }
0x96: {  	v60 =	vld.idx.msk [tilespmem:v63+s19+$0x0], $0xffff;
	v58 =	vor.u32 v46, v26;
	v63 =	vadd.s32 s0, v22;
	v51 =	vunpack.i.l.bf16.f32 v6  }
0x97: {  	v47 =	vunpack.i.u.bf16.f32 v3;
	v3 =	vunpack.i.l.bf16.f32 v3;
	v44 =	vmul.bf16 v57, v44  }
0x98: {  	v9 =	vld.idx.msk [tilespmem:v9+s16+$0x0], $0xffff;
	v1 =	vadd.f32 v55, v1;
	v53 =	vunpack.i.l.bf16.f32 v7;
	v0 =	vadd.f32 v3, v0  }
0x99: {  	v52 =	vld.idx.msk [tilespmem:v59+s16+$0x0], $0xffff;
	v3 =	vunpack.i.u.bf16.f32 v7;
	v7 =	vmul.bf16 v54, v44;
	v54 =	vor.u32 v25, v27  }
0x9a: {  	v59 =	vand.u32 $0x38, v63;
	v2 =	vmul.bf16 v48, v2;
	v50 =	vld.idx.msk [tilespmem:v61+s18+$0x0], $0xffff;
	v25 =	vor.u32 v25, v32  }
0x9b: {  	v55 =	vld.idx.msk [tilespmem:v61+s19+$0x0], $0xffff;
	v5 =	vmul.bf16 v5, v10;
	v10 =	vand.u32 $0x38, v56;
	v0 =	vadd.f32 v0, v47  }
0x9c: {  	v1 =	vadd.f32 v1, v4;
	v45 =	vld.idx.msk [tilespmem:v45+s16+$0x0], $0xffff;
	v47 =	vor.u32 v10, v30;
	v10 =	vor.u32 v10, v33  }
0x9d: {  	v63 =	vunpack.i.l.bf16.f32 v2;
	v2 =	vunpack.i.u.bf16.f32 v2;
	v58 =	vld.idx.msk [tilespmem:v58+s16+$0x0], $0xffff;
	v0 =	vadd.f32 v53, v0  }
0x9e: {  	v8 =	vmul.bf16 v60, v8;
	v4 =	vmul.bf16 v9, v5;
	v5 =	vor.u32 v46, v28;
	v46 =	vld.idx.msk [tilespmem:v54+s19+$0x0], $0xffff  }
0x9f: {  	v60 =	vor.u32 v59, v42;
	v1 =	vadd.f32 v63, v1;
	v0 =	vadd.f32 v0, v3;
	v44 =	vld.idx.msk [tilespmem:v25+s16+$0x0], $0xffff  }
0xa0: {  	v8 =	vmul.bf16 v52, v8;
	v9 =	vor.u32 v59, v43;
	v57 =	vunpack.i.l.bf16.f32 v4;
	v54 =	vld.idx.msk [tilespmem:v54+s18+$0x0], $0xffff  }
0xa1: {  	v1 =	vadd.f32 v1, v2;
	v2 =	vunpack.i.u.bf16.f32 v6;
	v3 =	vld.idx.msk [tilespmem:v10+s19+$0x0], $0xffff;
	v0 =	vadd.f32 v57, v0  }
0xa2: {  	v61 =	vunpack.i.u.bf16.f32 v7;
	v52 =	vunpack.i.l.bf16.f32 v8;
	v4 =	vunpack.i.u.bf16.f32 v4;
	v10 =	vld.idx.msk [tilespmem:v10+s18+$0x0], $0xffff  }
0xa3: {  	v55 =	vmul.bf16 v55, v50;
	v25 =	vadd.s32 s0, v21;
	v4 =	vadd.f32 v0, v4;
	v0 =	vld [tilespmem:$0x1FF90]  }
0xa4: {  	v53 =	vunpack.i.u.bf16.f32 v8;
	v1 =	vadd.f32 v51, v1;
	v51 =	vld.idx.msk [tilespmem:v60+s18+$0x0], $0xffff;
	v25 =	vand.u32 $0x38, v25  }
0xa5: {  	p1 =	sne.s32 s14, $0x30;
	v8 =	vand.u32 $0x38, v49;
	v62 =	vld.idx.msk [tilespmem:v47+s16+$0x0], $0xffff;
	v55 =	vmul.bf16 v45, v55;
	v63 =	vor.u32 v25, v34  }
.Ltmp0:
0xa6: {  	v49 =	vor.u32 v8, v37;
	v56 =	vor.u32 v8, v38;
	v1 =	vadd.f32 v1, v2;
	v50 =	vld.idx.msk [tilespmem:v5+s19+$0x0], $0xffff;
	(pc) =	sbr.rel @p1 .LBB2_4-.Ltmp0, $4  }
0xa7: {  	v48 =	vor.u32 v25, v35;
	v57 =	vld.idx.msk [tilespmem:v5+s18+$0x0], $0xffff;
	v5 =	vunpack.i.l.bf16.f32 v7;
	v59 =	vunpack.i.l.bf16.f32 v55  }
0xa8: {  	v60 =	vld.idx.msk [tilespmem:v60+s19+$0x0], $0xffff;
	v1 =	vadd.f32 v5, v1;
	v2 =	vmul.bf16 v3, v10;
	v0 =	vadd.s32 s0, v0  }
0xa9: {  	v47 =	vld.idx.msk [tilespmem:v9+s16+$0x0], $0xffff;
	v25 =	vadd.f32 v52, v4;
	v3 =	vadd.s32 s0, v23;
	v0 =	vand.u32 $0x38, v0  }
0xaa: {  	s14 =	sadd.s32 $0x10, s14;
	v45 =	vld.idx.msk [tilespmem:v63+s16+$0x0], $0xffff;
	v63 =	vand.u32 $0x38, v3;
	v62 =	vmul.bf16 v62, v2;
	v52 =	vor.u32 v0, v41  }
0xab: {  	_ =	sdelay $0x3  }
0xac: {  	v2 =	vadd.f32 v25, v53;
	v3 =	vld.idx.msk [tilespmem:v49+s18+$0x0], $0xffff  }
0xad: {  	v4 =	vor.u32 v63, v39;
	v0 =	vor.u32 v0, v40;
	v1 =	vadd.f32 v1, v61;
	v5 =	vld.idx.msk [tilespmem:v56+s16+$0x0], $0xffff  }
0xae: {  	v6 =	vunpack.i.u.bf16.f32 v55;
	v9 =	vld.idx.msk [tilespmem:v48+s18+$0x0], $0xffff;
	v43 =	vor.u32 v63, v36;
	v27 =	vadd.s32 s0, v17  }
0xaf: {  	v10 =	vld.idx.msk [tilespmem:v52+s19+$0x0], $0xffff;
	v31 =	vmul.bf16 v46, v54;
	v32 =	vadd.s32 s0, v12;
	v8 =	vmul.bf16 v50, v57  }
0xb0: {  	v29 =	vld.idx.msk [tilespmem:v49+s19+$0x0], $0xffff;
	v7 =	vunpack.i.l.bf16.f32 v62;
	v25 =	vunpack.i.u.bf16.f32 v62;
	v1 =	vadd.f32 v59, v1  }
0xb1: {  	v34 =	vld.idx.msk [tilespmem:v48+s19+$0x0], $0xffff;
	v27 =	vand.u32 $0x38, v27;
	v32 =	vand.u32 $0x38, v32;
	v8 =	vmul.bf16 v58, v8  }
0xb2: {  	v37 =	vld.idx.msk [tilespmem:v52+s18+$0x0], $0xffff;
	v2 =	vadd.f32 v7, v2;
	v33 =	vor.u32 v27, v33;
	v1 =	vadd.f32 v1, v6  }
0xb3: {  	v46 =	vmul.bf16 v60, v51;
	v28 =	vor.u32 v32, v28;
	v35 =	vld.idx.msk [tilespmem:v4+s18+$0x0], $0xffff;
	v48 =	vunpack.i.l.bf16.f32 v8  }
0xb4: {  	v31 =	vmul.bf16 v44, v31;
	v26 =	vor.u32 v32, v26;
	v4 =	vld.idx.msk [tilespmem:v4+s19+$0x0], $0xffff;
	v1 =	vadd.f32 v48, v1  }
0xb5: {  	v6 =	vmul.bf16 v47, v46;
	v2 =	vadd.f32 v2, v25;
	v8 =	vunpack.i.u.bf16.f32 v8;
	v7 =	vld.idx.msk [tilespmem:v43+s16+$0x0], $0xffff  }
0xb6: {  	v25 =	vor.u32 v27, v30;
	v49 =	vunpack.i.l.bf16.f32 v31;
	v0 =	vld.idx.msk [tilespmem:v0+s16+$0x0], $0xffff;
	v1 =	vadd.f32 v1, v8  }
0xb7: {  	v3 =	vmul.bf16 v29, v3;
	v27 =	vunpack.i.l.bf16.f32 v6;
	v51 =	vld.idx.msk [tilespmem:v33+s18+$0x0], $0xffff;
	v8 =	vmul.bf16 v34, v9  }
0xb8: {  	v50 =	vunpack.i.u.bf16.f32 v31;
	v2 =	vadd.f32 v49, v2;
	v52 =	vld.idx.msk [tilespmem:v28+s19+$0x0], $0xffff;
	v1 =	vadd.f32 v27, v1  }
0xb9: {  	v6 =	vunpack.i.u.bf16.f32 v6;
	v3 =	vmul.bf16 v5, v3;
	v9 =	vld.idx.msk [tilespmem:v33+s19+$0x0], $0xffff;
	v8 =	vmul.bf16 v45, v8  }
0xba: {  	v10 =	vmul.bf16 v10, v37;
	v2 =	vadd.f32 v2, v50;
	v27 =	vld.idx.msk [tilespmem:v28+s18+$0x0], $0xffff;
	v1 =	vadd.f32 v1, v6  }
0xbb: {  	v53 =	vld.idx.msk [tilespmem:v25+s16+$0x0], $0xffff;
	v54 =	vunpack.i.l.bf16.f32 v3;
	v4 =	vmul.bf16 v4, v35;
	v25 =	vunpack.i.l.bf16.f32 v8  }
0xbc: {  	v0 =	vmul.bf16 v0, v10;
	v2 =	vadd.f32 v54, v2;
	v10 =	vld.idx.msk [tilespmem:v26+s16+$0x0], $0xffff;
	v1 =	vadd.f32 v25, v1  }
0xbd: {  	v3 =	vunpack.i.u.bf16.f32 v3;
	v4 =	vmul.bf16 v7, v4;
	v55 =	vunpack.i.u.bf16.f32 v8  }
0xbe: {  	v8 =	vunpack.i.l.bf16.f32 v0;
	v2 =	vadd.f32 v2, v3;
	v1 =	vadd.f32 v1, v55  }
0xbf: {  	v57 =	vmul.bf16 v9, v51;
	v56 =	vunpack.i.l.bf16.f32 v4;
	v5 =	vmul.bf16 v52, v27  }
0xc0: {  	v0 =	vunpack.i.u.bf16.f32 v0;
	v2 =	vadd.f32 v8, v2;
	v1 =	vadd.f32 v56, v1  }
0xc1: {  	v58 =	vunpack.i.u.bf16.f32 v4;
	v59 =	vmul.bf16 v53, v57;
	v5 =	vmul.bf16 v10, v5  }
0xc2: {  	v0 =	vadd.f32 v2, v0;
	v1 =	vadd.f32 v1, v58  }
0xc3: {  	v60 =	vunpack.i.l.bf16.f32 v59;
	v61 =	vunpack.i.l.bf16.f32 v5  }
0xc4: {  	v0 =	vadd.f32 v60, v0;
	v1 =	vadd.f32 v61, v1  }
0xc5: {  	v62 =	vunpack.i.u.bf16.f32 v59;
	v63 =	vunpack.i.u.bf16.f32 v5  }
0xc6: {  	v0 =	vadd.f32 v0, v62;
	v1 =	vadd.f32 v1, v63;
	_ =	sdelay $0x1  }
0xc7: {  	v0 =	vadd.f32 v0, v1;
	_ =	sdelay $0x1  }
0xc8: {  	v0 =	vsub.f32 $0.0e+00, v0;
	_ =	sdelay $0x1  }
0xc9: {  	v0 =	vmul.f32 $1.442695020e+00, v0;
	_ =	sdelay $0x1  }
0xca: {  	(erf) = vpow2.f32 v0;
	_ =	sdelay $0x8  }
0xcb: {  	v0 =	vpop (erf)  }
0xcc: {  	v0 =	vadd.f32 $1.000000000e+00, v0;
	_ =	sdelay $0x1  }
0xcd: {  	(erf) = vrcp.f32 v0;
	_ =	sdelay $0x3  }
0xce: {  	s12 =	sadd.s32 $0x1, s12  }
0xcf: {  	p1 =	sne.s32 s12, $0x5  }
.Ltmp1:
0xd0: {  	_ = 	snop;
	(pc) =	sbr.rel @p1 .LBB2_3-.Ltmp1, $3  }
0xd1: {  	_ =	sdelay $0x1  }
0xd2: {  	v0 =	vpop (erf)  }
0xd3: {  	v9 =	vlaneseq.u32;
	v59 =	vmovc v18;
	v18 =	vmovc v16;
	v16 =	vmov v20;
	v20 =	vmov v13;
	[tilespmem:s1+$0x1DE30] =	vst v0  }
0xd4: {  	s10 =	smul.u32 $0xF0, s7;
	_ =	sdelay $0x1  }
0xd5: {  	s0 =	sadd.s32 s4, s10  }
0xd6: {  	s0 =	sshrl.u32 s0, $0x3  }
0xd7: {  	s0 =	sadd.s32 s2, s0  }
0xd8: {  	[hbm4b:s0+s3] =	stream.linear.scatter [tilespmem:s26], [sflag:$0x4], $0x50, $0x38;
	[tilespmem:$0x1DF20] =	vst v63  }
0xd9: {  	_ =	swait.ge [sflag:s28], $0x1400  }
0xda: {  	[sflag:s28] =	ssyncset.done $0x0  }
0xdb: {  	[sflag:s28] =	ssyncadd.s32 $0xFFFFEC00  }
0xdc: {  	_ =	swait.ge [sflag:s28], $0x1400  }
0xdd: {  	s11 =	sadd.s32 $0x1, s11;
	[sflag:s28] =	ssyncset.done $0x0  }
0xde: {  	s21 =	smul.u32 $0x140, s11;
	s14 =	sadd.s32 $0xF0, s10;
	[sflag:s28] =	ssyncadd.s32 $0xFFFFEC00  }
0xdf: {  	[tilespmem:s18], [sflag:$0x1] =	stream.indirect.gather [hbm4b:s5+s17], $0x40, s14, s17, $0xb8;
	[tilespmem:$0x1DF20] =	vst v63  }
0xe0: {  	s1 =	simm.s32 @!p0 $0x5;
	s15 =	sadd.s32 $0x2800, s10;
	s0 =	sshra.s32 s21, $0x2  }
0xe1: {  	[tilespmem:s19], [sflag:$0x1] =	stream.indirect.gather [hbm4b:s5+s17], $0x40, s15, s17, $0xb8;
	[tilespmem:$0x1DF20] =	vst v63  }
0xe2: {  	s0 =	sadd.s32 $0x4E20, s0;
	_ =	swait.ge @!p0 [sflag:s1], $0x50  }
0xe3: {  	v0 =	vmov s0;
	[sflag:s1] =	ssyncset.done @!p0 $0x0  }
0xe4: {  	s12 =	simm.s32 $0x0;
	[tilespmem:$0x1FE90] =	vst v0;
	[sflag:s1] =	ssyncadd.s32 @!p0 $0xFFFFFFB0;
	s1 =	simm.s32 $0x0  }
.LBB2_7:
0xe5: {  	v0 =	vld [tilespmem:$0x1FE90];
	_ =	sdelay $0x1  }
0xe6: {  	v2 =	vld [tilespmem:$0x1FEB0]  }
0xe7: {  	v5 =	vld [tilespmem:$0x1FEC0]  }
0xe8: {  	v7 =	vld [tilespmem:$0x1FED0]  }
0xe9: {  	s0 =	sshll.u32 s1, $0x4;
	v52 =	vld [tilespmem:$0x1FEE0]  }
0xea: {  	v53 =	vld [tilespmem:$0x1FEF0];
	v1 =	vmov s0  }
0xeb: {  	v28 =	vld [tilespmem:$0x1FF00];
	v1 =	vshll.u32 v1, $0x6  }
0xec: {  	v1 =	vor.u32 v2, v1;
	v0 =	vld.idx.msk [tilespmem:v0+s0+$0x0 ss:$0x1], $0xffff  }
0xed: {  	v6 =	vadd.s32 s12, v24;
	v54 =	vld [tilespmem:$0x1FF10];
	v29 =	vor.u32 v9, v1  }
0xee: {  	v10 =	vadd.s32 s12, v14;
	v55 =	vld [tilespmem:$0x1FF20];
	v2 =	vadd.s32 s12, v11;
	v4 =	vor.u32 s12, v29  }
0xef: {  	v26 =	vadd.s32 s12, v20;
	v56 =	vld [tilespmem:$0x1FF30];
	v27 =	vor.u32 v5, v1;
	v2 =	vand.u32 $0x38, v2  }
0xf0: {  	v10 =	vand.u32 $0x38, v10;
	v37 =	vor.u32 v52, v1;
	v3 =	vor.u32 v2, v27  }
0xf1: {  	v12 =	vld [tilespmem:$0x1FF40];
	v44 =	vand.u32 $0x38, v26;
	v25 =	vor.u32 v10, v37;
	v0 =	vshll.u32 v0, $0x6  }
0xf2: {  	v14 =	vmovc v24;
	v24 =	vld [tilespmem:$0x1FFA0];
	v31 =	vor.u32 v9, v0;
	v32 =	vor.u32 v5, v0;
	v34 =	vor.u32 v7, v0  }
0xf3: {  	v63 =	vld.idx.msk [tilespmem:v4+s22+$0x0], $0xffff;
	v38 =	vor.u32 v52, v0;
	v36 =	vor.u32 v53, v0;
	v40 =	vor.u32 v28, v0  }
0xf4: {  	v26 =	vor.u32 v54, v0;
	v30 =	vor.u32 v55, v0;
	v43 =	vor.u32 v56, v0;
	v0 =	vld.idx.msk [tilespmem:v4+s20+$0x0], $0xffff  }
0xf5: {  	v8 =	vld.idx.msk [tilespmem:v3+s20+$0x0], $0xffff;
	v61 =	vor.u32 s12, v31  }
0xf6: {  	v6 =	vand.u32 $0x38, v6;
	v35 =	vor.u32 v7, v1;
	v3 =	vld.idx.msk [tilespmem:v3+s22+$0x0], $0xffff;
	v2 =	vor.u32 v2, v32  }
0xf7: {  	v58 =	vld.idx.msk [tilespmem:v25+s20+$0x0], $0xffff;
	v62 =	vor.u32 v6, v34;
	v6 =	vor.u32 v6, v35  }
0xf8: {  	v25 =	vld.idx.msk [tilespmem:v25+s22+$0x0], $0xffff  }
0xf9: {  	v13 =	vmov v22;
	v0 =	vmul.bf16 v63, v0;
	v63 =	vadd.s32 s12, v22;
	v22 =	vld [tilespmem:$0x1FFB0]  }
0xfa: {  	v39 =	vor.u32 v53, v1;
	v41 =	vor.u32 v28, v1;
	v57 =	vor.u32 v44, v40;
	v5 =	vld.idx.msk [tilespmem:v61+s16+$0x0], $0xffff  }
0xfb: {  	v33 =	vor.u32 v55, v1;
	v42 =	vor.u32 v56, v1;
	v10 =	vor.u32 v10, v38;
	v2 =	vld.idx.msk [tilespmem:v2+s16+$0x0], $0xffff  }
0xfc: {  	v46 =	vor.u32 v44, v41;
	v28 =	vor.u32 v54, v1;
	v1 =	vadd.s32 s12, v12;
	v45 =	vld.idx.msk [tilespmem:v6+s22+$0x0], $0xffff  }
0xfd: {  	v1 =	vand.u32 $0x38, v1;
	v6 =	vld.idx.msk [tilespmem:v6+s20+$0x0], $0xffff  }
0xfe: {  	v60 =	vadd.s32 s12, v18;
	v48 =	vor.u32 v1, v39;
	v7 =	vld.idx.msk [tilespmem:v62+s16+$0x0], $0xffff  }
0xff: {  	v49 =	vadd.s32 s12, v16;
	v44 =	vand.u32 $0x38, v60;
	v3 =	vmul.bf16 v3, v8;
	v4 =	vld.idx.msk [tilespmem:v57+s16+$0x0], $0xffff  }
0x100: {  	v51 =	vadd.s32 s12, v19;
	v1 =	vor.u32 v1, v36;
	v9 =	vor.u32 v44, v27;
	v10 =	vld.idx.msk [tilespmem:v10+s16+$0x0], $0xffff  }
0x101: {  	v44 =	vor.u32 v44, v32;
	v62 =	vand.u32 $0x38, v51;
	v2 =	vmul.bf16 v2, v3;
	v3 =	vld.idx.msk [tilespmem:v46+s20+$0x0], $0xffff  }
0x102: {  	v8 =	vmul.bf16 v25, v58;
	v58 =	vor.u32 v62, v26;
	v46 =	vld.idx.msk [tilespmem:v46+s22+$0x0], $0xffff;
	v6 =	vmul.bf16 v45, v6  }
0x103: {  	v47 =	vimm.f32 $0.0e+00;
	v61 =	vand.u32 $0x38, v49;
	v25 =	vld.idx.msk [tilespmem:v48+s22+$0x0], $0xffff  }
0x104: {  	v0 =	vmul.bf16 v5, v0;
	v5 =	vor.u32 v61, v30;
	v6 =	vmul.bf16 v7, v6;
	v7 =	vld.idx.msk [tilespmem:v48+s20+$0x0], $0xffff  }
0x105: {  	v11 =	vand.u32 $0x38, v63;
	v1 =	vld.idx.msk [tilespmem:v1+s16+$0x0], $0xffff;
	v45 =	vor.u32 v61, v33;
	v52 =	vunpack.i.l.bf16.f32 v2  }
0x106: {  	v50 =	vadd.s32 s12, v59;
	v54 =	vor.u32 v11, v43;
	v44 =	vld.idx.msk [tilespmem:v44+s16+$0x0], $0xffff;
	v57 =	vadd.f32 v52, v47  }
0x107: {  	v8 =	vmul.bf16 v10, v8;
	v58 =	vld.idx.msk [tilespmem:v58+s16+$0x0], $0xffff;
	v2 =	vunpack.i.u.bf16.f32 v2;
	v3 =	vmul.bf16 v46, v3  }
0x108: {  	v60 =	vor.u32 v11, v42;
	v61 =	vadd.s32 s12, v21;
	v46 =	vld.idx.msk [tilespmem:v9+s22+$0x0], $0xffff;
	v2 =	vadd.f32 v57, v2  }
0x109: {  	v5 =	vld.idx.msk [tilespmem:v5+s16+$0x0], $0xffff;
	v3 =	vmul.bf16 v4, v3;
	v7 =	vmul.bf16 v25, v7;
	v25 =	vunpack.i.l.bf16.f32 v8  }
0x10a: {  	v51 =	vand.u32 $0x38, v61;
	v48 =	vunpack.i.l.bf16.f32 v0;
	v52 =	vld.idx.msk [tilespmem:v45+s22+$0x0], $0xffff;
	v2 =	vadd.f32 v25, v2  }
0x10b: {  	v8 =	vunpack.i.u.bf16.f32 v8;
	v10 =	vunpack.i.l.bf16.f32 v3;
	v53 =	vunpack.i.u.bf16.f32 v3;
	v3 =	vld.idx.msk [tilespmem:v45+s20+$0x0], $0xffff  }
0x10c: {  	v0 =	vunpack.i.u.bf16.f32 v0;
	v4 =	vor.u32 v62, v28;
	v2 =	vadd.f32 v2, v8;
	v8 =	vld [tilespmem:$0x1FF90]  }
0x10d: {  	v61 =	vunpack.i.u.bf16.f32 v6;
	v55 =	vmul.bf16 v1, v7;
	v1 =	vadd.f32 v48, v47;
	v47 =	vld.idx.msk [tilespmem:v54+s16+$0x0], $0xffff  }
0x10e: {  	v15 =	vmovc v23;
	v17 =	vmovc v16;
	v63 =	vunpack.i.l.bf16.f32 v6;
	v62 =	vand.u32 $0x38, v50;
	v7 =	vor.u32 v51, v34;
	v54 =	vld.idx.msk [tilespmem:v9+s20+$0x0], $0xffff  }
0x10f: {  	v49 =	vor.u32 v62, v37;
	v56 =	vor.u32 v62, v38;
	v48 =	vor.u32 v51, v35;
	v51 =	vld.idx.msk [tilespmem:v60+s20+$0x0], $0xffff  }
0x110: {  	v6 =	vmovc v59;
	v60 =	vld.idx.msk [tilespmem:v60+s22+$0x0], $0xffff;
	v1 =	vadd.f32 v1, v0;
	v59 =	vunpack.i.l.bf16.f32 v55;
	v25 =	vadd.f32 v10, v2  }
0x111: {  	v16 =	vmovc v18;
	v18 =	vmovc v6;
	v50 =	vld.idx.msk [tilespmem:v4+s22+$0x0], $0xffff;
	v2 =	vadd.s32 s12, v23;
	v3 =	vmul.bf16 v52, v3;
	v0 =	vadd.s32 s12, v8  }
0x112: {  	v57 =	vld.idx.msk [tilespmem:v4+s20+$0x0], $0xffff;
	v23 =	vmovc v21;
	v21 =	vmovc v19;
	v19 =	vmov v20;
	v1 =	vadd.f32 v63, v1;
	v0 =	vand.u32 $0x38, v0  }
0x113: {  	s15 =	simm.s32 $0x10;
	s14 =	simm.s32 $0x0;
	v63 =	vand.u32 $0x38, v2;
	v45 =	vld.idx.msk [tilespmem:v7+s16+$0x0], $0xffff;
	v20 =	vmovc v8;
	v62 =	vmul.bf16 v5, v3;
	v52 =	vor.u32 v0, v41  }
.LBB2_8:
0x114: {  	v3 =	vld.idx.msk [tilespmem:v49+s20+$0x0], $0xffff  }
0x115: {  	v7 =	vld.idx.msk [tilespmem:v56+s16+$0x0], $0xffff  }
0x116: {  	v4 =	vor.u32 v63, v39;
	v0 =	vor.u32 v0, v40;
	v11 =	vld [tilespmem:$0x1FFE0]  }
0x117: {  	v5 =	vunpack.i.u.bf16.f32 v55;
	v9 =	vor.u32 v63, v36;
	v49 =	vld.idx.msk [tilespmem:v49+s22+$0x0], $0xffff;
	v2 =	vadd.f32 v25, v53  }
0x118: {  	v63 =	vld [tilespmem:$0x1FFC0];
	v1 =	vadd.f32 v1, v61;
	v6 =	vunpack.i.l.bf16.f32 v62;
	v53 =	vadd.s32 s14, v24  }
0x119: {  	s21 =	smov.u32 s15;
	v10 =	vunpack.i.u.bf16.f32 v62;
	v25 =	vld.idx.msk [tilespmem:v52+s22+$0x0], $0xffff;
	v53 =	vand.u32 $0x38, v53;
	v2 =	vadd.f32 v6, v2  }
0x11a: {  	v52 =	vld.idx.msk [tilespmem:v52+s20+$0x0], $0xffff;
	v1 =	vadd.f32 v59, v1;
	v8 =	vmul.bf16 v50, v57;
	v57 =	vadd.s32 s14, v22;
	s14 =	smov.u32 s21  }
0x11b: {  	v6 =	vld.idx.msk [tilespmem:v48+s20+$0x0], $0xffff;
	v46 =	vmul.bf16 v46, v54;
	v60 =	vmul.bf16 v60, v51;
	v59 =	vadd.s32 s14, v11  }
0x11c: {  	v48 =	vld.idx.msk [tilespmem:v48+s22+$0x0], $0xffff;
	v1 =	vadd.f32 v1, v5;
	v50 =	vand.u32 $0x38, v57;
	v57 =	vor.u32 s14, v31  }
0x11d: {  	v2 =	vadd.f32 v2, v10;
	v10 =	vor.u32 s14, v29;
	v9 =	vld.idx.msk [tilespmem:v9+s16+$0x0], $0xffff;
	v56 =	vor.u32 v50, v30  }
0x11e: {  	v62 =	vadd.s32 s14, v14;
	v0 =	vld.idx.msk [tilespmem:v0+s16+$0x0], $0xffff;
	v11 =	vadd.s32 s14, v63;
	v44 =	vmul.bf16 v44, v46  }
0x11f: {  	v3 =	vmul.bf16 v49, v3;
	v46 =	vld.idx.msk [tilespmem:v4+s20+$0x0], $0xffff;
	v5 =	vmul.bf16 v47, v60;
	v47 =	vor.u32 v50, v33  }
0x120: {  	v8 =	vmul.bf16 v58, v8;
	v4 =	vld.idx.msk [tilespmem:v4+s22+$0x0], $0xffff;
	v55 =	vunpack.i.u.bf16.f32 v44;
	v44 =	vunpack.i.l.bf16.f32 v44  }
0x121: {  	v61 =	vand.u32 $0x38, v59;
	v58 =	vand.u32 $0x38, v62;
	v2 =	vadd.f32 v44, v2;
	v44 =	vld.idx.msk [tilespmem:v57+s16+$0x0], $0xffff  }
0x122: {  	v62 =	vand.u32 $0x38, v11;
	v25 =	vmul.bf16 v25, v52;
	v54 =	vor.u32 v61, v27;
	v49 =	vld.idx.msk [tilespmem:v56+s16+$0x0], $0xffff  }
0x123: {  	v11 =	vadd.s32 s14, v12;
	v51 =	vor.u32 v61, v32;
	v50 =	vor.u32 v58, v35;
	v56 =	vld.idx.msk [tilespmem:v10+s22+$0x0], $0xffff  }
0x124: {  	v58 =	vor.u32 v58, v34;
	v52 =	vor.u32 v62, v38;
	v3 =	vmul.bf16 v7, v3;
	v63 =	vld.idx.msk [tilespmem:v47+s22+$0x0], $0xffff  }
0x125: {  	v59 =	vunpack.i.u.bf16.f32 v8;
	v8 =	vunpack.i.l.bf16.f32 v8;
	v0 =	vmul.bf16 v0, v25;
	v25 =	vld.idx.msk [tilespmem:v47+s20+$0x0], $0xffff  }
0x126: {  	v61 =	vunpack.i.u.bf16.f32 v5;
	v5 =	vunpack.i.l.bf16.f32 v5;
	v6 =	vmul.bf16 v48, v6;
	v10 =	vld.idx.msk [tilespmem:v10+s20+$0x0], $0xffff  }
0x127: {  	v48 =	vor.u32 v62, v37;
	v62 =	vor.u32 v53, v28;
	v1 =	vadd.f32 v8, v1;
	v60 =	vld.idx.msk [tilespmem:v54+s20+$0x0], $0xffff  }
0x128: {  	v6 =	vmul.bf16 v45, v6;
	v57 =	vand.u32 $0x38, v11;
	v11 =	vadd.s32 s14, v13;
	v7 =	vld.idx.msk [tilespmem:v51+s16+$0x0], $0xffff  }
0x129: {  	v4 =	vmul.bf16 v4, v46;
	v2 =	vadd.f32 v2, v55;
	v47 =	vunpack.i.l.bf16.f32 v3;
	v45 =	vld.idx.msk [tilespmem:v54+s22+$0x0], $0xffff  }
0x12a: {  	v3 =	vunpack.i.u.bf16.f32 v3;
	v1 =	vadd.f32 v1, v59;
	v59 =	vadd.s32 s14, v17;
	v51 =	vld.idx.msk [tilespmem:v58+s16+$0x0], $0xffff  }
0x12b: {  	v8 =	vunpack.i.l.bf16.f32 v0;
	v46 =	vunpack.i.l.bf16.f32 v6;
	v0 =	vunpack.i.u.bf16.f32 v0;
	v58 =	vld.idx.msk [tilespmem:v50+s22+$0x0], $0xffff  }
0x12c: {  	v54 =	vadd.s32 s14, v19;
	v6 =	vunpack.i.u.bf16.f32 v6;
	v50 =	vld.idx.msk [tilespmem:v50+s20+$0x0], $0xffff;
	v4 =	vmul.bf16 v9, v4  }
0x12d: {  	v9 =	vor.u32 v53, v26;
	v55 =	vld.idx.msk [tilespmem:v62+s22+$0x0], $0xffff;
	v54 =	vand.u32 $0x38, v54;
	v2 =	vadd.f32 v47, v2  }
0x12e: {  	v47 =	vld.idx.msk [tilespmem:v62+s20+$0x0], $0xffff;
	v1 =	vadd.f32 v5, v1;
	v62 =	vor.u32 v54, v41;
	v54 =	vor.u32 v54, v40  }
0x12f: {  	v53 =	vunpack.i.l.bf16.f32 v4;
	v4 =	vunpack.i.u.bf16.f32 v4;
	v2 =	vadd.f32 v2, v3  }
0x130: {  	v1 =	vadd.f32 v1, v61;
	v61 =	vor.u32 v57, v39;
	v25 =	vmul.bf16 v63, v25  }
0x131: {  	v63 =	vadd.s32 s14, v16;
	v10 =	vmul.bf16 v56, v10;
	v2 =	vadd.f32 v8, v2  }
0x132: {  	v5 =	vld.idx.msk [tilespmem:v48+s22+$0x0], $0xffff;
	v50 =	vmul.bf16 v58, v50;
	v1 =	vadd.f32 v46, v1;
	v63 =	vand.u32 $0x38, v63  }
0x133: {  	v3 =	vmul.bf16 v49, v25;
	v25 =	vmul.bf16 v45, v60;
	v45 =	vld.idx.msk [tilespmem:v48+s20+$0x0], $0xffff;
	v49 =	vadd.s32 s14, v18  }
0x134: {  	v48 =	vadd.s32 s14, v21;
	v10 =	vmul.bf16 v44, v10;
	v60 =	vld.idx.msk [tilespmem:v62+s20+$0x0], $0xffff;
	v0 =	vadd.f32 v2, v0  }
0x135: {  	v2 =	vmul.bf16 v55, v47;
	v55 =	vld.idx.msk [tilespmem:v62+s22+$0x0], $0xffff;
	v1 =	vadd.f32 v1, v6;
	v62 =	vand.u32 $0x38, v59  }
0x136: {  	v9 =	vld.idx.msk [tilespmem:v9+s16+$0x0], $0xffff;
	v48 =	vand.u32 $0x38, v48;
	v8 =	vunpack.i.u.bf16.f32 v3;
	v7 =	vmul.bf16 v7, v25  }
0x137: {  	v6 =	vld.idx.msk [tilespmem:v52+s16+$0x0], $0xffff;
	v25 =	vor.u32 v57, v36;
	v3 =	vunpack.i.l.bf16.f32 v3;
	v52 =	vor.u32 v48, v26  }
0x138: {  	v59 =	vor.u32 v62, v33;
	v0 =	vadd.f32 v3, v0;
	v1 =	vadd.f32 v53, v1  }
0x139: {  	v56 =	vld.idx.msk [tilespmem:v61+s20+$0x0], $0xffff;
	v53 =	vand.u32 $0x38, v11;
	v47 =	vunpack.i.l.bf16.f32 v7;
	v3 =	vunpack.i.u.bf16.f32 v7  }
0x13a: {  	v58 =	vld.idx.msk [tilespmem:v61+s22+$0x0], $0xffff;
	v7 =	vmul.bf16 v51, v50;
	v51 =	vor.u32 v63, v27;
	v50 =	vor.u32 v62, v30  }
0x13b: {  	v54 =	vld.idx.msk [tilespmem:v54+s16+$0x0], $0xffff;
	v5 =	vmul.bf16 v5, v45;
	v0 =	vadd.f32 v0, v8;
	v8 =	vunpack.i.l.bf16.f32 v10  }
0x13c: {  	v45 =	vor.u32 v63, v32;
	v2 =	vmul.bf16 v9, v2;
	v1 =	vadd.f32 v1, v4  }
0x13d: {  	v55 =	vmul.bf16 v55, v60;
	v60 =	vor.u32 v53, v42;
	v25 =	vld.idx.msk [tilespmem:v25+s16+$0x0], $0xffff;
	v4 =	vmul.bf16 v6, v5  }
0x13e: {  	v5 =	vor.u32 v48, v28;
	v6 =	vor.u32 v53, v43;
	v0 =	vadd.f32 v47, v0;
	v11 =	vld.idx.msk [tilespmem:v59+s20+$0x0], $0xffff  }
0x13f: {  	v48 =	vadd.s32 s14, v23;
	v47 =	vunpack.i.l.bf16.f32 v2;
	v61 =	vmul.bf16 v58, v56;
	v58 =	vld.idx.msk [tilespmem:v52+s16+$0x0], $0xffff  }
0x140: {  	v2 =	vunpack.i.u.bf16.f32 v2;
	v57 =	vmul.bf16 v54, v55;
	v1 =	vadd.f32 v47, v1;
	v46 =	vld.idx.msk [tilespmem:v51+s22+$0x0], $0xffff  }
0x141: {  	v54 =	vunpack.i.l.bf16.f32 v4;
	v63 =	vld.idx.msk [tilespmem:v50+s16+$0x0], $0xffff;
	v0 =	vadd.f32 v0, v3;
	v4 =	vunpack.i.u.bf16.f32 v4  }
0x142: {  	v62 =	vunpack.i.l.bf16.f32 v57;
	v44 =	vld.idx.msk [tilespmem:v45+s16+$0x0], $0xffff;
	v45 =	vand.u32 $0x38, v48;
	v53 =	vunpack.i.u.bf16.f32 v57  }
0x143: {  	v3 =	vld.idx.msk [tilespmem:v59+s22+$0x0], $0xffff;
	v57 =	vand.u32 $0x38, v49;
	v1 =	vadd.f32 v1, v2;
	v2 =	vunpack.i.u.bf16.f32 v10  }
0x144: {  	v10 =	vunpack.i.l.bf16.f32 v7;
	v49 =	vor.u32 v57, v37;
	v0 =	vadd.f32 v54, v0;
	v54 =	vld.idx.msk [tilespmem:v51+s20+$0x0], $0xffff  }
0x145: {  	p1 =	sne.s32 s15, $0x30;
	v48 =	vor.u32 v45, v35;
	v45 =	vor.u32 v45, v34;
	v51 =	vld.idx.msk [tilespmem:v60+s20+$0x0], $0xffff;
	v55 =	vmul.bf16 v25, v61  }
.Ltmp2:
0x146: {  	v56 =	vor.u32 v57, v38;
	v60 =	vld.idx.msk [tilespmem:v60+s22+$0x0], $0xffff;
	v1 =	vadd.f32 v8, v1;
	v61 =	vunpack.i.u.bf16.f32 v7;
	(pc) =	sbr.rel @p1 .LBB2_8-.Ltmp2, $4  }
0x147: {  	v50 =	vld.idx.msk [tilespmem:v5+s22+$0x0], $0xffff;
	v4 =	vadd.f32 v0, v4;
	v0 =	vadd.s32 s14, v20;
	v59 =	vunpack.i.l.bf16.f32 v55  }
0x148: {  	v47 =	vld.idx.msk [tilespmem:v6+s16+$0x0], $0xffff;
	v1 =	vadd.f32 v1, v2;
	v2 =	vmul.bf16 v3, v11;
	v0 =	vand.u32 $0x38, v0  }
0x149: {  	v57 =	vld.idx.msk [tilespmem:v5+s20+$0x0], $0xffff;
	v3 =	vadd.s32 s14, v15;
	v25 =	vadd.f32 v62, v4;
	v52 =	vor.u32 v0, v41  }
0x14a: {  	s15 =	sadd.s32 $0x10, s15;
	v45 =	vld.idx.msk [tilespmem:v45+s16+$0x0], $0xffff;
	v1 =	vadd.f32 v10, v1;
	v62 =	vmul.bf16 v63, v2;
	v63 =	vand.u32 $0x38, v3  }
0x14b: {  	_ =	sdelay $0x3  }
0x14c: {  	v2 =	vadd.f32 v25, v53;
	v3 =	vld.idx.msk [tilespmem:v49+s20+$0x0], $0xffff  }
0x14d: {  	v4 =	vor.u32 v63, v39;
	v0 =	vor.u32 v0, v40;
	v5 =	vld.idx.msk [tilespmem:v56+s16+$0x0], $0xffff;
	v6 =	vunpack.i.u.bf16.f32 v55  }
0x14e: {  	v9 =	vld.idx.msk [tilespmem:v48+s20+$0x0], $0xffff;
	v43 =	vor.u32 v63, v36;
	v25 =	vadd.s32 s14, v22;
	v1 =	vadd.f32 v1, v61  }
0x14f: {  	v10 =	vld.idx.msk [tilespmem:v52+s22+$0x0], $0xffff;
	v29 =	vmul.bf16 v46, v54;
	v31 =	vadd.s32 s14, v24;
	v8 =	vmul.bf16 v50, v57  }
0x150: {  	v27 =	vld.idx.msk [tilespmem:v49+s22+$0x0], $0xffff;
	v49 =	vmul.bf16 v60, v51;
	v7 =	vunpack.i.l.bf16.f32 v62;
	v1 =	vadd.f32 v59, v1  }
0x151: {  	v32 =	vld.idx.msk [tilespmem:v48+s22+$0x0], $0xffff;
	v11 =	vunpack.i.u.bf16.f32 v62;
	v25 =	vand.u32 $0x38, v25;
	v8 =	vmul.bf16 v58, v8  }
0x152: {  	v31 =	vand.u32 $0x38, v31;
	v33 =	vor.u32 v25, v33;
	v50 =	vld.idx.msk [tilespmem:v52+s20+$0x0], $0xffff;
	v1 =	vadd.f32 v1, v6  }
0x153: {  	v2 =	vadd.f32 v7, v2;
	v28 =	vor.u32 v31, v28;
	v34 =	vld.idx.msk [tilespmem:v4+s20+$0x0], $0xffff;
	v35 =	vunpack.i.l.bf16.f32 v8  }
0x154: {  	v29 =	vmul.bf16 v44, v29;
	v26 =	vor.u32 v31, v26;
	v4 =	vld.idx.msk [tilespmem:v4+s22+$0x0], $0xffff;
	v1 =	vadd.f32 v35, v1  }
0x155: {  	v2 =	vadd.f32 v2, v11;
	v6 =	vmul.bf16 v47, v49;
	v7 =	vld.idx.msk [tilespmem:v43+s16+$0x0], $0xffff;
	v8 =	vunpack.i.u.bf16.f32 v8  }
0x156: {  	v11 =	vor.u32 v25, v30;
	v51 =	vunpack.i.l.bf16.f32 v29;
	v0 =	vld.idx.msk [tilespmem:v0+s16+$0x0], $0xffff;
	v1 =	vadd.f32 v1, v8  }
0x157: {  	v3 =	vmul.bf16 v27, v3;
	v25 =	vunpack.i.l.bf16.f32 v6;
	v52 =	vld.idx.msk [tilespmem:v33+s20+$0x0], $0xffff;
	v8 =	vmul.bf16 v32, v9  }
0x158: {  	v27 =	vunpack.i.u.bf16.f32 v29;
	v2 =	vadd.f32 v51, v2;
	v53 =	vld.idx.msk [tilespmem:v28+s22+$0x0], $0xffff;
	v1 =	vadd.f32 v25, v1  }
0x159: {  	v6 =	vunpack.i.u.bf16.f32 v6;
	v3 =	vmul.bf16 v5, v3;
	v9 =	vld.idx.msk [tilespmem:v33+s22+$0x0], $0xffff;
	v8 =	vmul.bf16 v45, v8  }
0x15a: {  	v10 =	vmul.bf16 v10, v50;
	v2 =	vadd.f32 v2, v27;
	v25 =	vld.idx.msk [tilespmem:v28+s20+$0x0], $0xffff;
	v1 =	vadd.f32 v1, v6  }
0x15b: {  	v54 =	vld.idx.msk [tilespmem:v11+s16+$0x0], $0xffff;
	v27 =	vunpack.i.l.bf16.f32 v3;
	v4 =	vmul.bf16 v4, v34;
	v11 =	vunpack.i.l.bf16.f32 v8  }
0x15c: {  	v0 =	vmul.bf16 v0, v10;
	v2 =	vadd.f32 v27, v2;
	v10 =	vld.idx.msk [tilespmem:v26+s16+$0x0], $0xffff;
	v1 =	vadd.f32 v11, v1  }
0x15d: {  	v3 =	vunpack.i.u.bf16.f32 v3;
	v4 =	vmul.bf16 v7, v4;
	v55 =	vunpack.i.u.bf16.f32 v8  }
0x15e: {  	v2 =	vadd.f32 v2, v3;
	v8 =	vunpack.i.l.bf16.f32 v0;
	v1 =	vadd.f32 v1, v55  }
0x15f: {  	v56 =	vunpack.i.l.bf16.f32 v4;
	v57 =	vmul.bf16 v9, v52;
	v5 =	vmul.bf16 v53, v25  }
0x160: {  	v0 =	vunpack.i.u.bf16.f32 v0;
	v2 =	vadd.f32 v8, v2;
	v1 =	vadd.f32 v56, v1  }
0x161: {  	v58 =	vunpack.i.u.bf16.f32 v4;
	v59 =	vmul.bf16 v54, v57;
	v5 =	vmul.bf16 v10, v5  }
0x162: {  	v0 =	vadd.f32 v2, v0;
	v1 =	vadd.f32 v1, v58  }
0x163: {  	v60 =	vunpack.i.l.bf16.f32 v59;
	v61 =	vunpack.i.l.bf16.f32 v5  }
0x164: {  	v0 =	vadd.f32 v60, v0;
	v1 =	vadd.f32 v61, v1  }
0x165: {  	v62 =	vunpack.i.u.bf16.f32 v59;
	v63 =	vunpack.i.u.bf16.f32 v5  }
0x166: {  	v0 =	vadd.f32 v0, v62;
	v1 =	vadd.f32 v1, v63;
	_ =	sdelay $0x1  }
0x167: {  	v0 =	vadd.f32 v0, v1;
	_ =	sdelay $0x1  }
0x168: {  	v0 =	vsub.f32 $0.0e+00, v0;
	_ =	sdelay $0x1  }
0x169: {  	v0 =	vmul.f32 $1.442695020e+00, v0;
	_ =	sdelay $0x1  }
0x16a: {  	(erf) = vpow2.f32 v0;
	_ =	sdelay $0x8  }
0x16b: {  	v0 =	vpop (erf)  }
0x16c: {  	v0 =	vadd.f32 $1.000000000e+00, v0;
	_ =	sdelay $0x1  }
0x16d: {  	(erf) = vrcp.f32 v0;
	_ =	sdelay $0x3  }
0x16e: {  	s1 =	sadd.s32 $0x1, s1  }
0x16f: {  	p1 =	sne.s32 s1, $0x5  }
.Ltmp3:
0x170: {  	_ = 	snop;
	(pc) =	sbr.rel @p1 .LBB2_7-.Ltmp3, $4  }
0x171: {  	_ = 	snop  }
0x172: {  	v24 =	vmov v14;
	v20 =	vmov v19  }
0x173: {  	v14 =	vld [tilespmem:$0x1FFC0];
	v19 =	vmov v21;
	v21 =	vmov v23;
	v23 =	vmov v15;
	v0 =	vpop (erf)  }
0x174: {  	v22 =	vmovc v13;
	v9 =	vlaneseq.u32;
	v11 =	vld [tilespmem:$0x1FFE0];
	v59 =	vmovc v18;
	v18 =	vmov v16;
	v16 =	vmov v17;
	[tilespmem:s0+$0x1DE80] =	vst v0  }
0x175: {  	s0 =	smul.u32 $0x50, s11;
	_ =	sdelay $0x1  }
0x176: {  	s0 =	sadd.s32 s4, s0  }
0x177: {  	s0 =	sshrl.u32 s0, $0x3  }
0x178: {  	s0 =	sadd.s32 s2, s0  }
0x179: {  	[hbm4b:s0+s3] =	stream.linear.scatter [tilespmem:s29], [sflag:$0x5], $0x50, $0x38;
	[tilespmem:$0x1DF20] =	vst v63  }
0x17a: {  	_ =	swait.ge [sflag:s30], $0x1400  }
0x17b: {  	[sflag:s30] =	ssyncset.done $0x0  }
0x17c: {  	[sflag:s30] =	ssyncadd.s32 $0xFFFFEC00  }
0x17d: {  	_ =	swait.ge [sflag:s30], $0x1400  }
0x17e: {  	[sflag:s30] =	ssyncset.done $0x0  }
0x17f: {  	s14 =	sadd.s32 $0x140, s10;
	s21 =	smul.u32 $0x140, s9;
	[sflag:s30] =	ssyncadd.s32 $0xFFFFEC00  }
0x180: {  	[tilespmem:s20], [sflag:$0x2] =	stream.indirect.gather [hbm4b:s5+s17], $0x40, s14, s17, $0xb8;
	[tilespmem:$0x1DF20] =	vst v63  }
0x181: {  	s15 =	sadd.s32 $0x2850, s10;
	s1 =	simm.s32 @!p0 $0x6;
	s0 =	sshra.s32 s21, $0x2  }
0x182: {  	[tilespmem:s22], [sflag:$0x2] =	stream.indirect.gather [hbm4b:s5+s17], $0x40, s15, s17, $0xb8;
	[tilespmem:$0x1DF20] =	vst v63  }
0x183: {  	s0 =	sadd.s32 $0x4E20, s0;
	_ =	swait.ge @!p0 [sflag:s1], $0x50  }
0x184: {  	v0 =	vmov s0;
	[sflag:s1] =	ssyncset.done @!p0 $0x0  }
0x185: {  	s9 =	simm.s32 $0x0;
	[tilespmem:$0x1FE80] =	vst v0;
	[sflag:s1] =	ssyncadd.s32 @!p0 $0xFFFFFFB0;
	s1 =	simm.s32 $0x0  }
.LBB2_11:
0x186: {  	v0 =	vld [tilespmem:$0x1FE80];
	_ =	sdelay $0x2  }
0x187: {  	v2 =	vld [tilespmem:$0x1FEB0]  }
0x188: {  	v5 =	vld [tilespmem:$0x1FEC0]  }
0x189: {  	v7 =	vld [tilespmem:$0x1FED0]  }
0x18a: {  	v52 =	vld [tilespmem:$0x1FEE0]  }
0x18b: {  	s0 =	sshll.u32 s1, $0x4;
	v12 =	vld [tilespmem:$0x1FEF0]  }
0x18c: {  	v0 =	vld.idx.msk [tilespmem:v0+s0+$0x0 ss:$0x1], $0xffff  }
0x18d: {  	v26 =	vld [tilespmem:$0x1FF00]  }
0x18e: {  	v19 =	vmov v16;
	v16 =	vld [tilespmem:$0x1FF40];
	v1 =	vmov s0  }
0x18f: {  	v46 =	vadd.s32 s9, v18;
	v21 =	vmov v18;
	v18 =	vld [tilespmem:$0x1FF50];
	v1 =	vshll.u32 v1, $0x6  }
0x190: {  	v25 =	vadd.s32 s9, v20;
	v17 =	vmov v20;
	v20 =	vld [tilespmem:$0x1FF60];
	v1 =	vor.u32 v2, v1  }
0x191: {  	v15 =	vld [tilespmem:$0x1FF90];
	v2 =	vadd.s32 s9, v11;
	v27 =	vor.u32 v5, v1;
	v0 =	vshll.u32 v0, $0x6  }
0x192: {  	v2 =	vand.u32 $0x38, v2;
	v39 =	vor.u32 v12, v1;
	v36 =	vor.u32 v12, v0;
	v12 =	vld [tilespmem:$0x1FF10]  }
0x193: {  	v22 =	vld [tilespmem:$0x1FF70];
	v29 =	vor.u32 v9, v1;
	v3 =	vor.u32 v2, v27  }
0x194: {  	v6 =	vadd.s32 s9, v24;
	v10 =	vadd.s32 s9, v14;
	v24 =	vld [tilespmem:$0x1FF80];
	v4 =	vor.u32 s9, v29  }
0x195: {  	v14 =	vld [tilespmem:$0x1FFA0];
	v10 =	vand.u32 $0x38, v10;
	v37 =	vor.u32 v52, v1  }
0x196: {  	v13 =	vld [tilespmem:$0x1FFB0];
	v41 =	vor.u32 v26, v1;
	v53 =	vor.u32 v10, v37  }
0x197: {  	v40 =	vor.u32 v26, v0;
	v28 =	vor.u32 v12, v1;
	v26 =	vor.u32 v12, v0;
	v12 =	vld [tilespmem:$0x1FF20]  }
0x198: {  	v8 =	vld.idx.msk [tilespmem:v3+s24+$0x0], $0xffff;
	v32 =	vor.u32 v5, v0  }
0x199: {  	v6 =	vand.u32 $0x38, v6;
	v63 =	vld.idx.msk [tilespmem:v4+s25+$0x0], $0xffff;
	v31 =	vor.u32 v9, v0;
	v2 =	vor.u32 v2, v32  }
0x19a: {  	v35 =	vor.u32 v7, v1;
	v3 =	vld.idx.msk [tilespmem:v3+s25+$0x0], $0xffff;
	v34 =	vor.u32 v7, v0;
	v61 =	vor.u32 s9, v31  }
0x19b: {  	v55 =	vld.idx.msk [tilespmem:v53+s24+$0x0], $0xffff;
	v62 =	vor.u32 v6, v34;
	v6 =	vor.u32 v6, v35  }
0x19c: {  	v33 =	vor.u32 v12, v1;
	v30 =	vor.u32 v12, v0;
	v12 =	vld [tilespmem:$0x1FF30]  }
0x19d: {  	v25 =	vand.u32 $0x38, v25;
	v11 =	vld.idx.msk [tilespmem:v53+s25+$0x0], $0xffff  }
0x19e: {  	v45 =	vor.u32 v25, v41;
	v2 =	vld.idx.msk [tilespmem:v2+s16+$0x0], $0xffff  }
0x19f: {  	v5 =	vld.idx.msk [tilespmem:v61+s16+$0x0], $0xffff  }
0x1a0: {  	v38 =	vor.u32 v52, v0;
	v54 =	vor.u32 v25, v40;
	v44 =	vld.idx.msk [tilespmem:v6+s25+$0x0], $0xffff  }
0x1a1: {  	v3 =	vmul.bf16 v3, v8;
	v6 =	vld.idx.msk [tilespmem:v6+s24+$0x0], $0xffff;
	v42 =	vor.u32 v12, v1;
	v1 =	vadd.s32 s9, v16  }
0x1a2: {  	v49 =	vadd.s32 s9, v59;
	v10 =	vor.u32 v10, v38;
	v7 =	vld.idx.msk [tilespmem:v62+s16+$0x0], $0xffff;
	v1 =	vand.u32 $0x38, v1  }
0x1a3: {  	v48 =	vadd.s32 s9, v19;
	v2 =	vmul.bf16 v2, v3;
	v3 =	vld.idx.msk [tilespmem:v45+s24+$0x0], $0xffff;
	v47 =	vor.u32 v1, v39  }
0x1a4: {  	v46 =	vand.u32 $0x38, v46;
	v56 =	vand.u32 $0x38, v48;
	v50 =	vadd.s32 s9, v18;
	v45 =	vld.idx.msk [tilespmem:v45+s25+$0x0], $0xffff  }
0x1a5: {  	v9 =	vor.u32 v46, v27;
	v8 =	vmul.bf16 v11, v55;
	v43 =	vor.u32 v12, v0;
	v0 =	vld.idx.msk [tilespmem:v4+s24+$0x0], $0xffff  }
0x1a6: {  	v55 =	vadd.s32 s9, v22;
	v6 =	vmul.bf16 v44, v6;
	v4 =	vld.idx.msk [tilespmem:v54+s16+$0x0], $0xffff;
	v1 =	vor.u32 v1, v36  }
0x1a7: {  	v25 =	vimm.f32 $0.0e+00;
	v57 =	vor.u32 v46, v32;
	v48 =	vand.u32 $0x38, v55;
	v10 =	vld.idx.msk [tilespmem:v10+s16+$0x0], $0xffff  }
0x1a8: {  	v61 =	vand.u32 $0x38, v50;
	v58 =	vor.u32 v56, v30;
	v6 =	vmul.bf16 v7, v6;
	v7 =	vld.idx.msk [tilespmem:v47+s24+$0x0], $0xffff  }
0x1a9: {  	v51 =	vunpack.i.l.bf16.f32 v2;
	v3 =	vmul.bf16 v45, v3;
	v45 =	vor.u32 v56, v33;
	v11 =	vld.idx.msk [tilespmem:v47+s25+$0x0], $0xffff  }
0x1aa: {  	v46 =	vld.idx.msk [tilespmem:v9+s25+$0x0], $0xffff;
	v62 =	vadd.s32 s9, v20;
	v52 =	vor.u32 v61, v26;
	v51 =	vadd.f32 v51, v25  }
0x1ab: {  	v0 =	vmul.bf16 v63, v0;
	v3 =	vmul.bf16 v4, v3;
	v4 =	vor.u32 v61, v28;
	v1 =	vld.idx.msk [tilespmem:v1+s16+$0x0], $0xffff  }
0x1ac: {  	v44 =	vld.idx.msk [tilespmem:v57+s16+$0x0], $0xffff;
	v8 =	vmul.bf16 v10, v8;
	v2 =	vunpack.i.u.bf16.f32 v2;
	v63 =	vand.u32 $0x38, v62  }
0x1ad: {  	v2 =	vadd.f32 v51, v2;
	v60 =	vor.u32 v63, v42;
	v0 =	vmul.bf16 v5, v0;
	v5 =	vld.idx.msk [tilespmem:v58+s16+$0x0], $0xffff  }
0x1ae: {  	v61 =	vunpack.i.l.bf16.f32 v8;
	v62 =	vand.u32 $0x38, v49;
	v58 =	vld.idx.msk [tilespmem:v45+s25+$0x0], $0xffff;
	v7 =	vmul.bf16 v11, v7  }
0x1af: {  	v10 =	vunpack.i.l.bf16.f32 v3;
	v53 =	vunpack.i.u.bf16.f32 v3;
	v3 =	vld.idx.msk [tilespmem:v45+s24+$0x0], $0xffff;
	v47 =	vunpack.i.l.bf16.f32 v0  }
0x1b0: {  	v54 =	vor.u32 v63, v43;
	v50 =	vld.idx.msk [tilespmem:v4+s25+$0x0], $0xffff;
	v55 =	vmul.bf16 v1, v7;
	v1 =	vadd.f32 v47, v25  }
0x1b1: {  	v8 =	vunpack.i.u.bf16.f32 v8;
	v2 =	vadd.f32 v61, v2;
	v0 =	vunpack.i.u.bf16.f32 v0;
	v57 =	vld.idx.msk [tilespmem:v4+s24+$0x0], $0xffff  }
0x1b2: {  	v51 =	vld.idx.msk [tilespmem:v60+s24+$0x0], $0xffff;
	v7 =	vor.u32 v48, v34;
	v1 =	vadd.f32 v1, v0;
	v0 =	vadd.s32 s9, v15  }
0x1b3: {  	v49 =	vor.u32 v62, v37;
	v56 =	vor.u32 v62, v38;
	v60 =	vld.idx.msk [tilespmem:v60+s25+$0x0], $0xffff;
	v0 =	vand.u32 $0x38, v0  }
0x1b4: {  	v2 =	vadd.f32 v2, v8;
	v3 =	vmul.bf16 v58, v3;
	v58 =	vld.idx.msk [tilespmem:v52+s16+$0x0], $0xffff;
	v52 =	vor.u32 v0, v41  }
0x1b5: {  	v61 =	vunpack.i.u.bf16.f32 v6;
	v63 =	vunpack.i.l.bf16.f32 v6;
	v47 =	vld.idx.msk [tilespmem:v54+s16+$0x0], $0xffff;
	v48 =	vor.u32 v48, v35  }
0x1b6: {  	v54 =	vld.idx.msk [tilespmem:v9+s24+$0x0], $0xffff;
	v25 =	vadd.f32 v10, v2;
	v2 =	vadd.s32 s9, v24;
	v62 =	vmul.bf16 v5, v3  }
0x1b7: {  	v23 =	vmovc v59;
	s11 =	simm.s32 $0x10;
	s10 =	simm.s32 $0x0;
	v59 =	vunpack.i.l.bf16.f32 v55;
	v1 =	vadd.f32 v63, v1;
	v63 =	vand.u32 $0x38, v2;
	v45 =	vld.idx.msk [tilespmem:v7+s16+$0x0], $0xffff  }
.LBB2_12:
0x1b8: {  	v3 =	vld.idx.msk [tilespmem:v49+s24+$0x0], $0xffff  }
0x1b9: {  	v4 =	vor.u32 v63, v39;
	v0 =	vor.u32 v0, v40;
	v11 =	vld.idx.msk [tilespmem:v52+s25+$0x0], $0xffff  }
0x1ba: {  	v5 =	vunpack.i.u.bf16.f32 v55;
	v9 =	vor.u32 v63, v36;
	v12 =	vld [tilespmem:$0x1FFE0];
	v2 =	vadd.f32 v25, v53  }
0x1bb: {  	v49 =	vld.idx.msk [tilespmem:v49+s25+$0x0], $0xffff;
	v1 =	vadd.f32 v1, v61;
	v6 =	vunpack.i.l.bf16.f32 v62;
	v25 =	vadd.s32 s10, v13  }
0x1bc: {  	v52 =	vld.idx.msk [tilespmem:v52+s24+$0x0], $0xffff;
	v10 =	vunpack.i.u.bf16.f32 v62;
	v25 =	vand.u32 $0x38, v25;
	v2 =	vadd.f32 v6, v2  }
0x1bd: {  	s12 =	smov.u32 s11;
	v1 =	vadd.f32 v59, v1;
	v55 =	vor.u32 v25, v30;
	v25 =	vor.u32 v25, v33  }
0x1be: {  	v7 =	vld.idx.msk [tilespmem:v56+s16+$0x0], $0xffff;
	v8 =	vmul.bf16 v50, v57;
	v46 =	vmul.bf16 v46, v54;
	v50 =	vadd.s32 s10, v14;
	s10 =	smov.u32 s12  }
0x1bf: {  	v6 =	vld.idx.msk [tilespmem:v48+s24+$0x0], $0xffff;
	v60 =	vmul.bf16 v60, v51;
	v59 =	vadd.s32 s10, v12;
	v1 =	vadd.f32 v1, v5  }
0x1c0: {  	v48 =	vld.idx.msk [tilespmem:v48+s25+$0x0], $0xffff;
	v2 =	vadd.f32 v2, v10;
	v10 =	vor.u32 s10, v29;
	v56 =	vor.u32 s10, v31  }
0x1c1: {  	v12 =	vld [tilespmem:$0x1FFD0];
	v50 =	vand.u32 $0x38, v50;
	v3 =	vmul.bf16 v49, v3;
	v11 =	vmul.bf16 v11, v52  }
0x1c2: {  	v0 =	vld.idx.msk [tilespmem:v0+s16+$0x0], $0xffff;
	v63 =	vadd.s32 s10, v17;
	v61 =	vand.u32 $0x38, v59;
	v44 =	vmul.bf16 v44, v46  }
0x1c3: {  	v8 =	vmul.bf16 v58, v8;
	v46 =	vld.idx.msk [tilespmem:v4+s24+$0x0], $0xffff;
	v5 =	vmul.bf16 v47, v60;
	v53 =	vor.u32 v61, v27  }
0x1c4: {  	v4 =	vld.idx.msk [tilespmem:v4+s25+$0x0], $0xffff;
	v51 =	vor.u32 v61, v32;
	v3 =	vmul.bf16 v7, v3;
	v54 =	vunpack.i.u.bf16.f32 v44  }
0x1c5: {  	v9 =	vld.idx.msk [tilespmem:v9+s16+$0x0], $0xffff;
	v58 =	vunpack.i.u.bf16.f32 v8;
	v8 =	vunpack.i.l.bf16.f32 v8;
	v60 =	vunpack.i.u.bf16.f32 v5  }
0x1c6: {  	v5 =	vunpack.i.l.bf16.f32 v5;
	v44 =	vunpack.i.l.bf16.f32 v44;
	v49 =	vld.idx.msk [tilespmem:v55+s16+$0x0], $0xffff;
	v6 =	vmul.bf16 v48, v6  }
0x1c7: {  	v2 =	vadd.f32 v44, v2;
	v1 =	vadd.f32 v8, v1;
	v62 =	vadd.s32 s10, v12;
	v12 =	vld [tilespmem:$0x1FFC0]  }
0x1c8: {  	v0 =	vmul.bf16 v0, v11;
	v11 =	vld.idx.msk [tilespmem:v25+s24+$0x0], $0xffff;
	v6 =	vmul.bf16 v45, v6;
	v57 =	vand.u32 $0x38, v62  }
0x1c9: {  	v62 =	vld.idx.msk [tilespmem:v25+s25+$0x0], $0xffff;
	v4 =	vmul.bf16 v4, v46;
	v2 =	vadd.f32 v2, v54;
	v46 =	vunpack.i.l.bf16.f32 v3  }
0x1ca: {  	v25 =	vld.idx.msk [tilespmem:v56+s16+$0x0], $0xffff;
	v3 =	vunpack.i.u.bf16.f32 v3;
	v56 =	vadd.s32 s10, v16;
	v1 =	vadd.f32 v1, v58  }
0x1cb: {  	v55 =	vld.idx.msk [tilespmem:v10+s25+$0x0], $0xffff;
	v58 =	vadd.s32 s10, v19;
	v47 =	vor.u32 v57, v35;
	v57 =	vor.u32 v57, v34  }
0x1cc: {  	v10 =	vld.idx.msk [tilespmem:v10+s24+$0x0], $0xffff;
	v8 =	vunpack.i.l.bf16.f32 v0;
	v45 =	vunpack.i.l.bf16.f32 v6;
	v61 =	vadd.s32 s10, v12  }
0x1cd: {  	v59 =	vld.idx.msk [tilespmem:v53+s24+$0x0], $0xffff;
	v0 =	vunpack.i.u.bf16.f32 v0;
	v6 =	vunpack.i.u.bf16.f32 v6;
	v61 =	vand.u32 $0x38, v61  }
0x1ce: {  	v44 =	vld.idx.msk [tilespmem:v53+s25+$0x0], $0xffff;
	v48 =	vor.u32 v61, v37;
	v52 =	vor.u32 v61, v38;
	v61 =	vor.u32 v50, v28  }
0x1cf: {  	v7 =	vld.idx.msk [tilespmem:v51+s16+$0x0], $0xffff;
	v53 =	vand.u32 $0x38, v63;
	v4 =	vmul.bf16 v9, v4;
	v2 =	vadd.f32 v46, v2  }
0x1d0: {  	v56 =	vand.u32 $0x38, v56;
	v9 =	vor.u32 v50, v26;
	v1 =	vadd.f32 v5, v1;
	v50 =	vld.idx.msk [tilespmem:v57+s16+$0x0], $0xffff  }
0x1d1: {  	v51 =	vunpack.i.l.bf16.f32 v4;
	v4 =	vunpack.i.u.bf16.f32 v4;
	v2 =	vadd.f32 v2, v3;
	v57 =	vld.idx.msk [tilespmem:v47+s25+$0x0], $0xffff  }
0x1d2: {  	v1 =	vadd.f32 v1, v60;
	v10 =	vmul.bf16 v55, v10;
	v11 =	vmul.bf16 v62, v11;
	v47 =	vld.idx.msk [tilespmem:v47+s24+$0x0], $0xffff  }
0x1d3: {  	v62 =	vadd.s32 s10, v21;
	v59 =	vmul.bf16 v44, v59;
	v2 =	vadd.f32 v8, v2;
	v54 =	vld.idx.msk [tilespmem:v61+s25+$0x0], $0xffff  }
0x1d4: {  	v1 =	vadd.f32 v45, v1;
	v10 =	vmul.bf16 v25, v10;
	v46 =	vld.idx.msk [tilespmem:v61+s24+$0x0], $0xffff;
	v61 =	vor.u32 v53, v41  }
0x1d5: {  	v25 =	vand.u32 $0x38, v58;
	v3 =	vmul.bf16 v49, v11;
	v49 =	vadd.s32 s10, v23  }
0x1d6: {  	v7 =	vmul.bf16 v7, v59;
	v0 =	vadd.f32 v2, v0;
	v1 =	vadd.f32 v1, v6;
	v44 =	vld.idx.msk [tilespmem:v48+s24+$0x0], $0xffff  }
0x1d7: {  	v11 =	vor.u32 v56, v36;
	v8 =	vunpack.i.u.bf16.f32 v3;
	v3 =	vunpack.i.l.bf16.f32 v3;
	v63 =	vld.idx.msk [tilespmem:v48+s25+$0x0], $0xffff  }
0x1d8: {  	v0 =	vadd.f32 v3, v0;
	v3 =	vunpack.i.u.bf16.f32 v7;
	v1 =	vadd.f32 v51, v1;
	v6 =	vld.idx.msk [tilespmem:v52+s16+$0x0], $0xffff  }
0x1d9: {  	v53 =	vor.u32 v53, v40;
	v48 =	vadd.s32 s10, v18;
	v57 =	vmul.bf16 v57, v47;
	v59 =	vld.idx.msk [tilespmem:v61+s24+$0x0], $0xffff  }
0x1da: {  	v0 =	vadd.f32 v0, v8;
	v8 =	vunpack.i.l.bf16.f32 v10;
	v60 =	vld.idx.msk [tilespmem:v61+s25+$0x0], $0xffff;
	v61 =	vor.u32 v56, v39  }
0x1db: {  	v9 =	vld.idx.msk [tilespmem:v9+s16+$0x0], $0xffff;
	v1 =	vadd.f32 v1, v4;
	v2 =	vmul.bf16 v54, v46;
	v54 =	vunpack.i.l.bf16.f32 v7  }
0x1dc: {  	v7 =	vmul.bf16 v50, v57;
	v46 =	vand.u32 $0x38, v48;
	v48 =	vor.u32 v25, v30  }
0x1dd: {  	v11 =	vld.idx.msk [tilespmem:v11+s16+$0x0], $0xffff;
	v5 =	vmul.bf16 v63, v44;
	v63 =	vand.u32 $0x38, v62;
	v25 =	vor.u32 v25, v33  }
0x1de: {  	v53 =	vld.idx.msk [tilespmem:v53+s16+$0x0], $0xffff;
	v57 =	vadd.s32 s10, v20;
	v52 =	vor.u32 v63, v27;
	v0 =	vadd.f32 v54, v0  }
0x1df: {  	v58 =	vor.u32 v46, v26;
	v44 =	vor.u32 v63, v32;
	v4 =	vmul.bf16 v6, v5;
	v50 =	vld.idx.msk [tilespmem:v61+s24+$0x0], $0xffff  }
0x1e0: {  	v2 =	vmul.bf16 v9, v2;
	v5 =	vor.u32 v46, v28;
	v0 =	vadd.f32 v0, v3;
	v45 =	vld.idx.msk [tilespmem:v61+s25+$0x0], $0xffff  }
0x1e1: {  	v51 =	vunpack.i.l.bf16.f32 v4;
	v4 =	vunpack.i.u.bf16.f32 v4;
	v47 =	vmul.bf16 v60, v59;
	v63 =	vld.idx.msk [tilespmem:v48+s16+$0x0], $0xffff  }
0x1e2: {  	v59 =	vand.u32 $0x38, v57;
	v57 =	vadd.s32 s10, v22;
	v3 =	vld.idx.msk [tilespmem:v25+s25+$0x0], $0xffff;
	v61 =	vand.u32 $0x38, v49  }
0x1e3: {  	v25 =	vld.idx.msk [tilespmem:v25+s24+$0x0], $0xffff;
	v0 =	vadd.f32 v51, v0;
	v60 =	vor.u32 v59, v42;
	v56 =	vor.u32 v59, v43  }
0x1e4: {  	v46 =	vld.idx.msk [tilespmem:v52+s25+$0x0], $0xffff;
	v59 =	vunpack.i.l.bf16.f32 v2;
	v49 =	vor.u32 v61, v37;
	v2 =	vunpack.i.u.bf16.f32 v2  }
0x1e5: {  	v44 =	vld.idx.msk [tilespmem:v44+s16+$0x0], $0xffff;
	v55 =	vmul.bf16 v53, v47;
	v47 =	vand.u32 $0x38, v57;
	v1 =	vadd.f32 v59, v1  }
0x1e6: {  	v54 =	vld.idx.msk [tilespmem:v52+s24+$0x0], $0xffff;
	v4 =	vadd.f32 v0, v4;
	v0 =	vadd.s32 s10, v15;
	v48 =	vor.u32 v47, v35  }
0x1e7: {  	v58 =	vld.idx.msk [tilespmem:v58+s16+$0x0], $0xffff;
	v12 =	vor.u32 v47, v34;
	v0 =	vand.u32 $0x38, v0;
	v1 =	vadd.f32 v1, v2  }
0x1e8: {  	p0 =	sne.s32 s11, $0x30;
	v57 =	vld.idx.msk [tilespmem:v5+s24+$0x0], $0xffff;
	v62 =	vunpack.i.l.bf16.f32 v55;
	v53 =	vunpack.i.u.bf16.f32 v55;
	v45 =	vmul.bf16 v45, v50  }
.Ltmp4:
0x1e9: {  	v2 =	vunpack.i.u.bf16.f32 v10;
	v52 =	vor.u32 v0, v41;
	v50 =	vld.idx.msk [tilespmem:v5+s25+$0x0], $0xffff;
	v1 =	vadd.f32 v8, v1;
	(pc) =	sbr.rel @p0 .LBB2_12-.Ltmp4, $4  }
0x1ea: {  	v47 =	vld.idx.msk [tilespmem:v56+s16+$0x0], $0xffff;
	v56 =	vor.u32 v61, v38;
	v61 =	vunpack.i.u.bf16.f32 v7;
	v55 =	vmul.bf16 v11, v45  }
0x1eb: {  	v51 =	vld.idx.msk [tilespmem:v60+s24+$0x0], $0xffff;
	v11 =	vunpack.i.l.bf16.f32 v7;
	v1 =	vadd.f32 v1, v2;
	v2 =	vmul.bf16 v3, v25  }
0x1ec: {  	v60 =	vld.idx.msk [tilespmem:v60+s25+$0x0], $0xffff;
	v25 =	vadd.f32 v62, v4;
	v3 =	vadd.s32 s10, v24;
	v59 =	vunpack.i.l.bf16.f32 v55  }
0x1ed: {  	s11 =	sadd.s32 $0x10, s11;
	v45 =	vld.idx.msk [tilespmem:v12+s16+$0x0], $0xffff;
	v1 =	vadd.f32 v11, v1;
	v62 =	vmul.bf16 v63, v2;
	v63 =	vand.u32 $0x38, v3  }
0x1ee: {  	_ =	sdelay $0x3  }
0x1ef: {  	v2 =	vadd.f32 v25, v53;
	v3 =	vld.idx.msk [tilespmem:v49+s24+$0x0], $0xffff;
	v4 =	vor.u32 v63, v39  }
0x1f0: {  	v0 =	vor.u32 v0, v40;
	v5 =	vld.idx.msk [tilespmem:v56+s16+$0x0], $0xffff;
	v6 =	vunpack.i.u.bf16.f32 v55;
	v8 =	vmul.bf16 v50, v57  }
0x1f1: {  	v9 =	vld.idx.msk [tilespmem:v48+s24+$0x0], $0xffff;
	v50 =	vor.u32 v63, v36;
	v12 =	vadd.s32 s10, v13;
	v1 =	vadd.f32 v1, v61  }
0x1f2: {  	v10 =	vld.idx.msk [tilespmem:v52+s25+$0x0], $0xffff;
	v27 =	vmul.bf16 v46, v54;
	v29 =	vadd.s32 s10, v14;
	v7 =	vunpack.i.l.bf16.f32 v62  }
0x1f3: {  	v25 =	vld.idx.msk [tilespmem:v49+s25+$0x0], $0xffff;
	v11 =	vunpack.i.u.bf16.f32 v62;
	v12 =	vand.u32 $0x38, v12;
	v1 =	vadd.f32 v59, v1  }
0x1f4: {  	v31 =	vld.idx.msk [tilespmem:v48+s25+$0x0], $0xffff;
	v29 =	vand.u32 $0x38, v29;
	v2 =	vadd.f32 v7, v2;
	v8 =	vmul.bf16 v58, v8  }
0x1f5: {  	v35 =	vld.idx.msk [tilespmem:v52+s24+$0x0], $0xffff;
	v33 =	vor.u32 v12, v33;
	v27 =	vmul.bf16 v44, v27;
	v1 =	vadd.f32 v1, v6  }
0x1f6: {  	v28 =	vor.u32 v29, v28;
	v51 =	vmul.bf16 v60, v51;
	v34 =	vunpack.i.l.bf16.f32 v8;
	v32 =	vld.idx.msk [tilespmem:v4+s24+$0x0], $0xffff  }
0x1f7: {  	v2 =	vadd.f32 v2, v11;
	v11 =	vor.u32 v12, v30;
	v4 =	vld.idx.msk [tilespmem:v4+s25+$0x0], $0xffff;
	v1 =	vadd.f32 v34, v1  }
0x1f8: {  	v8 =	vunpack.i.u.bf16.f32 v8;
	v52 =	vunpack.i.l.bf16.f32 v27;
	v6 =	vmul.bf16 v47, v51;
	v7 =	vld.idx.msk [tilespmem:v50+s16+$0x0], $0xffff  }
0x1f9: {  	v0 =	vld.idx.msk [tilespmem:v0+s16+$0x0], $0xffff;
	v3 =	vmul.bf16 v25, v3;
	v25 =	vor.u32 v29, v26;
	v1 =	vadd.f32 v1, v8  }
0x1fa: {  	v26 =	vunpack.i.u.bf16.f32 v27;
	v12 =	vunpack.i.l.bf16.f32 v6;
	v27 =	vld.idx.msk [tilespmem:v33+s24+$0x0], $0xffff;
	v8 =	vmul.bf16 v31, v9  }
0x1fb: {  	v2 =	vadd.f32 v52, v2;
	v53 =	vld.idx.msk [tilespmem:v28+s25+$0x0], $0xffff;
	v1 =	vadd.f32 v12, v1  }
0x1fc: {  	v6 =	vunpack.i.u.bf16.f32 v6;
	v3 =	vmul.bf16 v5, v3;
	v9 =	vld.idx.msk [tilespmem:v33+s25+$0x0], $0xffff;
	v8 =	vmul.bf16 v45, v8  }
0x1fd: {  	v10 =	vmul.bf16 v10, v35;
	v2 =	vadd.f32 v2, v26;
	v12 =	vld.idx.msk [tilespmem:v28+s24+$0x0], $0xffff;
	v1 =	vadd.f32 v1, v6  }
0x1fe: {  	v54 =	vld.idx.msk [tilespmem:v11+s16+$0x0], $0xffff;
	v26 =	vunpack.i.l.bf16.f32 v3;
	v4 =	vmul.bf16 v4, v32;
	v11 =	vunpack.i.l.bf16.f32 v8  }
0x1ff: {  	v0 =	vmul.bf16 v0, v10;
	v2 =	vadd.f32 v26, v2;
	v10 =	vld.idx.msk [tilespmem:v25+s16+$0x0], $0xffff;
	v1 =	vadd.f32 v11, v1  }
0x200: {  	v3 =	vunpack.i.u.bf16.f32 v3;
	v4 =	vmul.bf16 v7, v4;
	v55 =	vunpack.i.u.bf16.f32 v8  }
0x201: {  	v2 =	vadd.f32 v2, v3;
	v8 =	vunpack.i.l.bf16.f32 v0;
	v1 =	vadd.f32 v1, v55  }
0x202: {  	v56 =	vunpack.i.l.bf16.f32 v4;
	v57 =	vmul.bf16 v9, v27;
	v5 =	vmul.bf16 v53, v12  }
0x203: {  	v0 =	vunpack.i.u.bf16.f32 v0;
	v2 =	vadd.f32 v8, v2;
	v1 =	vadd.f32 v56, v1  }
0x204: {  	v58 =	vunpack.i.u.bf16.f32 v4;
	v59 =	vmul.bf16 v54, v57;
	v5 =	vmul.bf16 v10, v5  }
0x205: {  	v0 =	vadd.f32 v2, v0;
	v1 =	vadd.f32 v1, v58  }
0x206: {  	v60 =	vunpack.i.l.bf16.f32 v59;
	v61 =	vunpack.i.l.bf16.f32 v5  }
0x207: {  	v0 =	vadd.f32 v60, v0;
	v1 =	vadd.f32 v61, v1  }
0x208: {  	v62 =	vunpack.i.u.bf16.f32 v59;
	v63 =	vunpack.i.u.bf16.f32 v5  }
0x209: {  	v0 =	vadd.f32 v0, v62;
	v1 =	vadd.f32 v1, v63;
	_ =	sdelay $0x1  }
0x20a: {  	v0 =	vadd.f32 v0, v1;
	_ =	sdelay $0x1  }
0x20b: {  	v0 =	vsub.f32 $0.0e+00, v0;
	_ =	sdelay $0x1  }
0x20c: {  	v0 =	vmul.f32 $1.442695020e+00, v0;
	_ =	sdelay $0x1  }
0x20d: {  	(erf) = vpow2.f32 v0;
	_ =	sdelay $0x8  }
0x20e: {  	v0 =	vpop (erf)  }
0x20f: {  	v0 =	vadd.f32 $1.000000000e+00, v0;
	_ =	sdelay $0x1  }
0x210: {  	(erf) = vrcp.f32 v0;
	_ =	sdelay $0x3  }
0x211: {  	s1 =	sadd.s32 $0x1, s1  }
0x212: {  	p0 =	sne.s32 s1, $0x5  }
.Ltmp5:
0x213: {  	_ = 	snop;
	(pc) =	sbr.rel @p0 .LBB2_11-.Ltmp5, $4  }
0x214: {  	_ = 	snop  }
0x215: {  	v24 =	vld [tilespmem:$0x1FFD0]  }
0x216: {  	v14 =	vld [tilespmem:$0x1FFC0];
	v0 =	vpop (erf)  }
0x217: {  	v20 =	vmovc v17;
	v16 =	vmovc v19;
	v18 =	vmov v21;
	v9 =	vlaneseq.u32;
	v11 =	vld [tilespmem:$0x1FFE0];
	v59 =	vmov v23;
	[tilespmem:s0+$0x1DED0] =	vst v0  }
0x218: {  	s7 =	sadd.s32 $0x1, s7  }
0x219: {  	p0 =	sne.s32 s7, $0x29  }
.Ltmp6:
0x21a: {  	_ = 	snop;
	(pc) =	sbr.rel @p0 .LBB2_2-.Ltmp6, $4  }
0x21b: {  	s0 =	sadd.s32 s4, s8  }
0x21c: {  	s0 =	sshrl.u32 s0, $0x3  }
0x21d: {  	v17 =	vld [tilespmem:$0x1FFB0];
	s0 =	sadd.s32 s2, s0  }
0x21e: {  	[hbm4b:s0+s3] =	stream.linear.scatter [tilespmem:s31], [sflag:$0x6], $0x50, $0x38;
	[tilespmem:$0x1DF20] =	vst v63  }
0x21f: {  	_ =	swait.ge [sflag:s23], $0x1400  }
0x220: {  	[sflag:s23] =	ssyncset.done $0x0  }
0x221: {  	[sflag:s23] =	ssyncadd.s32 $0xFFFFEC00  }
0x222: {  	_ =	swait.ge [sflag:s23], $0x1400  }
0x223: {  	[sflag:s23] =	ssyncset.done $0x0  }
0x224: {  	s11 =	simm.s32 $0x26C0;
	[sflag:s23] =	ssyncadd.s32 $0xFFFFEC00  }
0x225: {  	[tilespmem:s24], [sflag:$0x3] =	stream.indirect.gather [hbm4b:s5+s17], $0x40, s11, s17, $0xb8;
	[tilespmem:$0x1DF20] =	vst v63  }
0x226: {  	s12 =	simm.s32 $0x4DD0;
	s0 =	simm.s32 $0x4  }
0x227: {  	[tilespmem:s25], [sflag:$0x3] =	stream.indirect.gather [hbm4b:s5+s17], $0x40, s12, s17, $0xb8;
	[tilespmem:$0x1DF20] =	vst v63  }
0x228: {  	_ =	swait.ge [sflag:s0], $0x50  }
0x229: {  	[sflag:s0] =	ssyncset.done $0x0  }
0x22a: {  	s7 =	simm.s32 $0x0;
	s1 =	simm.s32 $0x0;
	[sflag:s0] =	ssyncadd.s32 $0xFFFFFFB0  }
.LBB2_16:
0x22b: {  	v2 =	vld [tilespmem:$0x1FEB0]  }
0x22c: {  	v5 =	vld [tilespmem:$0x1FEC0]  }
0x22d: {  	v7 =	vld [tilespmem:$0x1FED0]  }
0x22e: {  	v51 =	vld [tilespmem:$0x1FEE0]  }
0x22f: {  	v25 =	vld [tilespmem:$0x1FEF0]  }
0x230: {  	v27 =	vld [tilespmem:$0x1FF00]  }
0x231: {  	v28 =	vld [tilespmem:$0x1FF20]  }
0x232: {  	s0 =	sshll.u32 s1, $0x4;
	v19 =	vmov v16;
	v16 =	vld [tilespmem:$0x1FF40]  }
0x233: {  	v0 =	vld [tilespmem:s0+$0x7490];
	v1 =	vmov s0  }
0x234: {  	v45 =	vadd.s32 s7, v18;
	v21 =	vmov v18;
	v18 =	vld [tilespmem:$0x1FF50];
	v1 =	vshll.u32 v1, $0x6  }
0x235: {  	v12 =	vadd.s32 s7, v20;
	v20 =	vld [tilespmem:$0x1FF60];
	v1 =	vor.u32 v2, v1;
	v2 =	vadd.s32 s7, v11  }
0x236: {  	v15 =	vld [tilespmem:$0x1FF90];
	v26 =	vor.u32 v5, v1;
	v2 =	vand.u32 $0x38, v2  }
0x237: {  	v6 =	vadd.s32 s7, v24;
	v22 =	vld [tilespmem:$0x1FF70];
	v4 =	vor.u32 v9, v1;
	v3 =	vor.u32 v2, v26  }
0x238: {  	v10 =	vadd.s32 s7, v14;
	v24 =	vld [tilespmem:$0x1FF80];
	v0 =	vshll.u32 v0, $0x6;
	v13 =	vmovc v4;
	v4 =	vor.u32 s7, v4  }
0x239: {  	v10 =	vand.u32 $0x38, v10;
	v38 =	vor.u32 v25, v1;
	v35 =	vor.u32 v25, v0;
	v25 =	vld [tilespmem:$0x1FF10]  }
0x23a: {  	v36 =	vor.u32 v51, v1;
	v32 =	vor.u32 v28, v1;
	v29 =	vor.u32 v28, v0;
	v28 =	vld [tilespmem:$0x1FF30]  }
0x23b: {  	v14 =	vld [tilespmem:$0x1FFA0];
	v6 =	vand.u32 $0x38, v6;
	v34 =	vor.u32 v7, v1;
	v52 =	vor.u32 v10, v36  }
0x23c: {  	v40 =	vor.u32 v27, v1;
	v30 =	vor.u32 v9, v0;
	v31 =	vor.u32 v5, v0;
	v8 =	vld.idx.msk [tilespmem:v3+s18+$0x0], $0xffff  }
0x23d: {  	v33 =	vor.u32 v7, v0;
	v37 =	vor.u32 v51, v0;
	v61 =	vor.u32 s7, v30;
	v63 =	vld.idx.msk [tilespmem:v4+s19+$0x0], $0xffff  }
0x23e: {  	v39 =	vor.u32 v27, v0;
	v2 =	vor.u32 v2, v31;
	v62 =	vor.u32 v6, v33;
	v3 =	vld.idx.msk [tilespmem:v3+s19+$0x0], $0xffff  }
0x23f: {  	v27 =	vor.u32 v25, v1;
	v25 =	vor.u32 v25, v0;
	v42 =	vor.u32 v28, v0;
	v0 =	vld.idx.msk [tilespmem:v4+s18+$0x0], $0xffff  }
0x240: {  	v6 =	vor.u32 v6, v34;
	v54 =	vld.idx.msk [tilespmem:v52+s18+$0x0], $0xffff  }
0x241: {  	v12 =	vand.u32 $0x38, v12;
	v11 =	vld.idx.msk [tilespmem:v52+s19+$0x0], $0xffff  }
0x242: {  	v53 =	vor.u32 v12, v39;
	v5 =	vld.idx.msk [tilespmem:v61+s16+$0x0], $0xffff  }
0x243: {  	v10 =	vor.u32 v10, v37;
	v2 =	vld.idx.msk [tilespmem:v2+s16+$0x0], $0xffff  }
0x244: {  	v48 =	vadd.s32 s7, v59;
	v44 =	vor.u32 v12, v40;
	v7 =	vld.idx.msk [tilespmem:v62+s16+$0x0], $0xffff  }
0x245: {  	v45 =	vand.u32 $0x38, v45;
	v41 =	vor.u32 v28, v1;
	v1 =	vadd.s32 s7, v16;
	v43 =	vld.idx.msk [tilespmem:v6+s19+$0x0], $0xffff  }
0x246: {  	v47 =	vadd.s32 s7, v19;
	v56 =	vor.u32 v45, v31;
	v6 =	vld.idx.msk [tilespmem:v6+s18+$0x0], $0xffff;
	v1 =	vand.u32 $0x38, v1  }
0x247: {  	v49 =	vadd.s32 s7, v18;
	v4 =	vld.idx.msk [tilespmem:v53+s16+$0x0], $0xffff;
	v46 =	vor.u32 v1, v38;
	v3 =	vmul.bf16 v3, v8  }
0x248: {  	v55 =	vand.u32 $0x38, v47;
	v58 =	vadd.s32 s7, v20;
	v57 =	vand.u32 $0x38, v49;
	v10 =	vld.idx.msk [tilespmem:v10+s16+$0x0], $0xffff  }
0x249: {  	v23 =	vmovc v59;
	v59 =	vand.u32 $0x38, v58;
	v61 =	vor.u32 v55, v29;
	v2 =	vmul.bf16 v2, v3;
	v3 =	vld.idx.msk [tilespmem:v44+s18+$0x0], $0xffff  }
0x24a: {  	v9 =	vor.u32 v45, v26;
	v12 =	vimm.f32 $0.0e+00;
	v1 =	vor.u32 v1, v35;
	v44 =	vld.idx.msk [tilespmem:v44+s19+$0x0], $0xffff  }
0x24b: {  	v60 =	vor.u32 v57, v27;
	v51 =	vor.u32 v57, v25;
	v6 =	vmul.bf16 v43, v6;
	v43 =	vld.idx.msk [tilespmem:v56+s16+$0x0], $0xffff  }
0x24c: {  	v53 =	vor.u32 v59, v42;
	v0 =	vmul.bf16 v63, v0;
	v8 =	vmul.bf16 v11, v54;
	v62 =	vld.idx.msk [tilespmem:v46+s19+$0x0], $0xffff  }
0x24d: {  	v59 =	vor.u32 v59, v41;
	v63 =	vor.u32 v55, v32;
	v6 =	vmul.bf16 v7, v6;
	v7 =	vld.idx.msk [tilespmem:v46+s18+$0x0], $0xffff  }
0x24e: {  	v0 =	vmul.bf16 v5, v0;
	v8 =	vmul.bf16 v10, v8;
	v5 =	vld.idx.msk [tilespmem:v61+s16+$0x0], $0xffff;
	v61 =	vadd.s32 s7, v22  }
0x24f: {  	v1 =	vld.idx.msk [tilespmem:v1+s16+$0x0], $0xffff;
	v47 =	vand.u32 $0x38, v61;
	v50 =	vunpack.i.l.bf16.f32 v2;
	v3 =	vmul.bf16 v44, v3  }
0x250: {  	v49 =	vld.idx.msk [tilespmem:v60+s19+$0x0], $0xffff;
	v2 =	vunpack.i.u.bf16.f32 v2;
	v46 =	vunpack.i.l.bf16.f32 v0;
	v50 =	vadd.f32 v50, v12  }
0x251: {  	v56 =	vld.idx.msk [tilespmem:v60+s18+$0x0], $0xffff;
	v0 =	vunpack.i.u.bf16.f32 v0;
	v60 =	vunpack.i.u.bf16.f32 v6;
	v3 =	vmul.bf16 v4, v3  }
0x252: {  	v57 =	vld.idx.msk [tilespmem:v63+s19+$0x0], $0xffff;
	v11 =	vunpack.i.l.bf16.f32 v6;
	v2 =	vadd.f32 v50, v2;
	v7 =	vmul.bf16 v62, v7  }
0x253: {  	v62 =	vunpack.i.l.bf16.f32 v8;
	v10 =	vunpack.i.l.bf16.f32 v3;
	v52 =	vunpack.i.u.bf16.f32 v3;
	v3 =	vld.idx.msk [tilespmem:v63+s18+$0x0], $0xffff  }
0x254: {  	v45 =	vld.idx.msk [tilespmem:v9+s19+$0x0], $0xffff;
	v8 =	vunpack.i.u.bf16.f32 v8;
	v2 =	vadd.f32 v62, v2;
	v54 =	vmul.bf16 v1, v7  }
0x255: {  	v50 =	vld.idx.msk [tilespmem:v59+s18+$0x0], $0xffff;
	v1 =	vadd.f32 v46, v12;
	v7 =	vor.u32 v47, v33;
	v63 =	vand.u32 $0x38, v48  }
0x256: {  	v59 =	vld.idx.msk [tilespmem:v59+s19+$0x0], $0xffff;
	v47 =	vor.u32 v47, v34;
	v2 =	vadd.f32 v2, v8;
	v48 =	vor.u32 v63, v36  }
0x257: {  	v46 =	vld.idx.msk [tilespmem:v53+s16+$0x0], $0xffff;
	v55 =	vor.u32 v63, v37;
	v1 =	vadd.f32 v1, v0;
	v0 =	vadd.s32 s7, v15  }
0x258: {  	v53 =	vld.idx.msk [tilespmem:v9+s18+$0x0], $0xffff;
	v58 =	vunpack.i.l.bf16.f32 v54;
	v0 =	vand.u32 $0x38, v0;
	v3 =	vmul.bf16 v57, v3  }
0x259: {  	v63 =	vadd.f32 v10, v2;
	v2 =	vadd.s32 s7, v24;
	v57 =	vld.idx.msk [tilespmem:v51+s16+$0x0], $0xffff;
	v51 =	vor.u32 v0, v40  }
0x25a: {  	s9 =	simm.s32 $0x10;
	s8 =	simm.s32 $0x0;
	v1 =	vadd.f32 v11, v1;
	v62 =	vand.u32 $0x38, v2;
	v44 =	vld.idx.msk [tilespmem:v7+s16+$0x0], $0xffff;
	v61 =	vmul.bf16 v5, v3  }
.LBB2_17:
0x25b: {  	_ =	sdelay $0x1  }
0x25c: {  	v3 =	vld.idx.msk [tilespmem:v48+s18+$0x0], $0xffff  }
0x25d: {  	v4 =	vor.u32 v62, v38;
	v0 =	vor.u32 v0, v39;
	v11 =	vld.idx.msk [tilespmem:v51+s19+$0x0], $0xffff  }
0x25e: {  	v5 =	vunpack.i.u.bf16.f32 v54;
	v9 =	vor.u32 v62, v35;
	v12 =	vadd.s32 s8, v17;
	v28 =	vld [tilespmem:$0x1FFE0]  }
0x25f: {  	v48 =	vld.idx.msk [tilespmem:v48+s19+$0x0], $0xffff;
	v2 =	vadd.f32 v63, v52;
	v1 =	vadd.f32 v1, v60;
	v12 =	vand.u32 $0x38, v12  }
0x260: {  	v51 =	vld.idx.msk [tilespmem:v51+s18+$0x0], $0xffff;
	v6 =	vunpack.i.l.bf16.f32 v61;
	v10 =	vunpack.i.u.bf16.f32 v61;
	v54 =	vor.u32 v12, v29  }
0x261: {  	s10 =	smov.u32 s9;
	v7 =	vld.idx.msk [tilespmem:v55+s16+$0x0], $0xffff;
	v12 =	vor.u32 v12, v32;
	v2 =	vadd.f32 v6, v2;
	v1 =	vadd.f32 v58, v1  }
0x262: {  	v6 =	vld.idx.msk [tilespmem:v47+s18+$0x0], $0xffff;
	v8 =	vmul.bf16 v49, v56;
	v45 =	vmul.bf16 v45, v53;
	v49 =	vadd.s32 s8, v14;
	s8 =	smov.u32 s10  }
0x263: {  	v47 =	vld.idx.msk [tilespmem:v47+s19+$0x0], $0xffff;
	v63 =	vmul.bf16 v59, v50;
	v62 =	vadd.s32 s8, v28;
	v1 =	vadd.f32 v1, v5  }
0x264: {  	v2 =	vadd.f32 v2, v10;
	v10 =	vor.u32 s8, v13;
	v55 =	vor.u32 s8, v30;
	v28 =	vld [tilespmem:$0x1FFD0]  }
0x265: {  	v9 =	vld.idx.msk [tilespmem:v9+s16+$0x0], $0xffff;
	v49 =	vand.u32 $0x38, v49;
	v3 =	vmul.bf16 v48, v3;
	v11 =	vmul.bf16 v11, v51  }
0x266: {  	v0 =	vld.idx.msk [tilespmem:v0+s16+$0x0], $0xffff;
	v8 =	vmul.bf16 v57, v8;
	v60 =	vand.u32 $0x38, v62;
	v43 =	vmul.bf16 v43, v45  }
0x267: {  	v45 =	vld.idx.msk [tilespmem:v4+s18+$0x0], $0xffff;
	v5 =	vmul.bf16 v46, v63;
	v52 =	vor.u32 v60, v26;
	v50 =	vor.u32 v60, v31  }
0x268: {  	v4 =	vld.idx.msk [tilespmem:v4+s19+$0x0], $0xffff;
	v3 =	vmul.bf16 v7, v3;
	v53 =	vunpack.i.u.bf16.f32 v43;
	v57 =	vunpack.i.u.bf16.f32 v8  }
0x269: {  	v48 =	vld.idx.msk [tilespmem:v54+s16+$0x0], $0xffff;
	v8 =	vunpack.i.l.bf16.f32 v8;
	v59 =	vunpack.i.u.bf16.f32 v5;
	v5 =	vunpack.i.l.bf16.f32 v5  }
0x26a: {  	v43 =	vunpack.i.l.bf16.f32 v43;
	v6 =	vmul.bf16 v47, v6;
	v61 =	vadd.s32 s8, v28;
	v28 =	vld [tilespmem:$0x1FFC0]  }
0x26b: {  	v2 =	vadd.f32 v43, v2;
	v1 =	vadd.f32 v8, v1;
	v62 =	vunpack.i.l.bf16.f32 v3;
	v54 =	vld.idx.msk [tilespmem:v10+s19+$0x0], $0xffff  }
0x26c: {  	v3 =	vunpack.i.u.bf16.f32 v3;
	v0 =	vmul.bf16 v0, v11;
	v11 =	vld.idx.msk [tilespmem:v12+s18+$0x0], $0xffff;
	v6 =	vmul.bf16 v44, v6  }
0x26d: {  	v56 =	vand.u32 $0x38, v61;
	v61 =	vld.idx.msk [tilespmem:v12+s19+$0x0], $0xffff;
	v4 =	vmul.bf16 v4, v45;
	v2 =	vadd.f32 v2, v53  }
0x26e: {  	v12 =	vld.idx.msk [tilespmem:v55+s16+$0x0], $0xffff;
	v55 =	vadd.s32 s8, v16;
	v1 =	vadd.f32 v1, v57;
	v57 =	vadd.s32 s8, v19  }
0x26f: {  	v10 =	vld.idx.msk [tilespmem:v10+s18+$0x0], $0xffff;
	v46 =	vor.u32 v56, v34;
	v56 =	vor.u32 v56, v33;
	v8 =	vunpack.i.l.bf16.f32 v0  }
0x270: {  	v58 =	vld.idx.msk [tilespmem:v52+s18+$0x0], $0xffff;
	v44 =	vunpack.i.l.bf16.f32 v6;
	v0 =	vunpack.i.u.bf16.f32 v0;
	v60 =	vadd.s32 s8, v28  }
0x271: {  	v6 =	vunpack.i.u.bf16.f32 v6;
	v4 =	vmul.bf16 v9, v4;
	v28 =	vld [tilespmem:$0x1FFF0];
	v60 =	vand.u32 $0x38, v60  }
0x272: {  	v43 =	vld.idx.msk [tilespmem:v52+s19+$0x0], $0xffff;
	v47 =	vor.u32 v60, v36;
	v51 =	vor.u32 v60, v37;
	v60 =	vor.u32 v49, v27  }
0x273: {  	v55 =	vand.u32 $0x38, v55;
	v2 =	vadd.f32 v62, v2;
	v1 =	vadd.f32 v5, v1  }
0x274: {  	v7 =	vld.idx.msk [tilespmem:v50+s16+$0x0], $0xffff;
	v9 =	vor.u32 v49, v25;
	v50 =	vunpack.i.l.bf16.f32 v4;
	v4 =	vunpack.i.u.bf16.f32 v4  }
0x275: {  	v2 =	vadd.f32 v2, v3;
	v1 =	vadd.f32 v1, v59;
	v10 =	vmul.bf16 v54, v10;
	v49 =	vld.idx.msk [tilespmem:v56+s16+$0x0], $0xffff  }
0x276: {  	v11 =	vmul.bf16 v61, v11;
	v61 =	vadd.s32 s8, v21;
	v56 =	vld.idx.msk [tilespmem:v46+s19+$0x0], $0xffff;
	v63 =	vadd.s32 s8, v28  }
0x277: {  	v58 =	vmul.bf16 v43, v58;
	v2 =	vadd.f32 v8, v2;
	v52 =	vand.u32 $0x38, v63;
	v53 =	vld.idx.msk [tilespmem:v60+s19+$0x0], $0xffff  }
0x278: {  	v1 =	vadd.f32 v44, v1;
	v44 =	vor.u32 v55, v38;
	v45 =	vld.idx.msk [tilespmem:v60+s18+$0x0], $0xffff;
	v60 =	vor.u32 v52, v40  }
0x279: {  	v46 =	vld.idx.msk [tilespmem:v46+s18+$0x0], $0xffff;
	v10 =	vmul.bf16 v12, v10;
	v12 =	vand.u32 $0x38, v57;
	v3 =	vmul.bf16 v48, v11  }
0x27a: {  	v61 =	vand.u32 $0x38, v61;
	v9 =	vld.idx.msk [tilespmem:v9+s16+$0x0], $0xffff;
	v7 =	vmul.bf16 v7, v58;
	v0 =	vadd.f32 v2, v0  }
0x27b: {  	v1 =	vadd.f32 v1, v6;
	v8 =	vunpack.i.u.bf16.f32 v3;
	v3 =	vunpack.i.l.bf16.f32 v3;
	v43 =	vld.idx.msk [tilespmem:v47+s18+$0x0], $0xffff  }
0x27c: {  	v48 =	vadd.s32 s8, v23;
	v11 =	vor.u32 v55, v35;
	v0 =	vadd.f32 v3, v0;
	v5 =	vld.idx.msk [tilespmem:v47+s19+$0x0], $0xffff  }
0x27d: {  	v3 =	vunpack.i.u.bf16.f32 v7;
	v1 =	vadd.f32 v50, v1;
	v52 =	vor.u32 v52, v39;
	v58 =	vld.idx.msk [tilespmem:v60+s18+$0x0], $0xffff  }
0x27e: {  	v47 =	vadd.s32 s8, v18;
	v62 =	vmul.bf16 v56, v46;
	v56 =	vadd.s32 s8, v22;
	v63 =	vld.idx.msk [tilespmem:v60+s19+$0x0], $0xffff  }
0x27f: {  	v0 =	vadd.f32 v0, v8;
	v8 =	vunpack.i.l.bf16.f32 v10;
	v2 =	vmul.bf16 v53, v45;
	v60 =	vld.idx.msk [tilespmem:v51+s16+$0x0], $0xffff  }
0x280: {  	v53 =	vunpack.i.l.bf16.f32 v7;
	v7 =	vmul.bf16 v49, v62;
	v51 =	vor.u32 v61, v26;
	v49 =	vld.idx.msk [tilespmem:v44+s18+$0x0], $0xffff  }
0x281: {  	v1 =	vadd.f32 v1, v4;
	v5 =	vmul.bf16 v5, v43;
	v43 =	vor.u32 v61, v31;
	v44 =	vld.idx.msk [tilespmem:v44+s19+$0x0], $0xffff  }
0x282: {  	v62 =	vand.u32 $0x38, v47;
	v47 =	vor.u32 v12, v29;
	v0 =	vadd.f32 v53, v0  }
0x283: {  	v52 =	vld.idx.msk [tilespmem:v52+s16+$0x0], $0xffff;
	v12 =	vor.u32 v12, v32;
	v57 =	vor.u32 v62, v25;
	v2 =	vmul.bf16 v9, v2  }
0x284: {  	v11 =	vld.idx.msk [tilespmem:v11+s16+$0x0], $0xffff;
	v0 =	vadd.f32 v0, v3;
	v46 =	vmul.bf16 v63, v58;
	v63 =	vadd.s32 s8, v20  }
0x285: {  	v4 =	vmul.bf16 v60, v5;
	v5 =	vor.u32 v62, v27;
	v45 =	vld.idx.msk [tilespmem:v51+s19+$0x0], $0xffff;
	v60 =	vunpack.i.l.bf16.f32 v2  }
0x286: {  	v43 =	vld.idx.msk [tilespmem:v43+s16+$0x0], $0xffff;
	v44 =	vmul.bf16 v44, v49;
	v2 =	vunpack.i.u.bf16.f32 v2;
	v54 =	vand.u32 $0x38, v63  }
0x287: {  	v62 =	vld.idx.msk [tilespmem:v47+s16+$0x0], $0xffff;
	v63 =	vand.u32 $0x38, v48;
	v1 =	vadd.f32 v60, v1;
	v60 =	vunpack.i.u.bf16.f32 v7  }
0x288: {  	v3 =	vld.idx.msk [tilespmem:v12+s19+$0x0], $0xffff;
	v55 =	vmul.bf16 v52, v46;
	v59 =	vor.u32 v54, v41;
	v6 =	vor.u32 v54, v42  }
0x289: {  	v12 =	vld.idx.msk [tilespmem:v12+s18+$0x0], $0xffff;
	v58 =	vunpack.i.l.bf16.f32 v4;
	v46 =	vand.u32 $0x38, v56;
	v48 =	vor.u32 v63, v36  }
0x28a: {  	v53 =	vld.idx.msk [tilespmem:v51+s18+$0x0], $0xffff;
	v4 =	vunpack.i.u.bf16.f32 v4;
	v54 =	vmul.bf16 v11, v44;
	v11 =	vunpack.i.l.bf16.f32 v7  }
0x28b: {  	v57 =	vld.idx.msk [tilespmem:v57+s16+$0x0], $0xffff;
	v47 =	vor.u32 v46, v34;
	v28 =	vor.u32 v46, v33;
	v1 =	vadd.f32 v1, v2  }
0x28c: {  	p0 =	sne.s32 s9, $0x30;
	v2 =	vunpack.i.u.bf16.f32 v10;
	v0 =	vadd.f32 v58, v0;
	v61 =	vunpack.i.l.bf16.f32 v55;
	v49 =	vld.idx.msk [tilespmem:v5+s19+$0x0], $0xffff  }
.Ltmp7:
0x28d: {  	v52 =	vunpack.i.u.bf16.f32 v55;
	v55 =	vor.u32 v63, v37;
	v56 =	vld.idx.msk [tilespmem:v5+s18+$0x0], $0xffff;
	v1 =	vadd.f32 v8, v1;
	(pc) =	sbr.rel @p0 .LBB2_17-.Ltmp7, $4  }
0x28e: {  	v58 =	vunpack.i.l.bf16.f32 v54;
	v4 =	vadd.f32 v0, v4;
	v0 =	vadd.s32 s8, v15;
	v46 =	vld.idx.msk [tilespmem:v6+s16+$0x0], $0xffff  }
0x28f: {  	v0 =	vand.u32 $0x38, v0;
	v50 =	vld.idx.msk [tilespmem:v59+s18+$0x0], $0xffff;
	v1 =	vadd.f32 v1, v2;
	v2 =	vmul.bf16 v3, v12  }
0x290: {  	v63 =	vadd.f32 v61, v4;
	v3 =	vadd.s32 s8, v24;
	v51 =	vor.u32 v0, v40;
	v59 =	vld.idx.msk [tilespmem:v59+s19+$0x0], $0xffff  }
0x291: {  	s9 =	sadd.s32 $0x10, s9;
	v44 =	vld.idx.msk [tilespmem:v28+s16+$0x0], $0xffff;
	v1 =	vadd.f32 v11, v1;
	v61 =	vmul.bf16 v62, v2;
	v62 =	vand.u32 $0x38, v3  }
0x292: {  	_ =	sdelay $0x3  }
0x293: {  	v2 =	vadd.f32 v63, v52;
	v3 =	vld.idx.msk [tilespmem:v48+s18+$0x0], $0xffff  }
0x294: {  	v4 =	vor.u32 v62, v38;
	v0 =	vor.u32 v0, v39;
	v5 =	vld.idx.msk [tilespmem:v55+s16+$0x0], $0xffff;
	v6 =	vunpack.i.u.bf16.f32 v54  }
0x295: {  	v8 =	vmul.bf16 v49, v56;
	v9 =	vld.idx.msk [tilespmem:v47+s18+$0x0], $0xffff;
	v42 =	vor.u32 v62, v35;
	v1 =	vadd.f32 v1, v60  }
0x296: {  	v10 =	vld.idx.msk [tilespmem:v51+s19+$0x0], $0xffff;
	v12 =	vadd.s32 s8, v17;
	v28 =	vmul.bf16 v45, v53;
	v30 =	vadd.s32 s8, v14  }
0x297: {  	v26 =	vld.idx.msk [tilespmem:v48+s19+$0x0], $0xffff;
	v7 =	vunpack.i.l.bf16.f32 v61;
	v11 =	vunpack.i.u.bf16.f32 v61;
	v1 =	vadd.f32 v58, v1  }
0x298: {  	v31 =	vld.idx.msk [tilespmem:v47+s19+$0x0], $0xffff;
	v12 =	vand.u32 $0x38, v12;
	v30 =	vand.u32 $0x38, v30;
	v8 =	vmul.bf16 v57, v8  }
0x299: {  	v32 =	vor.u32 v12, v32;
	v49 =	vmul.bf16 v59, v50;
	v50 =	vld.idx.msk [tilespmem:v51+s18+$0x0], $0xffff;
	v1 =	vadd.f32 v1, v6  }
0x29a: {  	v2 =	vadd.f32 v7, v2;
	v27 =	vor.u32 v30, v27;
	v34 =	vunpack.i.l.bf16.f32 v8;
	v33 =	vld.idx.msk [tilespmem:v4+s18+$0x0], $0xffff  }
0x29b: {  	v28 =	vmul.bf16 v43, v28;
	v25 =	vor.u32 v30, v25;
	v4 =	vld.idx.msk [tilespmem:v4+s19+$0x0], $0xffff;
	v1 =	vadd.f32 v34, v1  }
0x29c: {  	v2 =	vadd.f32 v2, v11;
	v8 =	vunpack.i.u.bf16.f32 v8;
	v6 =	vmul.bf16 v46, v49;
	v7 =	vld.idx.msk [tilespmem:v42+s16+$0x0], $0xffff  }
0x29d: {  	v11 =	vor.u32 v12, v29;
	v51 =	vunpack.i.l.bf16.f32 v28;
	v0 =	vld.idx.msk [tilespmem:v0+s16+$0x0], $0xffff;
	v1 =	vadd.f32 v1, v8  }
0x29e: {  	v3 =	vmul.bf16 v26, v3;
	v12 =	vunpack.i.l.bf16.f32 v6;
	v52 =	vld.idx.msk [tilespmem:v32+s18+$0x0], $0xffff;
	v8 =	vmul.bf16 v31, v9  }
0x29f: {  	v26 =	vunpack.i.u.bf16.f32 v28;
	v2 =	vadd.f32 v51, v2;
	v53 =	vld.idx.msk [tilespmem:v27+s19+$0x0], $0xffff;
	v1 =	vadd.f32 v12, v1  }
0x2a0: {  	v6 =	vunpack.i.u.bf16.f32 v6;
	v3 =	vmul.bf16 v5, v3;
	v9 =	vld.idx.msk [tilespmem:v32+s19+$0x0], $0xffff;
	v8 =	vmul.bf16 v44, v8  }
0x2a1: {  	v10 =	vmul.bf16 v10, v50;
	v2 =	vadd.f32 v2, v26;
	v12 =	vld.idx.msk [tilespmem:v27+s18+$0x0], $0xffff;
	v1 =	vadd.f32 v1, v6  }
0x2a2: {  	v54 =	vld.idx.msk [tilespmem:v11+s16+$0x0], $0xffff;
	v26 =	vunpack.i.l.bf16.f32 v3;
	v4 =	vmul.bf16 v4, v33;
	v11 =	vunpack.i.l.bf16.f32 v8  }
0x2a3: {  	v0 =	vmul.bf16 v0, v10;
	v2 =	vadd.f32 v26, v2;
	v10 =	vld.idx.msk [tilespmem:v25+s16+$0x0], $0xffff;
	v1 =	vadd.f32 v11, v1  }
0x2a4: {  	v3 =	vunpack.i.u.bf16.f32 v3;
	v4 =	vmul.bf16 v7, v4;
	v55 =	vunpack.i.u.bf16.f32 v8  }
0x2a5: {  	v2 =	vadd.f32 v2, v3;
	v8 =	vunpack.i.l.bf16.f32 v0;
	v1 =	vadd.f32 v1, v55  }
0x2a6: {  	v56 =	vunpack.i.l.bf16.f32 v4;
	v57 =	vmul.bf16 v9, v52;
	v5 =	vmul.bf16 v53, v12  }
0x2a7: {  	v0 =	vunpack.i.u.bf16.f32 v0;
	v2 =	vadd.f32 v8, v2;
	v1 =	vadd.f32 v56, v1  }
0x2a8: {  	v58 =	vunpack.i.u.bf16.f32 v4;
	v59 =	vmul.bf16 v54, v57;
	v5 =	vmul.bf16 v10, v5  }
0x2a9: {  	v0 =	vadd.f32 v2, v0;
	v1 =	vadd.f32 v1, v58  }
0x2aa: {  	v60 =	vunpack.i.l.bf16.f32 v59;
	v61 =	vunpack.i.l.bf16.f32 v5  }
0x2ab: {  	v0 =	vadd.f32 v60, v0;
	v1 =	vadd.f32 v61, v1  }
0x2ac: {  	v62 =	vunpack.i.u.bf16.f32 v59;
	v63 =	vunpack.i.u.bf16.f32 v5  }
0x2ad: {  	v0 =	vadd.f32 v0, v62;
	v1 =	vadd.f32 v1, v63;
	_ =	sdelay $0x1  }
0x2ae: {  	v0 =	vadd.f32 v0, v1;
	_ =	sdelay $0x1  }
0x2af: {  	v0 =	vsub.f32 $0.0e+00, v0;
	_ =	sdelay $0x1  }
0x2b0: {  	v0 =	vmul.f32 $1.442695020e+00, v0;
	_ =	sdelay $0x1  }
0x2b1: {  	(erf) = vpow2.f32 v0;
	_ =	sdelay $0x8  }
0x2b2: {  	v0 =	vpop (erf)  }
0x2b3: {  	v0 =	vadd.f32 $1.000000000e+00, v0;
	_ =	sdelay $0x1  }
0x2b4: {  	(erf) = vrcp.f32 v0;
	_ =	sdelay $0x3  }
0x2b5: {  	s1 =	sadd.s32 $0x1, s1  }
0x2b6: {  	p0 =	sne.s32 s1, $0x5  }
.Ltmp8:
0x2b7: {  	_ = 	snop;
	(pc) =	sbr.rel @p0 .LBB2_16-.Ltmp8, $4  }
0x2b8: {  	v24 =	vld [tilespmem:$0x1FFD0]  }
0x2b9: {  	v14 =	vld [tilespmem:$0x1FFC0]  }
0x2ba: {  	v20 =	vld [tilespmem:$0x1FFF0];
	v0 =	vpop (erf)  }
0x2bb: {  	v16 =	vmovc v19;
	v18 =	vmov v21;
	v9 =	vlaneseq.u32;
	v11 =	vld [tilespmem:$0x1FFE0];
	v59 =	vmov v23;
	[tilespmem:s0+$0x1DE30] =	vst v0  }
0x2bc: {  	s7 =	simm.s32 $0x0;
	s0 =	rddreg [dreg:$0x7]  }
0x2bd: {  	[hbm4b:s0+s7] =	stream.linear.scatter [tilespmem:s26], [sflag:$0x4], $0x50, $0x38;
	[tilespmem:$0x1DF20] =	vst v63  }
0x2be: {  	_ =	swait.ge [sflag:s28], $0x1400  }
0x2bf: {  	[sflag:s28] =	ssyncset.done $0x0  }
0x2c0: {  	[sflag:s28] =	ssyncadd.s32 $0xFFFFEC00  }
0x2c1: {  	_ =	swait.ge [sflag:s28], $0x1400  }
0x2c2: {  	[sflag:s28] =	ssyncset.done $0x0  }
0x2c3: {  	[sflag:s28] =	ssyncadd.s32 $0xFFFFEC00  }
0x2c4: {  	[tilespmem:s18], [sflag:$0x1] =	stream.indirect.gather [hbm4b:s5+s17], $0x40, s11, s17, $0xb8;
	[tilespmem:$0x1DF20] =	vst v63  }
0x2c5: {  	s11 =	simm.s32 $0x5  }
0x2c6: {  	[tilespmem:s19], [sflag:$0x1] =	stream.indirect.gather [hbm4b:s5+s17], $0x40, s12, s17, $0xb8;
	[tilespmem:$0x1DF20] =	vst v63  }
0x2c7: {  	_ =	swait.ge [sflag:s11], $0x50  }
0x2c8: {  	[sflag:s11] =	ssyncset.done $0x0  }
0x2c9: {  	s1 =	simm.s32 $0x0;
	[sflag:s11] =	ssyncadd.s32 $0xFFFFFFB0  }
.LBB2_20:
0x2ca: {  	v2 =	vld [tilespmem:$0x1FEB0]  }
0x2cb: {  	v5 =	vld [tilespmem:$0x1FEC0]  }
0x2cc: {  	v7 =	vld [tilespmem:$0x1FED0]  }
0x2cd: {  	v51 =	vld [tilespmem:$0x1FEE0]  }
0x2ce: {  	v25 =	vld [tilespmem:$0x1FEF0]  }
0x2cf: {  	v27 =	vld [tilespmem:$0x1FF00]  }
0x2d0: {  	v28 =	vld [tilespmem:$0x1FF20]  }
0x2d1: {  	s0 =	sshll.u32 s1, $0x4;
	v19 =	vmov v16;
	v16 =	vld [tilespmem:$0x1FF40]  }
0x2d2: {  	v0 =	vld [tilespmem:s0+$0x74E0];
	v1 =	vmov s0  }
0x2d3: {  	v45 =	vadd.s32 s7, v18;
	v21 =	vmov v18;
	v18 =	vld [tilespmem:$0x1FF50];
	v1 =	vshll.u32 v1, $0x6  }
0x2d4: {  	v12 =	vadd.s32 s7, v20;
	v20 =	vld [tilespmem:$0x1FF60];
	v1 =	vor.u32 v2, v1;
	v2 =	vadd.s32 s7, v11  }
0x2d5: {  	v15 =	vld [tilespmem:$0x1FF90];
	v26 =	vor.u32 v5, v1;
	v2 =	vand.u32 $0x38, v2  }
0x2d6: {  	v6 =	vadd.s32 s7, v24;
	v22 =	vld [tilespmem:$0x1FF70];
	v4 =	vor.u32 v9, v1;
	v3 =	vor.u32 v2, v26  }
0x2d7: {  	v10 =	vadd.s32 s7, v14;
	v24 =	vld [tilespmem:$0x1FF80];
	v0 =	vshll.u32 v0, $0x6;
	v13 =	vmovc v4;
	v4 =	vor.u32 s7, v4  }
0x2d8: {  	v10 =	vand.u32 $0x38, v10;
	v38 =	vor.u32 v25, v1;
	v35 =	vor.u32 v25, v0;
	v25 =	vld [tilespmem:$0x1FF10]  }
0x2d9: {  	v36 =	vor.u32 v51, v1;
	v32 =	vor.u32 v28, v1;
	v29 =	vor.u32 v28, v0;
	v28 =	vld [tilespmem:$0x1FF30]  }
0x2da: {  	v14 =	vld [tilespmem:$0x1FFA0];
	v6 =	vand.u32 $0x38, v6;
	v34 =	vor.u32 v7, v1;
	v52 =	vor.u32 v10, v36  }
0x2db: {  	v40 =	vor.u32 v27, v1;
	v30 =	vor.u32 v9, v0;
	v31 =	vor.u32 v5, v0;
	v8 =	vld.idx.msk [tilespmem:v3+s20+$0x0], $0xffff  }
0x2dc: {  	v33 =	vor.u32 v7, v0;
	v37 =	vor.u32 v51, v0;
	v61 =	vor.u32 s7, v30;
	v63 =	vld.idx.msk [tilespmem:v4+s22+$0x0], $0xffff  }
0x2dd: {  	v39 =	vor.u32 v27, v0;
	v2 =	vor.u32 v2, v31;
	v62 =	vor.u32 v6, v33;
	v3 =	vld.idx.msk [tilespmem:v3+s22+$0x0], $0xffff  }
0x2de: {  	v27 =	vor.u32 v25, v1;
	v25 =	vor.u32 v25, v0;
	v42 =	vor.u32 v28, v0;
	v0 =	vld.idx.msk [tilespmem:v4+s20+$0x0], $0xffff  }
0x2df: {  	v6 =	vor.u32 v6, v34;
	v54 =	vld.idx.msk [tilespmem:v52+s20+$0x0], $0xffff  }
0x2e0: {  	v12 =	vand.u32 $0x38, v12;
	v11 =	vld.idx.msk [tilespmem:v52+s22+$0x0], $0xffff  }
0x2e1: {  	v53 =	vor.u32 v12, v39;
	v5 =	vld.idx.msk [tilespmem:v61+s16+$0x0], $0xffff  }
0x2e2: {  	v10 =	vor.u32 v10, v37;
	v2 =	vld.idx.msk [tilespmem:v2+s16+$0x0], $0xffff  }
0x2e3: {  	v48 =	vadd.s32 s7, v59;
	v44 =	vor.u32 v12, v40;
	v7 =	vld.idx.msk [tilespmem:v62+s16+$0x0], $0xffff  }
0x2e4: {  	v45 =	vand.u32 $0x38, v45;
	v41 =	vor.u32 v28, v1;
	v1 =	vadd.s32 s7, v16;
	v43 =	vld.idx.msk [tilespmem:v6+s22+$0x0], $0xffff  }
0x2e5: {  	v47 =	vadd.s32 s7, v19;
	v56 =	vor.u32 v45, v31;
	v6 =	vld.idx.msk [tilespmem:v6+s20+$0x0], $0xffff;
	v1 =	vand.u32 $0x38, v1  }
0x2e6: {  	v49 =	vadd.s32 s7, v18;
	v4 =	vld.idx.msk [tilespmem:v53+s16+$0x0], $0xffff;
	v46 =	vor.u32 v1, v38;
	v3 =	vmul.bf16 v3, v8  }
0x2e7: {  	v55 =	vand.u32 $0x38, v47;
	v58 =	vadd.s32 s7, v20;
	v57 =	vand.u32 $0x38, v49;
	v10 =	vld.idx.msk [tilespmem:v10+s16+$0x0], $0xffff  }
0x2e8: {  	v23 =	vmovc v59;
	v59 =	vand.u32 $0x38, v58;
	v61 =	vor.u32 v55, v29;
	v2 =	vmul.bf16 v2, v3;
	v3 =	vld.idx.msk [tilespmem:v44+s20+$0x0], $0xffff  }
0x2e9: {  	v9 =	vor.u32 v45, v26;
	v12 =	vimm.f32 $0.0e+00;
	v1 =	vor.u32 v1, v35;
	v44 =	vld.idx.msk [tilespmem:v44+s22+$0x0], $0xffff  }
0x2ea: {  	v60 =	vor.u32 v57, v27;
	v51 =	vor.u32 v57, v25;
	v6 =	vmul.bf16 v43, v6;
	v43 =	vld.idx.msk [tilespmem:v56+s16+$0x0], $0xffff  }
0x2eb: {  	v53 =	vor.u32 v59, v42;
	v0 =	vmul.bf16 v63, v0;
	v8 =	vmul.bf16 v11, v54;
	v62 =	vld.idx.msk [tilespmem:v46+s22+$0x0], $0xffff  }
0x2ec: {  	v59 =	vor.u32 v59, v41;
	v63 =	vor.u32 v55, v32;
	v6 =	vmul.bf16 v7, v6;
	v7 =	vld.idx.msk [tilespmem:v46+s20+$0x0], $0xffff  }
0x2ed: {  	v0 =	vmul.bf16 v5, v0;
	v8 =	vmul.bf16 v10, v8;
	v5 =	vld.idx.msk [tilespmem:v61+s16+$0x0], $0xffff;
	v61 =	vadd.s32 s7, v22  }
0x2ee: {  	v1 =	vld.idx.msk [tilespmem:v1+s16+$0x0], $0xffff;
	v47 =	vand.u32 $0x38, v61;
	v50 =	vunpack.i.l.bf16.f32 v2;
	v3 =	vmul.bf16 v44, v3  }
0x2ef: {  	v49 =	vld.idx.msk [tilespmem:v60+s22+$0x0], $0xffff;
	v2 =	vunpack.i.u.bf16.f32 v2;
	v46 =	vunpack.i.l.bf16.f32 v0;
	v50 =	vadd.f32 v50, v12  }
0x2f0: {  	v56 =	vld.idx.msk [tilespmem:v60+s20+$0x0], $0xffff;
	v0 =	vunpack.i.u.bf16.f32 v0;
	v60 =	vunpack.i.u.bf16.f32 v6;
	v3 =	vmul.bf16 v4, v3  }
0x2f1: {  	v57 =	vld.idx.msk [tilespmem:v63+s22+$0x0], $0xffff;
	v11 =	vunpack.i.l.bf16.f32 v6;
	v2 =	vadd.f32 v50, v2;
	v7 =	vmul.bf16 v62, v7  }
0x2f2: {  	v62 =	vunpack.i.l.bf16.f32 v8;
	v10 =	vunpack.i.l.bf16.f32 v3;
	v52 =	vunpack.i.u.bf16.f32 v3;
	v3 =	vld.idx.msk [tilespmem:v63+s20+$0x0], $0xffff  }
0x2f3: {  	v45 =	vld.idx.msk [tilespmem:v9+s22+$0x0], $0xffff;
	v8 =	vunpack.i.u.bf16.f32 v8;
	v2 =	vadd.f32 v62, v2;
	v54 =	vmul.bf16 v1, v7  }
0x2f4: {  	v50 =	vld.idx.msk [tilespmem:v59+s20+$0x0], $0xffff;
	v1 =	vadd.f32 v46, v12;
	v7 =	vor.u32 v47, v33;
	v63 =	vand.u32 $0x38, v48  }
0x2f5: {  	v59 =	vld.idx.msk [tilespmem:v59+s22+$0x0], $0xffff;
	v47 =	vor.u32 v47, v34;
	v2 =	vadd.f32 v2, v8;
	v48 =	vor.u32 v63, v36  }
0x2f6: {  	v46 =	vld.idx.msk [tilespmem:v53+s16+$0x0], $0xffff;
	v55 =	vor.u32 v63, v37;
	v1 =	vadd.f32 v1, v0;
	v0 =	vadd.s32 s7, v15  }
0x2f7: {  	v53 =	vld.idx.msk [tilespmem:v9+s20+$0x0], $0xffff;
	v58 =	vunpack.i.l.bf16.f32 v54;
	v0 =	vand.u32 $0x38, v0;
	v3 =	vmul.bf16 v57, v3  }
0x2f8: {  	v63 =	vadd.f32 v10, v2;
	v2 =	vadd.s32 s7, v24;
	v57 =	vld.idx.msk [tilespmem:v51+s16+$0x0], $0xffff;
	v51 =	vor.u32 v0, v40  }
0x2f9: {  	s9 =	simm.s32 $0x10;
	s8 =	simm.s32 $0x0;
	v1 =	vadd.f32 v11, v1;
	v62 =	vand.u32 $0x38, v2;
	v44 =	vld.idx.msk [tilespmem:v7+s16+$0x0], $0xffff;
	v61 =	vmul.bf16 v5, v3  }
.LBB2_21:
0x2fa: {  	_ =	sdelay $0x1  }
0x2fb: {  	v3 =	vld.idx.msk [tilespmem:v48+s20+$0x0], $0xffff  }
0x2fc: {  	v4 =	vor.u32 v62, v38;
	v0 =	vor.u32 v0, v39;
	v11 =	vld.idx.msk [tilespmem:v51+s22+$0x0], $0xffff  }
0x2fd: {  	v5 =	vunpack.i.u.bf16.f32 v54;
	v9 =	vor.u32 v62, v35;
	v12 =	vadd.s32 s8, v17;
	v28 =	vld [tilespmem:$0x1FFE0]  }
0x2fe: {  	v48 =	vld.idx.msk [tilespmem:v48+s22+$0x0], $0xffff;
	v2 =	vadd.f32 v63, v52;
	v1 =	vadd.f32 v1, v60;
	v12 =	vand.u32 $0x38, v12  }
0x2ff: {  	v51 =	vld.idx.msk [tilespmem:v51+s20+$0x0], $0xffff;
	v6 =	vunpack.i.l.bf16.f32 v61;
	v10 =	vunpack.i.u.bf16.f32 v61;
	v54 =	vor.u32 v12, v29  }
0x300: {  	s10 =	smov.u32 s9;
	v7 =	vld.idx.msk [tilespmem:v55+s16+$0x0], $0xffff;
	v12 =	vor.u32 v12, v32;
	v2 =	vadd.f32 v6, v2;
	v1 =	vadd.f32 v58, v1  }
0x301: {  	v6 =	vld.idx.msk [tilespmem:v47+s20+$0x0], $0xffff;
	v8 =	vmul.bf16 v49, v56;
	v45 =	vmul.bf16 v45, v53;
	v49 =	vadd.s32 s8, v14;
	s8 =	smov.u32 s10  }
0x302: {  	v47 =	vld.idx.msk [tilespmem:v47+s22+$0x0], $0xffff;
	v63 =	vmul.bf16 v59, v50;
	v62 =	vadd.s32 s8, v28;
	v1 =	vadd.f32 v1, v5  }
0x303: {  	v2 =	vadd.f32 v2, v10;
	v10 =	vor.u32 s8, v13;
	v55 =	vor.u32 s8, v30;
	v28 =	vld [tilespmem:$0x1FFD0]  }
0x304: {  	v9 =	vld.idx.msk [tilespmem:v9+s16+$0x0], $0xffff;
	v49 =	vand.u32 $0x38, v49;
	v3 =	vmul.bf16 v48, v3;
	v11 =	vmul.bf16 v11, v51  }
0x305: {  	v0 =	vld.idx.msk [tilespmem:v0+s16+$0x0], $0xffff;
	v8 =	vmul.bf16 v57, v8;
	v60 =	vand.u32 $0x38, v62;
	v43 =	vmul.bf16 v43, v45  }
0x306: {  	v45 =	vld.idx.msk [tilespmem:v4+s20+$0x0], $0xffff;
	v5 =	vmul.bf16 v46, v63;
	v52 =	vor.u32 v60, v26;
	v50 =	vor.u32 v60, v31  }
0x307: {  	v4 =	vld.idx.msk [tilespmem:v4+s22+$0x0], $0xffff;
	v3 =	vmul.bf16 v7, v3;
	v53 =	vunpack.i.u.bf16.f32 v43;
	v57 =	vunpack.i.u.bf16.f32 v8  }
0x308: {  	v48 =	vld.idx.msk [tilespmem:v54+s16+$0x0], $0xffff;
	v8 =	vunpack.i.l.bf16.f32 v8;
	v59 =	vunpack.i.u.bf16.f32 v5;
	v5 =	vunpack.i.l.bf16.f32 v5  }
0x309: {  	v43 =	vunpack.i.l.bf16.f32 v43;
	v6 =	vmul.bf16 v47, v6;
	v61 =	vadd.s32 s8, v28;
	v28 =	vld [tilespmem:$0x1FFC0]  }
0x30a: {  	v2 =	vadd.f32 v43, v2;
	v1 =	vadd.f32 v8, v1;
	v62 =	vunpack.i.l.bf16.f32 v3;
	v54 =	vld.idx.msk [tilespmem:v10+s22+$0x0], $0xffff  }
0x30b: {  	v3 =	vunpack.i.u.bf16.f32 v3;
	v0 =	vmul.bf16 v0, v11;
	v11 =	vld.idx.msk [tilespmem:v12+s20+$0x0], $0xffff;
	v6 =	vmul.bf16 v44, v6  }
0x30c: {  	v56 =	vand.u32 $0x38, v61;
	v61 =	vld.idx.msk [tilespmem:v12+s22+$0x0], $0xffff;
	v4 =	vmul.bf16 v4, v45;
	v2 =	vadd.f32 v2, v53  }
0x30d: {  	v12 =	vld.idx.msk [tilespmem:v55+s16+$0x0], $0xffff;
	v55 =	vadd.s32 s8, v16;
	v1 =	vadd.f32 v1, v57;
	v57 =	vadd.s32 s8, v19  }
0x30e: {  	v10 =	vld.idx.msk [tilespmem:v10+s20+$0x0], $0xffff;
	v46 =	vor.u32 v56, v34;
	v56 =	vor.u32 v56, v33;
	v8 =	vunpack.i.l.bf16.f32 v0  }
0x30f: {  	v58 =	vld.idx.msk [tilespmem:v52+s20+$0x0], $0xffff;
	v44 =	vunpack.i.l.bf16.f32 v6;
	v0 =	vunpack.i.u.bf16.f32 v0;
	v60 =	vadd.s32 s8, v28  }
0x310: {  	v6 =	vunpack.i.u.bf16.f32 v6;
	v4 =	vmul.bf16 v9, v4;
	v28 =	vld [tilespmem:$0x1FFF0];
	v60 =	vand.u32 $0x38, v60  }
0x311: {  	v43 =	vld.idx.msk [tilespmem:v52+s22+$0x0], $0xffff;
	v47 =	vor.u32 v60, v36;
	v51 =	vor.u32 v60, v37;
	v60 =	vor.u32 v49, v27  }
0x312: {  	v55 =	vand.u32 $0x38, v55;
	v2 =	vadd.f32 v62, v2;
	v1 =	vadd.f32 v5, v1  }
0x313: {  	v7 =	vld.idx.msk [tilespmem:v50+s16+$0x0], $0xffff;
	v9 =	vor.u32 v49, v25;
	v50 =	vunpack.i.l.bf16.f32 v4;
	v4 =	vunpack.i.u.bf16.f32 v4  }
0x314: {  	v2 =	vadd.f32 v2, v3;
	v1 =	vadd.f32 v1, v59;
	v10 =	vmul.bf16 v54, v10;
	v49 =	vld.idx.msk [tilespmem:v56+s16+$0x0], $0xffff  }
0x315: {  	v11 =	vmul.bf16 v61, v11;
	v61 =	vadd.s32 s8, v21;
	v56 =	vld.idx.msk [tilespmem:v46+s22+$0x0], $0xffff;
	v63 =	vadd.s32 s8, v28  }
0x316: {  	v58 =	vmul.bf16 v43, v58;
	v2 =	vadd.f32 v8, v2;
	v52 =	vand.u32 $0x38, v63;
	v53 =	vld.idx.msk [tilespmem:v60+s22+$0x0], $0xffff  }
0x317: {  	v1 =	vadd.f32 v44, v1;
	v44 =	vor.u32 v55, v38;
	v45 =	vld.idx.msk [tilespmem:v60+s20+$0x0], $0xffff;
	v60 =	vor.u32 v52, v40  }
0x318: {  	v46 =	vld.idx.msk [tilespmem:v46+s20+$0x0], $0xffff;
	v10 =	vmul.bf16 v12, v10;
	v12 =	vand.u32 $0x38, v57;
	v3 =	vmul.bf16 v48, v11  }
0x319: {  	v61 =	vand.u32 $0x38, v61;
	v9 =	vld.idx.msk [tilespmem:v9+s16+$0x0], $0xffff;
	v7 =	vmul.bf16 v7, v58;
	v0 =	vadd.f32 v2, v0  }
0x31a: {  	v1 =	vadd.f32 v1, v6;
	v8 =	vunpack.i.u.bf16.f32 v3;
	v3 =	vunpack.i.l.bf16.f32 v3;
	v43 =	vld.idx.msk [tilespmem:v47+s20+$0x0], $0xffff  }
0x31b: {  	v48 =	vadd.s32 s8, v23;
	v11 =	vor.u32 v55, v35;
	v0 =	vadd.f32 v3, v0;
	v5 =	vld.idx.msk [tilespmem:v47+s22+$0x0], $0xffff  }
0x31c: {  	v3 =	vunpack.i.u.bf16.f32 v7;
	v1 =	vadd.f32 v50, v1;
	v52 =	vor.u32 v52, v39;
	v58 =	vld.idx.msk [tilespmem:v60+s20+$0x0], $0xffff  }
0x31d: {  	v47 =	vadd.s32 s8, v18;
	v62 =	vmul.bf16 v56, v46;
	v56 =	vadd.s32 s8, v22;
	v63 =	vld.idx.msk [tilespmem:v60+s22+$0x0], $0xffff  }
0x31e: {  	v0 =	vadd.f32 v0, v8;
	v8 =	vunpack.i.l.bf16.f32 v10;
	v2 =	vmul.bf16 v53, v45;
	v60 =	vld.idx.msk [tilespmem:v51+s16+$0x0], $0xffff  }
0x31f: {  	v53 =	vunpack.i.l.bf16.f32 v7;
	v7 =	vmul.bf16 v49, v62;
	v51 =	vor.u32 v61, v26;
	v49 =	vld.idx.msk [tilespmem:v44+s20+$0x0], $0xffff  }
0x320: {  	v1 =	vadd.f32 v1, v4;
	v5 =	vmul.bf16 v5, v43;
	v43 =	vor.u32 v61, v31;
	v44 =	vld.idx.msk [tilespmem:v44+s22+$0x0], $0xffff  }
0x321: {  	v62 =	vand.u32 $0x38, v47;
	v47 =	vor.u32 v12, v29;
	v0 =	vadd.f32 v53, v0  }
0x322: {  	v52 =	vld.idx.msk [tilespmem:v52+s16+$0x0], $0xffff;
	v12 =	vor.u32 v12, v32;
	v57 =	vor.u32 v62, v25;
	v2 =	vmul.bf16 v9, v2  }
0x323: {  	v11 =	vld.idx.msk [tilespmem:v11+s16+$0x0], $0xffff;
	v0 =	vadd.f32 v0, v3;
	v46 =	vmul.bf16 v63, v58;
	v63 =	vadd.s32 s8, v20  }
0x324: {  	v4 =	vmul.bf16 v60, v5;
	v5 =	vor.u32 v62, v27;
	v45 =	vld.idx.msk [tilespmem:v51+s22+$0x0], $0xffff;
	v60 =	vunpack.i.l.bf16.f32 v2  }
0x325: {  	v43 =	vld.idx.msk [tilespmem:v43+s16+$0x0], $0xffff;
	v44 =	vmul.bf16 v44, v49;
	v2 =	vunpack.i.u.bf16.f32 v2;
	v54 =	vand.u32 $0x38, v63  }
0x326: {  	v62 =	vld.idx.msk [tilespmem:v47+s16+$0x0], $0xffff;
	v63 =	vand.u32 $0x38, v48;
	v1 =	vadd.f32 v60, v1;
	v60 =	vunpack.i.u.bf16.f32 v7  }
0x327: {  	v3 =	vld.idx.msk [tilespmem:v12+s22+$0x0], $0xffff;
	v55 =	vmul.bf16 v52, v46;
	v59 =	vor.u32 v54, v41;
	v6 =	vor.u32 v54, v42  }
0x328: {  	v12 =	vld.idx.msk [tilespmem:v12+s20+$0x0], $0xffff;
	v58 =	vunpack.i.l.bf16.f32 v4;
	v46 =	vand.u32 $0x38, v56;
	v48 =	vor.u32 v63, v36  }
0x329: {  	v53 =	vld.idx.msk [tilespmem:v51+s20+$0x0], $0xffff;
	v4 =	vunpack.i.u.bf16.f32 v4;
	v54 =	vmul.bf16 v11, v44;
	v11 =	vunpack.i.l.bf16.f32 v7  }
0x32a: {  	v57 =	vld.idx.msk [tilespmem:v57+s16+$0x0], $0xffff;
	v47 =	vor.u32 v46, v34;
	v28 =	vor.u32 v46, v33;
	v1 =	vadd.f32 v1, v2  }
0x32b: {  	p0 =	sne.s32 s9, $0x30;
	v2 =	vunpack.i.u.bf16.f32 v10;
	v0 =	vadd.f32 v58, v0;
	v61 =	vunpack.i.l.bf16.f32 v55;
	v49 =	vld.idx.msk [tilespmem:v5+s22+$0x0], $0xffff  }
.Ltmp9:
0x32c: {  	v52 =	vunpack.i.u.bf16.f32 v55;
	v55 =	vor.u32 v63, v37;
	v56 =	vld.idx.msk [tilespmem:v5+s20+$0x0], $0xffff;
	v1 =	vadd.f32 v8, v1;
	(pc) =	sbr.rel @p0 .LBB2_21-.Ltmp9, $4  }
0x32d: {  	v58 =	vunpack.i.l.bf16.f32 v54;
	v4 =	vadd.f32 v0, v4;
	v0 =	vadd.s32 s8, v15;
	v46 =	vld.idx.msk [tilespmem:v6+s16+$0x0], $0xffff  }
0x32e: {  	v0 =	vand.u32 $0x38, v0;
	v50 =	vld.idx.msk [tilespmem:v59+s20+$0x0], $0xffff;
	v1 =	vadd.f32 v1, v2;
	v2 =	vmul.bf16 v3, v12  }
0x32f: {  	v63 =	vadd.f32 v61, v4;
	v3 =	vadd.s32 s8, v24;
	v51 =	vor.u32 v0, v40;
	v59 =	vld.idx.msk [tilespmem:v59+s22+$0x0], $0xffff  }
0x330: {  	s9 =	sadd.s32 $0x10, s9;
	v44 =	vld.idx.msk [tilespmem:v28+s16+$0x0], $0xffff;
	v1 =	vadd.f32 v11, v1;
	v61 =	vmul.bf16 v62, v2;
	v62 =	vand.u32 $0x38, v3  }
0x331: {  	_ =	sdelay $0x3  }
0x332: {  	v2 =	vadd.f32 v63, v52;
	v3 =	vld.idx.msk [tilespmem:v48+s20+$0x0], $0xffff  }
0x333: {  	v4 =	vor.u32 v62, v38;
	v0 =	vor.u32 v0, v39;
	v5 =	vld.idx.msk [tilespmem:v55+s16+$0x0], $0xffff;
	v6 =	vunpack.i.u.bf16.f32 v54  }
0x334: {  	v8 =	vmul.bf16 v49, v56;
	v9 =	vld.idx.msk [tilespmem:v47+s20+$0x0], $0xffff;
	v42 =	vor.u32 v62, v35;
	v1 =	vadd.f32 v1, v60  }
0x335: {  	v10 =	vld.idx.msk [tilespmem:v51+s22+$0x0], $0xffff;
	v12 =	vadd.s32 s8, v17;
	v28 =	vmul.bf16 v45, v53;
	v30 =	vadd.s32 s8, v14  }
0x336: {  	v26 =	vld.idx.msk [tilespmem:v48+s22+$0x0], $0xffff;
	v7 =	vunpack.i.l.bf16.f32 v61;
	v11 =	vunpack.i.u.bf16.f32 v61;
	v1 =	vadd.f32 v58, v1  }
0x337: {  	v31 =	vld.idx.msk [tilespmem:v47+s22+$0x0], $0xffff;
	v12 =	vand.u32 $0x38, v12;
	v30 =	vand.u32 $0x38, v30;
	v8 =	vmul.bf16 v57, v8  }
0x338: {  	v32 =	vor.u32 v12, v32;
	v49 =	vmul.bf16 v59, v50;
	v50 =	vld.idx.msk [tilespmem:v51+s20+$0x0], $0xffff;
	v1 =	vadd.f32 v1, v6  }
0x339: {  	v2 =	vadd.f32 v7, v2;
	v27 =	vor.u32 v30, v27;
	v34 =	vunpack.i.l.bf16.f32 v8;
	v33 =	vld.idx.msk [tilespmem:v4+s20+$0x0], $0xffff  }
0x33a: {  	v28 =	vmul.bf16 v43, v28;
	v25 =	vor.u32 v30, v25;
	v4 =	vld.idx.msk [tilespmem:v4+s22+$0x0], $0xffff;
	v1 =	vadd.f32 v34, v1  }
0x33b: {  	v2 =	vadd.f32 v2, v11;
	v8 =	vunpack.i.u.bf16.f32 v8;
	v6 =	vmul.bf16 v46, v49;
	v7 =	vld.idx.msk [tilespmem:v42+s16+$0x0], $0xffff  }
0x33c: {  	v11 =	vor.u32 v12, v29;
	v51 =	vunpack.i.l.bf16.f32 v28;
	v0 =	vld.idx.msk [tilespmem:v0+s16+$0x0], $0xffff;
	v1 =	vadd.f32 v1, v8  }
0x33d: {  	v3 =	vmul.bf16 v26, v3;
	v12 =	vunpack.i.l.bf16.f32 v6;
	v52 =	vld.idx.msk [tilespmem:v32+s20+$0x0], $0xffff;
	v8 =	vmul.bf16 v31, v9  }
0x33e: {  	v26 =	vunpack.i.u.bf16.f32 v28;
	v2 =	vadd.f32 v51, v2;
	v53 =	vld.idx.msk [tilespmem:v27+s22+$0x0], $0xffff;
	v1 =	vadd.f32 v12, v1  }
0x33f: {  	v6 =	vunpack.i.u.bf16.f32 v6;
	v3 =	vmul.bf16 v5, v3;
	v9 =	vld.idx.msk [tilespmem:v32+s22+$0x0], $0xffff;
	v8 =	vmul.bf16 v44, v8  }
0x340: {  	v10 =	vmul.bf16 v10, v50;
	v2 =	vadd.f32 v2, v26;
	v12 =	vld.idx.msk [tilespmem:v27+s20+$0x0], $0xffff;
	v1 =	vadd.f32 v1, v6  }
0x341: {  	v54 =	vld.idx.msk [tilespmem:v11+s16+$0x0], $0xffff;
	v26 =	vunpack.i.l.bf16.f32 v3;
	v4 =	vmul.bf16 v4, v33;
	v11 =	vunpack.i.l.bf16.f32 v8  }
0x342: {  	v0 =	vmul.bf16 v0, v10;
	v2 =	vadd.f32 v26, v2;
	v10 =	vld.idx.msk [tilespmem:v25+s16+$0x0], $0xffff;
	v1 =	vadd.f32 v11, v1  }
0x343: {  	v3 =	vunpack.i.u.bf16.f32 v3;
	v4 =	vmul.bf16 v7, v4;
	v55 =	vunpack.i.u.bf16.f32 v8  }
0x344: {  	v2 =	vadd.f32 v2, v3;
	v8 =	vunpack.i.l.bf16.f32 v0;
	v1 =	vadd.f32 v1, v55  }
0x345: {  	v56 =	vunpack.i.l.bf16.f32 v4;
	v57 =	vmul.bf16 v9, v52;
	v5 =	vmul.bf16 v53, v12  }
0x346: {  	v0 =	vunpack.i.u.bf16.f32 v0;
	v2 =	vadd.f32 v8, v2;
	v1 =	vadd.f32 v56, v1  }
0x347: {  	v58 =	vunpack.i.u.bf16.f32 v4;
	v59 =	vmul.bf16 v54, v57;
	v5 =	vmul.bf16 v10, v5  }
0x348: {  	v0 =	vadd.f32 v2, v0;
	v1 =	vadd.f32 v1, v58  }
0x349: {  	v60 =	vunpack.i.l.bf16.f32 v59;
	v61 =	vunpack.i.l.bf16.f32 v5  }
0x34a: {  	v0 =	vadd.f32 v60, v0;
	v1 =	vadd.f32 v61, v1  }
0x34b: {  	v62 =	vunpack.i.u.bf16.f32 v59;
	v63 =	vunpack.i.u.bf16.f32 v5  }
0x34c: {  	v0 =	vadd.f32 v0, v62;
	v1 =	vadd.f32 v1, v63;
	_ =	sdelay $0x1  }
0x34d: {  	v0 =	vadd.f32 v0, v1;
	_ =	sdelay $0x1  }
0x34e: {  	v0 =	vsub.f32 $0.0e+00, v0;
	_ =	sdelay $0x1  }
0x34f: {  	v0 =	vmul.f32 $1.442695020e+00, v0;
	_ =	sdelay $0x1  }
0x350: {  	(erf) = vpow2.f32 v0;
	_ =	sdelay $0x8  }
0x351: {  	v0 =	vpop (erf)  }
0x352: {  	v0 =	vadd.f32 $1.000000000e+00, v0;
	_ =	sdelay $0x1  }
0x353: {  	(erf) = vrcp.f32 v0;
	_ =	sdelay $0x3  }
0x354: {  	s1 =	sadd.s32 $0x1, s1  }
0x355: {  	p0 =	sne.s32 s1, $0x5  }
.Ltmp10:
0x356: {  	_ = 	snop;
	(pc) =	sbr.rel @p0 .LBB2_20-.Ltmp10, $4  }
0x357: {  	v24 =	vld [tilespmem:$0x1FFD0]  }
0x358: {  	v14 =	vld [tilespmem:$0x1FFC0]  }
0x359: {  	v20 =	vld [tilespmem:$0x1FFF0];
	v0 =	vpop (erf)  }
0x35a: {  	v16 =	vmovc v19;
	v18 =	vmov v21;
	v9 =	vlaneseq.u32;
	v11 =	vld [tilespmem:$0x1FFE0];
	v59 =	vmov v23;
	[tilespmem:s0+$0x1DE80] =	vst v0  }
0x35b: {  	s0 =	rddreg [dreg:$0x8]  }
0x35c: {  	[hbm4b:s0+s3] =	stream.linear.scatter [tilespmem:s29], [sflag:$0x5], $0x50, $0x38;
	[tilespmem:$0x1DF20] =	vst v63  }
0x35d: {  	_ =	swait.ge [sflag:s30], $0x1400  }
0x35e: {  	[sflag:s30] =	ssyncset.done $0x0  }
0x35f: {  	[sflag:s30] =	ssyncadd.s32 $0xFFFFEC00  }
0x360: {  	_ =	swait.ge [sflag:s30], $0x1400  }
0x361: {  	[sflag:s30] =	ssyncset.done $0x0  }
0x362: {  	[sflag:s30] =	ssyncadd.s32 $0xFFFFEC00  }
0x363: {  	_ =	swait.ge [sflag:s23], $0x1400  }
0x364: {  	[sflag:s23] =	ssyncset.done $0x0  }
0x365: {  	[sflag:s23] =	ssyncadd.s32 $0xFFFFEC00  }
0x366: {  	_ =	swait.ge [sflag:s23], $0x1400  }
0x367: {  	[sflag:s23] =	ssyncset.done $0x0  }
0x368: {  	s14 =	simm.s32 $0x6;
	[sflag:s23] =	ssyncadd.s32 $0xFFFFEC00  }
0x369: {  	_ =	swait.ge [sflag:s14], $0x50  }
0x36a: {  	[sflag:s14] =	ssyncset.done $0x0  }
0x36b: {  	s15 =	simm.s32 $0x4;
	[sflag:s14] =	ssyncadd.s32 $0xFFFFFFB0  }
0x36c: {  	_ =	swait.ge [sflag:s15], $0x50  }
0x36d: {  	[sflag:s15] =	ssyncset.done $0x0  }
0x36e: {  	[sflag:s15] =	ssyncadd.s32 $0xFFFFFFB0  }
0x36f: {  	_ =	swait.ge [sflag:s11], $0x50  }
0x370: {  	s6 =	sadd.s32 $0x1, s6;
	s21 =	rddreg [dreg:$0x9]  }
0x371: {  	p0 =	sne.s32 s6, s21  }
.Ltmp11:
0x372: {  	_ = 	snop;
	(pc) =	sbr.rel @p0 .LBB2_1-.Ltmp11, $3  }
0x373: {  	_ =	sdelay $0x1  }
0x374: {  	[sflag:s11] =	ssyncset.done $0x0  }
0x375: {  	[sflag:s11] =	ssyncadd.s32 $0xFFFFFFB0  }
0x376: {  	_ =	sfence.sel $0x180000  }
0x377: {  	[bflag:$0x0] =	sbarrier.arrive $0xFFFF  }
0x378: {  	_ =	strace $0x90000047  }
0x379: {  	s0 =	stileid.u32;
	[bflag:$0x2] =	sbarrier.arrive $0xFFFF  }
0x37a: {  	p0 =	sne.s32 s0, $0x0;
	s0 =	rddreg [dreg:$0x2]  }
0x37b: {  	s0 =	sadd.s32 @!p0 $0x100000, s0  }
0x37c: {  	[sflag:s0] =	ssyncadd.tile.s32 @!p0 $0x1;
	_ =	shalt  }
.Lfunc_end2:
_tile_overlayer_lowered:
.L_overlay_start_2:
0x37d: {  	(tag) =	ssettag $0x2  }
0x37e: {  	s0 =	rddreg [dreg:$0x0];
	s2 =	stileid.u32  }
0x37f: {  	s1 =	rddreg [dreg:$0x1];
	p0 =	sne.s32 s2, $0x0  }
0x380: {  	s3 =	rddreg [dreg:$0x2];
	[bflag:$0x3] =	sbarrier.arrive $0xFFFF;
	s2 =	simm.s32 @!p0 $0x1C07  }
0x381: {  	[timem:s3], [sflag:s2] =	dma.local @!p0 [hbm:s0], s1  }
0x382: {  	s0 =	simm.s32 @!p0 $0x7  }
0x383: {  	_ =	swait.ge @!p0 [sflag:s0], s1  }
0x384: {  	s1 =	ssub.s32 @!p0 $0x0, s1;
	[sflag:s0] =	ssyncset.done @!p0 $0x0  }
0x385: {  	[sflag:s0] =	ssyncadd.s32 @!p0 s1  }
0x386: {  	[bflag:$0x3] =	sbarrier.arrive $0xFFFF  }
0x387: {  	_ =	shalt  }

</sc_bundles>
